<compile_context>
chip_gen: v7x
topology: tpu7x:2x2x1
jax: 0.10.2.dev20260603
libtpu: 0.0.44.dev20260713+nightly
codegen_flags: <defaults>
</compile_context>

<pallas_src>
import functools
import numpy as np
import jax
import jax.numpy as jnp
from jax import lax
from jax.experimental import pallas as pl
from jax.experimental.pallas import tpu as pltpu
from jax.experimental.pallas import tpu_sc as plsc

C = 32
NB = 8
SH = 9
R_MAX = 5.0
AVG = 32.0
S3 = float(np.sqrt(3.0))
S5 = float(np.sqrt(5.0))
S15 = float(np.sqrt(15.0))
PREF = float(np.sqrt(2.0 / R_MAX))
KN = (np.arange(1, NB + 1, dtype=np.float32) * np.pi / R_MAX).reshape(1, NB)

BE = 1280
BN = 2000

NW = 32
KCH = 80



def _silu(x):
    return x * jax.nn.sigmoid(x)


def _dsilu(x):
    s = jax.nn.sigmoid(x)
    return s * (1.0 + x * (1.0 - s))


def _dot(a, b):
    return jnp.dot(a, b, preferred_element_type=jnp.float32,
                   precision=lax.Precision.HIGHEST)


def _dotd(a, b):
    return jnp.dot(a, b, preferred_element_type=jnp.float32)



def _sc_gather(table, idx):
    n, d = table.shape
    e = idx.shape[0]
    per_w = e // NW
    iters = per_w // KCH
    mesh = plsc.VectorSubcoreMesh(core_axis_name="c", subcore_axis_name="s")

    @functools.partial(
        pl.kernel, mesh=mesh,
        compiler_params=pltpu.CompilerParams(use_tc_tiling_on_sc=False),
        out_type=jax.ShapeDtypeStruct((e, d), jnp.float32),
        scratch_types=[
            pltpu.VMEM((iters, KCH), jnp.int32),
            pltpu.VMEM((KCH, d), jnp.float32),
            pltpu.SemaphoreType.DMA,
        ],
    )
    def k(tab, ix, out, idx_all, rows_v, sem):
        cid = lax.axis_index("c")
        sid = lax.axis_index("s")
        wid = sid * 2 + cid
        base = wid * per_w
        pltpu.sync_copy(ix.at[pl.ds(wid * iters, iters)], idx_all)

        def body(j, carry):
            off = base + j * KCH
            pltpu.async_copy(tab.at[idx_all.at[j]], rows_v, sem).wait()
            pltpu.sync_copy(rows_v, out.at[pl.ds(off, KCH)])
            return carry

        lax.fori_loop(0, iters, body, 0)

    return k(table, idx.reshape(e // KCH, KCH))


def _sc_scatter_add(payload, idx, n, zeros_nd):
    e, d = payload.shape
    per_w = e // NW
    iters = per_w // KCH
    rows_per_tile = n // 16
    mesh = plsc.VectorSubcoreMesh(core_axis_name="c", subcore_axis_name="s")

    @functools.partial(
        pl.kernel, mesh=mesh,
        compiler_params=pltpu.CompilerParams(use_tc_tiling_on_sc=False),
        out_type=jax.ShapeDtypeStruct((2, n, d), jnp.float32),
        scratch_types=[
            pltpu.VMEM((1, KCH), jnp.int32),
            pltpu.VMEM((KCH, d), jnp.float32),
            pltpu.VMEM_SHARED((n, d), jnp.float32),
        ],
    )
    def k(pay, ix, zr, out, idx_v, pay_v, acc):
        cid = lax.axis_index("c")
        sid = lax.axis_index("s")
        wid = sid * 2 + cid
        base = wid * per_w
        r0 = sid * rows_per_tile
        pltpu.sync_copy(zr.at[pl.ds(r0, rows_per_tile)],
                        acc.at[pl.ds(r0, rows_per_tile)])
        plsc.subcore_barrier()

        def body(j, carry):
            off = base + j * KCH
            row = wid * iters + j
            pltpu.sync_copy(ix.at[pl.ds(row, 1)], idx_v)
            pltpu.sync_copy(pay.at[pl.ds(off, KCH)], pay_v)
            pltpu.sync_copy(pay_v, acc.at[idx_v.at[0]], add=True)
            return carry

        lax.fori_loop(0, iters, body, 0)
        plsc.subcore_barrier()
        pltpu.sync_copy(acc.at[pl.ds(r0, rows_per_tile)],
                        out.at[cid, pl.ds(r0, rows_per_tile)])

    return k(payload, idx.reshape(e // KCH, KCH), zeros_nd)



def _mlp_fwd(f, w1, w2, w3):
    r1 = _dotd(f, w1)
    a1 = _silu(r1)
    r2 = _dotd(a1, w2)
    a2 = _silu(r2)
    return r1, r2, _dotd(a2, w3)


def _mlp_bwd(gr, f, w1, w2, r1, r2, w3t, w2t, w1t):
    ga2 = _dotd(gr, w3t)
    gr2 = ga2 * _dsilu(r2)
    ga1 = _dotd(gr2, w2t)
    gr1 = ga1 * _dsilu(r1)
    return _dotd(gr1, w1t)


def _geom_edge0_body(ps_ref, pd_ref, w1, w2, w3, wm, we, wv,
                     geo_ref, scat_ref):
    ps = ps_ref[...]
    pd = pd_ref[...]
    v = pd[:, 0:3] - ps[:, 0:3]
    ln = jnp.sqrt(jnp.sum(v * v, axis=1, keepdims=True) + 1e-12)
    u = v / ln
    x = u[:, 0:1]; y = u[:, 1:2]; z = u[:, 2:3]
    one = jnp.ones_like(x)
    a = jnp.concatenate([
        one, S3 * x, S3 * y, S3 * z,
        S15 * x * y, S15 * y * z,
        0.5 * S5 * (2.0 * z * z - x * x - y * y),
        S15 * x * z, 0.5 * S15 * (x * x - y * y)], axis=1)
    kn = (lax.broadcasted_iota(jnp.int32, (1, NB), 1).astype(jnp.float32) + 1.0) * (np.pi / R_MAX)
    sin_t = jnp.sin(ln * kn)
    bes = PREF * sin_t / ln
    uu = ln / R_MAX
    msk = (uu < 1.0).astype(jnp.float32)
    u4 = uu * uu * uu * uu * uu
    cut = (1.0 - 21.0 * u4 + 35.0 * u4 * uu - 15.0 * u4 * uu * uu) * msk
    f = bes * cut
    pad = jnp.zeros((ps.shape[0], 11), jnp.float32)
    geo_ref[...] = jnp.concatenate([u, ln, a, f, pad], axis=1)

    _, _, r = _mlp_fwd(f, w1[...], w2[...], w3[...])
    msg = r * we[...]
    acc = jnp.zeros((ps.shape[0], C), jnp.float32)
    wmv = wm[...]
    for s in range(SH):
        acc = acc + _dot(msg * a[:, s:s + 1], wmv[s])
    vc = _dot(msg, wv[...]) * a[:, 1:4]
    pad1 = jnp.zeros((ps.shape[0], 5), jnp.float32)
    scat_ref[...] = jnp.concatenate([acc, vc, pad1], axis=1)


def _node0_body(agg_ref, we, wsc, wp, wpost, wread, h1_ref, m0_ref, ev_ref):
    p = agg_ref[0] + agg_ref[1]
    m0 = p[:, 0:C] * (1.0 / AVG)
    wpv = wp[...]
    w0 = wpv[0:1, :]; w1 = wpv[1:2, :]; w2 = wpv[2:3, :]
    feats = w0 * m0 + w1 * m0 * m0 + w2 * m0 * m0 * m0
    scrow = _dotd(we[...], wsc[...])
    h1 = _dotd(feats, wpost[...]) + scrow
    h1_ref[...] = h1
    m0_ref[...] = m0
    en = _dotd(h1, wread[...])
    ev_ref[...] = jnp.concatenate([en, p[:, C:C + 3]], axis=1)


def _edge1_body(geo_ref, g1_ref, w1, w2, w3, wm, wv, scat_ref):
    geo = geo_ref[...]
    a = geo[:, 4:13]
    f = geo[:, 13:21]
    _, _, r = _mlp_fwd(f, w1[...], w2[...], w3[...])
    g1 = g1_ref[...]
    msg = g1 * r
    acc = jnp.zeros((geo.shape[0], C), jnp.float32)
    wmv = wm[...]
    for s in range(SH):
        acc = acc + _dot(msg * a[:, s:s + 1], wmv[s])
    vc = _dot(msg, wv[...]) * a[:, 1:4]
    pad1 = jnp.zeros((geo.shape[0], 5), jnp.float32)
    scat_ref[...] = jnp.concatenate([acc, vc, pad1], axis=1)


def _node1_body(agg_ref, h1_ref, ev_ref, wsc, wp, wpost, wmlp1, wmlp2t,
                wsct, wpostt, wmlp1t, wreadt,
                gm1_ref, gh1a_ref, en_ref, vec_ref):
    p = agg_ref[0] + agg_ref[1]
    h1 = h1_ref[...]
    ev = ev_ref[...]
    m1 = p[:, 0:C] * (1.0 / AVG)
    wpv = wp[...]
    w0 = wpv[0:1, :]; w1 = wpv[1:2, :]; w2 = wpv[2:3, :]
    feats = w0 * m1 + w1 * m1 * m1 + w2 * m1 * m1 * m1
    h2 = _dotd(feats, wpost[...]) + _dotd(h1, wsc[...])
    u2 = _dotd(h2, wmlp1[...])
    en_b = _dotd(_silu(u2), jnp.transpose(wmlp2t[...]))
    en_ref[...] = ev[:, 0:1] + en_b
    vec_ref[...] = (ev[:, 1:4] + p[:, C:C + 3]) * (1.0 / AVG)
    gh2 = _dotd(_dsilu(u2) * wmlp2t[...], wmlp1t[...])
    gfeats = _dotd(gh2, wpostt[...])
    gm1 = gfeats * (w0 + 2.0 * w1 * m1 + 3.0 * w2 * m1 * m1)
    gm1_ref[...] = gm1 * (1.0 / AVG)
    gh1a_ref[...] = _dotd(gh2, wsct[...]) + wreadt[...]


def _edge1_bwd_body(geo_ref, g1_ref, gg1_ref, w1, w2, w3, wmt,
                    w3t, w2t, w1t, gsrc_ref, gaf_ref):
    geo = geo_ref[...]
    a = geo[:, 4:13]
    f = geo[:, 13:21]
    w1v = w1[...]; w2v = w2[...]
    r1, r2, r = _mlp_fwd(f, w1v, w2v, w3[...])
    g1 = g1_ref[...]
    msg = g1 * r
    gg1 = gg1_ref[...]
    wmtv = wmt[...]
    gmsg = jnp.zeros((geo.shape[0], C), jnp.float32)
    gas = []
    for s in range(SH):
        ys = _dot(gg1, wmtv[s])
        gmsg = gmsg + a[:, s:s + 1] * ys
        gas.append(jnp.sum(msg * ys, axis=1, keepdims=True))
    ga = jnp.concatenate(gas, axis=1)
    gsrc_ref[...] = gmsg * r
    gr = gmsg * g1
    gf = _mlp_bwd(gr, f, w1v, w2v, r1, r2, w3t[...], w2t[...], w1t[...])
    pad = jnp.zeros((geo.shape[0], 7), jnp.float32)
    gaf_ref[...] = jnp.concatenate([ga, gf, pad], axis=1)


def _node0_bwd_body(gh1a_ref, ghb_ref, m0_ref, wpostt, wp, gm0_ref):
    gh1 = gh1a_ref[...] + ghb_ref[0] + ghb_ref[1]
    gfeats = _dotd(gh1, wpostt[...])
    m0 = m0_ref[...]
    wpv = wp[...]
    w0 = wpv[0:1, :]; w1 = wpv[1:2, :]; w2 = wpv[2:3, :]
    gm0 = gfeats * (w0 + 2.0 * w1 * m0 + 3.0 * w2 * m0 * m0)
    gm0_ref[...] = gm0 * (1.0 / AVG)


def _edge0_bwd_body(geo_ref, gg0_ref, gaf_ref, w1, w2, w3, wmt, we,
                    w3t, w2t, w1t, gv_ref):
    geo = geo_ref[...]
    u = geo[:, 0:3]
    ln = geo[:, 3:4]
    a = geo[:, 4:13]
    f = geo[:, 13:21]
    w1v = w1[...]; w2v = w2[...]
    r1, r2, r = _mlp_fwd(f, w1v, w2v, w3[...])
    msg = r * we[...]
    gg0 = gg0_ref[...]
    gaf = gaf_ref[...]
    wmtv = wmt[...]
    gmsg = jnp.zeros((geo.shape[0], C), jnp.float32)
    gas = []
    for s in range(SH):
        ys = _dot(gg0, wmtv[s])
        gmsg = gmsg + a[:, s:s + 1] * ys
        gas.append(jnp.sum(msg * ys, axis=1, keepdims=True))
    ga = jnp.concatenate(gas, axis=1) + gaf[:, 0:SH]
    gr = gmsg * we[...]
    gf = _mlp_bwd(gr, f, w1v, w2v, r1, r2, w3t[...], w2t[...], w1t[...])
    gf = gf + gaf[:, SH:SH + NB]
    kn = (lax.broadcasted_iota(jnp.int32, (1, NB), 1).astype(jnp.float32) + 1.0) * (np.pi / R_MAX)
    sin_t = jnp.sin(ln * kn)
    cos_t = jnp.cos(ln * kn)
    bes = PREF * sin_t / ln
    uu = ln / R_MAX
    msk = (uu < 1.0).astype(jnp.float32)
    u4 = uu * uu * uu * uu
    u5 = u4 * uu
    cut = (1.0 - 21.0 * u5 + 35.0 * u5 * uu - 15.0 * u5 * uu * uu) * msk
    dbes = PREF * (kn * cos_t / ln - sin_t / (ln * ln))
    dcut = (-105.0 * u4 + 210.0 * u5 - 105.0 * u5 * uu) * msk * (1.0 / R_MAX)
    glen = jnp.sum(gf * (dbes * cut + bes * dcut), axis=1, keepdims=True)
    x = u[:, 0:1]; y = u[:, 1:2]; z = u[:, 2:3]
    ga1 = ga[:, 1:2]; ga2 = ga[:, 2:3]; ga3 = ga[:, 3:4]
    ga4 = ga[:, 4:5]; ga5 = ga[:, 5:6]; ga6 = ga[:, 6:7]
    ga7 = ga[:, 7:8]; ga8 = ga[:, 8:9]
    gx = S3 * ga1 + S15 * (y * ga4 + z * ga7) - S5 * x * ga6 + S15 * x * ga8
    gy = S3 * ga2 + S15 * (x * ga4 + z * ga5) - S5 * y * ga6 - S15 * y * ga8
    gz = S3 * ga3 + S15 * (y * ga5 + x * ga7) + 2.0 * S5 * z * ga6
    gu = jnp.concatenate([gx, gy, gz], axis=1)
    gv = glen * u + (gu - u * jnp.sum(u * gu, axis=1, keepdims=True)) / ln
    pad1 = jnp.zeros((geo.shape[0], 5), jnp.float32)
    gv_ref[...] = jnp.concatenate([gv, pad1], axis=1)


def _forces_body(fs_ref, fd_ref, out_ref):
    out_ref[...] = (fs_ref[0] + fs_ref[1] - fd_ref[0] - fd_ref[1])[:, 0:3]


def _energy_body(en_ref, na_ref, ae_ref, out_ref):
    out_ref[...] = jnp.sum(en_ref[...] + na_ref[...] * ae_ref[0, 0],
                           axis=1, keepdims=True)


def _wspec(shape):
    nd = len(shape)
    return pl.BlockSpec(shape, lambda i, _nd=nd: (0,) * _nd)


def kernel(positions, node_attrs, edge_index, shifts, cell, batch, ptr, params):
    n = positions.shape[0]
    e = edge_index.shape[1]
    g = cell.shape[0]
    ge = e // BE
    gn = n // BN
    f32 = jnp.float32

    src = edge_index[0].astype(jnp.int32)
    dst = edge_index[1].astype(jnp.int32)
    pos8 = jnp.concatenate([positions.astype(f32),
                            jnp.zeros((n, 5), f32)], axis=1)

    p = {k: v.astype(f32) for k, v in params.items()}
    wm = [p['W_msg_%d' % i].reshape(C, SH, C).transpose(1, 0, 2)
          for i in range(2)]
    wmt = [jnp.transpose(w, (0, 2, 1)) for w in wm]
    z40 = jnp.zeros((n, 40), f32)
    z32 = jnp.zeros((n, 32), f32)
    z8 = jnp.zeros((n, 8), f32)

    espec = lambda d: pl.BlockSpec((BE, d), lambda i: (i, 0))
    nspec = lambda d: pl.BlockSpec((BN, d), lambda i: (i, 0))
    n2spec = lambda d: pl.BlockSpec((2, BN, d), lambda i: (0, i, 0))

    ps = _sc_gather(pos8, src)
    pd = _sc_gather(pos8, dst)

    geo, scat0 = pl.pallas_call(
        _geom_edge0_body,
        grid=(ge,),
        in_specs=[espec(8), espec(8), _wspec((NB, 64)), _wspec((64, 64)),
                  _wspec((64, C)), _wspec((SH, C, C)), _wspec((1, C)),
                  _wspec((C, 1))],
        out_specs=[espec(32), espec(40)],
        out_shape=[jax.ShapeDtypeStruct((e, 32), f32),
                   jax.ShapeDtypeStruct((e, 40), f32)],
    )(ps, pd, p['W_r1_0'], p['W_r2_0'], p['W_r3_0'], wm[0],
      p['W_embed'], p['W_vec_0'])

    agg0 = _sc_scatter_add(scat0, dst, n, z40)

    h1, m0, ev0 = pl.pallas_call(
        _node0_body,
        grid=(gn,),
        in_specs=[n2spec(40), _wspec((1, C)), _wspec((C, C)),
                  _wspec((3, C)), _wspec((C, C)), _wspec((C, 1))],
        out_specs=[nspec(32), nspec(32), nspec(4)],
        out_shape=[jax.ShapeDtypeStruct((n, 32), f32),
                   jax.ShapeDtypeStruct((n, 32), f32),
                   jax.ShapeDtypeStruct((n, 4), f32)],
    )(agg0, p['W_embed'], p['W_sc_0'], p['W_prod_0'], p['W_post_0'],
      p['W_read_0'])

    g1 = _sc_gather(h1, src)

    scat1 = pl.pallas_call(
        _edge1_body,
        grid=(ge,),
        in_specs=[espec(32), espec(32), _wspec((NB, 64)), _wspec((64, 64)),
                  _wspec((64, C)), _wspec((SH, C, C)), _wspec((C, 1))],
        out_specs=espec(40),
        out_shape=jax.ShapeDtypeStruct((e, 40), f32),
    )(geo, g1, p['W_r1_1'], p['W_r2_1'], p['W_r3_1'], wm[1], p['W_vec_1'])

    agg1 = _sc_scatter_add(scat1, dst, n, z40)

    gm1, gh1a, en, vec_out = pl.pallas_call(
        _node1_body,
        grid=(gn,),
        in_specs=[n2spec(40), nspec(32), nspec(4), _wspec((C, C)),
                  _wspec((3, C)), _wspec((C, C)), _wspec((C, 16)),
                  _wspec((1, 16)), _wspec((C, C)), _wspec((C, C)),
                  _wspec((16, C)), _wspec((1, C))],
        out_specs=[nspec(32), nspec(32), nspec(1), nspec(3)],
        out_shape=[jax.ShapeDtypeStruct((n, 32), f32),
                   jax.ShapeDtypeStruct((n, 32), f32),
                   jax.ShapeDtypeStruct((n, 1), f32),
                   jax.ShapeDtypeStruct((n, 3), f32)],
    )(agg1, h1, ev0, p['W_sc_1'], p['W_prod_1'], p['W_post_1'], p['W_mlp1'],
      p['W_mlp2'].T, p['W_sc_1'].T, p['W_post_1'].T, p['W_mlp1'].T,
      p['W_read_0'].T)

    gg1 = _sc_gather(gm1, dst)

    gsrc, gaf1 = pl.pallas_call(
        _edge1_bwd_body,
        grid=(ge,),
        in_specs=[espec(32), espec(32), espec(32), _wspec((NB, 64)),
                  _wspec((64, 64)), _wspec((64, C)), _wspec((SH, C, C)),
                  _wspec((C, 64)), _wspec((64, 64)), _wspec((64, NB))],
        out_specs=[espec(32), espec(24)],
        out_shape=[jax.ShapeDtypeStruct((e, 32), f32),
                   jax.ShapeDtypeStruct((e, 24), f32)],
    )(geo, g1, gg1, p['W_r1_1'], p['W_r2_1'], p['W_r3_1'], wmt[1],
      p['W_r3_1'].T, p['W_r2_1'].T, p['W_r1_1'].T)

    ghb = _sc_scatter_add(gsrc, src, n, z32)

    gm0 = pl.pallas_call(
        _node0_bwd_body,
        grid=(gn,),
        in_specs=[nspec(32), n2spec(32), nspec(32), _wspec((C, C)),
                  _wspec((3, C))],
        out_specs=nspec(32),
        out_shape=jax.ShapeDtypeStruct((n, 32), f32),
    )(gh1a, ghb, m0, p['W_post_0'].T, p['W_prod_0'])

    gg0 = _sc_gather(gm0, dst)

    gv = pl.pallas_call(
        _edge0_bwd_body,
        grid=(ge,),
        in_specs=[espec(32), espec(32), espec(24), _wspec((NB, 64)),
                  _wspec((64, 64)), _wspec((64, C)), _wspec((SH, C, C)),
                  _wspec((1, C)), _wspec((C, 64)), _wspec((64, 64)),
                  _wspec((64, NB))],
        out_specs=espec(8),
        out_shape=jax.ShapeDtypeStruct((e, 8), f32),
    )(geo, gg0, gaf1, p['W_r1_0'], p['W_r2_0'], p['W_r3_0'], wmt[0],
      p['W_embed'], p['W_r3_0'].T, p['W_r2_0'].T, p['W_r1_0'].T)

    fs = _sc_scatter_add(gv, src, n, z8)
    fd = _sc_scatter_add(gv, dst, n, z8)

    forces = pl.pallas_call(
        _forces_body,
        grid=(gn,),
        in_specs=[n2spec(8), n2spec(8)],
        out_specs=nspec(3),
        out_shape=jax.ShapeDtypeStruct((n, 3), f32),
    )(fs, fd)

    npg = n // g
    te = pl.pallas_call(
        _energy_body,
        grid=(1,),
        in_specs=[pl.BlockSpec((g, npg), lambda i: (0, 0)),
                  pl.BlockSpec((g, npg), lambda i: (0, 0)),
                  pl.BlockSpec((1, 1), lambda i: (0, 0))],
        out_specs=pl.BlockSpec((g, 1), lambda i: (0, 0)),
        out_shape=jax.ShapeDtypeStruct((g, 1), f32),
    )(en.reshape(g, npg), node_attrs.astype(f32).reshape(g, npg),
      p['atomic_energies'].reshape(1, 1))

    return te[:, 0], forces, vec_out

# --- scband reference (transcript-rebuilt; emitter-appended) ---
"""Pipeline reference for scband-diffusion-mace-66133906423954 (READ-ONLY COPY).

The authoritative reference and input builder live on the scoring server;
editing this copy changes nothing except your own understanding.
"""

import jax, jax.numpy as jnp
import numpy as np

N = 50000
E = N * 32
C = 32
NB = 8
SH = 9
G = 4
R_MAX = 5.0
P = 5
AVG_NEIGH = 32.0
NUM_INTER = 2
H_MLP = 16


def _sph(u):
    # real spherical harmonics up to l=2, 'component' normalization (e3nn style)
    x, y, z = u[:, 0], u[:, 1], u[:, 2]
    s3 = np.sqrt(3.0); s5 = np.sqrt(5.0); s15 = np.sqrt(15.0)
    return jnp.stack([
        jnp.ones_like(x),
        s3 * x, s3 * y, s3 * z,
        s15 * x * y, s15 * y * z,
        0.5 * s5 * (2.0 * z * z - x * x - y * y),
        s15 * x * z, 0.5 * s15 * (x * x - y * y),
    ], axis=-1)


def _bessel(r):
    n = jnp.arange(1, NB + 1, dtype=jnp.float32)
    return np.sqrt(2.0 / R_MAX) * jnp.sin(n[None, :] * np.pi * r / R_MAX) / r


def _cutoff(r):
    u = r / R_MAX
    f = (1.0 - 0.5 * (P + 1.0) * (P + 2.0) * u ** P
         + P * (P + 2.0) * u ** (P + 1)
         - 0.5 * P * (P + 1.0) * u ** (P + 2))
    return f * (u < 1.0).astype(r.dtype)


def _forward(positions, node_attrs, shifts, params, edge_index, batch):
    src, dst = edge_index[0], edge_index[1]
    vectors = positions[dst] - positions[src] + shifts
    lengths = jnp.sqrt(jnp.sum(vectors ** 2, axis=-1, keepdims=True) + 1e-12)
    unit = vectors / lengths
    edge_attrs = _sph(unit)                       # [E, SH]
    edge_feats = _bessel(lengths) * _cutoff(lengths)  # [E, NB]

    node_e0 = node_attrs @ params['atomic_energies']  # [N]
    e0 = jax.ops.segment_sum(node_e0, batch, num_segments=G)

    node_feats = node_attrs @ params['W_embed']   # [N, C]
    energies = [e0]
    vec_out = jnp.zeros((positions.shape[0], 3), dtype=positions.dtype)

    for i in range(NUM_INTER):
        # radial MLP (edge-wise)
        R = jax.nn.silu(edge_feats @ params['W_r1_%d' % i])
        R = jax.nn.silu(R @ params['W_r2_%d' % i])
        R = R @ params['W_r3_%d' % i]             # [E, C]
        # message: gather source node feats, modulate by radial weights
        msg_src = node_feats[src] * R             # [E, C]
        # tensor product with spherical harmonics + scatter-add to dst nodes
        aggs = [jax.ops.segment_sum(msg_src * edge_attrs[:, s:s + 1], dst,
                                    num_segments=positions.shape[0])
                for s in range(SH)]
        agg = jnp.stack(aggs, axis=-1) / AVG_NEIGH   # [N, C, SH]
        sc = node_feats @ params['W_sc_%d' % i]      # self-connection
        m = agg.reshape(agg.shape[0], C * SH) @ params['W_msg_%d' % i]  # [N, C]
        # equivariant product basis block: correlation up to 3
        w = params['W_prod_%d' % i]
        feats = w[0] * m + w[1] * m ** 2 + w[2] * m ** 3
        node_feats = feats @ params['W_post_%d' % i] + sc
        # readout
        if i < NUM_INTER - 1:
            node_en = (node_feats @ params['W_read_0'])[:, 0]
        else:
            node_en = (jax.nn.silu(node_feats @ params['W_mlp1']) @ params['W_mlp2'])[:, 0]
        energies.append(jax.ops.segment_sum(node_en, batch, num_segments=G))
        # vector readout from l=1 block of aggregated messages
        vec_out = vec_out + jnp.einsum('ncd,co->nd', agg[:, :, 1:4], params['W_vec_%d' % i])

    total_energy = jnp.sum(jnp.stack(energies, axis=-1), axis=-1)  # [G]
    return total_energy, vec_out


def setup_inputs(seed: int = 0):
    key = jax.random.key(seed)
    ks = jax.random.split(key, 16)
    positions = jax.random.normal(ks[0], (N, 3), dtype=jnp.float32) * 2.0
    node_attrs = jnp.ones((N, 1), dtype=jnp.float32)
    edge_index = jax.random.randint(ks[1], (2, E), 0, N, dtype=jnp.int64)
    shifts = jnp.zeros((E, 3), dtype=jnp.float32)
    cell = jnp.zeros((G, 3, 3), dtype=jnp.float32)
    batch = jnp.repeat(jnp.arange(G, dtype=jnp.int64), N // G)
    ptr = jnp.arange(G + 1, dtype=jnp.int64) * (N // G)
    params = {}
    params['W_embed'] = jax.random.normal(ks[2], (1, C), dtype=jnp.float32)
    params['atomic_energies'] = jnp.zeros((1,), dtype=jnp.float32)
    for i in range(NUM_INTER):
        kk = jax.random.split(ks[3 + i], 8)
        params['W_r1_%d' % i] = jax.random.normal(kk[0], (NB, 64), dtype=jnp.float32) / np.sqrt(NB)
        params['W_r2_%d' % i] = jax.random.normal(kk[1], (64, 64), dtype=jnp.float32) / 8.0
        params['W_r3_%d' % i] = jax.random.normal(kk[2], (64, C), dtype=jnp.float32) / 8.0
        params['W_msg_%d' % i] = jax.random.normal(kk[3], (SH * C, C), dtype=jnp.float32) / np.sqrt(SH * C)
        params['W_sc_%d' % i] = jax.random.normal(kk[4], (C, C), dtype=jnp.float32) / np.sqrt(C)
        params['W_prod_%d' % i] = jax.random.normal(kk[5], (3, C), dtype=jnp.float32) * 0.1
        params['W_post_%d' % i] = jax.random.normal(kk[6], (C, C), dtype=jnp.float32) / np.sqrt(C)
        params['W_vec_%d' % i] = jax.random.normal(kk[7], (C, 1), dtype=jnp.float32) / np.sqrt(C)
    params['W_read_0'] = jax.random.normal(ks[8], (C, 1), dtype=jnp.float32) / np.sqrt(C)
    params['W_mlp1'] = jax.random.normal(ks[9], (C, H_MLP), dtype=jnp.float32) / np.sqrt(C)
    params['W_mlp2'] = jax.random.normal(ks[10], (H_MLP, 1), dtype=jnp.float32) / np.sqrt(H_MLP)
    return {'positions': positions, 'node_attrs': node_attrs, 'edge_index': edge_index,
            'shifts': shifts, 'cell': cell, 'batch': batch, 'ptr': ptr, 'params': params}


def reference(positions, node_attrs, edge_index, shifts, cell, batch, ptr, params):
    total_energy, vec_out = _forward(positions, node_attrs, shifts, params, edge_index, batch)

    def energy_fn(pos):
        te, _ = _forward(pos, node_attrs, shifts, params, edge_index, batch)
        return jnp.sum(te)

    forces = -jax.grad(energy_fn)(positions)
    return total_energy, forces, vec_out

if __name__ == "__main__":
    import jax
    _d = setup_inputs()
    print(jax.jit(kernel)(*tuple(_d.values())))

</pallas_src>

<mosaic_0001>
#map = affine_map<(d0, d1) -> (0, 0)>
module attributes {stable_mosaic.version = 14 : i64} {
  func.func @k(%arg0: i32, %arg1: i32, %arg2: memref<50000x8xf32, #tpu.memory_space<hbm>>, %arg3: memref<20000x80xi32, #tpu.memory_space<hbm>>, %arg4: memref<1600000x8xf32, #tpu.memory_space<hbm>>, %arg5: memref<625x80xi32, #tpu.memory_space<vmem>>, %arg6: memref<80x8xf32, #tpu.memory_space<vmem>>, %arg7: memref<!tpu.dma_semaphore, #tpu.memory_space<semaphore_mem>>) attributes {dimension_semantics = [#tpu.dimension_semantics<core_parallel>, #tpu.dimension_semantics<subcore_parallel>], iteration_bounds = array<i64: 2, 16>, scalar_prefetch = 0 : i64, scratch_operands = 3 : i64, tpu.core_type = #tpu.core_type<sc_vector_subcore>, window_params = [{transform_indices = #map}, {transform_indices = #map}, {transform_indices = #map}]} {
    %mul3A = arith.constant 2 : i32
    %mul3A_0 = arith.muli %arg1, %mul3A : i32
    %add3A = arith.addi %mul3A_0, %arg0 : i32
    %mul3A_1 = arith.constant 50000 : i32
    %mul3A_2 = arith.muli %add3A, %mul3A_1 : i32
    %mul3A_3 = arith.constant 625 : i32
    %mul3A_4 = arith.muli %add3A, %mul3A_3 : i32
    "tpu.region"() ({
      %run_scoped3A = tpu.sem_alloc : memref<!tpu.dma_semaphore, #tpu.memory_space<semaphore_mem>>
      %dma_start3A = arith.constant 0 : i32
      %dma_start3A_10 = tpu.memref_slice %arg3[%mul3A_4, %dma_start3A] : memref<20000x80xi32, #tpu.memory_space<hbm>> -> memref<625x80xi32, #tpu.memory_space<hbm>>
      %dma_start3A_11 = arith.constant 0 : i32
      %dma_start3A_12 = tpu.memref_slice %arg3[%mul3A_4, %dma_start3A_11] : memref<20000x80xi32, #tpu.memory_space<hbm>> -> memref<625x80xi32, #tpu.memory_space<hbm>>
      tpu.enqueue_dma source(%dma_start3A_12 : memref<625x80xi32, #tpu.memory_space<hbm>>) target(%arg5 : memref<625x80xi32, #tpu.memory_space<vmem>>) target_semaphore(%run_scoped3A : memref<!tpu.dma_semaphore, #tpu.memory_space<semaphore_mem>>)
      %dma_wait3A = arith.constant 0 : i32
      %dma_wait3A_13 = tpu.memref_slice %arg3[%mul3A_4, %dma_wait3A] : memref<20000x80xi32, #tpu.memory_space<hbm>> -> memref<625x80xi32, #tpu.memory_space<hbm>>
      %dma_wait3A_14 = arith.constant 0 : i32
      %dma_wait3A_15 = tpu.memref_slice %arg3[%mul3A_4, %dma_wait3A_14] : memref<20000x80xi32, #tpu.memory_space<hbm>> -> memref<625x80xi32, #tpu.memory_space<hbm>>
      tpu.wait_dma2 semaphore(%run_scoped3A : memref<!tpu.dma_semaphore, #tpu.memory_space<semaphore_mem>>) src(%dma_wait3A_15 : memref<625x80xi32, #tpu.memory_space<hbm>>) dst(%arg5 : memref<625x80xi32, #tpu.memory_space<vmem>>)
      tpu.yield
    }) : () -> ()
    %scan3A = arith.constant 0 : i32
    %scan3A_5 = arith.constant 0 : i32
    %scan3A_6 = arith.constant 625 : i32
    %scan3A_7 = arith.addi %scan3A_5, %scan3A_6 : i32
    %scan3A_8 = arith.constant 1 : i32
    scf.for %scan3A_10 = %scan3A_5 to %scan3A_7 step %scan3A_8  : i32 {
      %mul3A_11 = arith.constant 80 : i32
      %mul3A_12 = arith.muli %scan3A_10, %mul3A_11 : i32
      %add3A_13 = arith.addi %mul3A_2, %mul3A_12 : i32
      %dma_start3A = arith.constant 0 : i32
      %dma_start3A_14 = tpu.memref_slice %arg5[%scan3A_10, %dma_start3A] : memref<625x80xi32, #tpu.memory_space<vmem>> -> memref<1x80xi32, #tpu.memory_space<vmem>>
      %dma_start3A_15 = tpu.memref_squeeze %dma_start3A_14 : memref<1x80xi32, #tpu.memory_space<vmem>> -> memref<80xi32, #tpu.memory_space<vmem>>
      %dma_start3A_16 = arith.constant 0 : i32
      %dma_start3A_17 = arith.constant 0 : i32
      %dma_start3A_18 = tpu.memref_slice %arg2[%dma_start3A_16, %dma_start3A_17] : memref<50000x8xf32, #tpu.memory_space<hbm>> -> memref<50000x8xf32, #tpu.memory_space<hbm>>
      tpu.enqueue_indirect_dma source(%dma_start3A_18 : memref<50000x8xf32, #tpu.memory_space<hbm>>) target(%arg6 : memref<80x8xf32, #tpu.memory_space<vmem>>) offsets(%dma_start3A_15 : memref<80xi32, #tpu.memory_space<vmem>>) semaphore(%arg7 : memref<!tpu.dma_semaphore, #tpu.memory_space<semaphore_mem>>)
      %dma_wait3A = arith.constant 0 : i32
      %dma_wait3A_19 = tpu.memref_slice %arg5[%scan3A_10, %dma_wait3A] : memref<625x80xi32, #tpu.memory_space<vmem>> -> memref<1x80xi32, #tpu.memory_space<vmem>>
      %dma_wait3A_20 = tpu.memref_squeeze %dma_wait3A_19 : memref<1x80xi32, #tpu.memory_space<vmem>> -> memref<80xi32, #tpu.memory_space<vmem>>
      %dma_wait3A_21 = arith.constant 0 : i32
      %dma_wait3A_22 = arith.constant 0 : i32
      %dma_wait3A_23 = tpu.memref_slice %arg2[%dma_wait3A_21, %dma_wait3A_22] : memref<50000x8xf32, #tpu.memory_space<hbm>> -> memref<50000x8xf32, #tpu.memory_space<hbm>>
      tpu.wait_indirect_dma semaphore(%arg7 : memref<!tpu.dma_semaphore, #tpu.memory_space<semaphore_mem>>) src(%dma_wait3A_23 : memref<50000x8xf32, #tpu.memory_space<hbm>>) dst(%arg6 : memref<80x8xf32, #tpu.memory_space<vmem>>)
      "tpu.region"() ({
        %run_scoped3A = tpu.sem_alloc : memref<!tpu.dma_semaphore, #tpu.memory_space<semaphore_mem>>
        %dma_start3A_24 = arith.constant 0 : i32
        %dma_start3A_25 = tpu.memref_slice %arg4[%add3A_13, %dma_start3A_24] : memref<1600000x8xf32, #tpu.memory_space<hbm>> -> memref<80x8xf32, #tpu.memory_space<hbm>>
        %dma_start3A_26 = arith.constant 0 : i32
        %dma_start3A_27 = tpu.memref_slice %arg4[%add3A_13, %dma_start3A_26] : memref<1600000x8xf32, #tpu.memory_space<hbm>> -> memref<80x8xf32, #tpu.memory_space<hbm>>
        tpu.enqueue_dma source(%arg6 : memref<80x8xf32, #tpu.memory_space<vmem>>) target(%dma_start3A_27 : memref<80x8xf32, #tpu.memory_space<hbm>>) target_semaphore(%run_scoped3A : memref<!tpu.dma_semaphore, #tpu.memory_space<semaphore_mem>>)
        %dma_wait3A_28 = arith.constant 0 : i32
        %dma_wait3A_29 = tpu.memref_slice %arg4[%add3A_13, %dma_wait3A_28] : memref<1600000x8xf32, #tpu.memory_space<hbm>> -> memref<80x8xf32, #tpu.memory_space<hbm>>
        %dma_wait3A_30 = arith.constant 0 : i32
        %dma_wait3A_31 = tpu.memref_slice %arg4[%add3A_13, %dma_wait3A_30] : memref<1600000x8xf32, #tpu.memory_space<hbm>> -> memref<80x8xf32, #tpu.memory_space<hbm>>
        tpu.wait_dma2 semaphore(%run_scoped3A : memref<!tpu.dma_semaphore, #tpu.memory_space<semaphore_mem>>) src(%arg6 : memref<80x8xf32, #tpu.memory_space<vmem>>) dst(%dma_wait3A_31 : memref<80x8xf32, #tpu.memory_space<hbm>>)
        tpu.yield
      }) : () -> ()
    }
    %scan3A_9 = arith.constant 625 : i32
    return
  }
}

#map = affine_map<(d0, d1) -> (0, 0)>
#map1 = affine_map<(d0, d1) -> (0, 0, 0)>
module attributes {stable_mosaic.version = 14 : i64} {
  func.func @k(%arg0: i32, %arg1: i32, %arg2: memref<1600000x40xf32, #tpu.memory_space<hbm>>, %arg3: memref<20000x80xi32, #tpu.memory_space<hbm>>, %arg4: memref<50000x40xf32, #tpu.memory_space<hbm>>, %arg5: memref<2x50000x40xf32, #tpu.memory_space<hbm>>, %arg6: memref<1x80xi32, #tpu.memory_space<vmem>>, %arg7: memref<80x40xf32, #tpu.memory_space<vmem>>, %arg8: memref<50000x40xf32, #tpu.memory_space<vmem_shared>>) attributes {dimension_semantics = [#tpu.dimension_semantics<core_parallel>, #tpu.dimension_semantics<subcore_parallel>], iteration_bounds = array<i64: 2, 16>, scalar_prefetch = 0 : i64, scratch_operands = 3 : i64, tpu.core_type = #tpu.core_type<sc_vector_subcore>, window_params = [{transform_indices = #map}, {transform_indices = #map}, {transform_indices = #map}, {transform_indices = #map1}]} {
    %mul3A = arith.constant 2 : i32
    %mul3A_0 = arith.muli %arg1, %mul3A : i32
    %add3A = arith.addi %mul3A_0, %arg0 : i32
    %mul3A_1 = arith.constant 50000 : i32
    %mul3A_2 = arith.muli %add3A, %mul3A_1 : i32
    %mul3A_3 = arith.constant 3125 : i32
    %mul3A_4 = arith.muli %arg1, %mul3A_3 : i32
    "tpu.region"() ({
      %run_scoped3A = tpu.sem_alloc : memref<!tpu.dma_semaphore, #tpu.memory_space<semaphore_mem>>
      %dma_start3A = arith.constant 0 : i32
      %dma_start3A_11 = tpu.memref_slice %arg8[%mul3A_4, %dma_start3A] : memref<50000x40xf32, #tpu.memory_space<vmem_shared>> -> memref<3125x40xf32, #tpu.memory_space<vmem_shared>>
      %dma_start3A_12 = arith.constant 0 : i32
      %dma_start3A_13 = tpu.memref_slice %arg4[%mul3A_4, %dma_start3A_12] : memref<50000x40xf32, #tpu.memory_space<hbm>> -> memref<3125x40xf32, #tpu.memory_space<hbm>>
      tpu.enqueue_dma source(%dma_start3A_13 : memref<3125x40xf32, #tpu.memory_space<hbm>>) target(%dma_start3A_11 : memref<3125x40xf32, #tpu.memory_space<vmem_shared>>) target_semaphore(%run_scoped3A : memref<!tpu.dma_semaphore, #tpu.memory_space<semaphore_mem>>)
      %dma_wait3A = arith.constant 0 : i32
      %dma_wait3A_14 = tpu.memref_slice %arg8[%mul3A_4, %dma_wait3A] : memref<50000x40xf32, #tpu.memory_space<vmem_shared>> -> memref<3125x40xf32, #tpu.memory_space<vmem_shared>>
      %dma_wait3A_15 = arith.constant 0 : i32
      %dma_wait3A_16 = tpu.memref_slice %arg4[%mul3A_4, %dma_wait3A_15] : memref<50000x40xf32, #tpu.memory_space<hbm>> -> memref<3125x40xf32, #tpu.memory_space<hbm>>
      tpu.wait_dma2 semaphore(%run_scoped3A : memref<!tpu.dma_semaphore, #tpu.memory_space<semaphore_mem>>) src(%dma_wait3A_16 : memref<3125x40xf32, #tpu.memory_space<hbm>>) dst(%dma_wait3A_14 : memref<3125x40xf32, #tpu.memory_space<vmem_shared>>)
      tpu.yield
    }) : () -> ()
    %barrier3A = arith.constant 0 : index
    tpu.barrier barrier_id(%barrier3A)
    %scan3A = arith.constant 0 : i32
    %scan3A_5 = arith.constant 0 : i32
    %scan3A_6 = arith.constant 625 : i32
    %scan3A_7 = arith.addi %scan3A_5, %scan3A_6 : i32
    %scan3A_8 = arith.constant 1 : i32
    scf.for %scan3A_11 = %scan3A_5 to %scan3A_7 step %scan3A_8  : i32 {
      %mul3A_12 = arith.constant 80 : i32
      %mul3A_13 = arith.muli %scan3A_11, %mul3A_12 : i32
      %add3A_14 = arith.addi %mul3A_2, %mul3A_13 : i32
      %mul3A_15 = arith.constant 625 : i32
      %mul3A_16 = arith.muli %add3A, %mul3A_15 : i32
      %add3A_17 = arith.addi %mul3A_16, %scan3A_11 : i32
      "tpu.region"() ({
        %run_scoped3A_18 = tpu.sem_alloc : memref<!tpu.dma_semaphore, #tpu.memory_space<semaphore_mem>>
        %dma_start3A = arith.constant 0 : i32
        %dma_start3A_19 = tpu.memref_slice %arg3[%add3A_17, %dma_start3A] : memref<20000x80xi32, #tpu.memory_space<hbm>> -> memref<1x80xi32, #tpu.memory_space<hbm>>
        %dma_start3A_20 = arith.constant 0 : i32
        %dma_start3A_21 = tpu.memref_slice %arg3[%add3A_17, %dma_start3A_20] : memref<20000x80xi32, #tpu.memory_space<hbm>> -> memref<1x80xi32, #tpu.memory_space<hbm>>
        tpu.enqueue_dma source(%dma_start3A_21 : memref<1x80xi32, #tpu.memory_space<hbm>>) target(%arg6 : memref<1x80xi32, #tpu.memory_space<vmem>>) target_semaphore(%run_scoped3A_18 : memref<!tpu.dma_semaphore, #tpu.memory_space<semaphore_mem>>)
        %dma_wait3A = arith.constant 0 : i32
        %dma_wait3A_22 = tpu.memref_slice %arg3[%add3A_17, %dma_wait3A] : memref<20000x80xi32, #tpu.memory_space<hbm>> -> memref<1x80xi32, #tpu.memory_space<hbm>>
        %dma_wait3A_23 = arith.constant 0 : i32
        %dma_wait3A_24 = tpu.memref_slice %arg3[%add3A_17, %dma_wait3A_23] : memref<20000x80xi32, #tpu.memory_space<hbm>> -> memref<1x80xi32, #tpu.memory_space<hbm>>
        tpu.wait_dma2 semaphore(%run_scoped3A_18 : memref<!tpu.dma_semaphore, #tpu.memory_space<semaphore_mem>>) src(%dma_wait3A_24 : memref<1x80xi32, #tpu.memory_space<hbm>>) dst(%arg6 : memref<1x80xi32, #tpu.memory_space<vmem>>)
        tpu.yield
      }) : () -> ()
      "tpu.region"() ({
        %run_scoped3A_18 = tpu.sem_alloc : memref<!tpu.dma_semaphore, #tpu.memory_space<semaphore_mem>>
        %dma_start3A = arith.constant 0 : i32
        %dma_start3A_19 = tpu.memref_slice %arg2[%add3A_14, %dma_start3A] : memref<1600000x40xf32, #tpu.memory_space<hbm>> -> memref<80x40xf32, #tpu.memory_space<hbm>>
        %dma_start3A_20 = arith.constant 0 : i32
        %dma_start3A_21 = tpu.memref_slice %arg2[%add3A_14, %dma_start3A_20] : memref<1600000x40xf32, #tpu.memory_space<hbm>> -> memref<80x40xf32, #tpu.memory_space<hbm>>
        tpu.enqueue_dma source(%dma_start3A_21 : memref<80x40xf32, #tpu.memory_space<hbm>>) target(%arg7 : memref<80x40xf32, #tpu.memory_space<vmem>>) target_semaphore(%run_scoped3A_18 : memref<!tpu.dma_semaphore, #tpu.memory_space<semaphore_mem>>)
        %dma_wait3A = arith.constant 0 : i32
        %dma_wait3A_22 = tpu.memref_slice %arg2[%add3A_14, %dma_wait3A] : memref<1600000x40xf32, #tpu.memory_space<hbm>> -> memref<80x40xf32, #tpu.memory_space<hbm>>
        %dma_wait3A_23 = arith.constant 0 : i32
        %dma_wait3A_24 = tpu.memref_slice %arg2[%add3A_14, %dma_wait3A_23] : memref<1600000x40xf32, #tpu.memory_space<hbm>> -> memref<80x40xf32, #tpu.memory_space<hbm>>
        tpu.wait_dma2 semaphore(%run_scoped3A_18 : memref<!tpu.dma_semaphore, #tpu.memory_space<semaphore_mem>>) src(%dma_wait3A_24 : memref<80x40xf32, #tpu.memory_space<hbm>>) dst(%arg7 : memref<80x40xf32, #tpu.memory_space<vmem>>)
        tpu.yield
      }) : () -> ()
      %run_scoped3A = arith.constant 0 : i32
      "tpu.region"() ({
        %run_scoped3A_18 = tpu.sem_alloc : memref<!tpu.dma_semaphore, #tpu.memory_space<semaphore_mem>>
        %dma_start3A = arith.constant 0 : i32
        %dma_start3A_19 = tpu.memref_slice %arg6[%run_scoped3A, %dma_start3A] : memref<1x80xi32, #tpu.memory_space<vmem>> -> memref<1x80xi32, #tpu.memory_space<vmem>>
        %dma_start3A_20 = tpu.memref_squeeze %dma_start3A_19 : memref<1x80xi32, #tpu.memory_space<vmem>> -> memref<80xi32, #tpu.memory_space<vmem>>
        %dma_start3A_21 = arith.constant 0 : i32
        %dma_start3A_22 = arith.constant 0 : i32
        %dma_start3A_23 = tpu.memref_slice %arg8[%dma_start3A_21, %dma_start3A_22] : memref<50000x40xf32, #tpu.memory_space<vmem_shared>> -> memref<50000x40xf32, #tpu.memory_space<vmem_shared>>
        tpu.enqueue_indirect_dma source(%arg7 : memref<80x40xf32, #tpu.memory_space<vmem>>) target(%dma_start3A_23 : memref<50000x40xf32, #tpu.memory_space<vmem_shared>>) offsets(%dma_start3A_20 : memref<80xi32, #tpu.memory_space<vmem>>) semaphore(%run_scoped3A_18 : memref<!tpu.dma_semaphore, #tpu.memory_space<semaphore_mem>>) {add = true}
        %dma_wait3A = arith.constant 0 : i32
        %dma_wait3A_24 = tpu.memref_slice %arg6[%run_scoped3A, %dma_wait3A] : memref<1x80xi32, #tpu.memory_space<vmem>> -> memref<1x80xi32, #tpu.memory_space<vmem>>
        %dma_wait3A_25 = tpu.memref_squeeze %dma_wait3A_24 : memref<1x80xi32, #tpu.memory_space<vmem>> -> memref<80xi32, #tpu.memory_space<vmem>>
        %dma_wait3A_26 = arith.constant 0 : i32
        %dma_wait3A_27 = arith.constant 0 : i32
        %dma_wait3A_28 = tpu.memref_slice %arg8[%dma_wait3A_26, %dma_wait3A_27] : memref<50000x40xf32, #tpu.memory_space<vmem_shared>> -> memref<50000x40xf32, #tpu.memory_space<vmem_shared>>
        tpu.wait_indirect_dma semaphore(%run_scoped3A_18 : memref<!tpu.dma_semaphore, #tpu.memory_space<semaphore_mem>>) src(%arg7 : memref<80x40xf32, #tpu.memory_space<vmem>>) dst(%dma_wait3A_28 : memref<50000x40xf32, #tpu.memory_space<vmem_shared>>)
        tpu.yield
      }) : () -> ()
    }
    %scan3A_9 = arith.constant 625 : i32
    %barrier3A_10 = arith.constant 0 : index
    tpu.barrier barrier_id(%barrier3A_10)
    "tpu.region"() ({
      %run_scoped3A = tpu.sem_alloc : memref<!tpu.dma_semaphore, #tpu.memory_space<semaphore_mem>>
      %dma_start3A = arith.constant 0 : i32
      %dma_start3A_11 = tpu.memref_slice %arg5[%arg0, %mul3A_4, %dma_start3A] : memref<2x50000x40xf32, #tpu.memory_space<hbm>> -> memref<1x3125x40xf32, #tpu.memory_space<hbm>>
      %dma_start3A_12 = tpu.memref_squeeze %dma_start3A_11 : memref<1x3125x40xf32, #tpu.memory_space<hbm>> -> memref<3125x40xf32, #tpu.memory_space<hbm>>
      %dma_start3A_13 = arith.constant 0 : i32
      %dma_start3A_14 = tpu.memref_slice %arg8[%mul3A_4, %dma_start3A_13] : memref<50000x40xf32, #tpu.memory_space<vmem_shared>> -> memref<3125x40xf32, #tpu.memory_space<vmem_shared>>
      tpu.enqueue_dma source(%dma_start3A_14 : memref<3125x40xf32, #tpu.memory_space<vmem_shared>>) target(%dma_start3A_12 : memref<3125x40xf32, #tpu.memory_space<hbm>>) target_semaphore(%run_scoped3A : memref<!tpu.dma_semaphore, #tpu.memory_space<semaphore_mem>>)
      %dma_wait3A = arith.constant 0 : i32
      %dma_wait3A_15 = tpu.memref_slice %arg5[%arg0, %mul3A_4, %dma_wait3A] : memref<2x50000x40xf32, #tpu.memory_space<hbm>> -> memref<1x3125x40xf32, #tpu.memory_space<hbm>>
      %dma_wait3A_16 = tpu.memref_squeeze %dma_wait3A_15 : memref<1x3125x40xf32, #tpu.memory_space<hbm>> -> memref<3125x40xf32, #tpu.memory_space<hbm>>
      %dma_wait3A_17 = arith.constant 0 : i32
      %dma_wait3A_18 = tpu.memref_slice %arg8[%mul3A_4, %dma_wait3A_17] : memref<50000x40xf32, #tpu.memory_space<vmem_shared>> -> memref<3125x40xf32, #tpu.memory_space<vmem_shared>>
      tpu.wait_dma2 semaphore(%run_scoped3A : memref<!tpu.dma_semaphore, #tpu.memory_space<semaphore_mem>>) src(%dma_wait3A_18 : memref<3125x40xf32, #tpu.memory_space<vmem_shared>>) dst(%dma_wait3A_16 : memref<3125x40xf32, #tpu.memory_space<hbm>>)
      tpu.yield
    }) : () -> ()
    return
  }
}

#map = affine_map<(d0, d1) -> (0, 0)>
module attributes {stable_mosaic.version = 14 : i64} {
  func.func @k(%arg0: i32, %arg1: i32, %arg2: memref<50000x8xf32, #tpu.memory_space<hbm>>, %arg3: memref<20000x80xi32, #tpu.memory_space<hbm>>, %arg4: memref<1600000x8xf32, #tpu.memory_space<hbm>>, %arg5: memref<625x80xi32, #tpu.memory_space<vmem>>, %arg6: memref<80x8xf32, #tpu.memory_space<vmem>>, %arg7: memref<!tpu.dma_semaphore, #tpu.memory_space<semaphore_mem>>) attributes {dimension_semantics = [#tpu.dimension_semantics<core_parallel>, #tpu.dimension_semantics<subcore_parallel>], iteration_bounds = array<i64: 2, 16>, scalar_prefetch = 0 : i64, scratch_operands = 3 : i64, tpu.core_type = #tpu.core_type<sc_vector_subcore>, window_params = [{transform_indices = #map}, {transform_indices = #map}, {transform_indices = #map}]} {
    %mul3A = arith.constant 2 : i32
    %mul3A_0 = arith.muli %arg1, %mul3A : i32
    %add3A = arith.addi %mul3A_0, %arg0 : i32
    %mul3A_1 = arith.constant 50000 : i32
    %mul3A_2 = arith.muli %add3A, %mul3A_1 : i32
    %mul3A_3 = arith.constant 625 : i32
    %mul3A_4 = arith.muli %add3A, %mul3A_3 : i32
    "tpu.region"() ({
      %run_scoped3A = tpu.sem_alloc : memref<!tpu.dma_semaphore, #tpu.memory_space<semaphore_mem>>
      %dma_start3A = arith.constant 0 : i32
      %dma_start3A_10 = tpu.memref_slice %arg3[%mul3A_4, %dma_start3A] : memref<20000x80xi32, #tpu.memory_space<hbm>> -> memref<625x80xi32, #tpu.memory_space<hbm>>
      %dma_start3A_11 = arith.constant 0 : i32
      %dma_start3A_12 = tpu.memref_slice %arg3[%mul3A_4, %dma_start3A_11] : memref<20000x80xi32, #tpu.memory_space<hbm>> -> memref<625x80xi32, #tpu.memory_space<hbm>>
      tpu.enqueue_dma source(%dma_start3A_12 : memref<625x80xi32, #tpu.memory_space<hbm>>) target(%arg5 : memref<625x80xi32, #tpu.memory_space<vmem>>) target_semaphore(%run_scoped3A : memref<!tpu.dma_semaphore, #tpu.memory_space<semaphore_mem>>)
      %dma_wait3A = arith.constant 0 : i32
      %dma_wait3A_13 = tpu.memref_slice %arg3[%mul3A_4, %dma_wait3A] : memref<20000x80xi32, #tpu.memory_space<hbm>> -> memref<625x80xi32, #tpu.memory_space<hbm>>
      %dma_wait3A_14 = arith.constant 0 : i32
      %dma_wait3A_15 = tpu.memref_slice %arg3[%mul3A_4, %dma_wait3A_14] : memref<20000x80xi32, #tpu.memory_space<hbm>> -> memref<625x80xi32, #tpu.memory_space<hbm>>
      tpu.wait_dma2 semaphore(%run_scoped3A : memref<!tpu.dma_semaphore, #tpu.memory_space<semaphore_mem>>) src(%dma_wait3A_15 : memref<625x80xi32, #tpu.memory_space<hbm>>) dst(%arg5 : memref<625x80xi32, #tpu.memory_space<vmem>>)
      tpu.yield
    }) : () -> ()
    %scan3A = arith.constant 0 : i32
    %scan3A_5 = arith.constant 0 : i32
    %scan3A_6 = arith.constant 625 : i32
    %scan3A_7 = arith.addi %scan3A_5, %scan3A_6 : i32
    %scan3A_8 = arith.constant 1 : i32
    scf.for %scan3A_10 = %scan3A_5 to %scan3A_7 step %scan3A_8  : i32 {
      %mul3A_11 = arith.constant 80 : i32
      %mul3A_12 = arith.muli %scan3A_10, %mul3A_11 : i32
      %add3A_13 = arith.addi %mul3A_2, %mul3A_12 : i32
      %dma_start3A = arith.constant 0 : i32
      %dma_start3A_14 = tpu.memref_slice %arg5[%scan3A_10, %dma_start3A] : memref<625x80xi32, #tpu.memory_space<vmem>> -> memref<1x80xi32, #tpu.memory_space<vmem>>
      %dma_start3A_15 = tpu.memref_squeeze %dma_start3A_14 : memref<1x80xi32, #tpu.memory_space<vmem>> -> memref<80xi32, #tpu.memory_space<vmem>>
      %dma_start3A_16 = arith.constant 0 : i32
      %dma_start3A_17 = arith.constant 0 : i32
      %dma_start3A_18 = tpu.memref_slice %arg2[%dma_start3A_16, %dma_start3A_17] : memref<50000x8xf32, #tpu.memory_space<hbm>> -> memref<50000x8xf32, #tpu.memory_space<hbm>>
      tpu.enqueue_indirect_dma source(%dma_start3A_18 : memref<50000x8xf32, #tpu.memory_space<hbm>>) target(%arg6 : memref<80x8xf32, #tpu.memory_space<vmem>>) offsets(%dma_start3A_15 : memref<80xi32, #tpu.memory_space<vmem>>) semaphore(%arg7 : memref<!tpu.dma_semaphore, #tpu.memory_space<semaphore_mem>>)
      %dma_wait3A = arith.constant 0 : i32
      %dma_wait3A_19 = tpu.memref_slice %arg5[%scan3A_10, %dma_wait3A] : memref<625x80xi32, #tpu.memory_space<vmem>> -> memref<1x80xi32, #tpu.memory_space<vmem>>
      %dma_wait3A_20 = tpu.memref_squeeze %dma_wait3A_19 : memref<1x80xi32, #tpu.memory_space<vmem>> -> memref<80xi32, #tpu.memory_space<vmem>>
      %dma_wait3A_21 = arith.constant 0 : i32
      %dma_wait3A_22 = arith.constant 0 : i32
      %dma_wait3A_23 = tpu.memref_slice %arg2[%dma_wait3A_21, %dma_wait3A_22] : memref<50000x8xf32, #tpu.memory_space<hbm>> -> memref<50000x8xf32, #tpu.memory_space<hbm>>
      tpu.wait_indirect_dma semaphore(%arg7 : memref<!tpu.dma_semaphore, #tpu.memory_space<semaphore_mem>>) src(%dma_wait3A_23 : memref<50000x8xf32, #tpu.memory_space<hbm>>) dst(%arg6 : memref<80x8xf32, #tpu.memory_space<vmem>>)
      "tpu.region"() ({
        %run_scoped3A = tpu.sem_alloc : memref<!tpu.dma_semaphore, #tpu.memory_space<semaphore_mem>>
        %dma_start3A_24 = arith.constant 0 : i32
        %dma_start3A_25 = tpu.memref_slice %arg4[%add3A_13, %dma_start3A_24] : memref<1600000x8xf32, #tpu.memory_space<hbm>> -> memref<80x8xf32, #tpu.memory_space<hbm>>
        %dma_start3A_26 = arith.constant 0 : i32
        %dma_start3A_27 = tpu.memref_slice %arg4[%add3A_13, %dma_start3A_26] : memref<1600000x8xf32, #tpu.memory_space<hbm>> -> memref<80x8xf32, #tpu.memory_space<hbm>>
        tpu.enqueue_dma source(%arg6 : memref<80x8xf32, #tpu.memory_space<vmem>>) target(%dma_start3A_27 : memref<80x8xf32, #tpu.memory_space<hbm>>) target_semaphore(%run_scoped3A : memref<!tpu.dma_semaphore, #tpu.memory_space<semaphore_mem>>)
        %dma_wait3A_28 = arith.constant 0 : i32
        %dma_wait3A_29 = tpu.memref_slice %arg4[%add3A_13, %dma_wait3A_28] : memref<1600000x8xf32, #tpu.memory_space<hbm>> -> memref<80x8xf32, #tpu.memory_space<hbm>>
        %dma_wait3A_30 = arith.constant 0 : i32
        %dma_wait3A_31 = tpu.memref_slice %arg4[%add3A_13, %dma_wait3A_30] : memref<1600000x8xf32, #tpu.memory_space<hbm>> -> memref<80x8xf32, #tpu.memory_space<hbm>>
        tpu.wait_dma2 semaphore(%run_scoped3A : memref<!tpu.dma_semaphore, #tpu.memory_space<semaphore_mem>>) src(%arg6 : memref<80x8xf32, #tpu.memory_space<vmem>>) dst(%dma_wait3A_31 : memref<80x8xf32, #tpu.memory_space<hbm>>)
        tpu.yield
      }) : () -> ()
    }
    %scan3A_9 = arith.constant 625 : i32
    return
  }
}

#map = affine_map<(d0, d1) -> (0, 0)>
module attributes {stable_mosaic.version = 14 : i64} {
  func.func @k(%arg0: i32, %arg1: i32, %arg2: memref<50000x32xf32, #tpu.memory_space<hbm>>, %arg3: memref<20000x80xi32, #tpu.memory_space<hbm>>, %arg4: memref<1600000x32xf32, #tpu.memory_space<hbm>>, %arg5: memref<625x80xi32, #tpu.memory_space<vmem>>, %arg6: memref<80x32xf32, #tpu.memory_space<vmem>>, %arg7: memref<!tpu.dma_semaphore, #tpu.memory_space<semaphore_mem>>) attributes {dimension_semantics = [#tpu.dimension_semantics<core_parallel>, #tpu.dimension_semantics<subcore_parallel>], iteration_bounds = array<i64: 2, 16>, scalar_prefetch = 0 : i64, scratch_operands = 3 : i64, tpu.core_type = #tpu.core_type<sc_vector_subcore>, window_params = [{transform_indices = #map}, {transform_indices = #map}, {transform_indices = #map}]} {
    %mul3A = arith.constant 2 : i32
    %mul3A_0 = arith.muli %arg1, %mul3A : i32
    %add3A = arith.addi %mul3A_0, %arg0 : i32
    %mul3A_1 = arith.constant 50000 : i32
    %mul3A_2 = arith.muli %add3A, %mul3A_1 : i32
    %mul3A_3 = arith.constant 625 : i32
    %mul3A_4 = arith.muli %add3A, %mul3A_3 : i32
    "tpu.region"() ({
      %run_scoped3A = tpu.sem_alloc : memref<!tpu.dma_semaphore, #tpu.memory_space<semaphore_mem>>
      %dma_start3A = arith.constant 0 : i32
      %dma_start3A_10 = tpu.memref_slice %arg3[%mul3A_4, %dma_start3A] : memref<20000x80xi32, #tpu.memory_space<hbm>> -> memref<625x80xi32, #tpu.memory_space<hbm>>
      %dma_start3A_11 = arith.constant 0 : i32
      %dma_start3A_12 = tpu.memref_slice %arg3[%mul3A_4, %dma_start3A_11] : memref<20000x80xi32, #tpu.memory_space<hbm>> -> memref<625x80xi32, #tpu.memory_space<hbm>>
      tpu.enqueue_dma source(%dma_start3A_12 : memref<625x80xi32, #tpu.memory_space<hbm>>) target(%arg5 : memref<625x80xi32, #tpu.memory_space<vmem>>) target_semaphore(%run_scoped3A : memref<!tpu.dma_semaphore, #tpu.memory_space<semaphore_mem>>)
      %dma_wait3A = arith.constant 0 : i32
      %dma_wait3A_13 = tpu.memref_slice %arg3[%mul3A_4, %dma_wait3A] : memref<20000x80xi32, #tpu.memory_space<hbm>> -> memref<625x80xi32, #tpu.memory_space<hbm>>
      %dma_wait3A_14 = arith.constant 0 : i32
      %dma_wait3A_15 = tpu.memref_slice %arg3[%mul3A_4, %dma_wait3A_14] : memref<20000x80xi32, #tpu.memory_space<hbm>> -> memref<625x80xi32, #tpu.memory_space<hbm>>
      tpu.wait_dma2 semaphore(%run_scoped3A : memref<!tpu.dma_semaphore, #tpu.memory_space<semaphore_mem>>) src(%dma_wait3A_15 : memref<625x80xi32, #tpu.memory_space<hbm>>) dst(%arg5 : memref<625x80xi32, #tpu.memory_space<vmem>>)
      tpu.yield
    }) : () -> ()
    %scan3A = arith.constant 0 : i32
    %scan3A_5 = arith.constant 0 : i32
    %scan3A_6 = arith.constant 625 : i32
    %scan3A_7 = arith.addi %scan3A_5, %scan3A_6 : i32
    %scan3A_8 = arith.constant 1 : i32
    scf.for %scan3A_10 = %scan3A_5 to %scan3A_7 step %scan3A_8  : i32 {
      %mul3A_11 = arith.constant 80 : i32
      %mul3A_12 = arith.muli %scan3A_10, %mul3A_11 : i32
      %add3A_13 = arith.addi %mul3A_2, %mul3A_12 : i32
      %dma_start3A = arith.constant 0 : i32
      %dma_start3A_14 = tpu.memref_slice %arg5[%scan3A_10, %dma_start3A] : memref<625x80xi32, #tpu.memory_space<vmem>> -> memref<1x80xi32, #tpu.memory_space<vmem>>
      %dma_start3A_15 = tpu.memref_squeeze %dma_start3A_14 : memref<1x80xi32, #tpu.memory_space<vmem>> -> memref<80xi32, #tpu.memory_space<vmem>>
      %dma_start3A_16 = arith.constant 0 : i32
      %dma_start3A_17 = arith.constant 0 : i32
      %dma_start3A_18 = tpu.memref_slice %arg2[%dma_start3A_16, %dma_start3A_17] : memref<50000x32xf32, #tpu.memory_space<hbm>> -> memref<50000x32xf32, #tpu.memory_space<hbm>>
      tpu.enqueue_indirect_dma source(%dma_start3A_18 : memref<50000x32xf32, #tpu.memory_space<hbm>>) target(%arg6 : memref<80x32xf32, #tpu.memory_space<vmem>>) offsets(%dma_start3A_15 : memref<80xi32, #tpu.memory_space<vmem>>) semaphore(%arg7 : memref<!tpu.dma_semaphore, #tpu.memory_space<semaphore_mem>>)
      %dma_wait3A = arith.constant 0 : i32
      %dma_wait3A_19 = tpu.memref_slice %arg5[%scan3A_10, %dma_wait3A] : memref<625x80xi32, #tpu.memory_space<vmem>> -> memref<1x80xi32, #tpu.memory_space<vmem>>
      %dma_wait3A_20 = tpu.memref_squeeze %dma_wait3A_19 : memref<1x80xi32, #tpu.memory_space<vmem>> -> memref<80xi32, #tpu.memory_space<vmem>>
      %dma_wait3A_21 = arith.constant 0 : i32
      %dma_wait3A_22 = arith.constant 0 : i32
      %dma_wait3A_23 = tpu.memref_slice %arg2[%dma_wait3A_21, %dma_wait3A_22] : memref<50000x32xf32, #tpu.memory_space<hbm>> -> memref<50000x32xf32, #tpu.memory_space<hbm>>
      tpu.wait_indirect_dma semaphore(%arg7 : memref<!tpu.dma_semaphore, #tpu.memory_space<semaphore_mem>>) src(%dma_wait3A_23 : memref<50000x32xf32, #tpu.memory_space<hbm>>) dst(%arg6 : memref<80x32xf32, #tpu.memory_space<vmem>>)
      "tpu.region"() ({
        %run_scoped3A = tpu.sem_alloc : memref<!tpu.dma_semaphore, #tpu.memory_space<semaphore_mem>>
        %dma_start3A_24 = arith.constant 0 : i32
        %dma_start3A_25 = tpu.memref_slice %arg4[%add3A_13, %dma_start3A_24] : memref<1600000x32xf32, #tpu.memory_space<hbm>> -> memref<80x32xf32, #tpu.memory_space<hbm>>
        %dma_start3A_26 = arith.constant 0 : i32
        %dma_start3A_27 = tpu.memref_slice %arg4[%add3A_13, %dma_start3A_26] : memref<1600000x32xf32, #tpu.memory_space<hbm>> -> memref<80x32xf32, #tpu.memory_space<hbm>>
        tpu.enqueue_dma source(%arg6 : memref<80x32xf32, #tpu.memory_space<vmem>>) target(%dma_start3A_27 : memref<80x32xf32, #tpu.memory_space<hbm>>) target_semaphore(%run_scoped3A : memref<!tpu.dma_semaphore, #tpu.memory_space<semaphore_mem>>)
        %dma_wait3A_28 = arith.constant 0 : i32
        %dma_wait3A_29 = tpu.memref_slice %arg4[%add3A_13, %dma_wait3A_28] : memref<1600000x32xf32, #tpu.memory_space<hbm>> -> memref<80x32xf32, #tpu.memory_space<hbm>>
        %dma_wait3A_30 = arith.constant 0 : i32
        %dma_wait3A_31 = tpu.memref_slice %arg4[%add3A_13, %dma_wait3A_30] : memref<1600000x32xf32, #tpu.memory_space<hbm>> -> memref<80x32xf32, #tpu.memory_space<hbm>>
        tpu.wait_dma2 semaphore(%run_scoped3A : memref<!tpu.dma_semaphore, #tpu.memory_space<semaphore_mem>>) src(%arg6 : memref<80x32xf32, #tpu.memory_space<vmem>>) dst(%dma_wait3A_31 : memref<80x32xf32, #tpu.memory_space<hbm>>)
        tpu.yield
      }) : () -> ()
    }
    %scan3A_9 = arith.constant 625 : i32
    return
  }
}

#map = affine_map<(d0, d1) -> (0, 0)>
#map1 = affine_map<(d0, d1) -> (0, 0, 0)>
module attributes {stable_mosaic.version = 14 : i64} {
  func.func @k(%arg0: i32, %arg1: i32, %arg2: memref<1600000x40xf32, #tpu.memory_space<hbm>>, %arg3: memref<20000x80xi32, #tpu.memory_space<hbm>>, %arg4: memref<50000x40xf32, #tpu.memory_space<hbm>>, %arg5: memref<2x50000x40xf32, #tpu.memory_space<hbm>>, %arg6: memref<1x80xi32, #tpu.memory_space<vmem>>, %arg7: memref<80x40xf32, #tpu.memory_space<vmem>>, %arg8: memref<50000x40xf32, #tpu.memory_space<vmem_shared>>) attributes {dimension_semantics = [#tpu.dimension_semantics<core_parallel>, #tpu.dimension_semantics<subcore_parallel>], iteration_bounds = array<i64: 2, 16>, scalar_prefetch = 0 : i64, scratch_operands = 3 : i64, tpu.core_type = #tpu.core_type<sc_vector_subcore>, window_params = [{transform_indices = #map}, {transform_indices = #map}, {transform_indices = #map}, {transform_indices = #map1}]} {
    %mul3A = arith.constant 2 : i32
    %mul3A_0 = arith.muli %arg1, %mul3A : i32
    %add3A = arith.addi %mul3A_0, %arg0 : i32
    %mul3A_1 = arith.constant 50000 : i32
    %mul3A_2 = arith.muli %add3A, %mul3A_1 : i32
    %mul3A_3 = arith.constant 3125 : i32
    %mul3A_4 = arith.muli %arg1, %mul3A_3 : i32
    "tpu.region"() ({
      %run_scoped3A = tpu.sem_alloc : memref<!tpu.dma_semaphore, #tpu.memory_space<semaphore_mem>>
      %dma_start3A = arith.constant 0 : i32
      %dma_start3A_11 = tpu.memref_slice %arg8[%mul3A_4, %dma_start3A] : memref<50000x40xf32, #tpu.memory_space<vmem_shared>> -> memref<3125x40xf32, #tpu.memory_space<vmem_shared>>
      %dma_start3A_12 = arith.constant 0 : i32
      %dma_start3A_13 = tpu.memref_slice %arg4[%mul3A_4, %dma_start3A_12] : memref<50000x40xf32, #tpu.memory_space<hbm>> -> memref<3125x40xf32, #tpu.memory_space<hbm>>
      tpu.enqueue_dma source(%dma_start3A_13 : memref<3125x40xf32, #tpu.memory_space<hbm>>) target(%dma_start3A_11 : memref<3125x40xf32, #tpu.memory_space<vmem_shared>>) target_semaphore(%run_scoped3A : memref<!tpu.dma_semaphore, #tpu.memory_space<semaphore_mem>>)
      %dma_wait3A = arith.constant 0 : i32
      %dma_wait3A_14 = tpu.memref_slice %arg8[%mul3A_4, %dma_wait3A] : memref<50000x40xf32, #tpu.memory_space<vmem_shared>> -> memref<3125x40xf32, #tpu.memory_space<vmem_shared>>
      %dma_wait3A_15 = arith.constant 0 : i32
      %dma_wait3A_16 = tpu.memref_slice %arg4[%mul3A_4, %dma_wait3A_15] : memref<50000x40xf32, #tpu.memory_space<hbm>> -> memref<3125x40xf32, #tpu.memory_space<hbm>>
      tpu.wait_dma2 semaphore(%run_scoped3A : memref<!tpu.dma_semaphore, #tpu.memory_space<semaphore_mem>>) src(%dma_wait3A_16 : memref<3125x40xf32, #tpu.memory_space<hbm>>) dst(%dma_wait3A_14 : memref<3125x40xf32, #tpu.memory_space<vmem_shared>>)
      tpu.yield
    }) : () -> ()
    %barrier3A = arith.constant 0 : index
    tpu.barrier barrier_id(%barrier3A)
    %scan3A = arith.constant 0 : i32
    %scan3A_5 = arith.constant 0 : i32
    %scan3A_6 = arith.constant 625 : i32
    %scan3A_7 = arith.addi %scan3A_5, %scan3A_6 : i32
    %scan3A_8 = arith.constant 1 : i32
    scf.for %scan3A_11 = %scan3A_5 to %scan3A_7 step %scan3A_8  : i32 {
      %mul3A_12 = arith.constant 80 : i32
      %mul3A_13 = arith.muli %scan3A_11, %mul3A_12 : i32
      %add3A_14 = arith.addi %mul3A_2, %mul3A_13 : i32
      %mul3A_15 = arith.constant 625 : i32
      %mul3A_16 = arith.muli %add3A, %mul3A_15 : i32
      %add3A_17 = arith.addi %mul3A_16, %scan3A_11 : i32
      "tpu.region"() ({
        %run_scoped3A_18 = tpu.sem_alloc : memref<!tpu.dma_semaphore, #tpu.memory_space<semaphore_mem>>
        %dma_start3A = arith.constant 0 : i32
        %dma_start3A_19 = tpu.memref_slice %arg3[%add3A_17, %dma_start3A] : memref<20000x80xi32, #tpu.memory_space<hbm>> -> memref<1x80xi32, #tpu.memory_space<hbm>>
        %dma_start3A_20 = arith.constant 0 : i32
        %dma_start3A_21 = tpu.memref_slice %arg3[%add3A_17, %dma_start3A_20] : memref<20000x80xi32, #tpu.memory_space<hbm>> -> memref<1x80xi32, #tpu.memory_space<hbm>>
        tpu.enqueue_dma source(%dma_start3A_21 : memref<1x80xi32, #tpu.memory_space<hbm>>) target(%arg6 : memref<1x80xi32, #tpu.memory_space<vmem>>) target_semaphore(%run_scoped3A_18 : memref<!tpu.dma_semaphore, #tpu.memory_space<semaphore_mem>>)
        %dma_wait3A = arith.constant 0 : i32
        %dma_wait3A_22 = tpu.memref_slice %arg3[%add3A_17, %dma_wait3A] : memref<20000x80xi32, #tpu.memory_space<hbm>> -> memref<1x80xi32, #tpu.memory_space<hbm>>
        %dma_wait3A_23 = arith.constant 0 : i32
        %dma_wait3A_24 = tpu.memref_slice %arg3[%add3A_17, %dma_wait3A_23] : memref<20000x80xi32, #tpu.memory_space<hbm>> -> memref<1x80xi32, #tpu.memory_space<hbm>>
        tpu.wait_dma2 semaphore(%run_scoped3A_18 : memref<!tpu.dma_semaphore, #tpu.memory_space<semaphore_mem>>) src(%dma_wait3A_24 : memref<1x80xi32, #tpu.memory_space<hbm>>) dst(%arg6 : memref<1x80xi32, #tpu.memory_space<vmem>>)
        tpu.yield
      }) : () -> ()
      "tpu.region"() ({
        %run_scoped3A_18 = tpu.sem_alloc : memref<!tpu.dma_semaphore, #tpu.memory_space<semaphore_mem>>
        %dma_start3A = arith.constant 0 : i32
        %dma_start3A_19 = tpu.memref_slice %arg2[%add3A_14, %dma_start3A] : memref<1600000x40xf32, #tpu.memory_space<hbm>> -> memref<80x40xf32, #tpu.memory_space<hbm>>
        %dma_start3A_20 = arith.constant 0 : i32
        %dma_start3A_21 = tpu.memref_slice %arg2[%add3A_14, %dma_start3A_20] : memref<1600000x40xf32, #tpu.memory_space<hbm>> -> memref<80x40xf32, #tpu.memory_space<hbm>>
        tpu.enqueue_dma source(%dma_start3A_21 : memref<80x40xf32, #tpu.memory_space<hbm>>) target(%arg7 : memref<80x40xf32, #tpu.memory_space<vmem>>) target_semaphore(%run_scoped3A_18 : memref<!tpu.dma_semaphore, #tpu.memory_space<semaphore_mem>>)
        %dma_wait3A = arith.constant 0 : i32
        %dma_wait3A_22 = tpu.memref_slice %arg2[%add3A_14, %dma_wait3A] : memref<1600000x40xf32, #tpu.memory_space<hbm>> -> memref<80x40xf32, #tpu.memory_space<hbm>>
        %dma_wait3A_23 = arith.constant 0 : i32
        %dma_wait3A_24 = tpu.memref_slice %arg2[%add3A_14, %dma_wait3A_23] : memref<1600000x40xf32, #tpu.memory_space<hbm>> -> memref<80x40xf32, #tpu.memory_space<hbm>>
        tpu.wait_dma2 semaphore(%run_scoped3A_18 : memref<!tpu.dma_semaphore, #tpu.memory_space<semaphore_mem>>) src(%dma_wait3A_24 : memref<80x40xf32, #tpu.memory_space<hbm>>) dst(%arg7 : memref<80x40xf32, #tpu.memory_space<vmem>>)
        tpu.yield
      }) : () -> ()
      %run_scoped3A = arith.constant 0 : i32
      "tpu.region"() ({
        %run_scoped3A_18 = tpu.sem_alloc : memref<!tpu.dma_semaphore, #tpu.memory_space<semaphore_mem>>
        %dma_start3A = arith.constant 0 : i32
        %dma_start3A_19 = tpu.memref_slice %arg6[%run_scoped3A, %dma_start3A] : memref<1x80xi32, #tpu.memory_space<vmem>> -> memref<1x80xi32, #tpu.memory_space<vmem>>
        %dma_start3A_20 = tpu.memref_squeeze %dma_start3A_19 : memref<1x80xi32, #tpu.memory_space<vmem>> -> memref<80xi32, #tpu.memory_space<vmem>>
        %dma_start3A_21 = arith.constant 0 : i32
        %dma_start3A_22 = arith.constant 0 : i32
        %dma_start3A_23 = tpu.memref_slice %arg8[%dma_start3A_21, %dma_start3A_22] : memref<50000x40xf32, #tpu.memory_space<vmem_shared>> -> memref<50000x40xf32, #tpu.memory_space<vmem_shared>>
        tpu.enqueue_indirect_dma source(%arg7 : memref<80x40xf32, #tpu.memory_space<vmem>>) target(%dma_start3A_23 : memref<50000x40xf32, #tpu.memory_space<vmem_shared>>) offsets(%dma_start3A_20 : memref<80xi32, #tpu.memory_space<vmem>>) semaphore(%run_scoped3A_18 : memref<!tpu.dma_semaphore, #tpu.memory_space<semaphore_mem>>) {add = true}
        %dma_wait3A = arith.constant 0 : i32
        %dma_wait3A_24 = tpu.memref_slice %arg6[%run_scoped3A, %dma_wait3A] : memref<1x80xi32, #tpu.memory_space<vmem>> -> memref<1x80xi32, #tpu.memory_space<vmem>>
        %dma_wait3A_25 = tpu.memref_squeeze %dma_wait3A_24 : memref<1x80xi32, #tpu.memory_space<vmem>> -> memref<80xi32, #tpu.memory_space<vmem>>
        %dma_wait3A_26 = arith.constant 0 : i32
        %dma_wait3A_27 = arith.constant 0 : i32
        %dma_wait3A_28 = tpu.memref_slice %arg8[%dma_wait3A_26, %dma_wait3A_27] : memref<50000x40xf32, #tpu.memory_space<vmem_shared>> -> memref<50000x40xf32, #tpu.memory_space<vmem_shared>>
        tpu.wait_indirect_dma semaphore(%run_scoped3A_18 : memref<!tpu.dma_semaphore, #tpu.memory_space<semaphore_mem>>) src(%arg7 : memref<80x40xf32, #tpu.memory_space<vmem>>) dst(%dma_wait3A_28 : memref<50000x40xf32, #tpu.memory_space<vmem_shared>>)
        tpu.yield
      }) : () -> ()
    }
    %scan3A_9 = arith.constant 625 : i32
    %barrier3A_10 = arith.constant 0 : index
    tpu.barrier barrier_id(%barrier3A_10)
    "tpu.region"() ({
      %run_scoped3A = tpu.sem_alloc : memref<!tpu.dma_semaphore, #tpu.memory_space<semaphore_mem>>
      %dma_start3A = arith.constant 0 : i32
      %dma_start3A_11 = tpu.memref_slice %arg5[%arg0, %mul3A_4, %dma_start3A] : memref<2x50000x40xf32, #tpu.memory_space<hbm>> -> memref<1x3125x40xf32, #tpu.memory_space<hbm>>
      %dma_start3A_12 = tpu.memref_squeeze %dma_start3A_11 : memref<1x3125x40xf32, #tpu.memory_space<hbm>> -> memref<3125x40xf32, #tpu.memory_space<hbm>>
      %dma_start3A_13 = arith.constant 0 : i32
      %dma_start3A_14 = tpu.memref_slice %arg8[%mul3A_4, %dma_start3A_13] : memref<50000x40xf32, #tpu.memory_space<vmem_shared>> -> memref<3125x40xf32, #tpu.memory_space<vmem_shared>>
      tpu.enqueue_dma source(%dma_start3A_14 : memref<3125x40xf32, #tpu.memory_space<vmem_shared>>) target(%dma_start3A_12 : memref<3125x40xf32, #tpu.memory_space<hbm>>) target_semaphore(%run_scoped3A : memref<!tpu.dma_semaphore, #tpu.memory_space<semaphore_mem>>)
      %dma_wait3A = arith.constant 0 : i32
      %dma_wait3A_15 = tpu.memref_slice %arg5[%arg0, %mul3A_4, %dma_wait3A] : memref<2x50000x40xf32, #tpu.memory_space<hbm>> -> memref<1x3125x40xf32, #tpu.memory_space<hbm>>
      %dma_wait3A_16 = tpu.memref_squeeze %dma_wait3A_15 : memref<1x3125x40xf32, #tpu.memory_space<hbm>> -> memref<3125x40xf32, #tpu.memory_space<hbm>>
      %dma_wait3A_17 = arith.constant 0 : i32
      %dma_wait3A_18 = tpu.memref_slice %arg8[%mul3A_4, %dma_wait3A_17] : memref<50000x40xf32, #tpu.memory_space<vmem_shared>> -> memref<3125x40xf32, #tpu.memory_space<vmem_shared>>
      tpu.wait_dma2 semaphore(%run_scoped3A : memref<!tpu.dma_semaphore, #tpu.memory_space<semaphore_mem>>) src(%dma_wait3A_18 : memref<3125x40xf32, #tpu.memory_space<vmem_shared>>) dst(%dma_wait3A_16 : memref<3125x40xf32, #tpu.memory_space<hbm>>)
      tpu.yield
    }) : () -> ()
    return
  }
}

#map = affine_map<(d0, d1) -> (0, 0)>
module attributes {stable_mosaic.version = 14 : i64} {
  func.func @k(%arg0: i32, %arg1: i32, %arg2: memref<50000x32xf32, #tpu.memory_space<hbm>>, %arg3: memref<20000x80xi32, #tpu.memory_space<hbm>>, %arg4: memref<1600000x32xf32, #tpu.memory_space<hbm>>, %arg5: memref<625x80xi32, #tpu.memory_space<vmem>>, %arg6: memref<80x32xf32, #tpu.memory_space<vmem>>, %arg7: memref<!tpu.dma_semaphore, #tpu.memory_space<semaphore_mem>>) attributes {dimension_semantics = [#tpu.dimension_semantics<core_parallel>, #tpu.dimension_semantics<subcore_parallel>], iteration_bounds = array<i64: 2, 16>, scalar_prefetch = 0 : i64, scratch_operands = 3 : i64, tpu.core_type = #tpu.core_type<sc_vector_subcore>, window_params = [{transform_indices = #map}, {transform_indices = #map}, {transform_indices = #map}]} {
    %mul3A = arith.constant 2 : i32
    %mul3A_0 = arith.muli %arg1, %mul3A : i32
    %add3A = arith.addi %mul3A_0, %arg0 : i32
    %mul3A_1 = arith.constant 50000 : i32
    %mul3A_2 = arith.muli %add3A, %mul3A_1 : i32
    %mul3A_3 = arith.constant 625 : i32
    %mul3A_4 = arith.muli %add3A, %mul3A_3 : i32
    "tpu.region"() ({
      %run_scoped3A = tpu.sem_alloc : memref<!tpu.dma_semaphore, #tpu.memory_space<semaphore_mem>>
      %dma_start3A = arith.constant 0 : i32
      %dma_start3A_10 = tpu.memref_slice %arg3[%mul3A_4, %dma_start3A] : memref<20000x80xi32, #tpu.memory_space<hbm>> -> memref<625x80xi32, #tpu.memory_space<hbm>>
      %dma_start3A_11 = arith.constant 0 : i32
      %dma_start3A_12 = tpu.memref_slice %arg3[%mul3A_4, %dma_start3A_11] : memref<20000x80xi32, #tpu.memory_space<hbm>> -> memref<625x80xi32, #tpu.memory_space<hbm>>
      tpu.enqueue_dma source(%dma_start3A_12 : memref<625x80xi32, #tpu.memory_space<hbm>>) target(%arg5 : memref<625x80xi32, #tpu.memory_space<vmem>>) target_semaphore(%run_scoped3A : memref<!tpu.dma_semaphore, #tpu.memory_space<semaphore_mem>>)
      %dma_wait3A = arith.constant 0 : i32
      %dma_wait3A_13 = tpu.memref_slice %arg3[%mul3A_4, %dma_wait3A] : memref<20000x80xi32, #tpu.memory_space<hbm>> -> memref<625x80xi32, #tpu.memory_space<hbm>>
      %dma_wait3A_14 = arith.constant 0 : i32
      %dma_wait3A_15 = tpu.memref_slice %arg3[%mul3A_4, %dma_wait3A_14] : memref<20000x80xi32, #tpu.memory_space<hbm>> -> memref<625x80xi32, #tpu.memory_space<hbm>>
      tpu.wait_dma2 semaphore(%run_scoped3A : memref<!tpu.dma_semaphore, #tpu.memory_space<semaphore_mem>>) src(%dma_wait3A_15 : memref<625x80xi32, #tpu.memory_space<hbm>>) dst(%arg5 : memref<625x80xi32, #tpu.memory_space<vmem>>)
      tpu.yield
    }) : () -> ()
    %scan3A = arith.constant 0 : i32
    %scan3A_5 = arith.constant 0 : i32
    %scan3A_6 = arith.constant 625 : i32
    %scan3A_7 = arith.addi %scan3A_5, %scan3A_6 : i32
    %scan3A_8 = arith.constant 1 : i32
    scf.for %scan3A_10 = %scan3A_5 to %scan3A_7 step %scan3A_8  : i32 {
      %mul3A_11 = arith.constant 80 : i32
      %mul3A_12 = arith.muli %scan3A_10, %mul3A_11 : i32
      %add3A_13 = arith.addi %mul3A_2, %mul3A_12 : i32
      %dma_start3A = arith.constant 0 : i32
      %dma_start3A_14 = tpu.memref_slice %arg5[%scan3A_10, %dma_start3A] : memref<625x80xi32, #tpu.memory_space<vmem>> -> memref<1x80xi32, #tpu.memory_space<vmem>>
      %dma_start3A_15 = tpu.memref_squeeze %dma_start3A_14 : memref<1x80xi32, #tpu.memory_space<vmem>> -> memref<80xi32, #tpu.memory_space<vmem>>
      %dma_start3A_16 = arith.constant 0 : i32
      %dma_start3A_17 = arith.constant 0 : i32
      %dma_start3A_18 = tpu.memref_slice %arg2[%dma_start3A_16, %dma_start3A_17] : memref<50000x32xf32, #tpu.memory_space<hbm>> -> memref<50000x32xf32, #tpu.memory_space<hbm>>
      tpu.enqueue_indirect_dma source(%dma_start3A_18 : memref<50000x32xf32, #tpu.memory_space<hbm>>) target(%arg6 : memref<80x32xf32, #tpu.memory_space<vmem>>) offsets(%dma_start3A_15 : memref<80xi32, #tpu.memory_space<vmem>>) semaphore(%arg7 : memref<!tpu.dma_semaphore, #tpu.memory_space<semaphore_mem>>)
      %dma_wait3A = arith.constant 0 : i32
      %dma_wait3A_19 = tpu.memref_slice %arg5[%scan3A_10, %dma_wait3A] : memref<625x80xi32, #tpu.memory_space<vmem>> -> memref<1x80xi32, #tpu.memory_space<vmem>>
      %dma_wait3A_20 = tpu.memref_squeeze %dma_wait3A_19 : memref<1x80xi32, #tpu.memory_space<vmem>> -> memref<80xi32, #tpu.memory_space<vmem>>
      %dma_wait3A_21 = arith.constant 0 : i32
      %dma_wait3A_22 = arith.constant 0 : i32
      %dma_wait3A_23 = tpu.memref_slice %arg2[%dma_wait3A_21, %dma_wait3A_22] : memref<50000x32xf32, #tpu.memory_space<hbm>> -> memref<50000x32xf32, #tpu.memory_space<hbm>>
      tpu.wait_indirect_dma semaphore(%arg7 : memref<!tpu.dma_semaphore, #tpu.memory_space<semaphore_mem>>) src(%dma_wait3A_23 : memref<50000x32xf32, #tpu.memory_space<hbm>>) dst(%arg6 : memref<80x32xf32, #tpu.memory_space<vmem>>)
      "tpu.region"() ({
        %run_scoped3A = tpu.sem_alloc : memref<!tpu.dma_semaphore, #tpu.memory_space<semaphore_mem>>
        %dma_start3A_24 = arith.constant 0 : i32
        %dma_start3A_25 = tpu.memref_slice %arg4[%add3A_13, %dma_start3A_24] : memref<1600000x32xf32, #tpu.memory_space<hbm>> -> memref<80x32xf32, #tpu.memory_space<hbm>>
        %dma_start3A_26 = arith.constant 0 : i32
        %dma_start3A_27 = tpu.memref_slice %arg4[%add3A_13, %dma_start3A_26] : memref<1600000x32xf32, #tpu.memory_space<hbm>> -> memref<80x32xf32, #tpu.memory_space<hbm>>
        tpu.enqueue_dma source(%arg6 : memref<80x32xf32, #tpu.memory_space<vmem>>) target(%dma_start3A_27 : memref<80x32xf32, #tpu.memory_space<hbm>>) target_semaphore(%run_scoped3A : memref<!tpu.dma_semaphore, #tpu.memory_space<semaphore_mem>>)
        %dma_wait3A_28 = arith.constant 0 : i32
        %dma_wait3A_29 = tpu.memref_slice %arg4[%add3A_13, %dma_wait3A_28] : memref<1600000x32xf32, #tpu.memory_space<hbm>> -> memref<80x32xf32, #tpu.memory_space<hbm>>
        %dma_wait3A_30 = arith.constant 0 : i32
        %dma_wait3A_31 = tpu.memref_slice %arg4[%add3A_13, %dma_wait3A_30] : memref<1600000x32xf32, #tpu.memory_space<hbm>> -> memref<80x32xf32, #tpu.memory_space<hbm>>
        tpu.wait_dma2 semaphore(%run_scoped3A : memref<!tpu.dma_semaphore, #tpu.memory_space<semaphore_mem>>) src(%arg6 : memref<80x32xf32, #tpu.memory_space<vmem>>) dst(%dma_wait3A_31 : memref<80x32xf32, #tpu.memory_space<hbm>>)
        tpu.yield
      }) : () -> ()
    }
    %scan3A_9 = arith.constant 625 : i32
    return
  }
}

#map = affine_map<(d0, d1) -> (0, 0)>
#map1 = affine_map<(d0, d1) -> (0, 0, 0)>
module attributes {stable_mosaic.version = 14 : i64} {
  func.func @k(%arg0: i32, %arg1: i32, %arg2: memref<1600000x32xf32, #tpu.memory_space<hbm>>, %arg3: memref<20000x80xi32, #tpu.memory_space<hbm>>, %arg4: memref<50000x32xf32, #tpu.memory_space<hbm>>, %arg5: memref<2x50000x32xf32, #tpu.memory_space<hbm>>, %arg6: memref<1x80xi32, #tpu.memory_space<vmem>>, %arg7: memref<80x32xf32, #tpu.memory_space<vmem>>, %arg8: memref<50000x32xf32, #tpu.memory_space<vmem_shared>>) attributes {dimension_semantics = [#tpu.dimension_semantics<core_parallel>, #tpu.dimension_semantics<subcore_parallel>], iteration_bounds = array<i64: 2, 16>, scalar_prefetch = 0 : i64, scratch_operands = 3 : i64, tpu.core_type = #tpu.core_type<sc_vector_subcore>, window_params = [{transform_indices = #map}, {transform_indices = #map}, {transform_indices = #map}, {transform_indices = #map1}]} {
    %mul3A = arith.constant 2 : i32
    %mul3A_0 = arith.muli %arg1, %mul3A : i32
    %add3A = arith.addi %mul3A_0, %arg0 : i32
    %mul3A_1 = arith.constant 50000 : i32
    %mul3A_2 = arith.muli %add3A, %mul3A_1 : i32
    %mul3A_3 = arith.constant 3125 : i32
    %mul3A_4 = arith.muli %arg1, %mul3A_3 : i32
    "tpu.region"() ({
      %run_scoped3A = tpu.sem_alloc : memref<!tpu.dma_semaphore, #tpu.memory_space<semaphore_mem>>
      %dma_start3A = arith.constant 0 : i32
      %dma_start3A_11 = tpu.memref_slice %arg8[%mul3A_4, %dma_start3A] : memref<50000x32xf32, #tpu.memory_space<vmem_shared>> -> memref<3125x32xf32, #tpu.memory_space<vmem_shared>>
      %dma_start3A_12 = arith.constant 0 : i32
      %dma_start3A_13 = tpu.memref_slice %arg4[%mul3A_4, %dma_start3A_12] : memref<50000x32xf32, #tpu.memory_space<hbm>> -> memref<3125x32xf32, #tpu.memory_space<hbm>>
      tpu.enqueue_dma source(%dma_start3A_13 : memref<3125x32xf32, #tpu.memory_space<hbm>>) target(%dma_start3A_11 : memref<3125x32xf32, #tpu.memory_space<vmem_shared>>) target_semaphore(%run_scoped3A : memref<!tpu.dma_semaphore, #tpu.memory_space<semaphore_mem>>)
      %dma_wait3A = arith.constant 0 : i32
      %dma_wait3A_14 = tpu.memref_slice %arg8[%mul3A_4, %dma_wait3A] : memref<50000x32xf32, #tpu.memory_space<vmem_shared>> -> memref<3125x32xf32, #tpu.memory_space<vmem_shared>>
      %dma_wait3A_15 = arith.constant 0 : i32
      %dma_wait3A_16 = tpu.memref_slice %arg4[%mul3A_4, %dma_wait3A_15] : memref<50000x32xf32, #tpu.memory_space<hbm>> -> memref<3125x32xf32, #tpu.memory_space<hbm>>
      tpu.wait_dma2 semaphore(%run_scoped3A : memref<!tpu.dma_semaphore, #tpu.memory_space<semaphore_mem>>) src(%dma_wait3A_16 : memref<3125x32xf32, #tpu.memory_space<hbm>>) dst(%dma_wait3A_14 : memref<3125x32xf32, #tpu.memory_space<vmem_shared>>)
      tpu.yield
    }) : () -> ()
    %barrier3A = arith.constant 0 : index
    tpu.barrier barrier_id(%barrier3A)
    %scan3A = arith.constant 0 : i32
    %scan3A_5 = arith.constant 0 : i32
    %scan3A_6 = arith.constant 625 : i32
    %scan3A_7 = arith.addi %scan3A_5, %scan3A_6 : i32
    %scan3A_8 = arith.constant 1 : i32
    scf.for %scan3A_11 = %scan3A_5 to %scan3A_7 step %scan3A_8  : i32 {
      %mul3A_12 = arith.constant 80 : i32
      %mul3A_13 = arith.muli %scan3A_11, %mul3A_12 : i32
      %add3A_14 = arith.addi %mul3A_2, %mul3A_13 : i32
      %mul3A_15 = arith.constant 625 : i32
      %mul3A_16 = arith.muli %add3A, %mul3A_15 : i32
      %add3A_17 = arith.addi %mul3A_16, %scan3A_11 : i32
      "tpu.region"() ({
        %run_scoped3A_18 = tpu.sem_alloc : memref<!tpu.dma_semaphore, #tpu.memory_space<semaphore_mem>>
        %dma_start3A = arith.constant 0 : i32
        %dma_start3A_19 = tpu.memref_slice %arg3[%add3A_17, %dma_start3A] : memref<20000x80xi32, #tpu.memory_space<hbm>> -> memref<1x80xi32, #tpu.memory_space<hbm>>
        %dma_start3A_20 = arith.constant 0 : i32
        %dma_start3A_21 = tpu.memref_slice %arg3[%add3A_17, %dma_start3A_20] : memref<20000x80xi32, #tpu.memory_space<hbm>> -> memref<1x80xi32, #tpu.memory_space<hbm>>
        tpu.enqueue_dma source(%dma_start3A_21 : memref<1x80xi32, #tpu.memory_space<hbm>>) target(%arg6 : memref<1x80xi32, #tpu.memory_space<vmem>>) target_semaphore(%run_scoped3A_18 : memref<!tpu.dma_semaphore, #tpu.memory_space<semaphore_mem>>)
        %dma_wait3A = arith.constant 0 : i32
        %dma_wait3A_22 = tpu.memref_slice %arg3[%add3A_17, %dma_wait3A] : memref<20000x80xi32, #tpu.memory_space<hbm>> -> memref<1x80xi32, #tpu.memory_space<hbm>>
        %dma_wait3A_23 = arith.constant 0 : i32
        %dma_wait3A_24 = tpu.memref_slice %arg3[%add3A_17, %dma_wait3A_23] : memref<20000x80xi32, #tpu.memory_space<hbm>> -> memref<1x80xi32, #tpu.memory_space<hbm>>
        tpu.wait_dma2 semaphore(%run_scoped3A_18 : memref<!tpu.dma_semaphore, #tpu.memory_space<semaphore_mem>>) src(%dma_wait3A_24 : memref<1x80xi32, #tpu.memory_space<hbm>>) dst(%arg6 : memref<1x80xi32, #tpu.memory_space<vmem>>)
        tpu.yield
      }) : () -> ()
      "tpu.region"() ({
        %run_scoped3A_18 = tpu.sem_alloc : memref<!tpu.dma_semaphore, #tpu.memory_space<semaphore_mem>>
        %dma_start3A = arith.constant 0 : i32
        %dma_start3A_19 = tpu.memref_slice %arg2[%add3A_14, %dma_start3A] : memref<1600000x32xf32, #tpu.memory_space<hbm>> -> memref<80x32xf32, #tpu.memory_space<hbm>>
        %dma_start3A_20 = arith.constant 0 : i32
        %dma_start3A_21 = tpu.memref_slice %arg2[%add3A_14, %dma_start3A_20] : memref<1600000x32xf32, #tpu.memory_space<hbm>> -> memref<80x32xf32, #tpu.memory_space<hbm>>
        tpu.enqueue_dma source(%dma_start3A_21 : memref<80x32xf32, #tpu.memory_space<hbm>>) target(%arg7 : memref<80x32xf32, #tpu.memory_space<vmem>>) target_semaphore(%run_scoped3A_18 : memref<!tpu.dma_semaphore, #tpu.memory_space<semaphore_mem>>)
        %dma_wait3A = arith.constant 0 : i32
        %dma_wait3A_22 = tpu.memref_slice %arg2[%add3A_14, %dma_wait3A] : memref<1600000x32xf32, #tpu.memory_space<hbm>> -> memref<80x32xf32, #tpu.memory_space<hbm>>
        %dma_wait3A_23 = arith.constant 0 : i32
        %dma_wait3A_24 = tpu.memref_slice %arg2[%add3A_14, %dma_wait3A_23] : memref<1600000x32xf32, #tpu.memory_space<hbm>> -> memref<80x32xf32, #tpu.memory_space<hbm>>
        tpu.wait_dma2 semaphore(%run_scoped3A_18 : memref<!tpu.dma_semaphore, #tpu.memory_space<semaphore_mem>>) src(%dma_wait3A_24 : memref<80x32xf32, #tpu.memory_space<hbm>>) dst(%arg7 : memref<80x32xf32, #tpu.memory_space<vmem>>)
        tpu.yield
      }) : () -> ()
      %run_scoped3A = arith.constant 0 : i32
      "tpu.region"() ({
        %run_scoped3A_18 = tpu.sem_alloc : memref<!tpu.dma_semaphore, #tpu.memory_space<semaphore_mem>>
        %dma_start3A = arith.constant 0 : i32
        %dma_start3A_19 = tpu.memref_slice %arg6[%run_scoped3A, %dma_start3A] : memref<1x80xi32, #tpu.memory_space<vmem>> -> memref<1x80xi32, #tpu.memory_space<vmem>>
        %dma_start3A_20 = tpu.memref_squeeze %dma_start3A_19 : memref<1x80xi32, #tpu.memory_space<vmem>> -> memref<80xi32, #tpu.memory_space<vmem>>
        %dma_start3A_21 = arith.constant 0 : i32
        %dma_start3A_22 = arith.constant 0 : i32
        %dma_start3A_23 = tpu.memref_slice %arg8[%dma_start3A_21, %dma_start3A_22] : memref<50000x32xf32, #tpu.memory_space<vmem_shared>> -> memref<50000x32xf32, #tpu.memory_space<vmem_shared>>
        tpu.enqueue_indirect_dma source(%arg7 : memref<80x32xf32, #tpu.memory_space<vmem>>) target(%dma_start3A_23 : memref<50000x32xf32, #tpu.memory_space<vmem_shared>>) offsets(%dma_start3A_20 : memref<80xi32, #tpu.memory_space<vmem>>) semaphore(%run_scoped3A_18 : memref<!tpu.dma_semaphore, #tpu.memory_space<semaphore_mem>>) {add = true}
        %dma_wait3A = arith.constant 0 : i32
        %dma_wait3A_24 = tpu.memref_slice %arg6[%run_scoped3A, %dma_wait3A] : memref<1x80xi32, #tpu.memory_space<vmem>> -> memref<1x80xi32, #tpu.memory_space<vmem>>
        %dma_wait3A_25 = tpu.memref_squeeze %dma_wait3A_24 : memref<1x80xi32, #tpu.memory_space<vmem>> -> memref<80xi32, #tpu.memory_space<vmem>>
        %dma_wait3A_26 = arith.constant 0 : i32
        %dma_wait3A_27 = arith.constant 0 : i32
        %dma_wait3A_28 = tpu.memref_slice %arg8[%dma_wait3A_26, %dma_wait3A_27] : memref<50000x32xf32, #tpu.memory_space<vmem_shared>> -> memref<50000x32xf32, #tpu.memory_space<vmem_shared>>
        tpu.wait_indirect_dma semaphore(%run_scoped3A_18 : memref<!tpu.dma_semaphore, #tpu.memory_space<semaphore_mem>>) src(%arg7 : memref<80x32xf32, #tpu.memory_space<vmem>>) dst(%dma_wait3A_28 : memref<50000x32xf32, #tpu.memory_space<vmem_shared>>)
        tpu.yield
      }) : () -> ()
    }
    %scan3A_9 = arith.constant 625 : i32
    %barrier3A_10 = arith.constant 0 : index
    tpu.barrier barrier_id(%barrier3A_10)
    "tpu.region"() ({
      %run_scoped3A = tpu.sem_alloc : memref<!tpu.dma_semaphore, #tpu.memory_space<semaphore_mem>>
      %dma_start3A = arith.constant 0 : i32
      %dma_start3A_11 = tpu.memref_slice %arg5[%arg0, %mul3A_4, %dma_start3A] : memref<2x50000x32xf32, #tpu.memory_space<hbm>> -> memref<1x3125x32xf32, #tpu.memory_space<hbm>>
      %dma_start3A_12 = tpu.memref_squeeze %dma_start3A_11 : memref<1x3125x32xf32, #tpu.memory_space<hbm>> -> memref<3125x32xf32, #tpu.memory_space<hbm>>
      %dma_start3A_13 = arith.constant 0 : i32
      %dma_start3A_14 = tpu.memref_slice %arg8[%mul3A_4, %dma_start3A_13] : memref<50000x32xf32, #tpu.memory_space<vmem_shared>> -> memref<3125x32xf32, #tpu.memory_space<vmem_shared>>
      tpu.enqueue_dma source(%dma_start3A_14 : memref<3125x32xf32, #tpu.memory_space<vmem_shared>>) target(%dma_start3A_12 : memref<3125x32xf32, #tpu.memory_space<hbm>>) target_semaphore(%run_scoped3A : memref<!tpu.dma_semaphore, #tpu.memory_space<semaphore_mem>>)
      %dma_wait3A = arith.constant 0 : i32
      %dma_wait3A_15 = tpu.memref_slice %arg5[%arg0, %mul3A_4, %dma_wait3A] : memref<2x50000x32xf32, #tpu.memory_space<hbm>> -> memref<1x3125x32xf32, #tpu.memory_space<hbm>>
      %dma_wait3A_16 = tpu.memref_squeeze %dma_wait3A_15 : memref<1x3125x32xf32, #tpu.memory_space<hbm>> -> memref<3125x32xf32, #tpu.memory_space<hbm>>
      %dma_wait3A_17 = arith.constant 0 : i32
      %dma_wait3A_18 = tpu.memref_slice %arg8[%mul3A_4, %dma_wait3A_17] : memref<50000x32xf32, #tpu.memory_space<vmem_shared>> -> memref<3125x32xf32, #tpu.memory_space<vmem_shared>>
      tpu.wait_dma2 semaphore(%run_scoped3A : memref<!tpu.dma_semaphore, #tpu.memory_space<semaphore_mem>>) src(%dma_wait3A_18 : memref<3125x32xf32, #tpu.memory_space<vmem_shared>>) dst(%dma_wait3A_16 : memref<3125x32xf32, #tpu.memory_space<hbm>>)
      tpu.yield
    }) : () -> ()
    return
  }
}

#map = affine_map<(d0, d1) -> (0, 0)>
module attributes {stable_mosaic.version = 14 : i64} {
  func.func @k(%arg0: i32, %arg1: i32, %arg2: memref<50000x32xf32, #tpu.memory_space<hbm>>, %arg3: memref<20000x80xi32, #tpu.memory_space<hbm>>, %arg4: memref<1600000x32xf32, #tpu.memory_space<hbm>>, %arg5: memref<625x80xi32, #tpu.memory_space<vmem>>, %arg6: memref<80x32xf32, #tpu.memory_space<vmem>>, %arg7: memref<!tpu.dma_semaphore, #tpu.memory_space<semaphore_mem>>) attributes {dimension_semantics = [#tpu.dimension_semantics<core_parallel>, #tpu.dimension_semantics<subcore_parallel>], iteration_bounds = array<i64: 2, 16>, scalar_prefetch = 0 : i64, scratch_operands = 3 : i64, tpu.core_type = #tpu.core_type<sc_vector_subcore>, window_params = [{transform_indices = #map}, {transform_indices = #map}, {transform_indices = #map}]} {
    %mul3A = arith.constant 2 : i32
    %mul3A_0 = arith.muli %arg1, %mul3A : i32
    %add3A = arith.addi %mul3A_0, %arg0 : i32
    %mul3A_1 = arith.constant 50000 : i32
    %mul3A_2 = arith.muli %add3A, %mul3A_1 : i32
    %mul3A_3 = arith.constant 625 : i32
    %mul3A_4 = arith.muli %add3A, %mul3A_3 : i32
    "tpu.region"() ({
      %run_scoped3A = tpu.sem_alloc : memref<!tpu.dma_semaphore, #tpu.memory_space<semaphore_mem>>
      %dma_start3A = arith.constant 0 : i32
      %dma_start3A_10 = tpu.memref_slice %arg3[%mul3A_4, %dma_start3A] : memref<20000x80xi32, #tpu.memory_space<hbm>> -> memref<625x80xi32, #tpu.memory_space<hbm>>
      %dma_start3A_11 = arith.constant 0 : i32
      %dma_start3A_12 = tpu.memref_slice %arg3[%mul3A_4, %dma_start3A_11] : memref<20000x80xi32, #tpu.memory_space<hbm>> -> memref<625x80xi32, #tpu.memory_space<hbm>>
      tpu.enqueue_dma source(%dma_start3A_12 : memref<625x80xi32, #tpu.memory_space<hbm>>) target(%arg5 : memref<625x80xi32, #tpu.memory_space<vmem>>) target_semaphore(%run_scoped3A : memref<!tpu.dma_semaphore, #tpu.memory_space<semaphore_mem>>)
      %dma_wait3A = arith.constant 0 : i32
      %dma_wait3A_13 = tpu.memref_slice %arg3[%mul3A_4, %dma_wait3A] : memref<20000x80xi32, #tpu.memory_space<hbm>> -> memref<625x80xi32, #tpu.memory_space<hbm>>
      %dma_wait3A_14 = arith.constant 0 : i32
      %dma_wait3A_15 = tpu.memref_slice %arg3[%mul3A_4, %dma_wait3A_14] : memref<20000x80xi32, #tpu.memory_space<hbm>> -> memref<625x80xi32, #tpu.memory_space<hbm>>
      tpu.wait_dma2 semaphore(%run_scoped3A : memref<!tpu.dma_semaphore, #tpu.memory_space<semaphore_mem>>) src(%dma_wait3A_15 : memref<625x80xi32, #tpu.memory_space<hbm>>) dst(%arg5 : memref<625x80xi32, #tpu.memory_space<vmem>>)
      tpu.yield
    }) : () -> ()
    %scan3A = arith.constant 0 : i32
    %scan3A_5 = arith.constant 0 : i32
    %scan3A_6 = arith.constant 625 : i32
    %scan3A_7 = arith.addi %scan3A_5, %scan3A_6 : i32
    %scan3A_8 = arith.constant 1 : i32
    scf.for %scan3A_10 = %scan3A_5 to %scan3A_7 step %scan3A_8  : i32 {
      %mul3A_11 = arith.constant 80 : i32
      %mul3A_12 = arith.muli %scan3A_10, %mul3A_11 : i32
      %add3A_13 = arith.addi %mul3A_2, %mul3A_12 : i32
      %dma_start3A = arith.constant 0 : i32
      %dma_start3A_14 = tpu.memref_slice %arg5[%scan3A_10, %dma_start3A] : memref<625x80xi32, #tpu.memory_space<vmem>> -> memref<1x80xi32, #tpu.memory_space<vmem>>
      %dma_start3A_15 = tpu.memref_squeeze %dma_start3A_14 : memref<1x80xi32, #tpu.memory_space<vmem>> -> memref<80xi32, #tpu.memory_space<vmem>>
      %dma_start3A_16 = arith.constant 0 : i32
      %dma_start3A_17 = arith.constant 0 : i32
      %dma_start3A_18 = tpu.memref_slice %arg2[%dma_start3A_16, %dma_start3A_17] : memref<50000x32xf32, #tpu.memory_space<hbm>> -> memref<50000x32xf32, #tpu.memory_space<hbm>>
      tpu.enqueue_indirect_dma source(%dma_start3A_18 : memref<50000x32xf32, #tpu.memory_space<hbm>>) target(%arg6 : memref<80x32xf32, #tpu.memory_space<vmem>>) offsets(%dma_start3A_15 : memref<80xi32, #tpu.memory_space<vmem>>) semaphore(%arg7 : memref<!tpu.dma_semaphore, #tpu.memory_space<semaphore_mem>>)
      %dma_wait3A = arith.constant 0 : i32
      %dma_wait3A_19 = tpu.memref_slice %arg5[%scan3A_10, %dma_wait3A] : memref<625x80xi32, #tpu.memory_space<vmem>> -> memref<1x80xi32, #tpu.memory_space<vmem>>
      %dma_wait3A_20 = tpu.memref_squeeze %dma_wait3A_19 : memref<1x80xi32, #tpu.memory_space<vmem>> -> memref<80xi32, #tpu.memory_space<vmem>>
      %dma_wait3A_21 = arith.constant 0 : i32
      %dma_wait3A_22 = arith.constant 0 : i32
      %dma_wait3A_23 = tpu.memref_slice %arg2[%dma_wait3A_21, %dma_wait3A_22] : memref<50000x32xf32, #tpu.memory_space<hbm>> -> memref<50000x32xf32, #tpu.memory_space<hbm>>
      tpu.wait_indirect_dma semaphore(%arg7 : memref<!tpu.dma_semaphore, #tpu.memory_space<semaphore_mem>>) src(%dma_wait3A_23 : memref<50000x32xf32, #tpu.memory_space<hbm>>) dst(%arg6 : memref<80x32xf32, #tpu.memory_space<vmem>>)
      "tpu.region"() ({
        %run_scoped3A = tpu.sem_alloc : memref<!tpu.dma_semaphore, #tpu.memory_space<semaphore_mem>>
        %dma_start3A_24 = arith.constant 0 : i32
        %dma_start3A_25 = tpu.memref_slice %arg4[%add3A_13, %dma_start3A_24] : memref<1600000x32xf32, #tpu.memory_space<hbm>> -> memref<80x32xf32, #tpu.memory_space<hbm>>
        %dma_start3A_26 = arith.constant 0 : i32
        %dma_start3A_27 = tpu.memref_slice %arg4[%add3A_13, %dma_start3A_26] : memref<1600000x32xf32, #tpu.memory_space<hbm>> -> memref<80x32xf32, #tpu.memory_space<hbm>>
        tpu.enqueue_dma source(%arg6 : memref<80x32xf32, #tpu.memory_space<vmem>>) target(%dma_start3A_27 : memref<80x32xf32, #tpu.memory_space<hbm>>) target_semaphore(%run_scoped3A : memref<!tpu.dma_semaphore, #tpu.memory_space<semaphore_mem>>)
        %dma_wait3A_28 = arith.constant 0 : i32
        %dma_wait3A_29 = tpu.memref_slice %arg4[%add3A_13, %dma_wait3A_28] : memref<1600000x32xf32, #tpu.memory_space<hbm>> -> memref<80x32xf32, #tpu.memory_space<hbm>>
        %dma_wait3A_30 = arith.constant 0 : i32
        %dma_wait3A_31 = tpu.memref_slice %arg4[%add3A_13, %dma_wait3A_30] : memref<1600000x32xf32, #tpu.memory_space<hbm>> -> memref<80x32xf32, #tpu.memory_space<hbm>>
        tpu.wait_dma2 semaphore(%run_scoped3A : memref<!tpu.dma_semaphore, #tpu.memory_space<semaphore_mem>>) src(%arg6 : memref<80x32xf32, #tpu.memory_space<vmem>>) dst(%dma_wait3A_31 : memref<80x32xf32, #tpu.memory_space<hbm>>)
        tpu.yield
      }) : () -> ()
    }
    %scan3A_9 = arith.constant 625 : i32
    return
  }
}

#map = affine_map<(d0, d1) -> (0, 0)>
#map1 = affine_map<(d0, d1) -> (0, 0, 0)>
module attributes {stable_mosaic.version = 14 : i64} {
  func.func @k(%arg0: i32, %arg1: i32, %arg2: memref<1600000x8xf32, #tpu.memory_space<hbm>>, %arg3: memref<20000x80xi32, #tpu.memory_space<hbm>>, %arg4: memref<50000x8xf32, #tpu.memory_space<hbm>>, %arg5: memref<2x50000x8xf32, #tpu.memory_space<hbm>>, %arg6: memref<1x80xi32, #tpu.memory_space<vmem>>, %arg7: memref<80x8xf32, #tpu.memory_space<vmem>>, %arg8: memref<50000x8xf32, #tpu.memory_space<vmem_shared>>) attributes {dimension_semantics = [#tpu.dimension_semantics<core_parallel>, #tpu.dimension_semantics<subcore_parallel>], iteration_bounds = array<i64: 2, 16>, scalar_prefetch = 0 : i64, scratch_operands = 3 : i64, tpu.core_type = #tpu.core_type<sc_vector_subcore>, window_params = [{transform_indices = #map}, {transform_indices = #map}, {transform_indices = #map}, {transform_indices = #map1}]} {
    %mul3A = arith.constant 2 : i32
    %mul3A_0 = arith.muli %arg1, %mul3A : i32
    %add3A = arith.addi %mul3A_0, %arg0 : i32
    %mul3A_1 = arith.constant 50000 : i32
    %mul3A_2 = arith.muli %add3A, %mul3A_1 : i32
    %mul3A_3 = arith.constant 3125 : i32
    %mul3A_4 = arith.muli %arg1, %mul3A_3 : i32
    "tpu.region"() ({
      %run_scoped3A = tpu.sem_alloc : memref<!tpu.dma_semaphore, #tpu.memory_space<semaphore_mem>>
      %dma_start3A = arith.constant 0 : i32
      %dma_start3A_11 = tpu.memref_slice %arg8[%mul3A_4, %dma_start3A] : memref<50000x8xf32, #tpu.memory_space<vmem_shared>> -> memref<3125x8xf32, #tpu.memory_space<vmem_shared>>
      %dma_start3A_12 = arith.constant 0 : i32
      %dma_start3A_13 = tpu.memref_slice %arg4[%mul3A_4, %dma_start3A_12] : memref<50000x8xf32, #tpu.memory_space<hbm>> -> memref<3125x8xf32, #tpu.memory_space<hbm>>
      tpu.enqueue_dma source(%dma_start3A_13 : memref<3125x8xf32, #tpu.memory_space<hbm>>) target(%dma_start3A_11 : memref<3125x8xf32, #tpu.memory_space<vmem_shared>>) target_semaphore(%run_scoped3A : memref<!tpu.dma_semaphore, #tpu.memory_space<semaphore_mem>>)
      %dma_wait3A = arith.constant 0 : i32
      %dma_wait3A_14 = tpu.memref_slice %arg8[%mul3A_4, %dma_wait3A] : memref<50000x8xf32, #tpu.memory_space<vmem_shared>> -> memref<3125x8xf32, #tpu.memory_space<vmem_shared>>
      %dma_wait3A_15 = arith.constant 0 : i32
      %dma_wait3A_16 = tpu.memref_slice %arg4[%mul3A_4, %dma_wait3A_15] : memref<50000x8xf32, #tpu.memory_space<hbm>> -> memref<3125x8xf32, #tpu.memory_space<hbm>>
      tpu.wait_dma2 semaphore(%run_scoped3A : memref<!tpu.dma_semaphore, #tpu.memory_space<semaphore_mem>>) src(%dma_wait3A_16 : memref<3125x8xf32, #tpu.memory_space<hbm>>) dst(%dma_wait3A_14 : memref<3125x8xf32, #tpu.memory_space<vmem_shared>>)
      tpu.yield
    }) : () -> ()
    %barrier3A = arith.constant 0 : index
    tpu.barrier barrier_id(%barrier3A)
    %scan3A = arith.constant 0 : i32
    %scan3A_5 = arith.constant 0 : i32
    %scan3A_6 = arith.constant 625 : i32
    %scan3A_7 = arith.addi %scan3A_5, %scan3A_6 : i32
    %scan3A_8 = arith.constant 1 : i32
    scf.for %scan3A_11 = %scan3A_5 to %scan3A_7 step %scan3A_8  : i32 {
      %mul3A_12 = arith.constant 80 : i32
      %mul3A_13 = arith.muli %scan3A_11, %mul3A_12 : i32
      %add3A_14 = arith.addi %mul3A_2, %mul3A_13 : i32
      %mul3A_15 = arith.constant 625 : i32
      %mul3A_16 = arith.muli %add3A, %mul3A_15 : i32
      %add3A_17 = arith.addi %mul3A_16, %scan3A_11 : i32
      "tpu.region"() ({
        %run_scoped3A_18 = tpu.sem_alloc : memref<!tpu.dma_semaphore, #tpu.memory_space<semaphore_mem>>
        %dma_start3A = arith.constant 0 : i32
        %dma_start3A_19 = tpu.memref_slice %arg3[%add3A_17, %dma_start3A] : memref<20000x80xi32, #tpu.memory_space<hbm>> -> memref<1x80xi32, #tpu.memory_space<hbm>>
        %dma_start3A_20 = arith.constant 0 : i32
        %dma_start3A_21 = tpu.memref_slice %arg3[%add3A_17, %dma_start3A_20] : memref<20000x80xi32, #tpu.memory_space<hbm>> -> memref<1x80xi32, #tpu.memory_space<hbm>>
        tpu.enqueue_dma source(%dma_start3A_21 : memref<1x80xi32, #tpu.memory_space<hbm>>) target(%arg6 : memref<1x80xi32, #tpu.memory_space<vmem>>) target_semaphore(%run_scoped3A_18 : memref<!tpu.dma_semaphore, #tpu.memory_space<semaphore_mem>>)
        %dma_wait3A = arith.constant 0 : i32
        %dma_wait3A_22 = tpu.memref_slice %arg3[%add3A_17, %dma_wait3A] : memref<20000x80xi32, #tpu.memory_space<hbm>> -> memref<1x80xi32, #tpu.memory_space<hbm>>
        %dma_wait3A_23 = arith.constant 0 : i32
        %dma_wait3A_24 = tpu.memref_slice %arg3[%add3A_17, %dma_wait3A_23] : memref<20000x80xi32, #tpu.memory_space<hbm>> -> memref<1x80xi32, #tpu.memory_space<hbm>>
        tpu.wait_dma2 semaphore(%run_scoped3A_18 : memref<!tpu.dma_semaphore, #tpu.memory_space<semaphore_mem>>) src(%dma_wait3A_24 : memref<1x80xi32, #tpu.memory_space<hbm>>) dst(%arg6 : memref<1x80xi32, #tpu.memory_space<vmem>>)
        tpu.yield
      }) : () -> ()
      "tpu.region"() ({
        %run_scoped3A_18 = tpu.sem_alloc : memref<!tpu.dma_semaphore, #tpu.memory_space<semaphore_mem>>
        %dma_start3A = arith.constant 0 : i32
        %dma_start3A_19 = tpu.memref_slice %arg2[%add3A_14, %dma_start3A] : memref<1600000x8xf32, #tpu.memory_space<hbm>> -> memref<80x8xf32, #tpu.memory_space<hbm>>
        %dma_start3A_20 = arith.constant 0 : i32
        %dma_start3A_21 = tpu.memref_slice %arg2[%add3A_14, %dma_start3A_20] : memref<1600000x8xf32, #tpu.memory_space<hbm>> -> memref<80x8xf32, #tpu.memory_space<hbm>>
        tpu.enqueue_dma source(%dma_start3A_21 : memref<80x8xf32, #tpu.memory_space<hbm>>) target(%arg7 : memref<80x8xf32, #tpu.memory_space<vmem>>) target_semaphore(%run_scoped3A_18 : memref<!tpu.dma_semaphore, #tpu.memory_space<semaphore_mem>>)
        %dma_wait3A = arith.constant 0 : i32
        %dma_wait3A_22 = tpu.memref_slice %arg2[%add3A_14, %dma_wait3A] : memref<1600000x8xf32, #tpu.memory_space<hbm>> -> memref<80x8xf32, #tpu.memory_space<hbm>>
        %dma_wait3A_23 = arith.constant 0 : i32
        %dma_wait3A_24 = tpu.memref_slice %arg2[%add3A_14, %dma_wait3A_23] : memref<1600000x8xf32, #tpu.memory_space<hbm>> -> memref<80x8xf32, #tpu.memory_space<hbm>>
        tpu.wait_dma2 semaphore(%run_scoped3A_18 : memref<!tpu.dma_semaphore, #tpu.memory_space<semaphore_mem>>) src(%dma_wait3A_24 : memref<80x8xf32, #tpu.memory_space<hbm>>) dst(%arg7 : memref<80x8xf32, #tpu.memory_space<vmem>>)
        tpu.yield
      }) : () -> ()
      %run_scoped3A = arith.constant 0 : i32
      "tpu.region"() ({
        %run_scoped3A_18 = tpu.sem_alloc : memref<!tpu.dma_semaphore, #tpu.memory_space<semaphore_mem>>
        %dma_start3A = arith.constant 0 : i32
        %dma_start3A_19 = tpu.memref_slice %arg6[%run_scoped3A, %dma_start3A] : memref<1x80xi32, #tpu.memory_space<vmem>> -> memref<1x80xi32, #tpu.memory_space<vmem>>
        %dma_start3A_20 = tpu.memref_squeeze %dma_start3A_19 : memref<1x80xi32, #tpu.memory_space<vmem>> -> memref<80xi32, #tpu.memory_space<vmem>>
        %dma_start3A_21 = arith.constant 0 : i32
        %dma_start3A_22 = arith.constant 0 : i32
        %dma_start3A_23 = tpu.memref_slice %arg8[%dma_start3A_21, %dma_start3A_22] : memref<50000x8xf32, #tpu.memory_space<vmem_shared>> -> memref<50000x8xf32, #tpu.memory_space<vmem_shared>>
        tpu.enqueue_indirect_dma source(%arg7 : memref<80x8xf32, #tpu.memory_space<vmem>>) target(%dma_start3A_23 : memref<50000x8xf32, #tpu.memory_space<vmem_shared>>) offsets(%dma_start3A_20 : memref<80xi32, #tpu.memory_space<vmem>>) semaphore(%run_scoped3A_18 : memref<!tpu.dma_semaphore, #tpu.memory_space<semaphore_mem>>) {add = true}
        %dma_wait3A = arith.constant 0 : i32
        %dma_wait3A_24 = tpu.memref_slice %arg6[%run_scoped3A, %dma_wait3A] : memref<1x80xi32, #tpu.memory_space<vmem>> -> memref<1x80xi32, #tpu.memory_space<vmem>>
        %dma_wait3A_25 = tpu.memref_squeeze %dma_wait3A_24 : memref<1x80xi32, #tpu.memory_space<vmem>> -> memref<80xi32, #tpu.memory_space<vmem>>
        %dma_wait3A_26 = arith.constant 0 : i32
        %dma_wait3A_27 = arith.constant 0 : i32
        %dma_wait3A_28 = tpu.memref_slice %arg8[%dma_wait3A_26, %dma_wait3A_27] : memref<50000x8xf32, #tpu.memory_space<vmem_shared>> -> memref<50000x8xf32, #tpu.memory_space<vmem_shared>>
        tpu.wait_indirect_dma semaphore(%run_scoped3A_18 : memref<!tpu.dma_semaphore, #tpu.memory_space<semaphore_mem>>) src(%arg7 : memref<80x8xf32, #tpu.memory_space<vmem>>) dst(%dma_wait3A_28 : memref<50000x8xf32, #tpu.memory_space<vmem_shared>>)
        tpu.yield
      }) : () -> ()
    }
    %scan3A_9 = arith.constant 625 : i32
    %barrier3A_10 = arith.constant 0 : index
    tpu.barrier barrier_id(%barrier3A_10)
    "tpu.region"() ({
      %run_scoped3A = tpu.sem_alloc : memref<!tpu.dma_semaphore, #tpu.memory_space<semaphore_mem>>
      %dma_start3A = arith.constant 0 : i32
      %dma_start3A_11 = tpu.memref_slice %arg5[%arg0, %mul3A_4, %dma_start3A] : memref<2x50000x8xf32, #tpu.memory_space<hbm>> -> memref<1x3125x8xf32, #tpu.memory_space<hbm>>
      %dma_start3A_12 = tpu.memref_squeeze %dma_start3A_11 : memref<1x3125x8xf32, #tpu.memory_space<hbm>> -> memref<3125x8xf32, #tpu.memory_space<hbm>>
      %dma_start3A_13 = arith.constant 0 : i32
      %dma_start3A_14 = tpu.memref_slice %arg8[%mul3A_4, %dma_start3A_13] : memref<50000x8xf32, #tpu.memory_space<vmem_shared>> -> memref<3125x8xf32, #tpu.memory_space<vmem_shared>>
      tpu.enqueue_dma source(%dma_start3A_14 : memref<3125x8xf32, #tpu.memory_space<vmem_shared>>) target(%dma_start3A_12 : memref<3125x8xf32, #tpu.memory_space<hbm>>) target_semaphore(%run_scoped3A : memref<!tpu.dma_semaphore, #tpu.memory_space<semaphore_mem>>)
      %dma_wait3A = arith.constant 0 : i32
      %dma_wait3A_15 = tpu.memref_slice %arg5[%arg0, %mul3A_4, %dma_wait3A] : memref<2x50000x8xf32, #tpu.memory_space<hbm>> -> memref<1x3125x8xf32, #tpu.memory_space<hbm>>
      %dma_wait3A_16 = tpu.memref_squeeze %dma_wait3A_15 : memref<1x3125x8xf32, #tpu.memory_space<hbm>> -> memref<3125x8xf32, #tpu.memory_space<hbm>>
      %dma_wait3A_17 = arith.constant 0 : i32
      %dma_wait3A_18 = tpu.memref_slice %arg8[%mul3A_4, %dma_wait3A_17] : memref<50000x8xf32, #tpu.memory_space<vmem_shared>> -> memref<3125x8xf32, #tpu.memory_space<vmem_shared>>
      tpu.wait_dma2 semaphore(%run_scoped3A : memref<!tpu.dma_semaphore, #tpu.memory_space<semaphore_mem>>) src(%dma_wait3A_18 : memref<3125x8xf32, #tpu.memory_space<vmem_shared>>) dst(%dma_wait3A_16 : memref<3125x8xf32, #tpu.memory_space<hbm>>)
      tpu.yield
    }) : () -> ()
    return
  }
}

#map = affine_map<(d0, d1) -> (0, 0)>
#map1 = affine_map<(d0, d1) -> (0, 0, 0)>
module attributes {stable_mosaic.version = 14 : i64} {
  func.func @k(%arg0: i32, %arg1: i32, %arg2: memref<1600000x8xf32, #tpu.memory_space<hbm>>, %arg3: memref<20000x80xi32, #tpu.memory_space<hbm>>, %arg4: memref<50000x8xf32, #tpu.memory_space<hbm>>, %arg5: memref<2x50000x8xf32, #tpu.memory_space<hbm>>, %arg6: memref<1x80xi32, #tpu.memory_space<vmem>>, %arg7: memref<80x8xf32, #tpu.memory_space<vmem>>, %arg8: memref<50000x8xf32, #tpu.memory_space<vmem_shared>>) attributes {dimension_semantics = [#tpu.dimension_semantics<core_parallel>, #tpu.dimension_semantics<subcore_parallel>], iteration_bounds = array<i64: 2, 16>, scalar_prefetch = 0 : i64, scratch_operands = 3 : i64, tpu.core_type = #tpu.core_type<sc_vector_subcore>, window_params = [{transform_indices = #map}, {transform_indices = #map}, {transform_indices = #map}, {transform_indices = #map1}]} {
    %mul3A = arith.constant 2 : i32
    %mul3A_0 = arith.muli %arg1, %mul3A : i32
    %add3A = arith.addi %mul3A_0, %arg0 : i32
    %mul3A_1 = arith.constant 50000 : i32
    %mul3A_2 = arith.muli %add3A, %mul3A_1 : i32
    %mul3A_3 = arith.constant 3125 : i32
    %mul3A_4 = arith.muli %arg1, %mul3A_3 : i32
    "tpu.region"() ({
      %run_scoped3A = tpu.sem_alloc : memref<!tpu.dma_semaphore, #tpu.memory_space<semaphore_mem>>
      %dma_start3A = arith.constant 0 : i32
      %dma_start3A_11 = tpu.memref_slice %arg8[%mul3A_4, %dma_start3A] : memref<50000x8xf32, #tpu.memory_space<vmem_shared>> -> memref<3125x8xf32, #tpu.memory_space<vmem_shared>>
      %dma_start3A_12 = arith.constant 0 : i32
      %dma_start3A_13 = tpu.memref_slice %arg4[%mul3A_4, %dma_start3A_12] : memref<50000x8xf32, #tpu.memory_space<hbm>> -> memref<3125x8xf32, #tpu.memory_space<hbm>>
      tpu.enqueue_dma source(%dma_start3A_13 : memref<3125x8xf32, #tpu.memory_space<hbm>>) target(%dma_start3A_11 : memref<3125x8xf32, #tpu.memory_space<vmem_shared>>) target_semaphore(%run_scoped3A : memref<!tpu.dma_semaphore, #tpu.memory_space<semaphore_mem>>)
      %dma_wait3A = arith.constant 0 : i32
      %dma_wait3A_14 = tpu.memref_slice %arg8[%mul3A_4, %dma_wait3A] : memref<50000x8xf32, #tpu.memory_space<vmem_shared>> -> memref<3125x8xf32, #tpu.memory_space<vmem_shared>>
      %dma_wait3A_15 = arith.constant 0 : i32
      %dma_wait3A_16 = tpu.memref_slice %arg4[%mul3A_4, %dma_wait3A_15] : memref<50000x8xf32, #tpu.memory_space<hbm>> -> memref<3125x8xf32, #tpu.memory_space<hbm>>
      tpu.wait_dma2 semaphore(%run_scoped3A : memref<!tpu.dma_semaphore, #tpu.memory_space<semaphore_mem>>) src(%dma_wait3A_16 : memref<3125x8xf32, #tpu.memory_space<hbm>>) dst(%dma_wait3A_14 : memref<3125x8xf32, #tpu.memory_space<vmem_shared>>)
      tpu.yield
    }) : () -> ()
    %barrier3A = arith.constant 0 : index
    tpu.barrier barrier_id(%barrier3A)
    %scan3A = arith.constant 0 : i32
    %scan3A_5 = arith.constant 0 : i32
    %scan3A_6 = arith.constant 625 : i32
    %scan3A_7 = arith.addi %scan3A_5, %scan3A_6 : i32
    %scan3A_8 = arith.constant 1 : i32
    scf.for %scan3A_11 = %scan3A_5 to %scan3A_7 step %scan3A_8  : i32 {
      %mul3A_12 = arith.constant 80 : i32
      %mul3A_13 = arith.muli %scan3A_11, %mul3A_12 : i32
      %add3A_14 = arith.addi %mul3A_2, %mul3A_13 : i32
      %mul3A_15 = arith.constant 625 : i32
      %mul3A_16 = arith.muli %add3A, %mul3A_15 : i32
      %add3A_17 = arith.addi %mul3A_16, %scan3A_11 : i32
      "tpu.region"() ({
        %run_scoped3A_18 = tpu.sem_alloc : memref<!tpu.dma_semaphore, #tpu.memory_space<semaphore_mem>>
        %dma_start3A = arith.constant 0 : i32
        %dma_start3A_19 = tpu.memref_slice %arg3[%add3A_17, %dma_start3A] : memref<20000x80xi32, #tpu.memory_space<hbm>> -> memref<1x80xi32, #tpu.memory_space<hbm>>
        %dma_start3A_20 = arith.constant 0 : i32
        %dma_start3A_21 = tpu.memref_slice %arg3[%add3A_17, %dma_start3A_20] : memref<20000x80xi32, #tpu.memory_space<hbm>> -> memref<1x80xi32, #tpu.memory_space<hbm>>
        tpu.enqueue_dma source(%dma_start3A_21 : memref<1x80xi32, #tpu.memory_space<hbm>>) target(%arg6 : memref<1x80xi32, #tpu.memory_space<vmem>>) target_semaphore(%run_scoped3A_18 : memref<!tpu.dma_semaphore, #tpu.memory_space<semaphore_mem>>)
        %dma_wait3A = arith.constant 0 : i32
        %dma_wait3A_22 = tpu.memref_slice %arg3[%add3A_17, %dma_wait3A] : memref<20000x80xi32, #tpu.memory_space<hbm>> -> memref<1x80xi32, #tpu.memory_space<hbm>>
        %dma_wait3A_23 = arith.constant 0 : i32
        %dma_wait3A_24 = tpu.memref_slice %arg3[%add3A_17, %dma_wait3A_23] : memref<20000x80xi32, #tpu.memory_space<hbm>> -> memref<1x80xi32, #tpu.memory_space<hbm>>
        tpu.wait_dma2 semaphore(%run_scoped3A_18 : memref<!tpu.dma_semaphore, #tpu.memory_space<semaphore_mem>>) src(%dma_wait3A_24 : memref<1x80xi32, #tpu.memory_space<hbm>>) dst(%arg6 : memref<1x80xi32, #tpu.memory_space<vmem>>)
        tpu.yield
      }) : () -> ()
      "tpu.region"() ({
        %run_scoped3A_18 = tpu.sem_alloc : memref<!tpu.dma_semaphore, #tpu.memory_space<semaphore_mem>>
        %dma_start3A = arith.constant 0 : i32
        %dma_start3A_19 = tpu.memref_slice %arg2[%add3A_14, %dma_start3A] : memref<1600000x8xf32, #tpu.memory_space<hbm>> -> memref<80x8xf32, #tpu.memory_space<hbm>>
        %dma_start3A_20 = arith.constant 0 : i32
        %dma_start3A_21 = tpu.memref_slice %arg2[%add3A_14, %dma_start3A_20] : memref<1600000x8xf32, #tpu.memory_space<hbm>> -> memref<80x8xf32, #tpu.memory_space<hbm>>
        tpu.enqueue_dma source(%dma_start3A_21 : memref<80x8xf32, #tpu.memory_space<hbm>>) target(%arg7 : memref<80x8xf32, #tpu.memory_space<vmem>>) target_semaphore(%run_scoped3A_18 : memref<!tpu.dma_semaphore, #tpu.memory_space<semaphore_mem>>)
        %dma_wait3A = arith.constant 0 : i32
        %dma_wait3A_22 = tpu.memref_slice %arg2[%add3A_14, %dma_wait3A] : memref<1600000x8xf32, #tpu.memory_space<hbm>> -> memref<80x8xf32, #tpu.memory_space<hbm>>
        %dma_wait3A_23 = arith.constant 0 : i32
        %dma_wait3A_24 = tpu.memref_slice %arg2[%add3A_14, %dma_wait3A_23] : memref<1600000x8xf32, #tpu.memory_space<hbm>> -> memref<80x8xf32, #tpu.memory_space<hbm>>
        tpu.wait_dma2 semaphore(%run_scoped3A_18 : memref<!tpu.dma_semaphore, #tpu.memory_space<semaphore_mem>>) src(%dma_wait3A_24 : memref<80x8xf32, #tpu.memory_space<hbm>>) dst(%arg7 : memref<80x8xf32, #tpu.memory_space<vmem>>)
        tpu.yield
      }) : () -> ()
      %run_scoped3A = arith.constant 0 : i32
      "tpu.region"() ({
        %run_scoped3A_18 = tpu.sem_alloc : memref<!tpu.dma_semaphore, #tpu.memory_space<semaphore_mem>>
        %dma_start3A = arith.constant 0 : i32
        %dma_start3A_19 = tpu.memref_slice %arg6[%run_scoped3A, %dma_start3A] : memref<1x80xi32, #tpu.memory_space<vmem>> -> memref<1x80xi32, #tpu.memory_space<vmem>>
        %dma_start3A_20 = tpu.memref_squeeze %dma_start3A_19 : memref<1x80xi32, #tpu.memory_space<vmem>> -> memref<80xi32, #tpu.memory_space<vmem>>
        %dma_start3A_21 = arith.constant 0 : i32
        %dma_start3A_22 = arith.constant 0 : i32
        %dma_start3A_23 = tpu.memref_slice %arg8[%dma_start3A_21, %dma_start3A_22] : memref<50000x8xf32, #tpu.memory_space<vmem_shared>> -> memref<50000x8xf32, #tpu.memory_space<vmem_shared>>
        tpu.enqueue_indirect_dma source(%arg7 : memref<80x8xf32, #tpu.memory_space<vmem>>) target(%dma_start3A_23 : memref<50000x8xf32, #tpu.memory_space<vmem_shared>>) offsets(%dma_start3A_20 : memref<80xi32, #tpu.memory_space<vmem>>) semaphore(%run_scoped3A_18 : memref<!tpu.dma_semaphore, #tpu.memory_space<semaphore_mem>>) {add = true}
        %dma_wait3A = arith.constant 0 : i32
        %dma_wait3A_24 = tpu.memref_slice %arg6[%run_scoped3A, %dma_wait3A] : memref<1x80xi32, #tpu.memory_space<vmem>> -> memref<1x80xi32, #tpu.memory_space<vmem>>
        %dma_wait3A_25 = tpu.memref_squeeze %dma_wait3A_24 : memref<1x80xi32, #tpu.memory_space<vmem>> -> memref<80xi32, #tpu.memory_space<vmem>>
        %dma_wait3A_26 = arith.constant 0 : i32
        %dma_wait3A_27 = arith.constant 0 : i32
        %dma_wait3A_28 = tpu.memref_slice %arg8[%dma_wait3A_26, %dma_wait3A_27] : memref<50000x8xf32, #tpu.memory_space<vmem_shared>> -> memref<50000x8xf32, #tpu.memory_space<vmem_shared>>
        tpu.wait_indirect_dma semaphore(%run_scoped3A_18 : memref<!tpu.dma_semaphore, #tpu.memory_space<semaphore_mem>>) src(%arg7 : memref<80x8xf32, #tpu.memory_space<vmem>>) dst(%dma_wait3A_28 : memref<50000x8xf32, #tpu.memory_space<vmem_shared>>)
        tpu.yield
      }) : () -> ()
    }
    %scan3A_9 = arith.constant 625 : i32
    %barrier3A_10 = arith.constant 0 : index
    tpu.barrier barrier_id(%barrier3A_10)
    "tpu.region"() ({
      %run_scoped3A = tpu.sem_alloc : memref<!tpu.dma_semaphore, #tpu.memory_space<semaphore_mem>>
      %dma_start3A = arith.constant 0 : i32
      %dma_start3A_11 = tpu.memref_slice %arg5[%arg0, %mul3A_4, %dma_start3A] : memref<2x50000x8xf32, #tpu.memory_space<hbm>> -> memref<1x3125x8xf32, #tpu.memory_space<hbm>>
      %dma_start3A_12 = tpu.memref_squeeze %dma_start3A_11 : memref<1x3125x8xf32, #tpu.memory_space<hbm>> -> memref<3125x8xf32, #tpu.memory_space<hbm>>
      %dma_start3A_13 = arith.constant 0 : i32
      %dma_start3A_14 = tpu.memref_slice %arg8[%mul3A_4, %dma_start3A_13] : memref<50000x8xf32, #tpu.memory_space<vmem_shared>> -> memref<3125x8xf32, #tpu.memory_space<vmem_shared>>
      tpu.enqueue_dma source(%dma_start3A_14 : memref<3125x8xf32, #tpu.memory_space<vmem_shared>>) target(%dma_start3A_12 : memref<3125x8xf32, #tpu.memory_space<hbm>>) target_semaphore(%run_scoped3A : memref<!tpu.dma_semaphore, #tpu.memory_space<semaphore_mem>>)
      %dma_wait3A = arith.constant 0 : i32
      %dma_wait3A_15 = tpu.memref_slice %arg5[%arg0, %mul3A_4, %dma_wait3A] : memref<2x50000x8xf32, #tpu.memory_space<hbm>> -> memref<1x3125x8xf32, #tpu.memory_space<hbm>>
      %dma_wait3A_16 = tpu.memref_squeeze %dma_wait3A_15 : memref<1x3125x8xf32, #tpu.memory_space<hbm>> -> memref<3125x8xf32, #tpu.memory_space<hbm>>
      %dma_wait3A_17 = arith.constant 0 : i32
      %dma_wait3A_18 = tpu.memref_slice %arg8[%mul3A_4, %dma_wait3A_17] : memref<50000x8xf32, #tpu.memory_space<vmem_shared>> -> memref<3125x8xf32, #tpu.memory_space<vmem_shared>>
      tpu.wait_dma2 semaphore(%run_scoped3A : memref<!tpu.dma_semaphore, #tpu.memory_space<semaphore_mem>>) src(%dma_wait3A_18 : memref<3125x8xf32, #tpu.memory_space<vmem_shared>>) dst(%dma_wait3A_16 : memref<3125x8xf32, #tpu.memory_space<hbm>>)
      tpu.yield
    }) : () -> ()
    return
  }
}

module attributes {stable_mosaic.version = 14 : i64} {
  func.func @_geom_edge0_body(%arg0: i32, %arg1: memref<1280x8xf32, #tpu.memory_space<vmem>>, %arg2: memref<1280x8xf32, #tpu.memory_space<vmem>>, %arg3: memref<8x64xf32, #tpu.memory_space<vmem>>, %arg4: memref<64x64xf32, #tpu.memory_space<vmem>>, %arg5: memref<64x32xf32, #tpu.memory_space<vmem>>, %arg6: memref<9x32x32xf32, #tpu.memory_space<vmem>>, %arg7: memref<1x32xf32, #tpu.memory_space<vmem>>, %arg8: memref<32x1xf32, #tpu.memory_space<vmem>>, %arg9: memref<1280x32xf32, #tpu.memory_space<vmem>>, %arg10: memref<1280x40xf32, #tpu.memory_space<vmem>>) attributes {dimension_semantics = [#tpu.dimension_semantics<arbitrary>], iteration_bounds = array<i64: 1250>, scalar_prefetch = 0 : i64, scratch_operands = 0 : i64, tpu.core_type = #tpu.core_type<tc>, window_params = [{transform_indices = @transform_0, window_bounds = array<i64: 1280, 8>}, {transform_indices = @transform_1, window_bounds = array<i64: 1280, 8>}, {pipeline_mode = #tpu.pipeline_mode<synchronous>, transform_indices = @transform_2, window_bounds = array<i64: 8, 64>}, {pipeline_mode = #tpu.pipeline_mode<synchronous>, transform_indices = @transform_3, window_bounds = array<i64: 64, 64>}, {pipeline_mode = #tpu.pipeline_mode<synchronous>, transform_indices = @transform_4, window_bounds = array<i64: 64, 32>}, {pipeline_mode = #tpu.pipeline_mode<synchronous>, transform_indices = @transform_5, window_bounds = array<i64: 9, 32, 32>}, {pipeline_mode = #tpu.pipeline_mode<synchronous>, transform_indices = @transform_6, window_bounds = array<i64: 1, 32>}, {pipeline_mode = #tpu.pipeline_mode<synchronous>, transform_indices = @transform_7, window_bounds = array<i64: 32, 1>}, {transform_indices = @transform_8, window_bounds = array<i64: 1280, 32>}, {transform_indices = @transform_9, window_bounds = array<i64: 1280, 40>}]} {
    %get3A = arith.constant 0 : index
    %get3A_0 = arith.constant 0 : index
    %get3A_1 = vector.load %arg1[%get3A, %get3A_0] : memref<1280x8xf32, #tpu.memory_space<vmem>>, vector<1280x8xf32>
    %get3A_2 = arith.constant 0 : index
    %get3A_3 = arith.constant 0 : index
    %get3A_4 = vector.load %arg2[%get3A_2, %get3A_3] : memref<1280x8xf32, #tpu.memory_space<vmem>>, vector<1280x8xf32>
    %slice3A = vector.extract_strided_slice %get3A_4 {offsets = [0, 0], sizes = [1280, 3], strides = [1, 1]} : vector<1280x8xf32> to vector<1280x3xf32>
    %slice3A_5 = vector.extract_strided_slice %get3A_1 {offsets = [0, 0], sizes = [1280, 3], strides = [1, 1]} : vector<1280x8xf32> to vector<1280x3xf32>
    %sub3A = arith.subf %slice3A, %slice3A_5 : vector<1280x3xf32>
    %mul3A = arith.mulf %sub3A, %sub3A : vector<1280x3xf32>
    %reduce_sum3A = arith.constant dense<0.000000e+00> : vector<1280xf32>
    %reduce_sum3A_6 = vector.multi_reduction <add>, %mul3A, %reduce_sum3A [1] : vector<1280x3xf32> to vector<1280xf32>
    %broadcast_in_dim3A = vector.shape_cast %reduce_sum3A_6 : vector<1280xf32> to vector<1280x1xf32>
    %add3A = arith.constant 9.99999996E-13 : f32
    %add3A_7 = vector.broadcast %add3A : f32 to vector<1280x1xf32>
    %add3A_8 = arith.addf %broadcast_in_dim3A, %add3A_7 : vector<1280x1xf32>
    %sqrt3A = math.sqrt %add3A_8 : vector<1280x1xf32>
    %div3A = vector.broadcast %sqrt3A : vector<1280x1xf32> to vector<1280x3xf32>
    %div3A_9 = arith.divf %sub3A, %div3A : vector<1280x3xf32>
    %slice3A_10 = vector.extract_strided_slice %div3A_9 {offsets = [0, 0], sizes = [1280, 1], strides = [1, 1]} : vector<1280x3xf32> to vector<1280x1xf32>
    %slice3A_11 = vector.extract_strided_slice %div3A_9 {offsets = [0, 1], sizes = [1280, 1], strides = [1, 1]} : vector<1280x3xf32> to vector<1280x1xf32>
    %slice3A_12 = vector.extract_strided_slice %div3A_9 {offsets = [0, 2], sizes = [1280, 1], strides = [1, 1]} : vector<1280x3xf32> to vector<1280x1xf32>
    %broadcast_in_dim3A_13 = arith.constant 1.000000e+00 : f32
    %broadcast_in_dim3A_14 = vector.broadcast %broadcast_in_dim3A_13 : f32 to vector<1280x1xf32>
    %mul3A_15 = arith.constant 1.73205078 : f32
    %mul3A_16 = vector.broadcast %mul3A_15 : f32 to vector<1280x1xf32>
    %mul3A_17 = arith.mulf %mul3A_16, %slice3A_10 : vector<1280x1xf32>
    %mul3A_18 = arith.constant 1.73205078 : f32
    %mul3A_19 = vector.broadcast %mul3A_18 : f32 to vector<1280x1xf32>
    %mul3A_20 = arith.mulf %mul3A_19, %slice3A_11 : vector<1280x1xf32>
    %mul3A_21 = arith.constant 1.73205078 : f32
    %mul3A_22 = vector.broadcast %mul3A_21 : f32 to vector<1280x1xf32>
    %mul3A_23 = arith.mulf %mul3A_22, %slice3A_12 : vector<1280x1xf32>
    %mul3A_24 = arith.constant 3.87298346 : f32
    %mul3A_25 = vector.broadcast %mul3A_24 : f32 to vector<1280x1xf32>
    %mul3A_26 = arith.mulf %mul3A_25, %slice3A_10 : vector<1280x1xf32>
    %mul3A_27 = arith.mulf %mul3A_26, %slice3A_11 : vector<1280x1xf32>
    %mul3A_28 = arith.constant 3.87298346 : f32
    %mul3A_29 = vector.broadcast %mul3A_28 : f32 to vector<1280x1xf32>
    %mul3A_30 = arith.mulf %mul3A_29, %slice3A_11 : vector<1280x1xf32>
    %mul3A_31 = arith.mulf %mul3A_30, %slice3A_12 : vector<1280x1xf32>
    %mul3A_32 = arith.constant 2.000000e+00 : f32
    %mul3A_33 = vector.broadcast %mul3A_32 : f32 to vector<1280x1xf32>
    %mul3A_34 = arith.mulf %mul3A_33, %slice3A_12 : vector<1280x1xf32>
    %mul3A_35 = arith.mulf %mul3A_34, %slice3A_12 : vector<1280x1xf32>
    %mul3A_36 = arith.mulf %slice3A_10, %slice3A_10 : vector<1280x1xf32>
    %sub3A_37 = arith.subf %mul3A_35, %mul3A_36 : vector<1280x1xf32>
    %mul3A_38 = arith.mulf %slice3A_11, %slice3A_11 : vector<1280x1xf32>
    %sub3A_39 = arith.subf %sub3A_37, %mul3A_38 : vector<1280x1xf32>
    %mul3A_40 = arith.constant 1.11803401 : f32
    %mul3A_41 = vector.broadcast %mul3A_40 : f32 to vector<1280x1xf32>
    %mul3A_42 = arith.mulf %mul3A_41, %sub3A_39 : vector<1280x1xf32>
    %mul3A_43 = arith.constant 3.87298346 : f32
    %mul3A_44 = vector.broadcast %mul3A_43 : f32 to vector<1280x1xf32>
    %mul3A_45 = arith.mulf %mul3A_44, %slice3A_10 : vector<1280x1xf32>
    %mul3A_46 = arith.mulf %mul3A_45, %slice3A_12 : vector<1280x1xf32>
    %mul3A_47 = arith.mulf %slice3A_10, %slice3A_10 : vector<1280x1xf32>
    %mul3A_48 = arith.mulf %slice3A_11, %slice3A_11 : vector<1280x1xf32>
    %sub3A_49 = arith.subf %mul3A_47, %mul3A_48 : vector<1280x1xf32>
    %mul3A_50 = arith.constant 1.93649173 : f32
    %mul3A_51 = vector.broadcast %mul3A_50 : f32 to vector<1280x1xf32>
    %mul3A_52 = arith.mulf %mul3A_51, %sub3A_49 : vector<1280x1xf32>
    %concatenate3A = tpu.concatenate %broadcast_in_dim3A_14, %mul3A_17, %mul3A_20, %mul3A_23, %mul3A_27, %mul3A_31, %mul3A_42, %mul3A_46, %mul3A_52 in 1 : vector<1280x1xf32>, vector<1280x1xf32>, vector<1280x1xf32>, vector<1280x1xf32>, vector<1280x1xf32>, vector<1280x1xf32>, vector<1280x1xf32>, vector<1280x1xf32>, vector<1280x1xf32> -> vector<1280x9xf32>
    %iota3A = tpu.iota {dimensions = array<i32: 1>} : vector<1x8xi32>
    %convert_element_type3A = arith.sitofp %iota3A : vector<1x8xi32> to vector<1x8xf32>
    %add3A_53 = arith.constant 1.000000e+00 : f32
    %add3A_54 = vector.broadcast %add3A_53 : f32 to vector<1x8xf32>
    %add3A_55 = arith.addf %convert_element_type3A, %add3A_54 : vector<1x8xf32>
    %mul3A_56 = arith.constant 0.628318548 : f32
    %mul3A_57 = vector.broadcast %mul3A_56 : f32 to vector<1x8xf32>
    %mul3A_58 = arith.mulf %add3A_55, %mul3A_57 : vector<1x8xf32>
    %mul3A_59 = vector.broadcast %sqrt3A : vector<1280x1xf32> to vector<1280x8xf32>
    %mul3A_60 = vector.broadcast %mul3A_58 : vector<1x8xf32> to vector<1280x8xf32>
    %mul3A_61 = arith.mulf %mul3A_59, %mul3A_60 : vector<1280x8xf32>
    %sin3A = math.sin %mul3A_61 : vector<1280x8xf32>
    %mul3A_62 = arith.constant 0.632455527 : f32
    %mul3A_63 = vector.broadcast %mul3A_62 : f32 to vector<1280x8xf32>
    %mul3A_64 = arith.mulf %mul3A_63, %sin3A : vector<1280x8xf32>
    %div3A_65 = vector.broadcast %sqrt3A : vector<1280x1xf32> to vector<1280x8xf32>
    %div3A_66 = arith.divf %mul3A_64, %div3A_65 : vector<1280x8xf32>
    %div3A_67 = arith.constant 5.000000e+00 : f32
    %div3A_68 = vector.broadcast %div3A_67 : f32 to vector<1280x1xf32>
    %div3A_69 = arith.divf %sqrt3A, %div3A_68 : vector<1280x1xf32>
    %lt3A = arith.constant 1.000000e+00 : f32
    %lt3A_70 = vector.broadcast %lt3A : f32 to vector<1280x1xf32>
    %lt3A_71 = arith.cmpf olt, %div3A_69, %lt3A_70 : vector<1280x1xf32>
    %convert_element_type3A_72 = arith.extui %lt3A_71 : vector<1280x1xi1> to vector<1280x1xi32>
    %convert_element_type3A_73 = arith.sitofp %convert_element_type3A_72 : vector<1280x1xi32> to vector<1280x1xf32>
    %mul3A_74 = arith.mulf %div3A_69, %div3A_69 : vector<1280x1xf32>
    %mul3A_75 = arith.mulf %mul3A_74, %div3A_69 : vector<1280x1xf32>
    %mul3A_76 = arith.mulf %mul3A_75, %div3A_69 : vector<1280x1xf32>
    %mul3A_77 = arith.mulf %mul3A_76, %div3A_69 : vector<1280x1xf32>
    %mul3A_78 = arith.constant 2.100000e+01 : f32
    %mul3A_79 = vector.broadcast %mul3A_78 : f32 to vector<1280x1xf32>
    %mul3A_80 = arith.mulf %mul3A_79, %mul3A_77 : vector<1280x1xf32>
    %sub3A_81 = arith.constant 1.000000e+00 : f32
    %sub3A_82 = vector.broadcast %sub3A_81 : f32 to vector<1280x1xf32>
    %sub3A_83 = arith.subf %sub3A_82, %mul3A_80 : vector<1280x1xf32>
    %mul3A_84 = arith.constant 3.500000e+01 : f32
    %mul3A_85 = vector.broadcast %mul3A_84 : f32 to vector<1280x1xf32>
    %mul3A_86 = arith.mulf %mul3A_85, %mul3A_77 : vector<1280x1xf32>
    %mul3A_87 = arith.mulf %mul3A_86, %div3A_69 : vector<1280x1xf32>
    %add3A_88 = arith.addf %sub3A_83, %mul3A_87 : vector<1280x1xf32>
    %mul3A_89 = arith.constant 1.500000e+01 : f32
    %mul3A_90 = vector.broadcast %mul3A_89 : f32 to vector<1280x1xf32>
    %mul3A_91 = arith.mulf %mul3A_90, %mul3A_77 : vector<1280x1xf32>
    %mul3A_92 = arith.mulf %mul3A_91, %div3A_69 : vector<1280x1xf32>
    %mul3A_93 = arith.mulf %mul3A_92, %div3A_69 : vector<1280x1xf32>
    %sub3A_94 = arith.subf %add3A_88, %mul3A_93 : vector<1280x1xf32>
    %mul3A_95 = arith.mulf %sub3A_94, %convert_element_type3A_73 : vector<1280x1xf32>
    %mul3A_96 = vector.broadcast %mul3A_95 : vector<1280x1xf32> to vector<1280x8xf32>
    %mul3A_97 = arith.mulf %div3A_66, %mul3A_96 : vector<1280x8xf32>
    %broadcast_in_dim3A_98 = arith.constant 0.000000e+00 : f32
    %broadcast_in_dim3A_99 = vector.broadcast %broadcast_in_dim3A_98 : f32 to vector<1280x11xf32>
    %concatenate3A_100 = tpu.concatenate %div3A_9, %sqrt3A, %concatenate3A, %mul3A_97, %broadcast_in_dim3A_99 in 1 : vector<1280x3xf32>, vector<1280x1xf32>, vector<1280x9xf32>, vector<1280x8xf32>, vector<1280x11xf32> -> vector<1280x32xf32>
    %swap3A = arith.constant 0 : index
    %swap3A_101 = arith.constant 0 : index
    %swap3A_102 = vector.load %arg9[%swap3A, %swap3A_101] : memref<1280x32xf32, #tpu.memory_space<vmem>>, vector<1280x32xf32>
    tpu.vector_store %arg9[%swap3A, %swap3A_101], %concatenate3A_100 {strides = array<i32>} : memref<1280x32xf32, #tpu.memory_space<vmem>>, vector<1280x32xf32>,
    %get3A_103 = arith.constant 0 : index
    %get3A_104 = arith.constant 0 : index
    %get3A_105 = vector.load %arg3[%get3A_103, %get3A_104] : memref<8x64xf32, #tpu.memory_space<vmem>>, vector<8x64xf32>
    %get3A_106 = arith.constant 0 : index
    %get3A_107 = arith.constant 0 : index
    %get3A_108 = vector.load %arg4[%get3A_106, %get3A_107] : memref<64x64xf32, #tpu.memory_space<vmem>>, vector<64x64xf32>
    %get3A_109 = arith.constant 0 : index
    %get3A_110 = arith.constant 0 : index
    %get3A_111 = vector.load %arg5[%get3A_109, %get3A_110] : memref<64x32xf32, #tpu.memory_space<vmem>>, vector<64x32xf32>
    %dot_general3A = arith.constant dense<0.000000e+00> : vector<1280x64xf32>
    %dot_general3A_112 = tpu.matmul %mul3A_97, %get3A_105, %dot_general3A {dimension_numbers = #tpu.dot_dimension_numbers<[1], [0], [0], [1], [0, 0, 1, 1], [], []>, transpose_lhs_hint = false} : vector<1280x8xf32>, vector<8x64xf32>, vector<1280x64xf32> -> vector<1280x64xf32>
    %logistic3A = arith.negf %dot_general3A_112 : vector<1280x64xf32>
    %logistic3A_113 = math.exp %logistic3A : vector<1280x64xf32>
    %logistic3A_114 = arith.constant 1.000000e+00 : f32
    %logistic3A_115 = vector.broadcast %logistic3A_114 : f32 to vector<1280x64xf32>
    %logistic3A_116 = arith.addf %logistic3A_115, %logistic3A_113 : vector<1280x64xf32>
    %logistic3A_117 = arith.divf %logistic3A_115, %logistic3A_116 : vector<1280x64xf32>
    %mul3A_118 = arith.mulf %dot_general3A_112, %logistic3A_117 : vector<1280x64xf32>
    %dot_general3A_119 = arith.constant dense<0.000000e+00> : vector<1280x64xf32>
    %dot_general3A_120 = tpu.matmul %mul3A_118, %get3A_108, %dot_general3A_119 {dimension_numbers = #tpu.dot_dimension_numbers<[1], [0], [0], [1], [0, 0, 1, 1], [], []>, transpose_lhs_hint = false} : vector<1280x64xf32>, vector<64x64xf32>, vector<1280x64xf32> -> vector<1280x64xf32>
    %logistic3A_121 = arith.negf %dot_general3A_120 : vector<1280x64xf32>
    %logistic3A_122 = math.exp %logistic3A_121 : vector<1280x64xf32>
    %logistic3A_123 = arith.constant 1.000000e+00 : f32
    %logistic3A_124 = vector.broadcast %logistic3A_123 : f32 to vector<1280x64xf32>
    %logistic3A_125 = arith.addf %logistic3A_124, %logistic3A_122 : vector<1280x64xf32>
    %logistic3A_126 = arith.divf %logistic3A_124, %logistic3A_125 : vector<1280x64xf32>
    %mul3A_127 = arith.mulf %dot_general3A_120, %logistic3A_126 : vector<1280x64xf32>
    %dot_general3A_128 = arith.constant dense<0.000000e+00> : vector<1280x32xf32>
    %dot_general3A_129 = tpu.matmul %mul3A_127, %get3A_111, %dot_general3A_128 {dimension_numbers = #tpu.dot_dimension_numbers<[1], [0], [0], [1], [0, 0, 1, 1], [], []>, transpose_lhs_hint = false} : vector<1280x64xf32>, vector<64x32xf32>, vector<1280x32xf32> -> vector<1280x32xf32>
    %get3A_130 = arith.constant 0 : index
    %get3A_131 = arith.constant 0 : index
    %get3A_132 = vector.load %arg7[%get3A_130, %get3A_131] : memref<1x32xf32, #tpu.memory_space<vmem>>, vector<1x32xf32>
    %mul3A_133 = vector.broadcast %get3A_132 : vector<1x32xf32> to vector<1280x32xf32>
    %mul3A_134 = arith.mulf %dot_general3A_129, %mul3A_133 : vector<1280x32xf32>
    %broadcast_in_dim3A_135 = arith.constant 0.000000e+00 : f32
    %broadcast_in_dim3A_136 = vector.broadcast %broadcast_in_dim3A_135 : f32 to vector<1280x32xf32>
    %get3A_137 = arith.constant 0 : index
    %get3A_138 = arith.constant 0 : index
    %get3A_139 = arith.constant 0 : index
    %get3A_140 = vector.load %arg6[%get3A_137, %get3A_138, %get3A_139] : memref<9x32x32xf32, #tpu.memory_space<vmem>>, vector<9x32x32xf32>
    %slice3A_141 = vector.extract_strided_slice %concatenate3A {offsets = [0, 0], sizes = [1280, 1], strides = [1, 1]} : vector<1280x9xf32> to vector<1280x1xf32>
    %mul3A_142 = vector.broadcast %slice3A_141 : vector<1280x1xf32> to vector<1280x32xf32>
    %mul3A_143 = arith.mulf %mul3A_134, %mul3A_142 : vector<1280x32xf32>
    %slice3A_144 = vector.extract_strided_slice %get3A_140 {offsets = [0, 0, 0], sizes = [1, 32, 32], strides = [1, 1, 1]} : vector<9x32x32xf32> to vector<1x32x32xf32>
    %squeeze3A = vector.shape_cast %slice3A_144 : vector<1x32x32xf32> to vector<32x32xf32>
    %dot_general3A_145 = arith.constant dense<0.000000e+00> : vector<1280x32xf32>
    %dot_general3A_146 = tpu.matmul %mul3A_143, %squeeze3A, %dot_general3A_145 {dimension_numbers = #tpu.dot_dimension_numbers<[1], [0], [0], [1], [0, 0, 1, 1], [], []>, precision = #tpu.contract_precision<fp32>, transpose_lhs_hint = false} : vector<1280x32xf32>, vector<32x32xf32>, vector<1280x32xf32> -> vector<1280x32xf32>
    %add3A_147 = arith.addf %broadcast_in_dim3A_136, %dot_general3A_146 : vector<1280x32xf32>
    %slice3A_148 = vector.extract_strided_slice %concatenate3A {offsets = [0, 1], sizes = [1280, 1], strides = [1, 1]} : vector<1280x9xf32> to vector<1280x1xf32>
    %mul3A_149 = vector.broadcast %slice3A_148 : vector<1280x1xf32> to vector<1280x32xf32>
    %mul3A_150 = arith.mulf %mul3A_134, %mul3A_149 : vector<1280x32xf32>
    %slice3A_151 = vector.extract_strided_slice %get3A_140 {offsets = [1, 0, 0], sizes = [1, 32, 32], strides = [1, 1, 1]} : vector<9x32x32xf32> to vector<1x32x32xf32>
    %squeeze3A_152 = vector.shape_cast %slice3A_151 : vector<1x32x32xf32> to vector<32x32xf32>
    %dot_general3A_153 = arith.constant dense<0.000000e+00> : vector<1280x32xf32>
    %dot_general3A_154 = tpu.matmul %mul3A_150, %squeeze3A_152, %dot_general3A_153 {dimension_numbers = #tpu.dot_dimension_numbers<[1], [0], [0], [1], [0, 0, 1, 1], [], []>, precision = #tpu.contract_precision<fp32>, transpose_lhs_hint = false} : vector<1280x32xf32>, vector<32x32xf32>, vector<1280x32xf32> -> vector<1280x32xf32>
    %add3A_155 = arith.addf %add3A_147, %dot_general3A_154 : vector<1280x32xf32>
    %slice3A_156 = vector.extract_strided_slice %concatenate3A {offsets = [0, 2], sizes = [1280, 1], strides = [1, 1]} : vector<1280x9xf32> to vector<1280x1xf32>
    %mul3A_157 = vector.broadcast %slice3A_156 : vector<1280x1xf32> to vector<1280x32xf32>
    %mul3A_158 = arith.mulf %mul3A_134, %mul3A_157 : vector<1280x32xf32>
    %slice3A_159 = vector.extract_strided_slice %get3A_140 {offsets = [2, 0, 0], sizes = [1, 32, 32], strides = [1, 1, 1]} : vector<9x32x32xf32> to vector<1x32x32xf32>
    %squeeze3A_160 = vector.shape_cast %slice3A_159 : vector<1x32x32xf32> to vector<32x32xf32>
    %dot_general3A_161 = arith.constant dense<0.000000e+00> : vector<1280x32xf32>
    %dot_general3A_162 = tpu.matmul %mul3A_158, %squeeze3A_160, %dot_general3A_161 {dimension_numbers = #tpu.dot_dimension_numbers<[1], [0], [0], [1], [0, 0, 1, 1], [], []>, precision = #tpu.contract_precision<fp32>, transpose_lhs_hint = false} : vector<1280x32xf32>, vector<32x32xf32>, vector<1280x32xf32> -> vector<1280x32xf32>
    %add3A_163 = arith.addf %add3A_155, %dot_general3A_162 : vector<1280x32xf32>
    %slice3A_164 = vector.extract_strided_slice %concatenate3A {offsets = [0, 3], sizes = [1280, 1], strides = [1, 1]} : vector<1280x9xf32> to vector<1280x1xf32>
    %mul3A_165 = vector.broadcast %slice3A_164 : vector<1280x1xf32> to vector<1280x32xf32>
    %mul3A_166 = arith.mulf %mul3A_134, %mul3A_165 : vector<1280x32xf32>
    %slice3A_167 = vector.extract_strided_slice %get3A_140 {offsets = [3, 0, 0], sizes = [1, 32, 32], strides = [1, 1, 1]} : vector<9x32x32xf32> to vector<1x32x32xf32>
    %squeeze3A_168 = vector.shape_cast %slice3A_167 : vector<1x32x32xf32> to vector<32x32xf32>
    %dot_general3A_169 = arith.constant dense<0.000000e+00> : vector<1280x32xf32>
    %dot_general3A_170 = tpu.matmul %mul3A_166, %squeeze3A_168, %dot_general3A_169 {dimension_numbers = #tpu.dot_dimension_numbers<[1], [0], [0], [1], [0, 0, 1, 1], [], []>, precision = #tpu.contract_precision<fp32>, transpose_lhs_hint = false} : vector<1280x32xf32>, vector<32x32xf32>, vector<1280x32xf32> -> vector<1280x32xf32>
    %add3A_171 = arith.addf %add3A_163, %dot_general3A_170 : vector<1280x32xf32>
    %slice3A_172 = vector.extract_strided_slice %concatenate3A {offsets = [0, 4], sizes = [1280, 1], strides = [1, 1]} : vector<1280x9xf32> to vector<1280x1xf32>
    %mul3A_173 = vector.broadcast %slice3A_172 : vector<1280x1xf32> to vector<1280x32xf32>
    %mul3A_174 = arith.mulf %mul3A_134, %mul3A_173 : vector<1280x32xf32>
    %slice3A_175 = vector.extract_strided_slice %get3A_140 {offsets = [4, 0, 0], sizes = [1, 32, 32], strides = [1, 1, 1]} : vector<9x32x32xf32> to vector<1x32x32xf32>
    %squeeze3A_176 = vector.shape_cast %slice3A_175 : vector<1x32x32xf32> to vector<32x32xf32>
    %dot_general3A_177 = arith.constant dense<0.000000e+00> : vector<1280x32xf32>
    %dot_general3A_178 = tpu.matmul %mul3A_174, %squeeze3A_176, %dot_general3A_177 {dimension_numbers = #tpu.dot_dimension_numbers<[1], [0], [0], [1], [0, 0, 1, 1], [], []>, precision = #tpu.contract_precision<fp32>, transpose_lhs_hint = false} : vector<1280x32xf32>, vector<32x32xf32>, vector<1280x32xf32> -> vector<1280x32xf32>
    %add3A_179 = arith.addf %add3A_171, %dot_general3A_178 : vector<1280x32xf32>
    %slice3A_180 = vector.extract_strided_slice %concatenate3A {offsets = [0, 5], sizes = [1280, 1], strides = [1, 1]} : vector<1280x9xf32> to vector<1280x1xf32>
    %mul3A_181 = vector.broadcast %slice3A_180 : vector<1280x1xf32> to vector<1280x32xf32>
    %mul3A_182 = arith.mulf %mul3A_134, %mul3A_181 : vector<1280x32xf32>
    %slice3A_183 = vector.extract_strided_slice %get3A_140 {offsets = [5, 0, 0], sizes = [1, 32, 32], strides = [1, 1, 1]} : vector<9x32x32xf32> to vector<1x32x32xf32>
    %squeeze3A_184 = vector.shape_cast %slice3A_183 : vector<1x32x32xf32> to vector<32x32xf32>
    %dot_general3A_185 = arith.constant dense<0.000000e+00> : vector<1280x32xf32>
    %dot_general3A_186 = tpu.matmul %mul3A_182, %squeeze3A_184, %dot_general3A_185 {dimension_numbers = #tpu.dot_dimension_numbers<[1], [0], [0], [1], [0, 0, 1, 1], [], []>, precision = #tpu.contract_precision<fp32>, transpose_lhs_hint = false} : vector<1280x32xf32>, vector<32x32xf32>, vector<1280x32xf32> -> vector<1280x32xf32>
    %add3A_187 = arith.addf %add3A_179, %dot_general3A_186 : vector<1280x32xf32>
    %slice3A_188 = vector.extract_strided_slice %concatenate3A {offsets = [0, 6], sizes = [1280, 1], strides = [1, 1]} : vector<1280x9xf32> to vector<1280x1xf32>
    %mul3A_189 = vector.broadcast %slice3A_188 : vector<1280x1xf32> to vector<1280x32xf32>
    %mul3A_190 = arith.mulf %mul3A_134, %mul3A_189 : vector<1280x32xf32>
    %slice3A_191 = vector.extract_strided_slice %get3A_140 {offsets = [6, 0, 0], sizes = [1, 32, 32], strides = [1, 1, 1]} : vector<9x32x32xf32> to vector<1x32x32xf32>
    %squeeze3A_192 = vector.shape_cast %slice3A_191 : vector<1x32x32xf32> to vector<32x32xf32>
    %dot_general3A_193 = arith.constant dense<0.000000e+00> : vector<1280x32xf32>
    %dot_general3A_194 = tpu.matmul %mul3A_190, %squeeze3A_192, %dot_general3A_193 {dimension_numbers = #tpu.dot_dimension_numbers<[1], [0], [0], [1], [0, 0, 1, 1], [], []>, precision = #tpu.contract_precision<fp32>, transpose_lhs_hint = false} : vector<1280x32xf32>, vector<32x32xf32>, vector<1280x32xf32> -> vector<1280x32xf32>
    %add3A_195 = arith.addf %add3A_187, %dot_general3A_194 : vector<1280x32xf32>
    %slice3A_196 = vector.extract_strided_slice %concatenate3A {offsets = [0, 7], sizes = [1280, 1], strides = [1, 1]} : vector<1280x9xf32> to vector<1280x1xf32>
    %mul3A_197 = vector.broadcast %slice3A_196 : vector<1280x1xf32> to vector<1280x32xf32>
    %mul3A_198 = arith.mulf %mul3A_134, %mul3A_197 : vector<1280x32xf32>
    %slice3A_199 = vector.extract_strided_slice %get3A_140 {offsets = [7, 0, 0], sizes = [1, 32, 32], strides = [1, 1, 1]} : vector<9x32x32xf32> to vector<1x32x32xf32>
    %squeeze3A_200 = vector.shape_cast %slice3A_199 : vector<1x32x32xf32> to vector<32x32xf32>
    %dot_general3A_201 = arith.constant dense<0.000000e+00> : vector<1280x32xf32>
    %dot_general3A_202 = tpu.matmul %mul3A_198, %squeeze3A_200, %dot_general3A_201 {dimension_numbers = #tpu.dot_dimension_numbers<[1], [0], [0], [1], [0, 0, 1, 1], [], []>, precision = #tpu.contract_precision<fp32>, transpose_lhs_hint = false} : vector<1280x32xf32>, vector<32x32xf32>, vector<1280x32xf32> -> vector<1280x32xf32>
    %add3A_203 = arith.addf %add3A_195, %dot_general3A_202 : vector<1280x32xf32>
    %slice3A_204 = vector.extract_strided_slice %concatenate3A {offsets = [0, 8], sizes = [1280, 1], strides = [1, 1]} : vector<1280x9xf32> to vector<1280x1xf32>
    %mul3A_205 = vector.broadcast %slice3A_204 : vector<1280x1xf32> to vector<1280x32xf32>
    %mul3A_206 = arith.mulf %mul3A_134, %mul3A_205 : vector<1280x32xf32>
    %slice3A_207 = vector.extract_strided_slice %get3A_140 {offsets = [8, 0, 0], sizes = [1, 32, 32], strides = [1, 1, 1]} : vector<9x32x32xf32> to vector<1x32x32xf32>
    %squeeze3A_208 = vector.shape_cast %slice3A_207 : vector<1x32x32xf32> to vector<32x32xf32>
    %dot_general3A_209 = arith.constant dense<0.000000e+00> : vector<1280x32xf32>
    %dot_general3A_210 = tpu.matmul %mul3A_206, %squeeze3A_208, %dot_general3A_209 {dimension_numbers = #tpu.dot_dimension_numbers<[1], [0], [0], [1], [0, 0, 1, 1], [], []>, precision = #tpu.contract_precision<fp32>, transpose_lhs_hint = false} : vector<1280x32xf32>, vector<32x32xf32>, vector<1280x32xf32> -> vector<1280x32xf32>
    %add3A_211 = arith.addf %add3A_203, %dot_general3A_210 : vector<1280x32xf32>
    %get3A_212 = arith.constant 0 : index
    %get3A_213 = arith.constant 0 : index
    %get3A_214 = vector.load %arg8[%get3A_212, %get3A_213] : memref<32x1xf32, #tpu.memory_space<vmem>>, vector<32x1xf32>
    %dot_general3A_215 = arith.constant dense<0.000000e+00> : vector<1280x1xf32>
    %dot_general3A_216 = tpu.matmul %mul3A_134, %get3A_214, %dot_general3A_215 {dimension_numbers = #tpu.dot_dimension_numbers<[1], [0], [0], [1], [0, 0, 1, 1], [], []>, precision = #tpu.contract_precision<fp32>, transpose_lhs_hint = false} : vector<1280x32xf32>, vector<32x1xf32>, vector<1280x1xf32> -> vector<1280x1xf32>
    %slice3A_217 = vector.extract_strided_slice %concatenate3A {offsets = [0, 1], sizes = [1280, 3], strides = [1, 1]} : vector<1280x9xf32> to vector<1280x3xf32>
    %mul3A_218 = vector.broadcast %dot_general3A_216 : vector<1280x1xf32> to vector<1280x3xf32>
    %mul3A_219 = arith.mulf %mul3A_218, %slice3A_217 : vector<1280x3xf32>
    %broadcast_in_dim3A_220 = arith.constant 0.000000e+00 : f32
    %broadcast_in_dim3A_221 = vector.broadcast %broadcast_in_dim3A_220 : f32 to vector<1280x5xf32>
    %concatenate3A_222 = tpu.concatenate %add3A_211, %mul3A_219, %broadcast_in_dim3A_221 in 1 : vector<1280x32xf32>, vector<1280x3xf32>, vector<1280x5xf32> -> vector<1280x40xf32>
    %swap3A_223 = arith.constant 0 : index
    %swap3A_224 = arith.constant 0 : index
    %swap3A_225 = vector.load %arg10[%swap3A_223, %swap3A_224] : memref<1280x40xf32, #tpu.memory_space<vmem>>, vector<1280x40xf32>
    tpu.vector_store %arg10[%swap3A_223, %swap3A_224], %concatenate3A_222 {strides = array<i32>} : memref<1280x40xf32, #tpu.memory_space<vmem>>, vector<1280x40xf32>,
    return
  }
  func.func @transform_0(%arg0: i32) -> (i32, i32) {
    %c0_i32 = arith.constant 0 : i32
    %c0_i32_0 = arith.constant 0 : i32
    return %arg0, %c0_i32 : i32, i32
  }
  func.func @transform_1(%arg0: i32) -> (i32, i32) {
    %c0_i32 = arith.constant 0 : i32
    %c0_i32_0 = arith.constant 0 : i32
    return %arg0, %c0_i32 : i32, i32
  }
  func.func @transform_2(%arg0: i32) -> (i32, i32) {
    %c0_i32 = arith.constant 0 : i32
    %c0_i32_0 = arith.constant 0 : i32
    %c0_i32_1 = arith.constant 0 : i32
    return %c0_i32, %c0_i32_0 : i32, i32
  }
  func.func @transform_3(%arg0: i32) -> (i32, i32) {
    %c0_i32 = arith.constant 0 : i32
    %c0_i32_0 = arith.constant 0 : i32
    %c0_i32_1 = arith.constant 0 : i32
    return %c0_i32, %c0_i32_0 : i32, i32
  }
  func.func @transform_4(%arg0: i32) -> (i32, i32) {
    %c0_i32 = arith.constant 0 : i32
    %c0_i32_0 = arith.constant 0 : i32
    %c0_i32_1 = arith.constant 0 : i32
    return %c0_i32, %c0_i32_0 : i32, i32
  }
  func.func @transform_5(%arg0: i32) -> (i32, i32, i32) {
    %c0_i32 = arith.constant 0 : i32
    %c0_i32_0 = arith.constant 0 : i32
    %c0_i32_1 = arith.constant 0 : i32
    %c0_i32_2 = arith.constant 0 : i32
    return %c0_i32, %c0_i32_0, %c0_i32_1 : i32, i32, i32
  }
  func.func @transform_6(%arg0: i32) -> (i32, i32) {
    %c0_i32 = arith.constant 0 : i32
    %c0_i32_0 = arith.constant 0 : i32
    %c0_i32_1 = arith.constant 0 : i32
    return %c0_i32, %c0_i32_0 : i32, i32
  }
  func.func @transform_7(%arg0: i32) -> (i32, i32) {
    %c0_i32 = arith.constant 0 : i32
    %c0_i32_0 = arith.constant 0 : i32
    %c0_i32_1 = arith.constant 0 : i32
    return %c0_i32, %c0_i32_0 : i32, i32
  }
  func.func @transform_8(%arg0: i32) -> (i32, i32) {
    %c0_i32 = arith.constant 0 : i32
    %c0_i32_0 = arith.constant 0 : i32
    return %arg0, %c0_i32 : i32, i32
  }
  func.func @transform_9(%arg0: i32) -> (i32, i32) {
    %c0_i32 = arith.constant 0 : i32
    %c0_i32_0 = arith.constant 0 : i32
    return %arg0, %c0_i32 : i32, i32
  }
}

module attributes {stable_mosaic.version = 14 : i64} {
  func.func @_node0_body(%arg0: i32, %arg1: memref<2x2000x40xf32, #tpu.memory_space<vmem>>, %arg2: memref<1x32xf32, #tpu.memory_space<vmem>>, %arg3: memref<32x32xf32, #tpu.memory_space<vmem>>, %arg4: memref<3x32xf32, #tpu.memory_space<vmem>>, %arg5: memref<32x32xf32, #tpu.memory_space<vmem>>, %arg6: memref<32x1xf32, #tpu.memory_space<vmem>>, %arg7: memref<2000x32xf32, #tpu.memory_space<vmem>>, %arg8: memref<2000x32xf32, #tpu.memory_space<vmem>>, %arg9: memref<2000x4xf32, #tpu.memory_space<vmem>>) attributes {dimension_semantics = [#tpu.dimension_semantics<arbitrary>], iteration_bounds = array<i64: 25>, scalar_prefetch = 0 : i64, scratch_operands = 0 : i64, tpu.core_type = #tpu.core_type<tc>, window_params = [{transform_indices = @transform_0, window_bounds = array<i64: 2, 2000, 40>}, {pipeline_mode = #tpu.pipeline_mode<synchronous>, transform_indices = @transform_1, window_bounds = array<i64: 1, 32>}, {pipeline_mode = #tpu.pipeline_mode<synchronous>, transform_indices = @transform_2, window_bounds = array<i64: 32, 32>}, {pipeline_mode = #tpu.pipeline_mode<synchronous>, transform_indices = @transform_3, window_bounds = array<i64: 3, 32>}, {pipeline_mode = #tpu.pipeline_mode<synchronous>, transform_indices = @transform_4, window_bounds = array<i64: 32, 32>}, {pipeline_mode = #tpu.pipeline_mode<synchronous>, transform_indices = @transform_5, window_bounds = array<i64: 32, 1>}, {transform_indices = @transform_6, window_bounds = array<i64: 2000, 32>}, {transform_indices = @transform_7, window_bounds = array<i64: 2000, 32>}, {transform_indices = @transform_8, window_bounds = array<i64: 2000, 4>}]} {
    %get3A = arith.constant 0 : index
    %get3A_0 = arith.constant 0 : index
    %get3A_1 = arith.constant 0 : index
    %get3A_2 = vector.load %arg1[%get3A, %get3A_0, %get3A_1] : memref<2x2000x40xf32, #tpu.memory_space<vmem>>, vector<1x2000x40xf32>
    %get3A_3 = vector.shape_cast %get3A_2 : vector<1x2000x40xf32> to vector<2000x40xf32>
    %get3A_4 = arith.constant 1 : index
    %get3A_5 = arith.constant 0 : index
    %get3A_6 = arith.constant 0 : index
    %get3A_7 = vector.load %arg1[%get3A_4, %get3A_5, %get3A_6] : memref<2x2000x40xf32, #tpu.memory_space<vmem>>, vector<1x2000x40xf32>
    %get3A_8 = vector.shape_cast %get3A_7 : vector<1x2000x40xf32> to vector<2000x40xf32>
    %add3A = arith.addf %get3A_3, %get3A_8 : vector<2000x40xf32>
    %slice3A = vector.extract_strided_slice %add3A {offsets = [0, 0], sizes = [2000, 32], strides = [1, 1]} : vector<2000x40xf32> to vector<2000x32xf32>
    %mul3A = arith.constant 3.125000e-02 : f32
    %mul3A_9 = vector.broadcast %mul3A : f32 to vector<2000x32xf32>
    %mul3A_10 = arith.mulf %slice3A, %mul3A_9 : vector<2000x32xf32>
    %get3A_11 = arith.constant 0 : index
    %get3A_12 = arith.constant 0 : index
    %get3A_13 = vector.load %arg4[%get3A_11, %get3A_12] : memref<3x32xf32, #tpu.memory_space<vmem>>, vector<3x32xf32>
    %slice3A_14 = vector.extract_strided_slice %get3A_13 {offsets = [0, 0], sizes = [1, 32], strides = [1, 1]} : vector<3x32xf32> to vector<1x32xf32>
    %slice3A_15 = vector.extract_strided_slice %get3A_13 {offsets = [1, 0], sizes = [1, 32], strides = [1, 1]} : vector<3x32xf32> to vector<1x32xf32>
    %slice3A_16 = vector.extract_strided_slice %get3A_13 {offsets = [2, 0], sizes = [1, 32], strides = [1, 1]} : vector<3x32xf32> to vector<1x32xf32>
    %mul3A_17 = vector.broadcast %slice3A_14 : vector<1x32xf32> to vector<2000x32xf32>
    %mul3A_18 = arith.mulf %mul3A_17, %mul3A_10 : vector<2000x32xf32>
    %mul3A_19 = vector.broadcast %slice3A_15 : vector<1x32xf32> to vector<2000x32xf32>
    %mul3A_20 = arith.mulf %mul3A_19, %mul3A_10 : vector<2000x32xf32>
    %mul3A_21 = arith.mulf %mul3A_20, %mul3A_10 : vector<2000x32xf32>
    %add3A_22 = arith.addf %mul3A_18, %mul3A_21 : vector<2000x32xf32>
    %mul3A_23 = vector.broadcast %slice3A_16 : vector<1x32xf32> to vector<2000x32xf32>
    %mul3A_24 = arith.mulf %mul3A_23, %mul3A_10 : vector<2000x32xf32>
    %mul3A_25 = arith.mulf %mul3A_24, %mul3A_10 : vector<2000x32xf32>
    %mul3A_26 = arith.mulf %mul3A_25, %mul3A_10 : vector<2000x32xf32>
    %add3A_27 = arith.addf %add3A_22, %mul3A_26 : vector<2000x32xf32>
    %get3A_28 = arith.constant 0 : index
    %get3A_29 = arith.constant 0 : index
    %get3A_30 = vector.load %arg2[%get3A_28, %get3A_29] : memref<1x32xf32, #tpu.memory_space<vmem>>, vector<1x32xf32>
    %get3A_31 = arith.constant 0 : index
    %get3A_32 = arith.constant 0 : index
    %get3A_33 = vector.load %arg3[%get3A_31, %get3A_32] : memref<32x32xf32, #tpu.memory_space<vmem>>, vector<32x32xf32>
    %dot_general3A = arith.constant dense<0.000000e+00> : vector<1x32xf32>
    %dot_general3A_34 = tpu.matmul %get3A_30, %get3A_33, %dot_general3A {dimension_numbers = #tpu.dot_dimension_numbers<[1], [0], [0], [1], [0, 0, 1, 1], [], []>, transpose_lhs_hint = false} : vector<1x32xf32>, vector<32x32xf32>, vector<1x32xf32> -> vector<1x32xf32>
    %get3A_35 = arith.constant 0 : index
    %get3A_36 = arith.constant 0 : index
    %get3A_37 = vector.load %arg5[%get3A_35, %get3A_36] : memref<32x32xf32, #tpu.memory_space<vmem>>, vector<32x32xf32>
    %dot_general3A_38 = arith.constant dense<0.000000e+00> : vector<2000x32xf32>
    %dot_general3A_39 = tpu.matmul %add3A_27, %get3A_37, %dot_general3A_38 {dimension_numbers = #tpu.dot_dimension_numbers<[1], [0], [0], [1], [0, 0, 1, 1], [], []>, transpose_lhs_hint = false} : vector<2000x32xf32>, vector<32x32xf32>, vector<2000x32xf32> -> vector<2000x32xf32>
    %add3A_40 = vector.broadcast %dot_general3A_34 : vector<1x32xf32> to vector<2000x32xf32>
    %add3A_41 = arith.addf %dot_general3A_39, %add3A_40 : vector<2000x32xf32>
    %swap3A = arith.constant 0 : index
    %swap3A_42 = arith.constant 0 : index
    %swap3A_43 = vector.load %arg7[%swap3A, %swap3A_42] : memref<2000x32xf32, #tpu.memory_space<vmem>>, vector<2000x32xf32>
    tpu.vector_store %arg7[%swap3A, %swap3A_42], %add3A_41 {strides = array<i32>} : memref<2000x32xf32, #tpu.memory_space<vmem>>, vector<2000x32xf32>,
    %swap3A_44 = arith.constant 0 : index
    %swap3A_45 = arith.constant 0 : index
    %swap3A_46 = vector.load %arg8[%swap3A_44, %swap3A_45] : memref<2000x32xf32, #tpu.memory_space<vmem>>, vector<2000x32xf32>
    tpu.vector_store %arg8[%swap3A_44, %swap3A_45], %mul3A_10 {strides = array<i32>} : memref<2000x32xf32, #tpu.memory_space<vmem>>, vector<2000x32xf32>,
    %get3A_47 = arith.constant 0 : index
    %get3A_48 = arith.constant 0 : index
    %get3A_49 = vector.load %arg6[%get3A_47, %get3A_48] : memref<32x1xf32, #tpu.memory_space<vmem>>, vector<32x1xf32>
    %dot_general3A_50 = arith.constant dense<0.000000e+00> : vector<2000x1xf32>
    %dot_general3A_51 = tpu.matmul %add3A_41, %get3A_49, %dot_general3A_50 {dimension_numbers = #tpu.dot_dimension_numbers<[1], [0], [0], [1], [0, 0, 1, 1], [], []>, transpose_lhs_hint = false} : vector<2000x32xf32>, vector<32x1xf32>, vector<2000x1xf32> -> vector<2000x1xf32>
    %slice3A_52 = vector.extract_strided_slice %add3A {offsets = [0, 32], sizes = [2000, 3], strides = [1, 1]} : vector<2000x40xf32> to vector<2000x3xf32>
    %concatenate3A = tpu.concatenate %dot_general3A_51, %slice3A_52 in 1 : vector<2000x1xf32>, vector<2000x3xf32> -> vector<2000x4xf32>
    %swap3A_53 = arith.constant 0 : index
    %swap3A_54 = arith.constant 0 : index
    %swap3A_55 = vector.load %arg9[%swap3A_53, %swap3A_54] : memref<2000x4xf32, #tpu.memory_space<vmem>>, vector<2000x4xf32>
    tpu.vector_store %arg9[%swap3A_53, %swap3A_54], %concatenate3A {strides = array<i32>} : memref<2000x4xf32, #tpu.memory_space<vmem>>, vector<2000x4xf32>,
    return
  }
  func.func @transform_0(%arg0: i32) -> (i32, i32, i32) {
    %c0_i32 = arith.constant 0 : i32
    %c0_i32_0 = arith.constant 0 : i32
    %c0_i32_1 = arith.constant 0 : i32
    return %c0_i32, %arg0, %c0_i32_0 : i32, i32, i32
  }
  func.func @transform_1(%arg0: i32) -> (i32, i32) {
    %c0_i32 = arith.constant 0 : i32
    %c0_i32_0 = arith.constant 0 : i32
    %c0_i32_1 = arith.constant 0 : i32
    return %c0_i32, %c0_i32_0 : i32, i32
  }
  func.func @transform_2(%arg0: i32) -> (i32, i32) {
    %c0_i32 = arith.constant 0 : i32
    %c0_i32_0 = arith.constant 0 : i32
    %c0_i32_1 = arith.constant 0 : i32
    return %c0_i32, %c0_i32_0 : i32, i32
  }
  func.func @transform_3(%arg0: i32) -> (i32, i32) {
    %c0_i32 = arith.constant 0 : i32
    %c0_i32_0 = arith.constant 0 : i32
    %c0_i32_1 = arith.constant 0 : i32
    return %c0_i32, %c0_i32_0 : i32, i32
  }
  func.func @transform_4(%arg0: i32) -> (i32, i32) {
    %c0_i32 = arith.constant 0 : i32
    %c0_i32_0 = arith.constant 0 : i32
    %c0_i32_1 = arith.constant 0 : i32
    return %c0_i32, %c0_i32_0 : i32, i32
  }
  func.func @transform_5(%arg0: i32) -> (i32, i32) {
    %c0_i32 = arith.constant 0 : i32
    %c0_i32_0 = arith.constant 0 : i32
    %c0_i32_1 = arith.constant 0 : i32
    return %c0_i32, %c0_i32_0 : i32, i32
  }
  func.func @transform_6(%arg0: i32) -> (i32, i32) {
    %c0_i32 = arith.constant 0 : i32
    %c0_i32_0 = arith.constant 0 : i32
    return %arg0, %c0_i32 : i32, i32
  }
  func.func @transform_7(%arg0: i32) -> (i32, i32) {
    %c0_i32 = arith.constant 0 : i32
    %c0_i32_0 = arith.constant 0 : i32
    return %arg0, %c0_i32 : i32, i32
  }
  func.func @transform_8(%arg0: i32) -> (i32, i32) {
    %c0_i32 = arith.constant 0 : i32
    %c0_i32_0 = arith.constant 0 : i32
    return %arg0, %c0_i32 : i32, i32
  }
}

module attributes {stable_mosaic.version = 14 : i64} {
  func.func @_edge1_body(%arg0: i32, %arg1: memref<1280x32xf32, #tpu.memory_space<vmem>>, %arg2: memref<1280x32xf32, #tpu.memory_space<vmem>>, %arg3: memref<8x64xf32, #tpu.memory_space<vmem>>, %arg4: memref<64x64xf32, #tpu.memory_space<vmem>>, %arg5: memref<64x32xf32, #tpu.memory_space<vmem>>, %arg6: memref<9x32x32xf32, #tpu.memory_space<vmem>>, %arg7: memref<32x1xf32, #tpu.memory_space<vmem>>, %arg8: memref<1280x40xf32, #tpu.memory_space<vmem>>) attributes {dimension_semantics = [#tpu.dimension_semantics<arbitrary>], iteration_bounds = array<i64: 1250>, scalar_prefetch = 0 : i64, scratch_operands = 0 : i64, tpu.core_type = #tpu.core_type<tc>, window_params = [{transform_indices = @transform_0, window_bounds = array<i64: 1280, 32>}, {transform_indices = @transform_1, window_bounds = array<i64: 1280, 32>}, {pipeline_mode = #tpu.pipeline_mode<synchronous>, transform_indices = @transform_2, window_bounds = array<i64: 8, 64>}, {pipeline_mode = #tpu.pipeline_mode<synchronous>, transform_indices = @transform_3, window_bounds = array<i64: 64, 64>}, {pipeline_mode = #tpu.pipeline_mode<synchronous>, transform_indices = @transform_4, window_bounds = array<i64: 64, 32>}, {pipeline_mode = #tpu.pipeline_mode<synchronous>, transform_indices = @transform_5, window_bounds = array<i64: 9, 32, 32>}, {pipeline_mode = #tpu.pipeline_mode<synchronous>, transform_indices = @transform_6, window_bounds = array<i64: 32, 1>}, {transform_indices = @transform_7, window_bounds = array<i64: 1280, 40>}]} {
    %get3A = arith.constant 0 : index
    %get3A_0 = arith.constant 0 : index
    %get3A_1 = vector.load %arg1[%get3A, %get3A_0] : memref<1280x32xf32, #tpu.memory_space<vmem>>, vector<1280x32xf32>
    %slice3A = vector.extract_strided_slice %get3A_1 {offsets = [0, 4], sizes = [1280, 9], strides = [1, 1]} : vector<1280x32xf32> to vector<1280x9xf32>
    %slice3A_2 = vector.extract_strided_slice %get3A_1 {offsets = [0, 13], sizes = [1280, 8], strides = [1, 1]} : vector<1280x32xf32> to vector<1280x8xf32>
    %get3A_3 = arith.constant 0 : index
    %get3A_4 = arith.constant 0 : index
    %get3A_5 = vector.load %arg3[%get3A_3, %get3A_4] : memref<8x64xf32, #tpu.memory_space<vmem>>, vector<8x64xf32>
    %get3A_6 = arith.constant 0 : index
    %get3A_7 = arith.constant 0 : index
    %get3A_8 = vector.load %arg4[%get3A_6, %get3A_7] : memref<64x64xf32, #tpu.memory_space<vmem>>, vector<64x64xf32>
    %get3A_9 = arith.constant 0 : index
    %get3A_10 = arith.constant 0 : index
    %get3A_11 = vector.load %arg5[%get3A_9, %get3A_10] : memref<64x32xf32, #tpu.memory_space<vmem>>, vector<64x32xf32>
    %dot_general3A = arith.constant dense<0.000000e+00> : vector<1280x64xf32>
    %dot_general3A_12 = tpu.matmul %slice3A_2, %get3A_5, %dot_general3A {dimension_numbers = #tpu.dot_dimension_numbers<[1], [0], [0], [1], [0, 0, 1, 1], [], []>, transpose_lhs_hint = false} : vector<1280x8xf32>, vector<8x64xf32>, vector<1280x64xf32> -> vector<1280x64xf32>
    %logistic3A = arith.negf %dot_general3A_12 : vector<1280x64xf32>
    %logistic3A_13 = math.exp %logistic3A : vector<1280x64xf32>
    %logistic3A_14 = arith.constant 1.000000e+00 : f32
    %logistic3A_15 = vector.broadcast %logistic3A_14 : f32 to vector<1280x64xf32>
    %logistic3A_16 = arith.addf %logistic3A_15, %logistic3A_13 : vector<1280x64xf32>
    %logistic3A_17 = arith.divf %logistic3A_15, %logistic3A_16 : vector<1280x64xf32>
    %mul3A = arith.mulf %dot_general3A_12, %logistic3A_17 : vector<1280x64xf32>
    %dot_general3A_18 = arith.constant dense<0.000000e+00> : vector<1280x64xf32>
    %dot_general3A_19 = tpu.matmul %mul3A, %get3A_8, %dot_general3A_18 {dimension_numbers = #tpu.dot_dimension_numbers<[1], [0], [0], [1], [0, 0, 1, 1], [], []>, transpose_lhs_hint = false} : vector<1280x64xf32>, vector<64x64xf32>, vector<1280x64xf32> -> vector<1280x64xf32>
    %logistic3A_20 = arith.negf %dot_general3A_19 : vector<1280x64xf32>
    %logistic3A_21 = math.exp %logistic3A_20 : vector<1280x64xf32>
    %logistic3A_22 = arith.constant 1.000000e+00 : f32
    %logistic3A_23 = vector.broadcast %logistic3A_22 : f32 to vector<1280x64xf32>
    %logistic3A_24 = arith.addf %logistic3A_23, %logistic3A_21 : vector<1280x64xf32>
    %logistic3A_25 = arith.divf %logistic3A_23, %logistic3A_24 : vector<1280x64xf32>
    %mul3A_26 = arith.mulf %dot_general3A_19, %logistic3A_25 : vector<1280x64xf32>
    %dot_general3A_27 = arith.constant dense<0.000000e+00> : vector<1280x32xf32>
    %dot_general3A_28 = tpu.matmul %mul3A_26, %get3A_11, %dot_general3A_27 {dimension_numbers = #tpu.dot_dimension_numbers<[1], [0], [0], [1], [0, 0, 1, 1], [], []>, transpose_lhs_hint = false} : vector<1280x64xf32>, vector<64x32xf32>, vector<1280x32xf32> -> vector<1280x32xf32>
    %get3A_29 = arith.constant 0 : index
    %get3A_30 = arith.constant 0 : index
    %get3A_31 = vector.load %arg2[%get3A_29, %get3A_30] : memref<1280x32xf32, #tpu.memory_space<vmem>>, vector<1280x32xf32>
    %mul3A_32 = arith.mulf %get3A_31, %dot_general3A_28 : vector<1280x32xf32>
    %broadcast_in_dim3A = arith.constant 0.000000e+00 : f32
    %broadcast_in_dim3A_33 = vector.broadcast %broadcast_in_dim3A : f32 to vector<1280x32xf32>
    %get3A_34 = arith.constant 0 : index
    %get3A_35 = arith.constant 0 : index
    %get3A_36 = arith.constant 0 : index
    %get3A_37 = vector.load %arg6[%get3A_34, %get3A_35, %get3A_36] : memref<9x32x32xf32, #tpu.memory_space<vmem>>, vector<9x32x32xf32>
    %slice3A_38 = vector.extract_strided_slice %slice3A {offsets = [0, 0], sizes = [1280, 1], strides = [1, 1]} : vector<1280x9xf32> to vector<1280x1xf32>
    %mul3A_39 = vector.broadcast %slice3A_38 : vector<1280x1xf32> to vector<1280x32xf32>
    %mul3A_40 = arith.mulf %mul3A_32, %mul3A_39 : vector<1280x32xf32>
    %slice3A_41 = vector.extract_strided_slice %get3A_37 {offsets = [0, 0, 0], sizes = [1, 32, 32], strides = [1, 1, 1]} : vector<9x32x32xf32> to vector<1x32x32xf32>
    %squeeze3A = vector.shape_cast %slice3A_41 : vector<1x32x32xf32> to vector<32x32xf32>
    %dot_general3A_42 = arith.constant dense<0.000000e+00> : vector<1280x32xf32>
    %dot_general3A_43 = tpu.matmul %mul3A_40, %squeeze3A, %dot_general3A_42 {dimension_numbers = #tpu.dot_dimension_numbers<[1], [0], [0], [1], [0, 0, 1, 1], [], []>, precision = #tpu.contract_precision<fp32>, transpose_lhs_hint = false} : vector<1280x32xf32>, vector<32x32xf32>, vector<1280x32xf32> -> vector<1280x32xf32>
    %add3A = arith.addf %broadcast_in_dim3A_33, %dot_general3A_43 : vector<1280x32xf32>
    %slice3A_44 = vector.extract_strided_slice %slice3A {offsets = [0, 1], sizes = [1280, 1], strides = [1, 1]} : vector<1280x9xf32> to vector<1280x1xf32>
    %mul3A_45 = vector.broadcast %slice3A_44 : vector<1280x1xf32> to vector<1280x32xf32>
    %mul3A_46 = arith.mulf %mul3A_32, %mul3A_45 : vector<1280x32xf32>
    %slice3A_47 = vector.extract_strided_slice %get3A_37 {offsets = [1, 0, 0], sizes = [1, 32, 32], strides = [1, 1, 1]} : vector<9x32x32xf32> to vector<1x32x32xf32>
    %squeeze3A_48 = vector.shape_cast %slice3A_47 : vector<1x32x32xf32> to vector<32x32xf32>
    %dot_general3A_49 = arith.constant dense<0.000000e+00> : vector<1280x32xf32>
    %dot_general3A_50 = tpu.matmul %mul3A_46, %squeeze3A_48, %dot_general3A_49 {dimension_numbers = #tpu.dot_dimension_numbers<[1], [0], [0], [1], [0, 0, 1, 1], [], []>, precision = #tpu.contract_precision<fp32>, transpose_lhs_hint = false} : vector<1280x32xf32>, vector<32x32xf32>, vector<1280x32xf32> -> vector<1280x32xf32>
    %add3A_51 = arith.addf %add3A, %dot_general3A_50 : vector<1280x32xf32>
    %slice3A_52 = vector.extract_strided_slice %slice3A {offsets = [0, 2], sizes = [1280, 1], strides = [1, 1]} : vector<1280x9xf32> to vector<1280x1xf32>
    %mul3A_53 = vector.broadcast %slice3A_52 : vector<1280x1xf32> to vector<1280x32xf32>
    %mul3A_54 = arith.mulf %mul3A_32, %mul3A_53 : vector<1280x32xf32>
    %slice3A_55 = vector.extract_strided_slice %get3A_37 {offsets = [2, 0, 0], sizes = [1, 32, 32], strides = [1, 1, 1]} : vector<9x32x32xf32> to vector<1x32x32xf32>
    %squeeze3A_56 = vector.shape_cast %slice3A_55 : vector<1x32x32xf32> to vector<32x32xf32>
    %dot_general3A_57 = arith.constant dense<0.000000e+00> : vector<1280x32xf32>
    %dot_general3A_58 = tpu.matmul %mul3A_54, %squeeze3A_56, %dot_general3A_57 {dimension_numbers = #tpu.dot_dimension_numbers<[1], [0], [0], [1], [0, 0, 1, 1], [], []>, precision = #tpu.contract_precision<fp32>, transpose_lhs_hint = false} : vector<1280x32xf32>, vector<32x32xf32>, vector<1280x32xf32> -> vector<1280x32xf32>
    %add3A_59 = arith.addf %add3A_51, %dot_general3A_58 : vector<1280x32xf32>
    %slice3A_60 = vector.extract_strided_slice %slice3A {offsets = [0, 3], sizes = [1280, 1], strides = [1, 1]} : vector<1280x9xf32> to vector<1280x1xf32>
    %mul3A_61 = vector.broadcast %slice3A_60 : vector<1280x1xf32> to vector<1280x32xf32>
    %mul3A_62 = arith.mulf %mul3A_32, %mul3A_61 : vector<1280x32xf32>
    %slice3A_63 = vector.extract_strided_slice %get3A_37 {offsets = [3, 0, 0], sizes = [1, 32, 32], strides = [1, 1, 1]} : vector<9x32x32xf32> to vector<1x32x32xf32>
    %squeeze3A_64 = vector.shape_cast %slice3A_63 : vector<1x32x32xf32> to vector<32x32xf32>
    %dot_general3A_65 = arith.constant dense<0.000000e+00> : vector<1280x32xf32>
    %dot_general3A_66 = tpu.matmul %mul3A_62, %squeeze3A_64, %dot_general3A_65 {dimension_numbers = #tpu.dot_dimension_numbers<[1], [0], [0], [1], [0, 0, 1, 1], [], []>, precision = #tpu.contract_precision<fp32>, transpose_lhs_hint = false} : vector<1280x32xf32>, vector<32x32xf32>, vector<1280x32xf32> -> vector<1280x32xf32>
    %add3A_67 = arith.addf %add3A_59, %dot_general3A_66 : vector<1280x32xf32>
    %slice3A_68 = vector.extract_strided_slice %slice3A {offsets = [0, 4], sizes = [1280, 1], strides = [1, 1]} : vector<1280x9xf32> to vector<1280x1xf32>
    %mul3A_69 = vector.broadcast %slice3A_68 : vector<1280x1xf32> to vector<1280x32xf32>
    %mul3A_70 = arith.mulf %mul3A_32, %mul3A_69 : vector<1280x32xf32>
    %slice3A_71 = vector.extract_strided_slice %get3A_37 {offsets = [4, 0, 0], sizes = [1, 32, 32], strides = [1, 1, 1]} : vector<9x32x32xf32> to vector<1x32x32xf32>
    %squeeze3A_72 = vector.shape_cast %slice3A_71 : vector<1x32x32xf32> to vector<32x32xf32>
    %dot_general3A_73 = arith.constant dense<0.000000e+00> : vector<1280x32xf32>
    %dot_general3A_74 = tpu.matmul %mul3A_70, %squeeze3A_72, %dot_general3A_73 {dimension_numbers = #tpu.dot_dimension_numbers<[1], [0], [0], [1], [0, 0, 1, 1], [], []>, precision = #tpu.contract_precision<fp32>, transpose_lhs_hint = false} : vector<1280x32xf32>, vector<32x32xf32>, vector<1280x32xf32> -> vector<1280x32xf32>
    %add3A_75 = arith.addf %add3A_67, %dot_general3A_74 : vector<1280x32xf32>
    %slice3A_76 = vector.extract_strided_slice %slice3A {offsets = [0, 5], sizes = [1280, 1], strides = [1, 1]} : vector<1280x9xf32> to vector<1280x1xf32>
    %mul3A_77 = vector.broadcast %slice3A_76 : vector<1280x1xf32> to vector<1280x32xf32>
    %mul3A_78 = arith.mulf %mul3A_32, %mul3A_77 : vector<1280x32xf32>
    %slice3A_79 = vector.extract_strided_slice %get3A_37 {offsets = [5, 0, 0], sizes = [1, 32, 32], strides = [1, 1, 1]} : vector<9x32x32xf32> to vector<1x32x32xf32>
    %squeeze3A_80 = vector.shape_cast %slice3A_79 : vector<1x32x32xf32> to vector<32x32xf32>
    %dot_general3A_81 = arith.constant dense<0.000000e+00> : vector<1280x32xf32>
    %dot_general3A_82 = tpu.matmul %mul3A_78, %squeeze3A_80, %dot_general3A_81 {dimension_numbers = #tpu.dot_dimension_numbers<[1], [0], [0], [1], [0, 0, 1, 1], [], []>, precision = #tpu.contract_precision<fp32>, transpose_lhs_hint = false} : vector<1280x32xf32>, vector<32x32xf32>, vector<1280x32xf32> -> vector<1280x32xf32>
    %add3A_83 = arith.addf %add3A_75, %dot_general3A_82 : vector<1280x32xf32>
    %slice3A_84 = vector.extract_strided_slice %slice3A {offsets = [0, 6], sizes = [1280, 1], strides = [1, 1]} : vector<1280x9xf32> to vector<1280x1xf32>
    %mul3A_85 = vector.broadcast %slice3A_84 : vector<1280x1xf32> to vector<1280x32xf32>
    %mul3A_86 = arith.mulf %mul3A_32, %mul3A_85 : vector<1280x32xf32>
    %slice3A_87 = vector.extract_strided_slice %get3A_37 {offsets = [6, 0, 0], sizes = [1, 32, 32], strides = [1, 1, 1]} : vector<9x32x32xf32> to vector<1x32x32xf32>
    %squeeze3A_88 = vector.shape_cast %slice3A_87 : vector<1x32x32xf32> to vector<32x32xf32>
    %dot_general3A_89 = arith.constant dense<0.000000e+00> : vector<1280x32xf32>
    %dot_general3A_90 = tpu.matmul %mul3A_86, %squeeze3A_88, %dot_general3A_89 {dimension_numbers = #tpu.dot_dimension_numbers<[1], [0], [0], [1], [0, 0, 1, 1], [], []>, precision = #tpu.contract_precision<fp32>, transpose_lhs_hint = false} : vector<1280x32xf32>, vector<32x32xf32>, vector<1280x32xf32> -> vector<1280x32xf32>
    %add3A_91 = arith.addf %add3A_83, %dot_general3A_90 : vector<1280x32xf32>
    %slice3A_92 = vector.extract_strided_slice %slice3A {offsets = [0, 7], sizes = [1280, 1], strides = [1, 1]} : vector<1280x9xf32> to vector<1280x1xf32>
    %mul3A_93 = vector.broadcast %slice3A_92 : vector<1280x1xf32> to vector<1280x32xf32>
    %mul3A_94 = arith.mulf %mul3A_32, %mul3A_93 : vector<1280x32xf32>
    %slice3A_95 = vector.extract_strided_slice %get3A_37 {offsets = [7, 0, 0], sizes = [1, 32, 32], strides = [1, 1, 1]} : vector<9x32x32xf32> to vector<1x32x32xf32>
    %squeeze3A_96 = vector.shape_cast %slice3A_95 : vector<1x32x32xf32> to vector<32x32xf32>
    %dot_general3A_97 = arith.constant dense<0.000000e+00> : vector<1280x32xf32>
    %dot_general3A_98 = tpu.matmul %mul3A_94, %squeeze3A_96, %dot_general3A_97 {dimension_numbers = #tpu.dot_dimension_numbers<[1], [0], [0], [1], [0, 0, 1, 1], [], []>, precision = #tpu.contract_precision<fp32>, transpose_lhs_hint = false} : vector<1280x32xf32>, vector<32x32xf32>, vector<1280x32xf32> -> vector<1280x32xf32>
    %add3A_99 = arith.addf %add3A_91, %dot_general3A_98 : vector<1280x32xf32>
    %slice3A_100 = vector.extract_strided_slice %slice3A {offsets = [0, 8], sizes = [1280, 1], strides = [1, 1]} : vector<1280x9xf32> to vector<1280x1xf32>
    %mul3A_101 = vector.broadcast %slice3A_100 : vector<1280x1xf32> to vector<1280x32xf32>
    %mul3A_102 = arith.mulf %mul3A_32, %mul3A_101 : vector<1280x32xf32>
    %slice3A_103 = vector.extract_strided_slice %get3A_37 {offsets = [8, 0, 0], sizes = [1, 32, 32], strides = [1, 1, 1]} : vector<9x32x32xf32> to vector<1x32x32xf32>
    %squeeze3A_104 = vector.shape_cast %slice3A_103 : vector<1x32x32xf32> to vector<32x32xf32>
    %dot_general3A_105 = arith.constant dense<0.000000e+00> : vector<1280x32xf32>
    %dot_general3A_106 = tpu.matmul %mul3A_102, %squeeze3A_104, %dot_general3A_105 {dimension_numbers = #tpu.dot_dimension_numbers<[1], [0], [0], [1], [0, 0, 1, 1], [], []>, precision = #tpu.contract_precision<fp32>, transpose_lhs_hint = false} : vector<1280x32xf32>, vector<32x32xf32>, vector<1280x32xf32> -> vector<1280x32xf32>
    %add3A_107 = arith.addf %add3A_99, %dot_general3A_106 : vector<1280x32xf32>
    %get3A_108 = arith.constant 0 : index
    %get3A_109 = arith.constant 0 : index
    %get3A_110 = vector.load %arg7[%get3A_108, %get3A_109] : memref<32x1xf32, #tpu.memory_space<vmem>>, vector<32x1xf32>
    %dot_general3A_111 = arith.constant dense<0.000000e+00> : vector<1280x1xf32>
    %dot_general3A_112 = tpu.matmul %mul3A_32, %get3A_110, %dot_general3A_111 {dimension_numbers = #tpu.dot_dimension_numbers<[1], [0], [0], [1], [0, 0, 1, 1], [], []>, precision = #tpu.contract_precision<fp32>, transpose_lhs_hint = false} : vector<1280x32xf32>, vector<32x1xf32>, vector<1280x1xf32> -> vector<1280x1xf32>
    %slice3A_113 = vector.extract_strided_slice %slice3A {offsets = [0, 1], sizes = [1280, 3], strides = [1, 1]} : vector<1280x9xf32> to vector<1280x3xf32>
    %mul3A_114 = vector.broadcast %dot_general3A_112 : vector<1280x1xf32> to vector<1280x3xf32>
    %mul3A_115 = arith.mulf %mul3A_114, %slice3A_113 : vector<1280x3xf32>
    %broadcast_in_dim3A_116 = arith.constant 0.000000e+00 : f32
    %broadcast_in_dim3A_117 = vector.broadcast %broadcast_in_dim3A_116 : f32 to vector<1280x5xf32>
    %concatenate3A = tpu.concatenate %add3A_107, %mul3A_115, %broadcast_in_dim3A_117 in 1 : vector<1280x32xf32>, vector<1280x3xf32>, vector<1280x5xf32> -> vector<1280x40xf32>
    %swap3A = arith.constant 0 : index
    %swap3A_118 = arith.constant 0 : index
    %swap3A_119 = vector.load %arg8[%swap3A, %swap3A_118] : memref<1280x40xf32, #tpu.memory_space<vmem>>, vector<1280x40xf32>
    tpu.vector_store %arg8[%swap3A, %swap3A_118], %concatenate3A {strides = array<i32>} : memref<1280x40xf32, #tpu.memory_space<vmem>>, vector<1280x40xf32>,
    return
  }
  func.func @transform_0(%arg0: i32) -> (i32, i32) {
    %c0_i32 = arith.constant 0 : i32
    %c0_i32_0 = arith.constant 0 : i32
    return %arg0, %c0_i32 : i32, i32
  }
  func.func @transform_1(%arg0: i32) -> (i32, i32) {
    %c0_i32 = arith.constant 0 : i32
    %c0_i32_0 = arith.constant 0 : i32
    return %arg0, %c0_i32 : i32, i32
  }
  func.func @transform_2(%arg0: i32) -> (i32, i32) {
    %c0_i32 = arith.constant 0 : i32
    %c0_i32_0 = arith.constant 0 : i32
    %c0_i32_1 = arith.constant 0 : i32
    return %c0_i32, %c0_i32_0 : i32, i32
  }
  func.func @transform_3(%arg0: i32) -> (i32, i32) {
    %c0_i32 = arith.constant 0 : i32
    %c0_i32_0 = arith.constant 0 : i32
    %c0_i32_1 = arith.constant 0 : i32
    return %c0_i32, %c0_i32_0 : i32, i32
  }
  func.func @transform_4(%arg0: i32) -> (i32, i32) {
    %c0_i32 = arith.constant 0 : i32
    %c0_i32_0 = arith.constant 0 : i32
    %c0_i32_1 = arith.constant 0 : i32
    return %c0_i32, %c0_i32_0 : i32, i32
  }
  func.func @transform_5(%arg0: i32) -> (i32, i32, i32) {
    %c0_i32 = arith.constant 0 : i32
    %c0_i32_0 = arith.constant 0 : i32
    %c0_i32_1 = arith.constant 0 : i32
    %c0_i32_2 = arith.constant 0 : i32
    return %c0_i32, %c0_i32_0, %c0_i32_1 : i32, i32, i32
  }
  func.func @transform_6(%arg0: i32) -> (i32, i32) {
    %c0_i32 = arith.constant 0 : i32
    %c0_i32_0 = arith.constant 0 : i32
    %c0_i32_1 = arith.constant 0 : i32
    return %c0_i32, %c0_i32_0 : i32, i32
  }
  func.func @transform_7(%arg0: i32) -> (i32, i32) {
    %c0_i32 = arith.constant 0 : i32
    %c0_i32_0 = arith.constant 0 : i32
    return %arg0, %c0_i32 : i32, i32
  }
}

module attributes {stable_mosaic.version = 14 : i64} {
  func.func @_node1_body(%arg0: i32, %arg1: memref<2x2000x40xf32, #tpu.memory_space<vmem>>, %arg2: memref<2000x32xf32, #tpu.memory_space<vmem>>, %arg3: memref<2000x4xf32, #tpu.memory_space<vmem>>, %arg4: memref<32x32xf32, #tpu.memory_space<vmem>>, %arg5: memref<3x32xf32, #tpu.memory_space<vmem>>, %arg6: memref<32x32xf32, #tpu.memory_space<vmem>>, %arg7: memref<32x16xf32, #tpu.memory_space<vmem>>, %arg8: memref<1x16xf32, #tpu.memory_space<vmem>>, %arg9: memref<32x32xf32, #tpu.memory_space<vmem>>, %arg10: memref<32x32xf32, #tpu.memory_space<vmem>>, %arg11: memref<16x32xf32, #tpu.memory_space<vmem>>, %arg12: memref<1x32xf32, #tpu.memory_space<vmem>>, %arg13: memref<2000x32xf32, #tpu.memory_space<vmem>>, %arg14: memref<2000x32xf32, #tpu.memory_space<vmem>>, %arg15: memref<2000x1xf32, #tpu.memory_space<vmem>>, %arg16: memref<2000x3xf32, #tpu.memory_space<vmem>>) attributes {dimension_semantics = [#tpu.dimension_semantics<arbitrary>], iteration_bounds = array<i64: 25>, scalar_prefetch = 0 : i64, scratch_operands = 0 : i64, tpu.core_type = #tpu.core_type<tc>, window_params = [{transform_indices = @transform_0, window_bounds = array<i64: 2, 2000, 40>}, {transform_indices = @transform_1, window_bounds = array<i64: 2000, 32>}, {transform_indices = @transform_2, window_bounds = array<i64: 2000, 4>}, {pipeline_mode = #tpu.pipeline_mode<synchronous>, transform_indices = @transform_3, window_bounds = array<i64: 32, 32>}, {pipeline_mode = #tpu.pipeline_mode<synchronous>, transform_indices = @transform_4, window_bounds = array<i64: 3, 32>}, {pipeline_mode = #tpu.pipeline_mode<synchronous>, transform_indices = @transform_5, window_bounds = array<i64: 32, 32>}, {pipeline_mode = #tpu.pipeline_mode<synchronous>, transform_indices = @transform_6, window_bounds = array<i64: 32, 16>}, {pipeline_mode = #tpu.pipeline_mode<synchronous>, transform_indices = @transform_7, window_bounds = array<i64: 1, 16>}, {pipeline_mode = #tpu.pipeline_mode<synchronous>, transform_indices = @transform_8, window_bounds = array<i64: 32, 32>}, {pipeline_mode = #tpu.pipeline_mode<synchronous>, transform_indices = @transform_9, window_bounds = array<i64: 32, 32>}, {pipeline_mode = #tpu.pipeline_mode<synchronous>, transform_indices = @transform_10, window_bounds = array<i64: 16, 32>}, {pipeline_mode = #tpu.pipeline_mode<synchronous>, transform_indices = @transform_11, window_bounds = array<i64: 1, 32>}, {transform_indices = @transform_12, window_bounds = array<i64: 2000, 32>}, {transform_indices = @transform_13, window_bounds = array<i64: 2000, 32>}, {transform_indices = @transform_14, window_bounds = array<i64: 2000, 1>}, {transform_indices = @transform_15, window_bounds = array<i64: 2000, 3>}]} {
    %get3A = arith.constant 0 : index
    %get3A_0 = arith.constant 0 : index
    %get3A_1 = arith.constant 0 : index
    %get3A_2 = vector.load %arg1[%get3A, %get3A_0, %get3A_1] : memref<2x2000x40xf32, #tpu.memory_space<vmem>>, vector<1x2000x40xf32>
    %get3A_3 = vector.shape_cast %get3A_2 : vector<1x2000x40xf32> to vector<2000x40xf32>
    %get3A_4 = arith.constant 1 : index
    %get3A_5 = arith.constant 0 : index
    %get3A_6 = arith.constant 0 : index
    %get3A_7 = vector.load %arg1[%get3A_4, %get3A_5, %get3A_6] : memref<2x2000x40xf32, #tpu.memory_space<vmem>>, vector<1x2000x40xf32>
    %get3A_8 = vector.shape_cast %get3A_7 : vector<1x2000x40xf32> to vector<2000x40xf32>
    %add3A = arith.addf %get3A_3, %get3A_8 : vector<2000x40xf32>
    %get3A_9 = arith.constant 0 : index
    %get3A_10 = arith.constant 0 : index
    %get3A_11 = vector.load %arg2[%get3A_9, %get3A_10] : memref<2000x32xf32, #tpu.memory_space<vmem>>, vector<2000x32xf32>
    %get3A_12 = arith.constant 0 : index
    %get3A_13 = arith.constant 0 : index
    %get3A_14 = vector.load %arg3[%get3A_12, %get3A_13] : memref<2000x4xf32, #tpu.memory_space<vmem>>, vector<2000x4xf32>
    %slice3A = vector.extract_strided_slice %add3A {offsets = [0, 0], sizes = [2000, 32], strides = [1, 1]} : vector<2000x40xf32> to vector<2000x32xf32>
    %mul3A = arith.constant 3.125000e-02 : f32
    %mul3A_15 = vector.broadcast %mul3A : f32 to vector<2000x32xf32>
    %mul3A_16 = arith.mulf %slice3A, %mul3A_15 : vector<2000x32xf32>
    %get3A_17 = arith.constant 0 : index
    %get3A_18 = arith.constant 0 : index
    %get3A_19 = vector.load %arg5[%get3A_17, %get3A_18] : memref<3x32xf32, #tpu.memory_space<vmem>>, vector<3x32xf32>
    %slice3A_20 = vector.extract_strided_slice %get3A_19 {offsets = [0, 0], sizes = [1, 32], strides = [1, 1]} : vector<3x32xf32> to vector<1x32xf32>
    %slice3A_21 = vector.extract_strided_slice %get3A_19 {offsets = [1, 0], sizes = [1, 32], strides = [1, 1]} : vector<3x32xf32> to vector<1x32xf32>
    %slice3A_22 = vector.extract_strided_slice %get3A_19 {offsets = [2, 0], sizes = [1, 32], strides = [1, 1]} : vector<3x32xf32> to vector<1x32xf32>
    %mul3A_23 = vector.broadcast %slice3A_20 : vector<1x32xf32> to vector<2000x32xf32>
    %mul3A_24 = arith.mulf %mul3A_23, %mul3A_16 : vector<2000x32xf32>
    %mul3A_25 = vector.broadcast %slice3A_21 : vector<1x32xf32> to vector<2000x32xf32>
    %mul3A_26 = arith.mulf %mul3A_25, %mul3A_16 : vector<2000x32xf32>
    %mul3A_27 = arith.mulf %mul3A_26, %mul3A_16 : vector<2000x32xf32>
    %add3A_28 = arith.addf %mul3A_24, %mul3A_27 : vector<2000x32xf32>
    %mul3A_29 = vector.broadcast %slice3A_22 : vector<1x32xf32> to vector<2000x32xf32>
    %mul3A_30 = arith.mulf %mul3A_29, %mul3A_16 : vector<2000x32xf32>
    %mul3A_31 = arith.mulf %mul3A_30, %mul3A_16 : vector<2000x32xf32>
    %mul3A_32 = arith.mulf %mul3A_31, %mul3A_16 : vector<2000x32xf32>
    %add3A_33 = arith.addf %add3A_28, %mul3A_32 : vector<2000x32xf32>
    %get3A_34 = arith.constant 0 : index
    %get3A_35 = arith.constant 0 : index
    %get3A_36 = vector.load %arg6[%get3A_34, %get3A_35] : memref<32x32xf32, #tpu.memory_space<vmem>>, vector<32x32xf32>
    %dot_general3A = arith.constant dense<0.000000e+00> : vector<2000x32xf32>
    %dot_general3A_37 = tpu.matmul %add3A_33, %get3A_36, %dot_general3A {dimension_numbers = #tpu.dot_dimension_numbers<[1], [0], [0], [1], [0, 0, 1, 1], [], []>, transpose_lhs_hint = false} : vector<2000x32xf32>, vector<32x32xf32>, vector<2000x32xf32> -> vector<2000x32xf32>
    %get3A_38 = arith.constant 0 : index
    %get3A_39 = arith.constant 0 : index
    %get3A_40 = vector.load %arg4[%get3A_38, %get3A_39] : memref<32x32xf32, #tpu.memory_space<vmem>>, vector<32x32xf32>
    %dot_general3A_41 = arith.constant dense<0.000000e+00> : vector<2000x32xf32>
    %dot_general3A_42 = tpu.matmul %get3A_11, %get3A_40, %dot_general3A_41 {dimension_numbers = #tpu.dot_dimension_numbers<[1], [0], [0], [1], [0, 0, 1, 1], [], []>, transpose_lhs_hint = false} : vector<2000x32xf32>, vector<32x32xf32>, vector<2000x32xf32> -> vector<2000x32xf32>
    %add3A_43 = arith.addf %dot_general3A_37, %dot_general3A_42 : vector<2000x32xf32>
    %get3A_44 = arith.constant 0 : index
    %get3A_45 = arith.constant 0 : index
    %get3A_46 = vector.load %arg7[%get3A_44, %get3A_45] : memref<32x16xf32, #tpu.memory_space<vmem>>, vector<32x16xf32>
    %dot_general3A_47 = arith.constant dense<0.000000e+00> : vector<2000x16xf32>
    %dot_general3A_48 = tpu.matmul %add3A_43, %get3A_46, %dot_general3A_47 {dimension_numbers = #tpu.dot_dimension_numbers<[1], [0], [0], [1], [0, 0, 1, 1], [], []>, transpose_lhs_hint = false} : vector<2000x32xf32>, vector<32x16xf32>, vector<2000x16xf32> -> vector<2000x16xf32>
    %logistic3A = arith.negf %dot_general3A_48 : vector<2000x16xf32>
    %logistic3A_49 = math.exp %logistic3A : vector<2000x16xf32>
    %logistic3A_50 = arith.constant 1.000000e+00 : f32
    %logistic3A_51 = vector.broadcast %logistic3A_50 : f32 to vector<2000x16xf32>
    %logistic3A_52 = arith.addf %logistic3A_51, %logistic3A_49 : vector<2000x16xf32>
    %logistic3A_53 = arith.divf %logistic3A_51, %logistic3A_52 : vector<2000x16xf32>
    %mul3A_54 = arith.mulf %dot_general3A_48, %logistic3A_53 : vector<2000x16xf32>
    %get3A_55 = arith.constant 0 : index
    %get3A_56 = arith.constant 0 : index
    %get3A_57 = vector.load %arg8[%get3A_55, %get3A_56] : memref<1x16xf32, #tpu.memory_space<vmem>>, vector<1x16xf32>
    %transpose3A = tpu.transpose %get3A_57, [1, 0] : vector<1x16xf32> -> vector<16x1xf32>
    %dot_general3A_58 = arith.constant dense<0.000000e+00> : vector<2000x1xf32>
    %dot_general3A_59 = tpu.matmul %mul3A_54, %transpose3A, %dot_general3A_58 {dimension_numbers = #tpu.dot_dimension_numbers<[1], [0], [0], [1], [0, 0, 1, 1], [], []>, transpose_lhs_hint = false} : vector<2000x16xf32>, vector<16x1xf32>, vector<2000x1xf32> -> vector<2000x1xf32>
    %slice3A_60 = vector.extract_strided_slice %get3A_14 {offsets = [0, 0], sizes = [2000, 1], strides = [1, 1]} : vector<2000x4xf32> to vector<2000x1xf32>
    %add3A_61 = arith.addf %slice3A_60, %dot_general3A_59 : vector<2000x1xf32>
    %swap3A = arith.constant 0 : index
    %swap3A_62 = arith.constant 0 : index
    %swap3A_63 = vector.load %arg15[%swap3A, %swap3A_62] : memref<2000x1xf32, #tpu.memory_space<vmem>>, vector<2000x1xf32>
    tpu.vector_store %arg15[%swap3A, %swap3A_62], %add3A_61 {strides = array<i32>} : memref<2000x1xf32, #tpu.memory_space<vmem>>, vector<2000x1xf32>,
    %slice3A_64 = vector.extract_strided_slice %get3A_14 {offsets = [0, 1], sizes = [2000, 3], strides = [1, 1]} : vector<2000x4xf32> to vector<2000x3xf32>
    %slice3A_65 = vector.extract_strided_slice %add3A {offsets = [0, 32], sizes = [2000, 3], strides = [1, 1]} : vector<2000x40xf32> to vector<2000x3xf32>
    %add3A_66 = arith.addf %slice3A_64, %slice3A_65 : vector<2000x3xf32>
    %mul3A_67 = arith.constant 3.125000e-02 : f32
    %mul3A_68 = vector.broadcast %mul3A_67 : f32 to vector<2000x3xf32>
    %mul3A_69 = arith.mulf %add3A_66, %mul3A_68 : vector<2000x3xf32>
    %swap3A_70 = arith.constant 0 : index
    %swap3A_71 = arith.constant 0 : index
    %swap3A_72 = vector.load %arg16[%swap3A_70, %swap3A_71] : memref<2000x3xf32, #tpu.memory_space<vmem>>, vector<2000x3xf32>
    tpu.vector_store %arg16[%swap3A_70, %swap3A_71], %mul3A_69 {strides = array<i32>} : memref<2000x3xf32, #tpu.memory_space<vmem>>, vector<2000x3xf32>,
    %logistic3A_73 = arith.negf %dot_general3A_48 : vector<2000x16xf32>
    %logistic3A_74 = math.exp %logistic3A_73 : vector<2000x16xf32>
    %logistic3A_75 = arith.constant 1.000000e+00 : f32
    %logistic3A_76 = vector.broadcast %logistic3A_75 : f32 to vector<2000x16xf32>
    %logistic3A_77 = arith.addf %logistic3A_76, %logistic3A_74 : vector<2000x16xf32>
    %logistic3A_78 = arith.divf %logistic3A_76, %logistic3A_77 : vector<2000x16xf32>
    %sub3A = arith.constant 1.000000e+00 : f32
    %sub3A_79 = vector.broadcast %sub3A : f32 to vector<2000x16xf32>
    %sub3A_80 = arith.subf %sub3A_79, %logistic3A_78 : vector<2000x16xf32>
    %mul3A_81 = arith.mulf %dot_general3A_48, %sub3A_80 : vector<2000x16xf32>
    %add3A_82 = arith.constant 1.000000e+00 : f32
    %add3A_83 = vector.broadcast %add3A_82 : f32 to vector<2000x16xf32>
    %add3A_84 = arith.addf %add3A_83, %mul3A_81 : vector<2000x16xf32>
    %mul3A_85 = arith.mulf %logistic3A_78, %add3A_84 : vector<2000x16xf32>
    %get3A_86 = arith.constant 0 : index
    %get3A_87 = arith.constant 0 : index
    %get3A_88 = vector.load %arg8[%get3A_86, %get3A_87] : memref<1x16xf32, #tpu.memory_space<vmem>>, vector<1x16xf32>
    %mul3A_89 = vector.broadcast %get3A_88 : vector<1x16xf32> to vector<2000x16xf32>
    %mul3A_90 = arith.mulf %mul3A_85, %mul3A_89 : vector<2000x16xf32>
    %get3A_91 = arith.constant 0 : index
    %get3A_92 = arith.constant 0 : index
    %get3A_93 = vector.load %arg11[%get3A_91, %get3A_92] : memref<16x32xf32, #tpu.memory_space<vmem>>, vector<16x32xf32>
    %dot_general3A_94 = arith.constant dense<0.000000e+00> : vector<2000x32xf32>
    %dot_general3A_95 = tpu.matmul %mul3A_90, %get3A_93, %dot_general3A_94 {dimension_numbers = #tpu.dot_dimension_numbers<[1], [0], [0], [1], [0, 0, 1, 1], [], []>, transpose_lhs_hint = false} : vector<2000x16xf32>, vector<16x32xf32>, vector<2000x32xf32> -> vector<2000x32xf32>
    %get3A_96 = arith.constant 0 : index
    %get3A_97 = arith.constant 0 : index
    %get3A_98 = vector.load %arg10[%get3A_96, %get3A_97] : memref<32x32xf32, #tpu.memory_space<vmem>>, vector<32x32xf32>
    %dot_general3A_99 = arith.constant dense<0.000000e+00> : vector<2000x32xf32>
    %dot_general3A_100 = tpu.matmul %dot_general3A_95, %get3A_98, %dot_general3A_99 {dimension_numbers = #tpu.dot_dimension_numbers<[1], [0], [0], [1], [0, 0, 1, 1], [], []>, transpose_lhs_hint = false} : vector<2000x32xf32>, vector<32x32xf32>, vector<2000x32xf32> -> vector<2000x32xf32>
    %mul3A_101 = arith.constant 2.000000e+00 : f32
    %mul3A_102 = vector.broadcast %mul3A_101 : f32 to vector<1x32xf32>
    %mul3A_103 = arith.mulf %mul3A_102, %slice3A_21 : vector<1x32xf32>
    %mul3A_104 = vector.broadcast %mul3A_103 : vector<1x32xf32> to vector<2000x32xf32>
    %mul3A_105 = arith.mulf %mul3A_104, %mul3A_16 : vector<2000x32xf32>
    %add3A_106 = vector.broadcast %slice3A_20 : vector<1x32xf32> to vector<2000x32xf32>
    %add3A_107 = arith.addf %add3A_106, %mul3A_105 : vector<2000x32xf32>
    %mul3A_108 = arith.constant 3.000000e+00 : f32
    %mul3A_109 = vector.broadcast %mul3A_108 : f32 to vector<1x32xf32>
    %mul3A_110 = arith.mulf %mul3A_109, %slice3A_22 : vector<1x32xf32>
    %mul3A_111 = vector.broadcast %mul3A_110 : vector<1x32xf32> to vector<2000x32xf32>
    %mul3A_112 = arith.mulf %mul3A_111, %mul3A_16 : vector<2000x32xf32>
    %mul3A_113 = arith.mulf %mul3A_112, %mul3A_16 : vector<2000x32xf32>
    %add3A_114 = arith.addf %add3A_107, %mul3A_113 : vector<2000x32xf32>
    %mul3A_115 = arith.mulf %dot_general3A_100, %add3A_114 : vector<2000x32xf32>
    %mul3A_116 = arith.constant 3.125000e-02 : f32
    %mul3A_117 = vector.broadcast %mul3A_116 : f32 to vector<2000x32xf32>
    %mul3A_118 = arith.mulf %mul3A_115, %mul3A_117 : vector<2000x32xf32>
    %swap3A_119 = arith.constant 0 : index
    %swap3A_120 = arith.constant 0 : index
    %swap3A_121 = vector.load %arg13[%swap3A_119, %swap3A_120] : memref<2000x32xf32, #tpu.memory_space<vmem>>, vector<2000x32xf32>
    tpu.vector_store %arg13[%swap3A_119, %swap3A_120], %mul3A_118 {strides = array<i32>} : memref<2000x32xf32, #tpu.memory_space<vmem>>, vector<2000x32xf32>,
    %get3A_122 = arith.constant 0 : index
    %get3A_123 = arith.constant 0 : index
    %get3A_124 = vector.load %arg9[%get3A_122, %get3A_123] : memref<32x32xf32, #tpu.memory_space<vmem>>, vector<32x32xf32>
    %dot_general3A_125 = arith.constant dense<0.000000e+00> : vector<2000x32xf32>
    %dot_general3A_126 = tpu.matmul %dot_general3A_95, %get3A_124, %dot_general3A_125 {dimension_numbers = #tpu.dot_dimension_numbers<[1], [0], [0], [1], [0, 0, 1, 1], [], []>, transpose_lhs_hint = false} : vector<2000x32xf32>, vector<32x32xf32>, vector<2000x32xf32> -> vector<2000x32xf32>
    %get3A_127 = arith.constant 0 : index
    %get3A_128 = arith.constant 0 : index
    %get3A_129 = vector.load %arg12[%get3A_127, %get3A_128] : memref<1x32xf32, #tpu.memory_space<vmem>>, vector<1x32xf32>
    %add3A_130 = vector.broadcast %get3A_129 : vector<1x32xf32> to vector<2000x32xf32>
    %add3A_131 = arith.addf %dot_general3A_126, %add3A_130 : vector<2000x32xf32>
    %swap3A_132 = arith.constant 0 : index
    %swap3A_133 = arith.constant 0 : index
    %swap3A_134 = vector.load %arg14[%swap3A_132, %swap3A_133] : memref<2000x32xf32, #tpu.memory_space<vmem>>, vector<2000x32xf32>
    tpu.vector_store %arg14[%swap3A_132, %swap3A_133], %add3A_131 {strides = array<i32>} : memref<2000x32xf32, #tpu.memory_space<vmem>>, vector<2000x32xf32>,
    return
  }
  func.func @transform_0(%arg0: i32) -> (i32, i32, i32) {
    %c0_i32 = arith.constant 0 : i32
    %c0_i32_0 = arith.constant 0 : i32
    %c0_i32_1 = arith.constant 0 : i32
    return %c0_i32, %arg0, %c0_i32_0 : i32, i32, i32
  }
  func.func @transform_1(%arg0: i32) -> (i32, i32) {
    %c0_i32 = arith.constant 0 : i32
    %c0_i32_0 = arith.constant 0 : i32
    return %arg0, %c0_i32 : i32, i32
  }
  func.func @transform_2(%arg0: i32) -> (i32, i32) {
    %c0_i32 = arith.constant 0 : i32
    %c0_i32_0 = arith.constant 0 : i32
    return %arg0, %c0_i32 : i32, i32
  }
  func.func @transform_3(%arg0: i32) -> (i32, i32) {
    %c0_i32 = arith.constant 0 : i32
    %c0_i32_0 = arith.constant 0 : i32
    %c0_i32_1 = arith.constant 0 : i32
    return %c0_i32, %c0_i32_0 : i32, i32
  }
  func.func @transform_4(%arg0: i32) -> (i32, i32) {
    %c0_i32 = arith.constant 0 : i32
    %c0_i32_0 = arith.constant 0 : i32
    %c0_i32_1 = arith.constant 0 : i32
    return %c0_i32, %c0_i32_0 : i32, i32
  }
  func.func @transform_5(%arg0: i32) -> (i32, i32) {
    %c0_i32 = arith.constant 0 : i32
    %c0_i32_0 = arith.constant 0 : i32
    %c0_i32_1 = arith.constant 0 : i32
    return %c0_i32, %c0_i32_0 : i32, i32
  }
  func.func @transform_6(%arg0: i32) -> (i32, i32) {
    %c0_i32 = arith.constant 0 : i32
    %c0_i32_0 = arith.constant 0 : i32
    %c0_i32_1 = arith.constant 0 : i32
    return %c0_i32, %c0_i32_0 : i32, i32
  }
  func.func @transform_7(%arg0: i32) -> (i32, i32) {
    %c0_i32 = arith.constant 0 : i32
    %c0_i32_0 = arith.constant 0 : i32
    %c0_i32_1 = arith.constant 0 : i32
    return %c0_i32, %c0_i32_0 : i32, i32
  }
  func.func @transform_8(%arg0: i32) -> (i32, i32) {
    %c0_i32 = arith.constant 0 : i32
    %c0_i32_0 = arith.constant 0 : i32
    %c0_i32_1 = arith.constant 0 : i32
    return %c0_i32, %c0_i32_0 : i32, i32
  }
  func.func @transform_9(%arg0: i32) -> (i32, i32) {
    %c0_i32 = arith.constant 0 : i32
    %c0_i32_0 = arith.constant 0 : i32
    %c0_i32_1 = arith.constant 0 : i32
    return %c0_i32, %c0_i32_0 : i32, i32
  }
  func.func @transform_10(%arg0: i32) -> (i32, i32) {
    %c0_i32 = arith.constant 0 : i32
    %c0_i32_0 = arith.constant 0 : i32
    %c0_i32_1 = arith.constant 0 : i32
    return %c0_i32, %c0_i32_0 : i32, i32
  }
  func.func @transform_11(%arg0: i32) -> (i32, i32) {
    %c0_i32 = arith.constant 0 : i32
    %c0_i32_0 = arith.constant 0 : i32
    %c0_i32_1 = arith.constant 0 : i32
    return %c0_i32, %c0_i32_0 : i32, i32
  }
  func.func @transform_12(%arg0: i32) -> (i32, i32) {
    %c0_i32 = arith.constant 0 : i32
    %c0_i32_0 = arith.constant 0 : i32
    return %arg0, %c0_i32 : i32, i32
  }
  func.func @transform_13(%arg0: i32) -> (i32, i32) {
    %c0_i32 = arith.constant 0 : i32
    %c0_i32_0 = arith.constant 0 : i32
    return %arg0, %c0_i32 : i32, i32
  }
  func.func @transform_14(%arg0: i32) -> (i32, i32) {
    %c0_i32 = arith.constant 0 : i32
    %c0_i32_0 = arith.constant 0 : i32
    return %arg0, %c0_i32 : i32, i32
  }
  func.func @transform_15(%arg0: i32) -> (i32, i32) {
    %c0_i32 = arith.constant 0 : i32
    %c0_i32_0 = arith.constant 0 : i32
    return %arg0, %c0_i32 : i32, i32
  }
}

module attributes {stable_mosaic.version = 14 : i64} {
  func.func @_edge1_bwd_body(%arg0: i32, %arg1: memref<1280x32xf32, #tpu.memory_space<vmem>>, %arg2: memref<1280x32xf32, #tpu.memory_space<vmem>>, %arg3: memref<1280x32xf32, #tpu.memory_space<vmem>>, %arg4: memref<8x64xf32, #tpu.memory_space<vmem>>, %arg5: memref<64x64xf32, #tpu.memory_space<vmem>>, %arg6: memref<64x32xf32, #tpu.memory_space<vmem>>, %arg7: memref<9x32x32xf32, #tpu.memory_space<vmem>>, %arg8: memref<32x64xf32, #tpu.memory_space<vmem>>, %arg9: memref<64x64xf32, #tpu.memory_space<vmem>>, %arg10: memref<64x8xf32, #tpu.memory_space<vmem>>, %arg11: memref<1280x32xf32, #tpu.memory_space<vmem>>, %arg12: memref<1280x24xf32, #tpu.memory_space<vmem>>) attributes {dimension_semantics = [#tpu.dimension_semantics<arbitrary>], iteration_bounds = array<i64: 1250>, scalar_prefetch = 0 : i64, scratch_operands = 0 : i64, tpu.core_type = #tpu.core_type<tc>, window_params = [{transform_indices = @transform_0, window_bounds = array<i64: 1280, 32>}, {transform_indices = @transform_1, window_bounds = array<i64: 1280, 32>}, {transform_indices = @transform_2, window_bounds = array<i64: 1280, 32>}, {pipeline_mode = #tpu.pipeline_mode<synchronous>, transform_indices = @transform_3, window_bounds = array<i64: 8, 64>}, {pipeline_mode = #tpu.pipeline_mode<synchronous>, transform_indices = @transform_4, window_bounds = array<i64: 64, 64>}, {pipeline_mode = #tpu.pipeline_mode<synchronous>, transform_indices = @transform_5, window_bounds = array<i64: 64, 32>}, {pipeline_mode = #tpu.pipeline_mode<synchronous>, transform_indices = @transform_6, window_bounds = array<i64: 9, 32, 32>}, {pipeline_mode = #tpu.pipeline_mode<synchronous>, transform_indices = @transform_7, window_bounds = array<i64: 32, 64>}, {pipeline_mode = #tpu.pipeline_mode<synchronous>, transform_indices = @transform_8, window_bounds = array<i64: 64, 64>}, {pipeline_mode = #tpu.pipeline_mode<synchronous>, transform_indices = @transform_9, window_bounds = array<i64: 64, 8>}, {transform_indices = @transform_10, window_bounds = array<i64: 1280, 32>}, {transform_indices = @transform_11, window_bounds = array<i64: 1280, 24>}]} {
    %get3A = arith.constant 0 : index
    %get3A_0 = arith.constant 0 : index
    %get3A_1 = vector.load %arg1[%get3A, %get3A_0] : memref<1280x32xf32, #tpu.memory_space<vmem>>, vector<1280x32xf32>
    %slice3A = vector.extract_strided_slice %get3A_1 {offsets = [0, 4], sizes = [1280, 9], strides = [1, 1]} : vector<1280x32xf32> to vector<1280x9xf32>
    %slice3A_2 = vector.extract_strided_slice %get3A_1 {offsets = [0, 13], sizes = [1280, 8], strides = [1, 1]} : vector<1280x32xf32> to vector<1280x8xf32>
    %get3A_3 = arith.constant 0 : index
    %get3A_4 = arith.constant 0 : index
    %get3A_5 = vector.load %arg4[%get3A_3, %get3A_4] : memref<8x64xf32, #tpu.memory_space<vmem>>, vector<8x64xf32>
    %get3A_6 = arith.constant 0 : index
    %get3A_7 = arith.constant 0 : index
    %get3A_8 = vector.load %arg5[%get3A_6, %get3A_7] : memref<64x64xf32, #tpu.memory_space<vmem>>, vector<64x64xf32>
    %get3A_9 = arith.constant 0 : index
    %get3A_10 = arith.constant 0 : index
    %get3A_11 = vector.load %arg6[%get3A_9, %get3A_10] : memref<64x32xf32, #tpu.memory_space<vmem>>, vector<64x32xf32>
    %dot_general3A = arith.constant dense<0.000000e+00> : vector<1280x64xf32>
    %dot_general3A_12 = tpu.matmul %slice3A_2, %get3A_5, %dot_general3A {dimension_numbers = #tpu.dot_dimension_numbers<[1], [0], [0], [1], [0, 0, 1, 1], [], []>, transpose_lhs_hint = false} : vector<1280x8xf32>, vector<8x64xf32>, vector<1280x64xf32> -> vector<1280x64xf32>
    %logistic3A = arith.negf %dot_general3A_12 : vector<1280x64xf32>
    %logistic3A_13 = math.exp %logistic3A : vector<1280x64xf32>
    %logistic3A_14 = arith.constant 1.000000e+00 : f32
    %logistic3A_15 = vector.broadcast %logistic3A_14 : f32 to vector<1280x64xf32>
    %logistic3A_16 = arith.addf %logistic3A_15, %logistic3A_13 : vector<1280x64xf32>
    %logistic3A_17 = arith.divf %logistic3A_15, %logistic3A_16 : vector<1280x64xf32>
    %mul3A = arith.mulf %dot_general3A_12, %logistic3A_17 : vector<1280x64xf32>
    %dot_general3A_18 = arith.constant dense<0.000000e+00> : vector<1280x64xf32>
    %dot_general3A_19 = tpu.matmul %mul3A, %get3A_8, %dot_general3A_18 {dimension_numbers = #tpu.dot_dimension_numbers<[1], [0], [0], [1], [0, 0, 1, 1], [], []>, transpose_lhs_hint = false} : vector<1280x64xf32>, vector<64x64xf32>, vector<1280x64xf32> -> vector<1280x64xf32>
    %logistic3A_20 = arith.negf %dot_general3A_19 : vector<1280x64xf32>
    %logistic3A_21 = math.exp %logistic3A_20 : vector<1280x64xf32>
    %logistic3A_22 = arith.constant 1.000000e+00 : f32
    %logistic3A_23 = vector.broadcast %logistic3A_22 : f32 to vector<1280x64xf32>
    %logistic3A_24 = arith.addf %logistic3A_23, %logistic3A_21 : vector<1280x64xf32>
    %logistic3A_25 = arith.divf %logistic3A_23, %logistic3A_24 : vector<1280x64xf32>
    %mul3A_26 = arith.mulf %dot_general3A_19, %logistic3A_25 : vector<1280x64xf32>
    %dot_general3A_27 = arith.constant dense<0.000000e+00> : vector<1280x32xf32>
    %dot_general3A_28 = tpu.matmul %mul3A_26, %get3A_11, %dot_general3A_27 {dimension_numbers = #tpu.dot_dimension_numbers<[1], [0], [0], [1], [0, 0, 1, 1], [], []>, transpose_lhs_hint = false} : vector<1280x64xf32>, vector<64x32xf32>, vector<1280x32xf32> -> vector<1280x32xf32>
    %get3A_29 = arith.constant 0 : index
    %get3A_30 = arith.constant 0 : index
    %get3A_31 = vector.load %arg2[%get3A_29, %get3A_30] : memref<1280x32xf32, #tpu.memory_space<vmem>>, vector<1280x32xf32>
    %mul3A_32 = arith.mulf %get3A_31, %dot_general3A_28 : vector<1280x32xf32>
    %get3A_33 = arith.constant 0 : index
    %get3A_34 = arith.constant 0 : index
    %get3A_35 = vector.load %arg3[%get3A_33, %get3A_34] : memref<1280x32xf32, #tpu.memory_space<vmem>>, vector<1280x32xf32>
    %get3A_36 = arith.constant 0 : index
    %get3A_37 = arith.constant 0 : index
    %get3A_38 = arith.constant 0 : index
    %get3A_39 = vector.load %arg7[%get3A_36, %get3A_37, %get3A_38] : memref<9x32x32xf32, #tpu.memory_space<vmem>>, vector<9x32x32xf32>
    %broadcast_in_dim3A = arith.constant 0.000000e+00 : f32
    %broadcast_in_dim3A_40 = vector.broadcast %broadcast_in_dim3A : f32 to vector<1280x32xf32>
    %slice3A_41 = vector.extract_strided_slice %get3A_39 {offsets = [0, 0, 0], sizes = [1, 32, 32], strides = [1, 1, 1]} : vector<9x32x32xf32> to vector<1x32x32xf32>
    %squeeze3A = vector.shape_cast %slice3A_41 : vector<1x32x32xf32> to vector<32x32xf32>
    %dot_general3A_42 = arith.constant dense<0.000000e+00> : vector<1280x32xf32>
    %dot_general3A_43 = tpu.matmul %get3A_35, %squeeze3A, %dot_general3A_42 {dimension_numbers = #tpu.dot_dimension_numbers<[1], [0], [0], [1], [0, 0, 1, 1], [], []>, precision = #tpu.contract_precision<fp32>, transpose_lhs_hint = false} : vector<1280x32xf32>, vector<32x32xf32>, vector<1280x32xf32> -> vector<1280x32xf32>
    %slice3A_44 = vector.extract_strided_slice %slice3A {offsets = [0, 0], sizes = [1280, 1], strides = [1, 1]} : vector<1280x9xf32> to vector<1280x1xf32>
    %mul3A_45 = vector.broadcast %slice3A_44 : vector<1280x1xf32> to vector<1280x32xf32>
    %mul3A_46 = arith.mulf %mul3A_45, %dot_general3A_43 : vector<1280x32xf32>
    %add3A = arith.addf %broadcast_in_dim3A_40, %mul3A_46 : vector<1280x32xf32>
    %mul3A_47 = arith.mulf %mul3A_32, %dot_general3A_43 : vector<1280x32xf32>
    %reduce_sum3A = arith.constant dense<0.000000e+00> : vector<1280xf32>
    %reduce_sum3A_48 = vector.multi_reduction <add>, %mul3A_47, %reduce_sum3A [1] : vector<1280x32xf32> to vector<1280xf32>
    %broadcast_in_dim3A_49 = vector.shape_cast %reduce_sum3A_48 : vector<1280xf32> to vector<1280x1xf32>
    %slice3A_50 = vector.extract_strided_slice %get3A_39 {offsets = [1, 0, 0], sizes = [1, 32, 32], strides = [1, 1, 1]} : vector<9x32x32xf32> to vector<1x32x32xf32>
    %squeeze3A_51 = vector.shape_cast %slice3A_50 : vector<1x32x32xf32> to vector<32x32xf32>
    %dot_general3A_52 = arith.constant dense<0.000000e+00> : vector<1280x32xf32>
    %dot_general3A_53 = tpu.matmul %get3A_35, %squeeze3A_51, %dot_general3A_52 {dimension_numbers = #tpu.dot_dimension_numbers<[1], [0], [0], [1], [0, 0, 1, 1], [], []>, precision = #tpu.contract_precision<fp32>, transpose_lhs_hint = false} : vector<1280x32xf32>, vector<32x32xf32>, vector<1280x32xf32> -> vector<1280x32xf32>
    %slice3A_54 = vector.extract_strided_slice %slice3A {offsets = [0, 1], sizes = [1280, 1], strides = [1, 1]} : vector<1280x9xf32> to vector<1280x1xf32>
    %mul3A_55 = vector.broadcast %slice3A_54 : vector<1280x1xf32> to vector<1280x32xf32>
    %mul3A_56 = arith.mulf %mul3A_55, %dot_general3A_53 : vector<1280x32xf32>
    %add3A_57 = arith.addf %add3A, %mul3A_56 : vector<1280x32xf32>
    %mul3A_58 = arith.mulf %mul3A_32, %dot_general3A_53 : vector<1280x32xf32>
    %reduce_sum3A_59 = arith.constant dense<0.000000e+00> : vector<1280xf32>
    %reduce_sum3A_60 = vector.multi_reduction <add>, %mul3A_58, %reduce_sum3A_59 [1] : vector<1280x32xf32> to vector<1280xf32>
    %broadcast_in_dim3A_61 = vector.shape_cast %reduce_sum3A_60 : vector<1280xf32> to vector<1280x1xf32>
    %slice3A_62 = vector.extract_strided_slice %get3A_39 {offsets = [2, 0, 0], sizes = [1, 32, 32], strides = [1, 1, 1]} : vector<9x32x32xf32> to vector<1x32x32xf32>
    %squeeze3A_63 = vector.shape_cast %slice3A_62 : vector<1x32x32xf32> to vector<32x32xf32>
    %dot_general3A_64 = arith.constant dense<0.000000e+00> : vector<1280x32xf32>
    %dot_general3A_65 = tpu.matmul %get3A_35, %squeeze3A_63, %dot_general3A_64 {dimension_numbers = #tpu.dot_dimension_numbers<[1], [0], [0], [1], [0, 0, 1, 1], [], []>, precision = #tpu.contract_precision<fp32>, transpose_lhs_hint = false} : vector<1280x32xf32>, vector<32x32xf32>, vector<1280x32xf32> -> vector<1280x32xf32>
    %slice3A_66 = vector.extract_strided_slice %slice3A {offsets = [0, 2], sizes = [1280, 1], strides = [1, 1]} : vector<1280x9xf32> to vector<1280x1xf32>
    %mul3A_67 = vector.broadcast %slice3A_66 : vector<1280x1xf32> to vector<1280x32xf32>
    %mul3A_68 = arith.mulf %mul3A_67, %dot_general3A_65 : vector<1280x32xf32>
    %add3A_69 = arith.addf %add3A_57, %mul3A_68 : vector<1280x32xf32>
    %mul3A_70 = arith.mulf %mul3A_32, %dot_general3A_65 : vector<1280x32xf32>
    %reduce_sum3A_71 = arith.constant dense<0.000000e+00> : vector<1280xf32>
    %reduce_sum3A_72 = vector.multi_reduction <add>, %mul3A_70, %reduce_sum3A_71 [1] : vector<1280x32xf32> to vector<1280xf32>
    %broadcast_in_dim3A_73 = vector.shape_cast %reduce_sum3A_72 : vector<1280xf32> to vector<1280x1xf32>
    %slice3A_74 = vector.extract_strided_slice %get3A_39 {offsets = [3, 0, 0], sizes = [1, 32, 32], strides = [1, 1, 1]} : vector<9x32x32xf32> to vector<1x32x32xf32>
    %squeeze3A_75 = vector.shape_cast %slice3A_74 : vector<1x32x32xf32> to vector<32x32xf32>
    %dot_general3A_76 = arith.constant dense<0.000000e+00> : vector<1280x32xf32>
    %dot_general3A_77 = tpu.matmul %get3A_35, %squeeze3A_75, %dot_general3A_76 {dimension_numbers = #tpu.dot_dimension_numbers<[1], [0], [0], [1], [0, 0, 1, 1], [], []>, precision = #tpu.contract_precision<fp32>, transpose_lhs_hint = false} : vector<1280x32xf32>, vector<32x32xf32>, vector<1280x32xf32> -> vector<1280x32xf32>
    %slice3A_78 = vector.extract_strided_slice %slice3A {offsets = [0, 3], sizes = [1280, 1], strides = [1, 1]} : vector<1280x9xf32> to vector<1280x1xf32>
    %mul3A_79 = vector.broadcast %slice3A_78 : vector<1280x1xf32> to vector<1280x32xf32>
    %mul3A_80 = arith.mulf %mul3A_79, %dot_general3A_77 : vector<1280x32xf32>
    %add3A_81 = arith.addf %add3A_69, %mul3A_80 : vector<1280x32xf32>
    %mul3A_82 = arith.mulf %mul3A_32, %dot_general3A_77 : vector<1280x32xf32>
    %reduce_sum3A_83 = arith.constant dense<0.000000e+00> : vector<1280xf32>
    %reduce_sum3A_84 = vector.multi_reduction <add>, %mul3A_82, %reduce_sum3A_83 [1] : vector<1280x32xf32> to vector<1280xf32>
    %broadcast_in_dim3A_85 = vector.shape_cast %reduce_sum3A_84 : vector<1280xf32> to vector<1280x1xf32>
    %slice3A_86 = vector.extract_strided_slice %get3A_39 {offsets = [4, 0, 0], sizes = [1, 32, 32], strides = [1, 1, 1]} : vector<9x32x32xf32> to vector<1x32x32xf32>
    %squeeze3A_87 = vector.shape_cast %slice3A_86 : vector<1x32x32xf32> to vector<32x32xf32>
    %dot_general3A_88 = arith.constant dense<0.000000e+00> : vector<1280x32xf32>
    %dot_general3A_89 = tpu.matmul %get3A_35, %squeeze3A_87, %dot_general3A_88 {dimension_numbers = #tpu.dot_dimension_numbers<[1], [0], [0], [1], [0, 0, 1, 1], [], []>, precision = #tpu.contract_precision<fp32>, transpose_lhs_hint = false} : vector<1280x32xf32>, vector<32x32xf32>, vector<1280x32xf32> -> vector<1280x32xf32>
    %slice3A_90 = vector.extract_strided_slice %slice3A {offsets = [0, 4], sizes = [1280, 1], strides = [1, 1]} : vector<1280x9xf32> to vector<1280x1xf32>
    %mul3A_91 = vector.broadcast %slice3A_90 : vector<1280x1xf32> to vector<1280x32xf32>
    %mul3A_92 = arith.mulf %mul3A_91, %dot_general3A_89 : vector<1280x32xf32>
    %add3A_93 = arith.addf %add3A_81, %mul3A_92 : vector<1280x32xf32>
    %mul3A_94 = arith.mulf %mul3A_32, %dot_general3A_89 : vector<1280x32xf32>
    %reduce_sum3A_95 = arith.constant dense<0.000000e+00> : vector<1280xf32>
    %reduce_sum3A_96 = vector.multi_reduction <add>, %mul3A_94, %reduce_sum3A_95 [1] : vector<1280x32xf32> to vector<1280xf32>
    %broadcast_in_dim3A_97 = vector.shape_cast %reduce_sum3A_96 : vector<1280xf32> to vector<1280x1xf32>
    %slice3A_98 = vector.extract_strided_slice %get3A_39 {offsets = [5, 0, 0], sizes = [1, 32, 32], strides = [1, 1, 1]} : vector<9x32x32xf32> to vector<1x32x32xf32>
    %squeeze3A_99 = vector.shape_cast %slice3A_98 : vector<1x32x32xf32> to vector<32x32xf32>
    %dot_general3A_100 = arith.constant dense<0.000000e+00> : vector<1280x32xf32>
    %dot_general3A_101 = tpu.matmul %get3A_35, %squeeze3A_99, %dot_general3A_100 {dimension_numbers = #tpu.dot_dimension_numbers<[1], [0], [0], [1], [0, 0, 1, 1], [], []>, precision = #tpu.contract_precision<fp32>, transpose_lhs_hint = false} : vector<1280x32xf32>, vector<32x32xf32>, vector<1280x32xf32> -> vector<1280x32xf32>
    %slice3A_102 = vector.extract_strided_slice %slice3A {offsets = [0, 5], sizes = [1280, 1], strides = [1, 1]} : vector<1280x9xf32> to vector<1280x1xf32>
    %mul3A_103 = vector.broadcast %slice3A_102 : vector<1280x1xf32> to vector<1280x32xf32>
    %mul3A_104 = arith.mulf %mul3A_103, %dot_general3A_101 : vector<1280x32xf32>
    %add3A_105 = arith.addf %add3A_93, %mul3A_104 : vector<1280x32xf32>
    %mul3A_106 = arith.mulf %mul3A_32, %dot_general3A_101 : vector<1280x32xf32>
    %reduce_sum3A_107 = arith.constant dense<0.000000e+00> : vector<1280xf32>
    %reduce_sum3A_108 = vector.multi_reduction <add>, %mul3A_106, %reduce_sum3A_107 [1] : vector<1280x32xf32> to vector<1280xf32>
    %broadcast_in_dim3A_109 = vector.shape_cast %reduce_sum3A_108 : vector<1280xf32> to vector<1280x1xf32>
    %slice3A_110 = vector.extract_strided_slice %get3A_39 {offsets = [6, 0, 0], sizes = [1, 32, 32], strides = [1, 1, 1]} : vector<9x32x32xf32> to vector<1x32x32xf32>
    %squeeze3A_111 = vector.shape_cast %slice3A_110 : vector<1x32x32xf32> to vector<32x32xf32>
    %dot_general3A_112 = arith.constant dense<0.000000e+00> : vector<1280x32xf32>
    %dot_general3A_113 = tpu.matmul %get3A_35, %squeeze3A_111, %dot_general3A_112 {dimension_numbers = #tpu.dot_dimension_numbers<[1], [0], [0], [1], [0, 0, 1, 1], [], []>, precision = #tpu.contract_precision<fp32>, transpose_lhs_hint = false} : vector<1280x32xf32>, vector<32x32xf32>, vector<1280x32xf32> -> vector<1280x32xf32>
    %slice3A_114 = vector.extract_strided_slice %slice3A {offsets = [0, 6], sizes = [1280, 1], strides = [1, 1]} : vector<1280x9xf32> to vector<1280x1xf32>
    %mul3A_115 = vector.broadcast %slice3A_114 : vector<1280x1xf32> to vector<1280x32xf32>
    %mul3A_116 = arith.mulf %mul3A_115, %dot_general3A_113 : vector<1280x32xf32>
    %add3A_117 = arith.addf %add3A_105, %mul3A_116 : vector<1280x32xf32>
    %mul3A_118 = arith.mulf %mul3A_32, %dot_general3A_113 : vector<1280x32xf32>
    %reduce_sum3A_119 = arith.constant dense<0.000000e+00> : vector<1280xf32>
    %reduce_sum3A_120 = vector.multi_reduction <add>, %mul3A_118, %reduce_sum3A_119 [1] : vector<1280x32xf32> to vector<1280xf32>
    %broadcast_in_dim3A_121 = vector.shape_cast %reduce_sum3A_120 : vector<1280xf32> to vector<1280x1xf32>
    %slice3A_122 = vector.extract_strided_slice %get3A_39 {offsets = [7, 0, 0], sizes = [1, 32, 32], strides = [1, 1, 1]} : vector<9x32x32xf32> to vector<1x32x32xf32>
    %squeeze3A_123 = vector.shape_cast %slice3A_122 : vector<1x32x32xf32> to vector<32x32xf32>
    %dot_general3A_124 = arith.constant dense<0.000000e+00> : vector<1280x32xf32>
    %dot_general3A_125 = tpu.matmul %get3A_35, %squeeze3A_123, %dot_general3A_124 {dimension_numbers = #tpu.dot_dimension_numbers<[1], [0], [0], [1], [0, 0, 1, 1], [], []>, precision = #tpu.contract_precision<fp32>, transpose_lhs_hint = false} : vector<1280x32xf32>, vector<32x32xf32>, vector<1280x32xf32> -> vector<1280x32xf32>
    %slice3A_126 = vector.extract_strided_slice %slice3A {offsets = [0, 7], sizes = [1280, 1], strides = [1, 1]} : vector<1280x9xf32> to vector<1280x1xf32>
    %mul3A_127 = vector.broadcast %slice3A_126 : vector<1280x1xf32> to vector<1280x32xf32>
    %mul3A_128 = arith.mulf %mul3A_127, %dot_general3A_125 : vector<1280x32xf32>
    %add3A_129 = arith.addf %add3A_117, %mul3A_128 : vector<1280x32xf32>
    %mul3A_130 = arith.mulf %mul3A_32, %dot_general3A_125 : vector<1280x32xf32>
    %reduce_sum3A_131 = arith.constant dense<0.000000e+00> : vector<1280xf32>
    %reduce_sum3A_132 = vector.multi_reduction <add>, %mul3A_130, %reduce_sum3A_131 [1] : vector<1280x32xf32> to vector<1280xf32>
    %broadcast_in_dim3A_133 = vector.shape_cast %reduce_sum3A_132 : vector<1280xf32> to vector<1280x1xf32>
    %slice3A_134 = vector.extract_strided_slice %get3A_39 {offsets = [8, 0, 0], sizes = [1, 32, 32], strides = [1, 1, 1]} : vector<9x32x32xf32> to vector<1x32x32xf32>
    %squeeze3A_135 = vector.shape_cast %slice3A_134 : vector<1x32x32xf32> to vector<32x32xf32>
    %dot_general3A_136 = arith.constant dense<0.000000e+00> : vector<1280x32xf32>
    %dot_general3A_137 = tpu.matmul %get3A_35, %squeeze3A_135, %dot_general3A_136 {dimension_numbers = #tpu.dot_dimension_numbers<[1], [0], [0], [1], [0, 0, 1, 1], [], []>, precision = #tpu.contract_precision<fp32>, transpose_lhs_hint = false} : vector<1280x32xf32>, vector<32x32xf32>, vector<1280x32xf32> -> vector<1280x32xf32>
    %slice3A_138 = vector.extract_strided_slice %slice3A {offsets = [0, 8], sizes = [1280, 1], strides = [1, 1]} : vector<1280x9xf32> to vector<1280x1xf32>
    %mul3A_139 = vector.broadcast %slice3A_138 : vector<1280x1xf32> to vector<1280x32xf32>
    %mul3A_140 = arith.mulf %mul3A_139, %dot_general3A_137 : vector<1280x32xf32>
    %add3A_141 = arith.addf %add3A_129, %mul3A_140 : vector<1280x32xf32>
    %mul3A_142 = arith.mulf %mul3A_32, %dot_general3A_137 : vector<1280x32xf32>
    %reduce_sum3A_143 = arith.constant dense<0.000000e+00> : vector<1280xf32>
    %reduce_sum3A_144 = vector.multi_reduction <add>, %mul3A_142, %reduce_sum3A_143 [1] : vector<1280x32xf32> to vector<1280xf32>
    %broadcast_in_dim3A_145 = vector.shape_cast %reduce_sum3A_144 : vector<1280xf32> to vector<1280x1xf32>
    %concatenate3A = tpu.concatenate %broadcast_in_dim3A_49, %broadcast_in_dim3A_61, %broadcast_in_dim3A_73, %broadcast_in_dim3A_85, %broadcast_in_dim3A_97, %broadcast_in_dim3A_109, %broadcast_in_dim3A_121, %broadcast_in_dim3A_133, %broadcast_in_dim3A_145 in 1 : vector<1280x1xf32>, vector<1280x1xf32>, vector<1280x1xf32>, vector<1280x1xf32>, vector<1280x1xf32>, vector<1280x1xf32>, vector<1280x1xf32>, vector<1280x1xf32>, vector<1280x1xf32> -> vector<1280x9xf32>
    %mul3A_146 = arith.mulf %add3A_141, %dot_general3A_28 : vector<1280x32xf32>
    %swap3A = arith.constant 0 : index
    %swap3A_147 = arith.constant 0 : index
    %swap3A_148 = vector.load %arg11[%swap3A, %swap3A_147] : memref<1280x32xf32, #tpu.memory_space<vmem>>, vector<1280x32xf32>
    tpu.vector_store %arg11[%swap3A, %swap3A_147], %mul3A_146 {strides = array<i32>} : memref<1280x32xf32, #tpu.memory_space<vmem>>, vector<1280x32xf32>,
    %mul3A_149 = arith.mulf %add3A_141, %get3A_31 : vector<1280x32xf32>
    %get3A_150 = arith.constant 0 : index
    %get3A_151 = arith.constant 0 : index
    %get3A_152 = vector.load %arg8[%get3A_150, %get3A_151] : memref<32x64xf32, #tpu.memory_space<vmem>>, vector<32x64xf32>
    %get3A_153 = arith.constant 0 : index
    %get3A_154 = arith.constant 0 : index
    %get3A_155 = vector.load %arg9[%get3A_153, %get3A_154] : memref<64x64xf32, #tpu.memory_space<vmem>>, vector<64x64xf32>
    %get3A_156 = arith.constant 0 : index
    %get3A_157 = arith.constant 0 : index
    %get3A_158 = vector.load %arg10[%get3A_156, %get3A_157] : memref<64x8xf32, #tpu.memory_space<vmem>>, vector<64x8xf32>
    %dot_general3A_159 = arith.constant dense<0.000000e+00> : vector<1280x64xf32>
    %dot_general3A_160 = tpu.matmul %mul3A_149, %get3A_152, %dot_general3A_159 {dimension_numbers = #tpu.dot_dimension_numbers<[1], [0], [0], [1], [0, 0, 1, 1], [], []>, transpose_lhs_hint = false} : vector<1280x32xf32>, vector<32x64xf32>, vector<1280x64xf32> -> vector<1280x64xf32>
    %logistic3A_161 = arith.negf %dot_general3A_19 : vector<1280x64xf32>
    %logistic3A_162 = math.exp %logistic3A_161 : vector<1280x64xf32>
    %logistic3A_163 = arith.constant 1.000000e+00 : f32
    %logistic3A_164 = vector.broadcast %logistic3A_163 : f32 to vector<1280x64xf32>
    %logistic3A_165 = arith.addf %logistic3A_164, %logistic3A_162 : vector<1280x64xf32>
    %logistic3A_166 = arith.divf %logistic3A_164, %logistic3A_165 : vector<1280x64xf32>
    %sub3A = arith.constant 1.000000e+00 : f32
    %sub3A_167 = vector.broadcast %sub3A : f32 to vector<1280x64xf32>
    %sub3A_168 = arith.subf %sub3A_167, %logistic3A_166 : vector<1280x64xf32>
    %mul3A_169 = arith.mulf %dot_general3A_19, %sub3A_168 : vector<1280x64xf32>
    %add3A_170 = arith.constant 1.000000e+00 : f32
    %add3A_171 = vector.broadcast %add3A_170 : f32 to vector<1280x64xf32>
    %add3A_172 = arith.addf %add3A_171, %mul3A_169 : vector<1280x64xf32>
    %mul3A_173 = arith.mulf %logistic3A_166, %add3A_172 : vector<1280x64xf32>
    %mul3A_174 = arith.mulf %dot_general3A_160, %mul3A_173 : vector<1280x64xf32>
    %dot_general3A_175 = arith.constant dense<0.000000e+00> : vector<1280x64xf32>
    %dot_general3A_176 = tpu.matmul %mul3A_174, %get3A_155, %dot_general3A_175 {dimension_numbers = #tpu.dot_dimension_numbers<[1], [0], [0], [1], [0, 0, 1, 1], [], []>, transpose_lhs_hint = false} : vector<1280x64xf32>, vector<64x64xf32>, vector<1280x64xf32> -> vector<1280x64xf32>
    %logistic3A_177 = arith.negf %dot_general3A_12 : vector<1280x64xf32>
    %logistic3A_178 = math.exp %logistic3A_177 : vector<1280x64xf32>
    %logistic3A_179 = arith.constant 1.000000e+00 : f32
    %logistic3A_180 = vector.broadcast %logistic3A_179 : f32 to vector<1280x64xf32>
    %logistic3A_181 = arith.addf %logistic3A_180, %logistic3A_178 : vector<1280x64xf32>
    %logistic3A_182 = arith.divf %logistic3A_180, %logistic3A_181 : vector<1280x64xf32>
    %sub3A_183 = arith.constant 1.000000e+00 : f32
    %sub3A_184 = vector.broadcast %sub3A_183 : f32 to vector<1280x64xf32>
    %sub3A_185 = arith.subf %sub3A_184, %logistic3A_182 : vector<1280x64xf32>
    %mul3A_186 = arith.mulf %dot_general3A_12, %sub3A_185 : vector<1280x64xf32>
    %add3A_187 = arith.constant 1.000000e+00 : f32
    %add3A_188 = vector.broadcast %add3A_187 : f32 to vector<1280x64xf32>
    %add3A_189 = arith.addf %add3A_188, %mul3A_186 : vector<1280x64xf32>
    %mul3A_190 = arith.mulf %logistic3A_182, %add3A_189 : vector<1280x64xf32>
    %mul3A_191 = arith.mulf %dot_general3A_176, %mul3A_190 : vector<1280x64xf32>
    %dot_general3A_192 = arith.constant dense<0.000000e+00> : vector<1280x8xf32>
    %dot_general3A_193 = tpu.matmul %mul3A_191, %get3A_158, %dot_general3A_192 {dimension_numbers = #tpu.dot_dimension_numbers<[1], [0], [0], [1], [0, 0, 1, 1], [], []>, transpose_lhs_hint = false} : vector<1280x64xf32>, vector<64x8xf32>, vector<1280x8xf32> -> vector<1280x8xf32>
    %broadcast_in_dim3A_194 = arith.constant 0.000000e+00 : f32
    %broadcast_in_dim3A_195 = vector.broadcast %broadcast_in_dim3A_194 : f32 to vector<1280x7xf32>
    %concatenate3A_196 = tpu.concatenate %concatenate3A, %dot_general3A_193, %broadcast_in_dim3A_195 in 1 : vector<1280x9xf32>, vector<1280x8xf32>, vector<1280x7xf32> -> vector<1280x24xf32>
    %swap3A_197 = arith.constant 0 : index
    %swap3A_198 = arith.constant 0 : index
    %swap3A_199 = vector.load %arg12[%swap3A_197, %swap3A_198] : memref<1280x24xf32, #tpu.memory_space<vmem>>, vector<1280x24xf32>
    tpu.vector_store %arg12[%swap3A_197, %swap3A_198], %concatenate3A_196 {strides = array<i32>} : memref<1280x24xf32, #tpu.memory_space<vmem>>, vector<1280x24xf32>,
    return
  }
  func.func @transform_0(%arg0: i32) -> (i32, i32) {
    %c0_i32 = arith.constant 0 : i32
    %c0_i32_0 = arith.constant 0 : i32
    return %arg0, %c0_i32 : i32, i32
  }
  func.func @transform_1(%arg0: i32) -> (i32, i32) {
    %c0_i32 = arith.constant 0 : i32
    %c0_i32_0 = arith.constant 0 : i32
    return %arg0, %c0_i32 : i32, i32
  }
  func.func @transform_2(%arg0: i32) -> (i32, i32) {
    %c0_i32 = arith.constant 0 : i32
    %c0_i32_0 = arith.constant 0 : i32
    return %arg0, %c0_i32 : i32, i32
  }
  func.func @transform_3(%arg0: i32) -> (i32, i32) {
    %c0_i32 = arith.constant 0 : i32
    %c0_i32_0 = arith.constant 0 : i32
    %c0_i32_1 = arith.constant 0 : i32
    return %c0_i32, %c0_i32_0 : i32, i32
  }
  func.func @transform_4(%arg0: i32) -> (i32, i32) {
    %c0_i32 = arith.constant 0 : i32
    %c0_i32_0 = arith.constant 0 : i32
    %c0_i32_1 = arith.constant 0 : i32
    return %c0_i32, %c0_i32_0 : i32, i32
  }
  func.func @transform_5(%arg0: i32) -> (i32, i32) {
    %c0_i32 = arith.constant 0 : i32
    %c0_i32_0 = arith.constant 0 : i32
    %c0_i32_1 = arith.constant 0 : i32
    return %c0_i32, %c0_i32_0 : i32, i32
  }
  func.func @transform_6(%arg0: i32) -> (i32, i32, i32) {
    %c0_i32 = arith.constant 0 : i32
    %c0_i32_0 = arith.constant 0 : i32
    %c0_i32_1 = arith.constant 0 : i32
    %c0_i32_2 = arith.constant 0 : i32
    return %c0_i32, %c0_i32_0, %c0_i32_1 : i32, i32, i32
  }
  func.func @transform_7(%arg0: i32) -> (i32, i32) {
    %c0_i32 = arith.constant 0 : i32
    %c0_i32_0 = arith.constant 0 : i32
    %c0_i32_1 = arith.constant 0 : i32
    return %c0_i32, %c0_i32_0 : i32, i32
  }
  func.func @transform_8(%arg0: i32) -> (i32, i32) {
    %c0_i32 = arith.constant 0 : i32
    %c0_i32_0 = arith.constant 0 : i32
    %c0_i32_1 = arith.constant 0 : i32
    return %c0_i32, %c0_i32_0 : i32, i32
  }
  func.func @transform_9(%arg0: i32) -> (i32, i32) {
    %c0_i32 = arith.constant 0 : i32
    %c0_i32_0 = arith.constant 0 : i32
    %c0_i32_1 = arith.constant 0 : i32
    return %c0_i32, %c0_i32_0 : i32, i32
  }
  func.func @transform_10(%arg0: i32) -> (i32, i32) {
    %c0_i32 = arith.constant 0 : i32
    %c0_i32_0 = arith.constant 0 : i32
    return %arg0, %c0_i32 : i32, i32
  }
  func.func @transform_11(%arg0: i32) -> (i32, i32) {
    %c0_i32 = arith.constant 0 : i32
    %c0_i32_0 = arith.constant 0 : i32
    return %arg0, %c0_i32 : i32, i32
  }
}

module attributes {stable_mosaic.version = 14 : i64} {
  func.func @_node0_bwd_body(%arg0: i32, %arg1: memref<2000x32xf32, #tpu.memory_space<vmem>>, %arg2: memref<2x2000x32xf32, #tpu.memory_space<vmem>>, %arg3: memref<2000x32xf32, #tpu.memory_space<vmem>>, %arg4: memref<32x32xf32, #tpu.memory_space<vmem>>, %arg5: memref<3x32xf32, #tpu.memory_space<vmem>>, %arg6: memref<2000x32xf32, #tpu.memory_space<vmem>>) attributes {dimension_semantics = [#tpu.dimension_semantics<arbitrary>], iteration_bounds = array<i64: 25>, scalar_prefetch = 0 : i64, scratch_operands = 0 : i64, tpu.core_type = #tpu.core_type<tc>, window_params = [{transform_indices = @transform_0, window_bounds = array<i64: 2000, 32>}, {transform_indices = @transform_1, window_bounds = array<i64: 2, 2000, 32>}, {transform_indices = @transform_2, window_bounds = array<i64: 2000, 32>}, {pipeline_mode = #tpu.pipeline_mode<synchronous>, transform_indices = @transform_3, window_bounds = array<i64: 32, 32>}, {pipeline_mode = #tpu.pipeline_mode<synchronous>, transform_indices = @transform_4, window_bounds = array<i64: 3, 32>}, {transform_indices = @transform_5, window_bounds = array<i64: 2000, 32>}]} {
    %get3A = arith.constant 0 : index
    %get3A_0 = arith.constant 0 : index
    %get3A_1 = vector.load %arg1[%get3A, %get3A_0] : memref<2000x32xf32, #tpu.memory_space<vmem>>, vector<2000x32xf32>
    %get3A_2 = arith.constant 0 : index
    %get3A_3 = arith.constant 0 : index
    %get3A_4 = arith.constant 0 : index
    %get3A_5 = vector.load %arg2[%get3A_2, %get3A_3, %get3A_4] : memref<2x2000x32xf32, #tpu.memory_space<vmem>>, vector<1x2000x32xf32>
    %get3A_6 = vector.shape_cast %get3A_5 : vector<1x2000x32xf32> to vector<2000x32xf32>
    %add3A = arith.addf %get3A_1, %get3A_6 : vector<2000x32xf32>
    %get3A_7 = arith.constant 1 : index
    %get3A_8 = arith.constant 0 : index
    %get3A_9 = arith.constant 0 : index
    %get3A_10 = vector.load %arg2[%get3A_7, %get3A_8, %get3A_9] : memref<2x2000x32xf32, #tpu.memory_space<vmem>>, vector<1x2000x32xf32>
    %get3A_11 = vector.shape_cast %get3A_10 : vector<1x2000x32xf32> to vector<2000x32xf32>
    %add3A_12 = arith.addf %add3A, %get3A_11 : vector<2000x32xf32>
    %get3A_13 = arith.constant 0 : index
    %get3A_14 = arith.constant 0 : index
    %get3A_15 = vector.load %arg4[%get3A_13, %get3A_14] : memref<32x32xf32, #tpu.memory_space<vmem>>, vector<32x32xf32>
    %dot_general3A = arith.constant dense<0.000000e+00> : vector<2000x32xf32>
    %dot_general3A_16 = tpu.matmul %add3A_12, %get3A_15, %dot_general3A {dimension_numbers = #tpu.dot_dimension_numbers<[1], [0], [0], [1], [0, 0, 1, 1], [], []>, transpose_lhs_hint = false} : vector<2000x32xf32>, vector<32x32xf32>, vector<2000x32xf32> -> vector<2000x32xf32>
    %get3A_17 = arith.constant 0 : index
    %get3A_18 = arith.constant 0 : index
    %get3A_19 = vector.load %arg3[%get3A_17, %get3A_18] : memref<2000x32xf32, #tpu.memory_space<vmem>>, vector<2000x32xf32>
    %get3A_20 = arith.constant 0 : index
    %get3A_21 = arith.constant 0 : index
    %get3A_22 = vector.load %arg5[%get3A_20, %get3A_21] : memref<3x32xf32, #tpu.memory_space<vmem>>, vector<3x32xf32>
    %slice3A = vector.extract_strided_slice %get3A_22 {offsets = [0, 0], sizes = [1, 32], strides = [1, 1]} : vector<3x32xf32> to vector<1x32xf32>
    %slice3A_23 = vector.extract_strided_slice %get3A_22 {offsets = [1, 0], sizes = [1, 32], strides = [1, 1]} : vector<3x32xf32> to vector<1x32xf32>
    %slice3A_24 = vector.extract_strided_slice %get3A_22 {offsets = [2, 0], sizes = [1, 32], strides = [1, 1]} : vector<3x32xf32> to vector<1x32xf32>
    %mul3A = arith.constant 2.000000e+00 : f32
    %mul3A_25 = vector.broadcast %mul3A : f32 to vector<1x32xf32>
    %mul3A_26 = arith.mulf %mul3A_25, %slice3A_23 : vector<1x32xf32>
    %mul3A_27 = vector.broadcast %mul3A_26 : vector<1x32xf32> to vector<2000x32xf32>
    %mul3A_28 = arith.mulf %mul3A_27, %get3A_19 : vector<2000x32xf32>
    %add3A_29 = vector.broadcast %slice3A : vector<1x32xf32> to vector<2000x32xf32>
    %add3A_30 = arith.addf %add3A_29, %mul3A_28 : vector<2000x32xf32>
    %mul3A_31 = arith.constant 3.000000e+00 : f32
    %mul3A_32 = vector.broadcast %mul3A_31 : f32 to vector<1x32xf32>
    %mul3A_33 = arith.mulf %mul3A_32, %slice3A_24 : vector<1x32xf32>
    %mul3A_34 = vector.broadcast %mul3A_33 : vector<1x32xf32> to vector<2000x32xf32>
    %mul3A_35 = arith.mulf %mul3A_34, %get3A_19 : vector<2000x32xf32>
    %mul3A_36 = arith.mulf %mul3A_35, %get3A_19 : vector<2000x32xf32>
    %add3A_37 = arith.addf %add3A_30, %mul3A_36 : vector<2000x32xf32>
    %mul3A_38 = arith.mulf %dot_general3A_16, %add3A_37 : vector<2000x32xf32>
    %mul3A_39 = arith.constant 3.125000e-02 : f32
    %mul3A_40 = vector.broadcast %mul3A_39 : f32 to vector<2000x32xf32>
    %mul3A_41 = arith.mulf %mul3A_38, %mul3A_40 : vector<2000x32xf32>
    %swap3A = arith.constant 0 : index
    %swap3A_42 = arith.constant 0 : index
    %swap3A_43 = vector.load %arg6[%swap3A, %swap3A_42] : memref<2000x32xf32, #tpu.memory_space<vmem>>, vector<2000x32xf32>
    tpu.vector_store %arg6[%swap3A, %swap3A_42], %mul3A_41 {strides = array<i32>} : memref<2000x32xf32, #tpu.memory_space<vmem>>, vector<2000x32xf32>,
    return
  }
  func.func @transform_0(%arg0: i32) -> (i32, i32) {
    %c0_i32 = arith.constant 0 : i32
    %c0_i32_0 = arith.constant 0 : i32
    return %arg0, %c0_i32 : i32, i32
  }
  func.func @transform_1(%arg0: i32) -> (i32, i32, i32) {
    %c0_i32 = arith.constant 0 : i32
    %c0_i32_0 = arith.constant 0 : i32
    %c0_i32_1 = arith.constant 0 : i32
    return %c0_i32, %arg0, %c0_i32_0 : i32, i32, i32
  }
  func.func @transform_2(%arg0: i32) -> (i32, i32) {
    %c0_i32 = arith.constant 0 : i32
    %c0_i32_0 = arith.constant 0 : i32
    return %arg0, %c0_i32 : i32, i32
  }
  func.func @transform_3(%arg0: i32) -> (i32, i32) {
    %c0_i32 = arith.constant 0 : i32
    %c0_i32_0 = arith.constant 0 : i32
    %c0_i32_1 = arith.constant 0 : i32
    return %c0_i32, %c0_i32_0 : i32, i32
  }
  func.func @transform_4(%arg0: i32) -> (i32, i32) {
    %c0_i32 = arith.constant 0 : i32
    %c0_i32_0 = arith.constant 0 : i32
    %c0_i32_1 = arith.constant 0 : i32
    return %c0_i32, %c0_i32_0 : i32, i32
  }
  func.func @transform_5(%arg0: i32) -> (i32, i32) {
    %c0_i32 = arith.constant 0 : i32
    %c0_i32_0 = arith.constant 0 : i32
    return %arg0, %c0_i32 : i32, i32
  }
}

module attributes {stable_mosaic.version = 14 : i64} {
  func.func @_edge0_bwd_body(%arg0: i32, %arg1: memref<1280x32xf32, #tpu.memory_space<vmem>>, %arg2: memref<1280x32xf32, #tpu.memory_space<vmem>>, %arg3: memref<1280x24xf32, #tpu.memory_space<vmem>>, %arg4: memref<8x64xf32, #tpu.memory_space<vmem>>, %arg5: memref<64x64xf32, #tpu.memory_space<vmem>>, %arg6: memref<64x32xf32, #tpu.memory_space<vmem>>, %arg7: memref<9x32x32xf32, #tpu.memory_space<vmem>>, %arg8: memref<1x32xf32, #tpu.memory_space<vmem>>, %arg9: memref<32x64xf32, #tpu.memory_space<vmem>>, %arg10: memref<64x64xf32, #tpu.memory_space<vmem>>, %arg11: memref<64x8xf32, #tpu.memory_space<vmem>>, %arg12: memref<1280x8xf32, #tpu.memory_space<vmem>>) attributes {dimension_semantics = [#tpu.dimension_semantics<arbitrary>], iteration_bounds = array<i64: 1250>, scalar_prefetch = 0 : i64, scratch_operands = 0 : i64, tpu.core_type = #tpu.core_type<tc>, window_params = [{transform_indices = @transform_0, window_bounds = array<i64: 1280, 32>}, {transform_indices = @transform_1, window_bounds = array<i64: 1280, 32>}, {transform_indices = @transform_2, window_bounds = array<i64: 1280, 24>}, {pipeline_mode = #tpu.pipeline_mode<synchronous>, transform_indices = @transform_3, window_bounds = array<i64: 8, 64>}, {pipeline_mode = #tpu.pipeline_mode<synchronous>, transform_indices = @transform_4, window_bounds = array<i64: 64, 64>}, {pipeline_mode = #tpu.pipeline_mode<synchronous>, transform_indices = @transform_5, window_bounds = array<i64: 64, 32>}, {pipeline_mode = #tpu.pipeline_mode<synchronous>, transform_indices = @transform_6, window_bounds = array<i64: 9, 32, 32>}, {pipeline_mode = #tpu.pipeline_mode<synchronous>, transform_indices = @transform_7, window_bounds = array<i64: 1, 32>}, {pipeline_mode = #tpu.pipeline_mode<synchronous>, transform_indices = @transform_8, window_bounds = array<i64: 32, 64>}, {pipeline_mode = #tpu.pipeline_mode<synchronous>, transform_indices = @transform_9, window_bounds = array<i64: 64, 64>}, {pipeline_mode = #tpu.pipeline_mode<synchronous>, transform_indices = @transform_10, window_bounds = array<i64: 64, 8>}, {transform_indices = @transform_11, window_bounds = array<i64: 1280, 8>}]} {
    %get3A = arith.constant 0 : index
    %get3A_0 = arith.constant 0 : index
    %get3A_1 = vector.load %arg1[%get3A, %get3A_0] : memref<1280x32xf32, #tpu.memory_space<vmem>>, vector<1280x32xf32>
    %slice3A = vector.extract_strided_slice %get3A_1 {offsets = [0, 0], sizes = [1280, 3], strides = [1, 1]} : vector<1280x32xf32> to vector<1280x3xf32>
    %slice3A_2 = vector.extract_strided_slice %get3A_1 {offsets = [0, 3], sizes = [1280, 1], strides = [1, 1]} : vector<1280x32xf32> to vector<1280x1xf32>
    %slice3A_3 = vector.extract_strided_slice %get3A_1 {offsets = [0, 4], sizes = [1280, 9], strides = [1, 1]} : vector<1280x32xf32> to vector<1280x9xf32>
    %slice3A_4 = vector.extract_strided_slice %get3A_1 {offsets = [0, 13], sizes = [1280, 8], strides = [1, 1]} : vector<1280x32xf32> to vector<1280x8xf32>
    %get3A_5 = arith.constant 0 : index
    %get3A_6 = arith.constant 0 : index
    %get3A_7 = vector.load %arg4[%get3A_5, %get3A_6] : memref<8x64xf32, #tpu.memory_space<vmem>>, vector<8x64xf32>
    %get3A_8 = arith.constant 0 : index
    %get3A_9 = arith.constant 0 : index
    %get3A_10 = vector.load %arg5[%get3A_8, %get3A_9] : memref<64x64xf32, #tpu.memory_space<vmem>>, vector<64x64xf32>
    %get3A_11 = arith.constant 0 : index
    %get3A_12 = arith.constant 0 : index
    %get3A_13 = vector.load %arg6[%get3A_11, %get3A_12] : memref<64x32xf32, #tpu.memory_space<vmem>>, vector<64x32xf32>
    %dot_general3A = arith.constant dense<0.000000e+00> : vector<1280x64xf32>
    %dot_general3A_14 = tpu.matmul %slice3A_4, %get3A_7, %dot_general3A {dimension_numbers = #tpu.dot_dimension_numbers<[1], [0], [0], [1], [0, 0, 1, 1], [], []>, transpose_lhs_hint = false} : vector<1280x8xf32>, vector<8x64xf32>, vector<1280x64xf32> -> vector<1280x64xf32>
    %logistic3A = arith.negf %dot_general3A_14 : vector<1280x64xf32>
    %logistic3A_15 = math.exp %logistic3A : vector<1280x64xf32>
    %logistic3A_16 = arith.constant 1.000000e+00 : f32
    %logistic3A_17 = vector.broadcast %logistic3A_16 : f32 to vector<1280x64xf32>
    %logistic3A_18 = arith.addf %logistic3A_17, %logistic3A_15 : vector<1280x64xf32>
    %logistic3A_19 = arith.divf %logistic3A_17, %logistic3A_18 : vector<1280x64xf32>
    %mul3A = arith.mulf %dot_general3A_14, %logistic3A_19 : vector<1280x64xf32>
    %dot_general3A_20 = arith.constant dense<0.000000e+00> : vector<1280x64xf32>
    %dot_general3A_21 = tpu.matmul %mul3A, %get3A_10, %dot_general3A_20 {dimension_numbers = #tpu.dot_dimension_numbers<[1], [0], [0], [1], [0, 0, 1, 1], [], []>, transpose_lhs_hint = false} : vector<1280x64xf32>, vector<64x64xf32>, vector<1280x64xf32> -> vector<1280x64xf32>
    %logistic3A_22 = arith.negf %dot_general3A_21 : vector<1280x64xf32>
    %logistic3A_23 = math.exp %logistic3A_22 : vector<1280x64xf32>
    %logistic3A_24 = arith.constant 1.000000e+00 : f32
    %logistic3A_25 = vector.broadcast %logistic3A_24 : f32 to vector<1280x64xf32>
    %logistic3A_26 = arith.addf %logistic3A_25, %logistic3A_23 : vector<1280x64xf32>
    %logistic3A_27 = arith.divf %logistic3A_25, %logistic3A_26 : vector<1280x64xf32>
    %mul3A_28 = arith.mulf %dot_general3A_21, %logistic3A_27 : vector<1280x64xf32>
    %dot_general3A_29 = arith.constant dense<0.000000e+00> : vector<1280x32xf32>
    %dot_general3A_30 = tpu.matmul %mul3A_28, %get3A_13, %dot_general3A_29 {dimension_numbers = #tpu.dot_dimension_numbers<[1], [0], [0], [1], [0, 0, 1, 1], [], []>, transpose_lhs_hint = false} : vector<1280x64xf32>, vector<64x32xf32>, vector<1280x32xf32> -> vector<1280x32xf32>
    %get3A_31 = arith.constant 0 : index
    %get3A_32 = arith.constant 0 : index
    %get3A_33 = vector.load %arg8[%get3A_31, %get3A_32] : memref<1x32xf32, #tpu.memory_space<vmem>>, vector<1x32xf32>
    %mul3A_34 = vector.broadcast %get3A_33 : vector<1x32xf32> to vector<1280x32xf32>
    %mul3A_35 = arith.mulf %dot_general3A_30, %mul3A_34 : vector<1280x32xf32>
    %get3A_36 = arith.constant 0 : index
    %get3A_37 = arith.constant 0 : index
    %get3A_38 = vector.load %arg2[%get3A_36, %get3A_37] : memref<1280x32xf32, #tpu.memory_space<vmem>>, vector<1280x32xf32>
    %get3A_39 = arith.constant 0 : index
    %get3A_40 = arith.constant 0 : index
    %get3A_41 = vector.load %arg3[%get3A_39, %get3A_40] : memref<1280x24xf32, #tpu.memory_space<vmem>>, vector<1280x24xf32>
    %get3A_42 = arith.constant 0 : index
    %get3A_43 = arith.constant 0 : index
    %get3A_44 = arith.constant 0 : index
    %get3A_45 = vector.load %arg7[%get3A_42, %get3A_43, %get3A_44] : memref<9x32x32xf32, #tpu.memory_space<vmem>>, vector<9x32x32xf32>
    %broadcast_in_dim3A = arith.constant 0.000000e+00 : f32
    %broadcast_in_dim3A_46 = vector.broadcast %broadcast_in_dim3A : f32 to vector<1280x32xf32>
    %slice3A_47 = vector.extract_strided_slice %get3A_45 {offsets = [0, 0, 0], sizes = [1, 32, 32], strides = [1, 1, 1]} : vector<9x32x32xf32> to vector<1x32x32xf32>
    %squeeze3A = vector.shape_cast %slice3A_47 : vector<1x32x32xf32> to vector<32x32xf32>
    %dot_general3A_48 = arith.constant dense<0.000000e+00> : vector<1280x32xf32>
    %dot_general3A_49 = tpu.matmul %get3A_38, %squeeze3A, %dot_general3A_48 {dimension_numbers = #tpu.dot_dimension_numbers<[1], [0], [0], [1], [0, 0, 1, 1], [], []>, precision = #tpu.contract_precision<fp32>, transpose_lhs_hint = false} : vector<1280x32xf32>, vector<32x32xf32>, vector<1280x32xf32> -> vector<1280x32xf32>
    %slice3A_50 = vector.extract_strided_slice %slice3A_3 {offsets = [0, 0], sizes = [1280, 1], strides = [1, 1]} : vector<1280x9xf32> to vector<1280x1xf32>
    %mul3A_51 = vector.broadcast %slice3A_50 : vector<1280x1xf32> to vector<1280x32xf32>
    %mul3A_52 = arith.mulf %mul3A_51, %dot_general3A_49 : vector<1280x32xf32>
    %add3A = arith.addf %broadcast_in_dim3A_46, %mul3A_52 : vector<1280x32xf32>
    %mul3A_53 = arith.mulf %mul3A_35, %dot_general3A_49 : vector<1280x32xf32>
    %reduce_sum3A = arith.constant dense<0.000000e+00> : vector<1280xf32>
    %reduce_sum3A_54 = vector.multi_reduction <add>, %mul3A_53, %reduce_sum3A [1] : vector<1280x32xf32> to vector<1280xf32>
    %broadcast_in_dim3A_55 = vector.shape_cast %reduce_sum3A_54 : vector<1280xf32> to vector<1280x1xf32>
    %slice3A_56 = vector.extract_strided_slice %get3A_45 {offsets = [1, 0, 0], sizes = [1, 32, 32], strides = [1, 1, 1]} : vector<9x32x32xf32> to vector<1x32x32xf32>
    %squeeze3A_57 = vector.shape_cast %slice3A_56 : vector<1x32x32xf32> to vector<32x32xf32>
    %dot_general3A_58 = arith.constant dense<0.000000e+00> : vector<1280x32xf32>
    %dot_general3A_59 = tpu.matmul %get3A_38, %squeeze3A_57, %dot_general3A_58 {dimension_numbers = #tpu.dot_dimension_numbers<[1], [0], [0], [1], [0, 0, 1, 1], [], []>, precision = #tpu.contract_precision<fp32>, transpose_lhs_hint = false} : vector<1280x32xf32>, vector<32x32xf32>, vector<1280x32xf32> -> vector<1280x32xf32>
    %slice3A_60 = vector.extract_strided_slice %slice3A_3 {offsets = [0, 1], sizes = [1280, 1], strides = [1, 1]} : vector<1280x9xf32> to vector<1280x1xf32>
    %mul3A_61 = vector.broadcast %slice3A_60 : vector<1280x1xf32> to vector<1280x32xf32>
    %mul3A_62 = arith.mulf %mul3A_61, %dot_general3A_59 : vector<1280x32xf32>
    %add3A_63 = arith.addf %add3A, %mul3A_62 : vector<1280x32xf32>
    %mul3A_64 = arith.mulf %mul3A_35, %dot_general3A_59 : vector<1280x32xf32>
    %reduce_sum3A_65 = arith.constant dense<0.000000e+00> : vector<1280xf32>
    %reduce_sum3A_66 = vector.multi_reduction <add>, %mul3A_64, %reduce_sum3A_65 [1] : vector<1280x32xf32> to vector<1280xf32>
    %broadcast_in_dim3A_67 = vector.shape_cast %reduce_sum3A_66 : vector<1280xf32> to vector<1280x1xf32>
    %slice3A_68 = vector.extract_strided_slice %get3A_45 {offsets = [2, 0, 0], sizes = [1, 32, 32], strides = [1, 1, 1]} : vector<9x32x32xf32> to vector<1x32x32xf32>
    %squeeze3A_69 = vector.shape_cast %slice3A_68 : vector<1x32x32xf32> to vector<32x32xf32>
    %dot_general3A_70 = arith.constant dense<0.000000e+00> : vector<1280x32xf32>
    %dot_general3A_71 = tpu.matmul %get3A_38, %squeeze3A_69, %dot_general3A_70 {dimension_numbers = #tpu.dot_dimension_numbers<[1], [0], [0], [1], [0, 0, 1, 1], [], []>, precision = #tpu.contract_precision<fp32>, transpose_lhs_hint = false} : vector<1280x32xf32>, vector<32x32xf32>, vector<1280x32xf32> -> vector<1280x32xf32>
    %slice3A_72 = vector.extract_strided_slice %slice3A_3 {offsets = [0, 2], sizes = [1280, 1], strides = [1, 1]} : vector<1280x9xf32> to vector<1280x1xf32>
    %mul3A_73 = vector.broadcast %slice3A_72 : vector<1280x1xf32> to vector<1280x32xf32>
    %mul3A_74 = arith.mulf %mul3A_73, %dot_general3A_71 : vector<1280x32xf32>
    %add3A_75 = arith.addf %add3A_63, %mul3A_74 : vector<1280x32xf32>
    %mul3A_76 = arith.mulf %mul3A_35, %dot_general3A_71 : vector<1280x32xf32>
    %reduce_sum3A_77 = arith.constant dense<0.000000e+00> : vector<1280xf32>
    %reduce_sum3A_78 = vector.multi_reduction <add>, %mul3A_76, %reduce_sum3A_77 [1] : vector<1280x32xf32> to vector<1280xf32>
    %broadcast_in_dim3A_79 = vector.shape_cast %reduce_sum3A_78 : vector<1280xf32> to vector<1280x1xf32>
    %slice3A_80 = vector.extract_strided_slice %get3A_45 {offsets = [3, 0, 0], sizes = [1, 32, 32], strides = [1, 1, 1]} : vector<9x32x32xf32> to vector<1x32x32xf32>
    %squeeze3A_81 = vector.shape_cast %slice3A_80 : vector<1x32x32xf32> to vector<32x32xf32>
    %dot_general3A_82 = arith.constant dense<0.000000e+00> : vector<1280x32xf32>
    %dot_general3A_83 = tpu.matmul %get3A_38, %squeeze3A_81, %dot_general3A_82 {dimension_numbers = #tpu.dot_dimension_numbers<[1], [0], [0], [1], [0, 0, 1, 1], [], []>, precision = #tpu.contract_precision<fp32>, transpose_lhs_hint = false} : vector<1280x32xf32>, vector<32x32xf32>, vector<1280x32xf32> -> vector<1280x32xf32>
    %slice3A_84 = vector.extract_strided_slice %slice3A_3 {offsets = [0, 3], sizes = [1280, 1], strides = [1, 1]} : vector<1280x9xf32> to vector<1280x1xf32>
    %mul3A_85 = vector.broadcast %slice3A_84 : vector<1280x1xf32> to vector<1280x32xf32>
    %mul3A_86 = arith.mulf %mul3A_85, %dot_general3A_83 : vector<1280x32xf32>
    %add3A_87 = arith.addf %add3A_75, %mul3A_86 : vector<1280x32xf32>
    %mul3A_88 = arith.mulf %mul3A_35, %dot_general3A_83 : vector<1280x32xf32>
    %reduce_sum3A_89 = arith.constant dense<0.000000e+00> : vector<1280xf32>
    %reduce_sum3A_90 = vector.multi_reduction <add>, %mul3A_88, %reduce_sum3A_89 [1] : vector<1280x32xf32> to vector<1280xf32>
    %broadcast_in_dim3A_91 = vector.shape_cast %reduce_sum3A_90 : vector<1280xf32> to vector<1280x1xf32>
    %slice3A_92 = vector.extract_strided_slice %get3A_45 {offsets = [4, 0, 0], sizes = [1, 32, 32], strides = [1, 1, 1]} : vector<9x32x32xf32> to vector<1x32x32xf32>
    %squeeze3A_93 = vector.shape_cast %slice3A_92 : vector<1x32x32xf32> to vector<32x32xf32>
    %dot_general3A_94 = arith.constant dense<0.000000e+00> : vector<1280x32xf32>
    %dot_general3A_95 = tpu.matmul %get3A_38, %squeeze3A_93, %dot_general3A_94 {dimension_numbers = #tpu.dot_dimension_numbers<[1], [0], [0], [1], [0, 0, 1, 1], [], []>, precision = #tpu.contract_precision<fp32>, transpose_lhs_hint = false} : vector<1280x32xf32>, vector<32x32xf32>, vector<1280x32xf32> -> vector<1280x32xf32>
    %slice3A_96 = vector.extract_strided_slice %slice3A_3 {offsets = [0, 4], sizes = [1280, 1], strides = [1, 1]} : vector<1280x9xf32> to vector<1280x1xf32>
    %mul3A_97 = vector.broadcast %slice3A_96 : vector<1280x1xf32> to vector<1280x32xf32>
    %mul3A_98 = arith.mulf %mul3A_97, %dot_general3A_95 : vector<1280x32xf32>
    %add3A_99 = arith.addf %add3A_87, %mul3A_98 : vector<1280x32xf32>
    %mul3A_100 = arith.mulf %mul3A_35, %dot_general3A_95 : vector<1280x32xf32>
    %reduce_sum3A_101 = arith.constant dense<0.000000e+00> : vector<1280xf32>
    %reduce_sum3A_102 = vector.multi_reduction <add>, %mul3A_100, %reduce_sum3A_101 [1] : vector<1280x32xf32> to vector<1280xf32>
    %broadcast_in_dim3A_103 = vector.shape_cast %reduce_sum3A_102 : vector<1280xf32> to vector<1280x1xf32>
    %slice3A_104 = vector.extract_strided_slice %get3A_45 {offsets = [5, 0, 0], sizes = [1, 32, 32], strides = [1, 1, 1]} : vector<9x32x32xf32> to vector<1x32x32xf32>
    %squeeze3A_105 = vector.shape_cast %slice3A_104 : vector<1x32x32xf32> to vector<32x32xf32>
    %dot_general3A_106 = arith.constant dense<0.000000e+00> : vector<1280x32xf32>
    %dot_general3A_107 = tpu.matmul %get3A_38, %squeeze3A_105, %dot_general3A_106 {dimension_numbers = #tpu.dot_dimension_numbers<[1], [0], [0], [1], [0, 0, 1, 1], [], []>, precision = #tpu.contract_precision<fp32>, transpose_lhs_hint = false} : vector<1280x32xf32>, vector<32x32xf32>, vector<1280x32xf32> -> vector<1280x32xf32>
    %slice3A_108 = vector.extract_strided_slice %slice3A_3 {offsets = [0, 5], sizes = [1280, 1], strides = [1, 1]} : vector<1280x9xf32> to vector<1280x1xf32>
    %mul3A_109 = vector.broadcast %slice3A_108 : vector<1280x1xf32> to vector<1280x32xf32>
    %mul3A_110 = arith.mulf %mul3A_109, %dot_general3A_107 : vector<1280x32xf32>
    %add3A_111 = arith.addf %add3A_99, %mul3A_110 : vector<1280x32xf32>
    %mul3A_112 = arith.mulf %mul3A_35, %dot_general3A_107 : vector<1280x32xf32>
    %reduce_sum3A_113 = arith.constant dense<0.000000e+00> : vector<1280xf32>
    %reduce_sum3A_114 = vector.multi_reduction <add>, %mul3A_112, %reduce_sum3A_113 [1] : vector<1280x32xf32> to vector<1280xf32>
    %broadcast_in_dim3A_115 = vector.shape_cast %reduce_sum3A_114 : vector<1280xf32> to vector<1280x1xf32>
    %slice3A_116 = vector.extract_strided_slice %get3A_45 {offsets = [6, 0, 0], sizes = [1, 32, 32], strides = [1, 1, 1]} : vector<9x32x32xf32> to vector<1x32x32xf32>
    %squeeze3A_117 = vector.shape_cast %slice3A_116 : vector<1x32x32xf32> to vector<32x32xf32>
    %dot_general3A_118 = arith.constant dense<0.000000e+00> : vector<1280x32xf32>
    %dot_general3A_119 = tpu.matmul %get3A_38, %squeeze3A_117, %dot_general3A_118 {dimension_numbers = #tpu.dot_dimension_numbers<[1], [0], [0], [1], [0, 0, 1, 1], [], []>, precision = #tpu.contract_precision<fp32>, transpose_lhs_hint = false} : vector<1280x32xf32>, vector<32x32xf32>, vector<1280x32xf32> -> vector<1280x32xf32>
    %slice3A_120 = vector.extract_strided_slice %slice3A_3 {offsets = [0, 6], sizes = [1280, 1], strides = [1, 1]} : vector<1280x9xf32> to vector<1280x1xf32>
    %mul3A_121 = vector.broadcast %slice3A_120 : vector<1280x1xf32> to vector<1280x32xf32>
    %mul3A_122 = arith.mulf %mul3A_121, %dot_general3A_119 : vector<1280x32xf32>
    %add3A_123 = arith.addf %add3A_111, %mul3A_122 : vector<1280x32xf32>
    %mul3A_124 = arith.mulf %mul3A_35, %dot_general3A_119 : vector<1280x32xf32>
    %reduce_sum3A_125 = arith.constant dense<0.000000e+00> : vector<1280xf32>
    %reduce_sum3A_126 = vector.multi_reduction <add>, %mul3A_124, %reduce_sum3A_125 [1] : vector<1280x32xf32> to vector<1280xf32>
    %broadcast_in_dim3A_127 = vector.shape_cast %reduce_sum3A_126 : vector<1280xf32> to vector<1280x1xf32>
    %slice3A_128 = vector.extract_strided_slice %get3A_45 {offsets = [7, 0, 0], sizes = [1, 32, 32], strides = [1, 1, 1]} : vector<9x32x32xf32> to vector<1x32x32xf32>
    %squeeze3A_129 = vector.shape_cast %slice3A_128 : vector<1x32x32xf32> to vector<32x32xf32>
    %dot_general3A_130 = arith.constant dense<0.000000e+00> : vector<1280x32xf32>
    %dot_general3A_131 = tpu.matmul %get3A_38, %squeeze3A_129, %dot_general3A_130 {dimension_numbers = #tpu.dot_dimension_numbers<[1], [0], [0], [1], [0, 0, 1, 1], [], []>, precision = #tpu.contract_precision<fp32>, transpose_lhs_hint = false} : vector<1280x32xf32>, vector<32x32xf32>, vector<1280x32xf32> -> vector<1280x32xf32>
    %slice3A_132 = vector.extract_strided_slice %slice3A_3 {offsets = [0, 7], sizes = [1280, 1], strides = [1, 1]} : vector<1280x9xf32> to vector<1280x1xf32>
    %mul3A_133 = vector.broadcast %slice3A_132 : vector<1280x1xf32> to vector<1280x32xf32>
    %mul3A_134 = arith.mulf %mul3A_133, %dot_general3A_131 : vector<1280x32xf32>
    %add3A_135 = arith.addf %add3A_123, %mul3A_134 : vector<1280x32xf32>
    %mul3A_136 = arith.mulf %mul3A_35, %dot_general3A_131 : vector<1280x32xf32>
    %reduce_sum3A_137 = arith.constant dense<0.000000e+00> : vector<1280xf32>
    %reduce_sum3A_138 = vector.multi_reduction <add>, %mul3A_136, %reduce_sum3A_137 [1] : vector<1280x32xf32> to vector<1280xf32>
    %broadcast_in_dim3A_139 = vector.shape_cast %reduce_sum3A_138 : vector<1280xf32> to vector<1280x1xf32>
    %slice3A_140 = vector.extract_strided_slice %get3A_45 {offsets = [8, 0, 0], sizes = [1, 32, 32], strides = [1, 1, 1]} : vector<9x32x32xf32> to vector<1x32x32xf32>
    %squeeze3A_141 = vector.shape_cast %slice3A_140 : vector<1x32x32xf32> to vector<32x32xf32>
    %dot_general3A_142 = arith.constant dense<0.000000e+00> : vector<1280x32xf32>
    %dot_general3A_143 = tpu.matmul %get3A_38, %squeeze3A_141, %dot_general3A_142 {dimension_numbers = #tpu.dot_dimension_numbers<[1], [0], [0], [1], [0, 0, 1, 1], [], []>, precision = #tpu.contract_precision<fp32>, transpose_lhs_hint = false} : vector<1280x32xf32>, vector<32x32xf32>, vector<1280x32xf32> -> vector<1280x32xf32>
    %slice3A_144 = vector.extract_strided_slice %slice3A_3 {offsets = [0, 8], sizes = [1280, 1], strides = [1, 1]} : vector<1280x9xf32> to vector<1280x1xf32>
    %mul3A_145 = vector.broadcast %slice3A_144 : vector<1280x1xf32> to vector<1280x32xf32>
    %mul3A_146 = arith.mulf %mul3A_145, %dot_general3A_143 : vector<1280x32xf32>
    %add3A_147 = arith.addf %add3A_135, %mul3A_146 : vector<1280x32xf32>
    %mul3A_148 = arith.mulf %mul3A_35, %dot_general3A_143 : vector<1280x32xf32>
    %reduce_sum3A_149 = arith.constant dense<0.000000e+00> : vector<1280xf32>
    %reduce_sum3A_150 = vector.multi_reduction <add>, %mul3A_148, %reduce_sum3A_149 [1] : vector<1280x32xf32> to vector<1280xf32>
    %broadcast_in_dim3A_151 = vector.shape_cast %reduce_sum3A_150 : vector<1280xf32> to vector<1280x1xf32>
    %concatenate3A = tpu.concatenate %broadcast_in_dim3A_55, %broadcast_in_dim3A_67, %broadcast_in_dim3A_79, %broadcast_in_dim3A_91, %broadcast_in_dim3A_103, %broadcast_in_dim3A_115, %broadcast_in_dim3A_127, %broadcast_in_dim3A_139, %broadcast_in_dim3A_151 in 1 : vector<1280x1xf32>, vector<1280x1xf32>, vector<1280x1xf32>, vector<1280x1xf32>, vector<1280x1xf32>, vector<1280x1xf32>, vector<1280x1xf32>, vector<1280x1xf32>, vector<1280x1xf32> -> vector<1280x9xf32>
    %slice3A_152 = vector.extract_strided_slice %get3A_41 {offsets = [0, 0], sizes = [1280, 9], strides = [1, 1]} : vector<1280x24xf32> to vector<1280x9xf32>
    %add3A_153 = arith.addf %concatenate3A, %slice3A_152 : vector<1280x9xf32>
    %get3A_154 = arith.constant 0 : index
    %get3A_155 = arith.constant 0 : index
    %get3A_156 = vector.load %arg8[%get3A_154, %get3A_155] : memref<1x32xf32, #tpu.memory_space<vmem>>, vector<1x32xf32>
    %mul3A_157 = vector.broadcast %get3A_156 : vector<1x32xf32> to vector<1280x32xf32>
    %mul3A_158 = arith.mulf %add3A_147, %mul3A_157 : vector<1280x32xf32>
    %get3A_159 = arith.constant 0 : index
    %get3A_160 = arith.constant 0 : index
    %get3A_161 = vector.load %arg9[%get3A_159, %get3A_160] : memref<32x64xf32, #tpu.memory_space<vmem>>, vector<32x64xf32>
    %get3A_162 = arith.constant 0 : index
    %get3A_163 = arith.constant 0 : index
    %get3A_164 = vector.load %arg10[%get3A_162, %get3A_163] : memref<64x64xf32, #tpu.memory_space<vmem>>, vector<64x64xf32>
    %get3A_165 = arith.constant 0 : index
    %get3A_166 = arith.constant 0 : index
    %get3A_167 = vector.load %arg11[%get3A_165, %get3A_166] : memref<64x8xf32, #tpu.memory_space<vmem>>, vector<64x8xf32>
    %dot_general3A_168 = arith.constant dense<0.000000e+00> : vector<1280x64xf32>
    %dot_general3A_169 = tpu.matmul %mul3A_158, %get3A_161, %dot_general3A_168 {dimension_numbers = #tpu.dot_dimension_numbers<[1], [0], [0], [1], [0, 0, 1, 1], [], []>, transpose_lhs_hint = false} : vector<1280x32xf32>, vector<32x64xf32>, vector<1280x64xf32> -> vector<1280x64xf32>
    %logistic3A_170 = arith.negf %dot_general3A_21 : vector<1280x64xf32>
    %logistic3A_171 = math.exp %logistic3A_170 : vector<1280x64xf32>
    %logistic3A_172 = arith.constant 1.000000e+00 : f32
    %logistic3A_173 = vector.broadcast %logistic3A_172 : f32 to vector<1280x64xf32>
    %logistic3A_174 = arith.addf %logistic3A_173, %logistic3A_171 : vector<1280x64xf32>
    %logistic3A_175 = arith.divf %logistic3A_173, %logistic3A_174 : vector<1280x64xf32>
    %sub3A = arith.constant 1.000000e+00 : f32
    %sub3A_176 = vector.broadcast %sub3A : f32 to vector<1280x64xf32>
    %sub3A_177 = arith.subf %sub3A_176, %logistic3A_175 : vector<1280x64xf32>
    %mul3A_178 = arith.mulf %dot_general3A_21, %sub3A_177 : vector<1280x64xf32>
    %add3A_179 = arith.constant 1.000000e+00 : f32
    %add3A_180 = vector.broadcast %add3A_179 : f32 to vector<1280x64xf32>
    %add3A_181 = arith.addf %add3A_180, %mul3A_178 : vector<1280x64xf32>
    %mul3A_182 = arith.mulf %logistic3A_175, %add3A_181 : vector<1280x64xf32>
    %mul3A_183 = arith.mulf %dot_general3A_169, %mul3A_182 : vector<1280x64xf32>
    %dot_general3A_184 = arith.constant dense<0.000000e+00> : vector<1280x64xf32>
    %dot_general3A_185 = tpu.matmul %mul3A_183, %get3A_164, %dot_general3A_184 {dimension_numbers = #tpu.dot_dimension_numbers<[1], [0], [0], [1], [0, 0, 1, 1], [], []>, transpose_lhs_hint = false} : vector<1280x64xf32>, vector<64x64xf32>, vector<1280x64xf32> -> vector<1280x64xf32>
    %logistic3A_186 = arith.negf %dot_general3A_14 : vector<1280x64xf32>
    %logistic3A_187 = math.exp %logistic3A_186 : vector<1280x64xf32>
    %logistic3A_188 = arith.constant 1.000000e+00 : f32
    %logistic3A_189 = vector.broadcast %logistic3A_188 : f32 to vector<1280x64xf32>
    %logistic3A_190 = arith.addf %logistic3A_189, %logistic3A_187 : vector<1280x64xf32>
    %logistic3A_191 = arith.divf %logistic3A_189, %logistic3A_190 : vector<1280x64xf32>
    %sub3A_192 = arith.constant 1.000000e+00 : f32
    %sub3A_193 = vector.broadcast %sub3A_192 : f32 to vector<1280x64xf32>
    %sub3A_194 = arith.subf %sub3A_193, %logistic3A_191 : vector<1280x64xf32>
    %mul3A_195 = arith.mulf %dot_general3A_14, %sub3A_194 : vector<1280x64xf32>
    %add3A_196 = arith.constant 1.000000e+00 : f32
    %add3A_197 = vector.broadcast %add3A_196 : f32 to vector<1280x64xf32>
    %add3A_198 = arith.addf %add3A_197, %mul3A_195 : vector<1280x64xf32>
    %mul3A_199 = arith.mulf %logistic3A_191, %add3A_198 : vector<1280x64xf32>
    %mul3A_200 = arith.mulf %dot_general3A_185, %mul3A_199 : vector<1280x64xf32>
    %dot_general3A_201 = arith.constant dense<0.000000e+00> : vector<1280x8xf32>
    %dot_general3A_202 = tpu.matmul %mul3A_200, %get3A_167, %dot_general3A_201 {dimension_numbers = #tpu.dot_dimension_numbers<[1], [0], [0], [1], [0, 0, 1, 1], [], []>, transpose_lhs_hint = false} : vector<1280x64xf32>, vector<64x8xf32>, vector<1280x8xf32> -> vector<1280x8xf32>
    %slice3A_203 = vector.extract_strided_slice %get3A_41 {offsets = [0, 9], sizes = [1280, 8], strides = [1, 1]} : vector<1280x24xf32> to vector<1280x8xf32>
    %add3A_204 = arith.addf %dot_general3A_202, %slice3A_203 : vector<1280x8xf32>
    %iota3A = tpu.iota {dimensions = array<i32: 1>} : vector<1x8xi32>
    %convert_element_type3A = arith.sitofp %iota3A : vector<1x8xi32> to vector<1x8xf32>
    %add3A_205 = arith.constant 1.000000e+00 : f32
    %add3A_206 = vector.broadcast %add3A_205 : f32 to vector<1x8xf32>
    %add3A_207 = arith.addf %convert_element_type3A, %add3A_206 : vector<1x8xf32>
    %mul3A_208 = arith.constant 0.628318548 : f32
    %mul3A_209 = vector.broadcast %mul3A_208 : f32 to vector<1x8xf32>
    %mul3A_210 = arith.mulf %add3A_207, %mul3A_209 : vector<1x8xf32>
    %mul3A_211 = vector.broadcast %slice3A_2 : vector<1280x1xf32> to vector<1280x8xf32>
    %mul3A_212 = vector.broadcast %mul3A_210 : vector<1x8xf32> to vector<1280x8xf32>
    %mul3A_213 = arith.mulf %mul3A_211, %mul3A_212 : vector<1280x8xf32>
    %sin3A = math.sin %mul3A_213 : vector<1280x8xf32>
    %mul3A_214 = vector.broadcast %slice3A_2 : vector<1280x1xf32> to vector<1280x8xf32>
    %mul3A_215 = vector.broadcast %mul3A_210 : vector<1x8xf32> to vector<1280x8xf32>
    %mul3A_216 = arith.mulf %mul3A_214, %mul3A_215 : vector<1280x8xf32>
    %cos3A = math.cos %mul3A_216 : vector<1280x8xf32>
    %mul3A_217 = arith.constant 0.632455527 : f32
    %mul3A_218 = vector.broadcast %mul3A_217 : f32 to vector<1280x8xf32>
    %mul3A_219 = arith.mulf %mul3A_218, %sin3A : vector<1280x8xf32>
    %div3A = vector.broadcast %slice3A_2 : vector<1280x1xf32> to vector<1280x8xf32>
    %div3A_220 = arith.divf %mul3A_219, %div3A : vector<1280x8xf32>
    %div3A_221 = arith.constant 5.000000e+00 : f32
    %div3A_222 = vector.broadcast %div3A_221 : f32 to vector<1280x1xf32>
    %div3A_223 = arith.divf %slice3A_2, %div3A_222 : vector<1280x1xf32>
    %lt3A = arith.constant 1.000000e+00 : f32
    %lt3A_224 = vector.broadcast %lt3A : f32 to vector<1280x1xf32>
    %lt3A_225 = arith.cmpf olt, %div3A_223, %lt3A_224 : vector<1280x1xf32>
    %convert_element_type3A_226 = arith.extui %lt3A_225 : vector<1280x1xi1> to vector<1280x1xi32>
    %convert_element_type3A_227 = arith.sitofp %convert_element_type3A_226 : vector<1280x1xi32> to vector<1280x1xf32>
    %mul3A_228 = arith.mulf %div3A_223, %div3A_223 : vector<1280x1xf32>
    %mul3A_229 = arith.mulf %mul3A_228, %div3A_223 : vector<1280x1xf32>
    %mul3A_230 = arith.mulf %mul3A_229, %div3A_223 : vector<1280x1xf32>
    %mul3A_231 = arith.mulf %mul3A_230, %div3A_223 : vector<1280x1xf32>
    %mul3A_232 = arith.constant 2.100000e+01 : f32
    %mul3A_233 = vector.broadcast %mul3A_232 : f32 to vector<1280x1xf32>
    %mul3A_234 = arith.mulf %mul3A_233, %mul3A_231 : vector<1280x1xf32>
    %sub3A_235 = arith.constant 1.000000e+00 : f32
    %sub3A_236 = vector.broadcast %sub3A_235 : f32 to vector<1280x1xf32>
    %sub3A_237 = arith.subf %sub3A_236, %mul3A_234 : vector<1280x1xf32>
    %mul3A_238 = arith.constant 3.500000e+01 : f32
    %mul3A_239 = vector.broadcast %mul3A_238 : f32 to vector<1280x1xf32>
    %mul3A_240 = arith.mulf %mul3A_239, %mul3A_231 : vector<1280x1xf32>
    %mul3A_241 = arith.mulf %mul3A_240, %div3A_223 : vector<1280x1xf32>
    %add3A_242 = arith.addf %sub3A_237, %mul3A_241 : vector<1280x1xf32>
    %mul3A_243 = arith.constant 1.500000e+01 : f32
    %mul3A_244 = vector.broadcast %mul3A_243 : f32 to vector<1280x1xf32>
    %mul3A_245 = arith.mulf %mul3A_244, %mul3A_231 : vector<1280x1xf32>
    %mul3A_246 = arith.mulf %mul3A_245, %div3A_223 : vector<1280x1xf32>
    %mul3A_247 = arith.mulf %mul3A_246, %div3A_223 : vector<1280x1xf32>
    %sub3A_248 = arith.subf %add3A_242, %mul3A_247 : vector<1280x1xf32>
    %mul3A_249 = arith.mulf %sub3A_248, %convert_element_type3A_227 : vector<1280x1xf32>
    %mul3A_250 = vector.broadcast %mul3A_210 : vector<1x8xf32> to vector<1280x8xf32>
    %mul3A_251 = arith.mulf %mul3A_250, %cos3A : vector<1280x8xf32>
    %div3A_252 = vector.broadcast %slice3A_2 : vector<1280x1xf32> to vector<1280x8xf32>
    %div3A_253 = arith.divf %mul3A_251, %div3A_252 : vector<1280x8xf32>
    %mul3A_254 = arith.mulf %slice3A_2, %slice3A_2 : vector<1280x1xf32>
    %div3A_255 = vector.broadcast %mul3A_254 : vector<1280x1xf32> to vector<1280x8xf32>
    %div3A_256 = arith.divf %sin3A, %div3A_255 : vector<1280x8xf32>
    %sub3A_257 = arith.subf %div3A_253, %div3A_256 : vector<1280x8xf32>
    %mul3A_258 = arith.constant 0.632455527 : f32
    %mul3A_259 = vector.broadcast %mul3A_258 : f32 to vector<1280x8xf32>
    %mul3A_260 = arith.mulf %mul3A_259, %sub3A_257 : vector<1280x8xf32>
    %mul3A_261 = arith.constant -1.050000e+02 : f32
    %mul3A_262 = vector.broadcast %mul3A_261 : f32 to vector<1280x1xf32>
    %mul3A_263 = arith.mulf %mul3A_262, %mul3A_230 : vector<1280x1xf32>
    %mul3A_264 = arith.constant 2.100000e+02 : f32
    %mul3A_265 = vector.broadcast %mul3A_264 : f32 to vector<1280x1xf32>
    %mul3A_266 = arith.mulf %mul3A_265, %mul3A_231 : vector<1280x1xf32>
    %add3A_267 = arith.addf %mul3A_263, %mul3A_266 : vector<1280x1xf32>
    %mul3A_268 = arith.constant 1.050000e+02 : f32
    %mul3A_269 = vector.broadcast %mul3A_268 : f32 to vector<1280x1xf32>
    %mul3A_270 = arith.mulf %mul3A_269, %mul3A_231 : vector<1280x1xf32>
    %mul3A_271 = arith.mulf %mul3A_270, %div3A_223 : vector<1280x1xf32>
    %sub3A_272 = arith.subf %add3A_267, %mul3A_271 : vector<1280x1xf32>
    %mul3A_273 = arith.mulf %sub3A_272, %convert_element_type3A_227 : vector<1280x1xf32>
    %mul3A_274 = arith.constant 2.000000e-01 : f32
    %mul3A_275 = vector.broadcast %mul3A_274 : f32 to vector<1280x1xf32>
    %mul3A_276 = arith.mulf %mul3A_273, %mul3A_275 : vector<1280x1xf32>
    %mul3A_277 = vector.broadcast %mul3A_249 : vector<1280x1xf32> to vector<1280x8xf32>
    %mul3A_278 = arith.mulf %mul3A_260, %mul3A_277 : vector<1280x8xf32>
    %mul3A_279 = vector.broadcast %mul3A_276 : vector<1280x1xf32> to vector<1280x8xf32>
    %mul3A_280 = arith.mulf %div3A_220, %mul3A_279 : vector<1280x8xf32>
    %add3A_281 = arith.addf %mul3A_278, %mul3A_280 : vector<1280x8xf32>
    %mul3A_282 = arith.mulf %add3A_204, %add3A_281 : vector<1280x8xf32>
    %reduce_sum3A_283 = arith.constant dense<0.000000e+00> : vector<1280xf32>
    %reduce_sum3A_284 = vector.multi_reduction <add>, %mul3A_282, %reduce_sum3A_283 [1] : vector<1280x8xf32> to vector<1280xf32>
    %broadcast_in_dim3A_285 = vector.shape_cast %reduce_sum3A_284 : vector<1280xf32> to vector<1280x1xf32>
    %slice3A_286 = vector.extract_strided_slice %slice3A {offsets = [0, 0], sizes = [1280, 1], strides = [1, 1]} : vector<1280x3xf32> to vector<1280x1xf32>
    %slice3A_287 = vector.extract_strided_slice %slice3A {offsets = [0, 1], sizes = [1280, 1], strides = [1, 1]} : vector<1280x3xf32> to vector<1280x1xf32>
    %slice3A_288 = vector.extract_strided_slice %slice3A {offsets = [0, 2], sizes = [1280, 1], strides = [1, 1]} : vector<1280x3xf32> to vector<1280x1xf32>
    %slice3A_289 = vector.extract_strided_slice %add3A_153 {offsets = [0, 1], sizes = [1280, 1], strides = [1, 1]} : vector<1280x9xf32> to vector<1280x1xf32>
    %slice3A_290 = vector.extract_strided_slice %add3A_153 {offsets = [0, 2], sizes = [1280, 1], strides = [1, 1]} : vector<1280x9xf32> to vector<1280x1xf32>
    %slice3A_291 = vector.extract_strided_slice %add3A_153 {offsets = [0, 3], sizes = [1280, 1], strides = [1, 1]} : vector<1280x9xf32> to vector<1280x1xf32>
    %slice3A_292 = vector.extract_strided_slice %add3A_153 {offsets = [0, 4], sizes = [1280, 1], strides = [1, 1]} : vector<1280x9xf32> to vector<1280x1xf32>
    %slice3A_293 = vector.extract_strided_slice %add3A_153 {offsets = [0, 5], sizes = [1280, 1], strides = [1, 1]} : vector<1280x9xf32> to vector<1280x1xf32>
    %slice3A_294 = vector.extract_strided_slice %add3A_153 {offsets = [0, 6], sizes = [1280, 1], strides = [1, 1]} : vector<1280x9xf32> to vector<1280x1xf32>
    %slice3A_295 = vector.extract_strided_slice %add3A_153 {offsets = [0, 7], sizes = [1280, 1], strides = [1, 1]} : vector<1280x9xf32> to vector<1280x1xf32>
    %slice3A_296 = vector.extract_strided_slice %add3A_153 {offsets = [0, 8], sizes = [1280, 1], strides = [1, 1]} : vector<1280x9xf32> to vector<1280x1xf32>
    %mul3A_297 = arith.constant 1.73205078 : f32
    %mul3A_298 = vector.broadcast %mul3A_297 : f32 to vector<1280x1xf32>
    %mul3A_299 = arith.mulf %mul3A_298, %slice3A_289 : vector<1280x1xf32>
    %mul3A_300 = arith.mulf %slice3A_287, %slice3A_292 : vector<1280x1xf32>
    %mul3A_301 = arith.mulf %slice3A_288, %slice3A_295 : vector<1280x1xf32>
    %add3A_302 = arith.addf %mul3A_300, %mul3A_301 : vector<1280x1xf32>
    %mul3A_303 = arith.constant 3.87298346 : f32
    %mul3A_304 = vector.broadcast %mul3A_303 : f32 to vector<1280x1xf32>
    %mul3A_305 = arith.mulf %mul3A_304, %add3A_302 : vector<1280x1xf32>
    %add3A_306 = arith.addf %mul3A_299, %mul3A_305 : vector<1280x1xf32>
    %mul3A_307 = arith.constant 2.23606801 : f32
    %mul3A_308 = vector.broadcast %mul3A_307 : f32 to vector<1280x1xf32>
    %mul3A_309 = arith.mulf %mul3A_308, %slice3A_286 : vector<1280x1xf32>
    %mul3A_310 = arith.mulf %mul3A_309, %slice3A_294 : vector<1280x1xf32>
    %sub3A_311 = arith.subf %add3A_306, %mul3A_310 : vector<1280x1xf32>
    %mul3A_312 = arith.constant 3.87298346 : f32
    %mul3A_313 = vector.broadcast %mul3A_312 : f32 to vector<1280x1xf32>
    %mul3A_314 = arith.mulf %mul3A_313, %slice3A_286 : vector<1280x1xf32>
    %mul3A_315 = arith.mulf %mul3A_314, %slice3A_296 : vector<1280x1xf32>
    %add3A_316 = arith.addf %sub3A_311, %mul3A_315 : vector<1280x1xf32>
    %mul3A_317 = arith.constant 1.73205078 : f32
    %mul3A_318 = vector.broadcast %mul3A_317 : f32 to vector<1280x1xf32>
    %mul3A_319 = arith.mulf %mul3A_318, %slice3A_290 : vector<1280x1xf32>
    %mul3A_320 = arith.mulf %slice3A_286, %slice3A_292 : vector<1280x1xf32>
    %mul3A_321 = arith.mulf %slice3A_288, %slice3A_293 : vector<1280x1xf32>
    %add3A_322 = arith.addf %mul3A_320, %mul3A_321 : vector<1280x1xf32>
    %mul3A_323 = arith.constant 3.87298346 : f32
    %mul3A_324 = vector.broadcast %mul3A_323 : f32 to vector<1280x1xf32>
    %mul3A_325 = arith.mulf %mul3A_324, %add3A_322 : vector<1280x1xf32>
    %add3A_326 = arith.addf %mul3A_319, %mul3A_325 : vector<1280x1xf32>
    %mul3A_327 = arith.constant 2.23606801 : f32
    %mul3A_328 = vector.broadcast %mul3A_327 : f32 to vector<1280x1xf32>
    %mul3A_329 = arith.mulf %mul3A_328, %slice3A_287 : vector<1280x1xf32>
    %mul3A_330 = arith.mulf %mul3A_329, %slice3A_294 : vector<1280x1xf32>
    %sub3A_331 = arith.subf %add3A_326, %mul3A_330 : vector<1280x1xf32>
    %mul3A_332 = arith.constant 3.87298346 : f32
    %mul3A_333 = vector.broadcast %mul3A_332 : f32 to vector<1280x1xf32>
    %mul3A_334 = arith.mulf %mul3A_333, %slice3A_287 : vector<1280x1xf32>
    %mul3A_335 = arith.mulf %mul3A_334, %slice3A_296 : vector<1280x1xf32>
    %sub3A_336 = arith.subf %sub3A_331, %mul3A_335 : vector<1280x1xf32>
    %mul3A_337 = arith.constant 1.73205078 : f32
    %mul3A_338 = vector.broadcast %mul3A_337 : f32 to vector<1280x1xf32>
    %mul3A_339 = arith.mulf %mul3A_338, %slice3A_291 : vector<1280x1xf32>
    %mul3A_340 = arith.mulf %slice3A_287, %slice3A_293 : vector<1280x1xf32>
    %mul3A_341 = arith.mulf %slice3A_286, %slice3A_295 : vector<1280x1xf32>
    %add3A_342 = arith.addf %mul3A_340, %mul3A_341 : vector<1280x1xf32>
    %mul3A_343 = arith.constant 3.87298346 : f32
    %mul3A_344 = vector.broadcast %mul3A_343 : f32 to vector<1280x1xf32>
    %mul3A_345 = arith.mulf %mul3A_344, %add3A_342 : vector<1280x1xf32>
    %add3A_346 = arith.addf %mul3A_339, %mul3A_345 : vector<1280x1xf32>
    %mul3A_347 = arith.constant 4.47213602 : f32
    %mul3A_348 = vector.broadcast %mul3A_347 : f32 to vector<1280x1xf32>
    %mul3A_349 = arith.mulf %mul3A_348, %slice3A_288 : vector<1280x1xf32>
    %mul3A_350 = arith.mulf %mul3A_349, %slice3A_294 : vector<1280x1xf32>
    %add3A_351 = arith.addf %add3A_346, %mul3A_350 : vector<1280x1xf32>
    %concatenate3A_352 = tpu.concatenate %add3A_316, %sub3A_336, %add3A_351 in 1 : vector<1280x1xf32>, vector<1280x1xf32>, vector<1280x1xf32> -> vector<1280x3xf32>
    %mul3A_353 = vector.broadcast %broadcast_in_dim3A_285 : vector<1280x1xf32> to vector<1280x3xf32>
    %mul3A_354 = arith.mulf %mul3A_353, %slice3A : vector<1280x3xf32>
    %mul3A_355 = arith.mulf %slice3A, %concatenate3A_352 : vector<1280x3xf32>
    %reduce_sum3A_356 = arith.constant dense<0.000000e+00> : vector<1280xf32>
    %reduce_sum3A_357 = vector.multi_reduction <add>, %mul3A_355, %reduce_sum3A_356 [1] : vector<1280x3xf32> to vector<1280xf32>
    %broadcast_in_dim3A_358 = vector.shape_cast %reduce_sum3A_357 : vector<1280xf32> to vector<1280x1xf32>
    %mul3A_359 = vector.broadcast %broadcast_in_dim3A_358 : vector<1280x1xf32> to vector<1280x3xf32>
    %mul3A_360 = arith.mulf %slice3A, %mul3A_359 : vector<1280x3xf32>
    %sub3A_361 = arith.subf %concatenate3A_352, %mul3A_360 : vector<1280x3xf32>
    %div3A_362 = vector.broadcast %slice3A_2 : vector<1280x1xf32> to vector<1280x3xf32>
    %div3A_363 = arith.divf %sub3A_361, %div3A_362 : vector<1280x3xf32>
    %add3A_364 = arith.addf %mul3A_354, %div3A_363 : vector<1280x3xf32>
    %broadcast_in_dim3A_365 = arith.constant 0.000000e+00 : f32
    %broadcast_in_dim3A_366 = vector.broadcast %broadcast_in_dim3A_365 : f32 to vector<1280x5xf32>
    %concatenate3A_367 = tpu.concatenate %add3A_364, %broadcast_in_dim3A_366 in 1 : vector<1280x3xf32>, vector<1280x5xf32> -> vector<1280x8xf32>
    %swap3A = arith.constant 0 : index
    %swap3A_368 = arith.constant 0 : index
    %swap3A_369 = vector.load %arg12[%swap3A, %swap3A_368] : memref<1280x8xf32, #tpu.memory_space<vmem>>, vector<1280x8xf32>
    tpu.vector_store %arg12[%swap3A, %swap3A_368], %concatenate3A_367 {strides = array<i32>} : memref<1280x8xf32, #tpu.memory_space<vmem>>, vector<1280x8xf32>,
    return
  }
  func.func @transform_0(%arg0: i32) -> (i32, i32) {
    %c0_i32 = arith.constant 0 : i32
    %c0_i32_0 = arith.constant 0 : i32
    return %arg0, %c0_i32 : i32, i32
  }
  func.func @transform_1(%arg0: i32) -> (i32, i32) {
    %c0_i32 = arith.constant 0 : i32
    %c0_i32_0 = arith.constant 0 : i32
    return %arg0, %c0_i32 : i32, i32
  }
  func.func @transform_2(%arg0: i32) -> (i32, i32) {
    %c0_i32 = arith.constant 0 : i32
    %c0_i32_0 = arith.constant 0 : i32
    return %arg0, %c0_i32 : i32, i32
  }
  func.func @transform_3(%arg0: i32) -> (i32, i32) {
    %c0_i32 = arith.constant 0 : i32
    %c0_i32_0 = arith.constant 0 : i32
    %c0_i32_1 = arith.constant 0 : i32
    return %c0_i32, %c0_i32_0 : i32, i32
  }
  func.func @transform_4(%arg0: i32) -> (i32, i32) {
    %c0_i32 = arith.constant 0 : i32
    %c0_i32_0 = arith.constant 0 : i32
    %c0_i32_1 = arith.constant 0 : i32
    return %c0_i32, %c0_i32_0 : i32, i32
  }
  func.func @transform_5(%arg0: i32) -> (i32, i32) {
    %c0_i32 = arith.constant 0 : i32
    %c0_i32_0 = arith.constant 0 : i32
    %c0_i32_1 = arith.constant 0 : i32
    return %c0_i32, %c0_i32_0 : i32, i32
  }
  func.func @transform_6(%arg0: i32) -> (i32, i32, i32) {
    %c0_i32 = arith.constant 0 : i32
    %c0_i32_0 = arith.constant 0 : i32
    %c0_i32_1 = arith.constant 0 : i32
    %c0_i32_2 = arith.constant 0 : i32
    return %c0_i32, %c0_i32_0, %c0_i32_1 : i32, i32, i32
  }
  func.func @transform_7(%arg0: i32) -> (i32, i32) {
    %c0_i32 = arith.constant 0 : i32
    %c0_i32_0 = arith.constant 0 : i32
    %c0_i32_1 = arith.constant 0 : i32
    return %c0_i32, %c0_i32_0 : i32, i32
  }
  func.func @transform_8(%arg0: i32) -> (i32, i32) {
    %c0_i32 = arith.constant 0 : i32
    %c0_i32_0 = arith.constant 0 : i32
    %c0_i32_1 = arith.constant 0 : i32
    return %c0_i32, %c0_i32_0 : i32, i32
  }
  func.func @transform_9(%arg0: i32) -> (i32, i32) {
    %c0_i32 = arith.constant 0 : i32
    %c0_i32_0 = arith.constant 0 : i32
    %c0_i32_1 = arith.constant 0 : i32
    return %c0_i32, %c0_i32_0 : i32, i32
  }
  func.func @transform_10(%arg0: i32) -> (i32, i32) {
    %c0_i32 = arith.constant 0 : i32
    %c0_i32_0 = arith.constant 0 : i32
    %c0_i32_1 = arith.constant 0 : i32
    return %c0_i32, %c0_i32_0 : i32, i32
  }
  func.func @transform_11(%arg0: i32) -> (i32, i32) {
    %c0_i32 = arith.constant 0 : i32
    %c0_i32_0 = arith.constant 0 : i32
    return %arg0, %c0_i32 : i32, i32
  }
}

module attributes {stable_mosaic.version = 14 : i64} {
  func.func @_energy_body(%arg0: i32, %arg1: memref<4x12500xf32, #tpu.memory_space<vmem>>, %arg2: memref<4x12500xf32, #tpu.memory_space<vmem>>, %arg3: memref<1x1xf32, #tpu.memory_space<vmem>>, %arg4: memref<4x1xf32, #tpu.memory_space<vmem>>) attributes {dimension_semantics = [#tpu.dimension_semantics<arbitrary>], iteration_bounds = array<i64: 1>, scalar_prefetch = 0 : i64, scratch_operands = 0 : i64, tpu.core_type = #tpu.core_type<tc>, window_params = [{pipeline_mode = #tpu.pipeline_mode<synchronous>, transform_indices = @transform_0, window_bounds = array<i64: 4, 12500>}, {pipeline_mode = #tpu.pipeline_mode<synchronous>, transform_indices = @transform_1, window_bounds = array<i64: 4, 12500>}, {pipeline_mode = #tpu.pipeline_mode<synchronous>, transform_indices = @transform_2, window_bounds = array<i64: 1, 1>}, {pipeline_mode = #tpu.pipeline_mode<synchronous>, transform_indices = @transform_3, window_bounds = array<i64: 4, 1>}]} {
    %get3A = arith.constant 0 : index
    %get3A_0 = arith.constant 0 : index
    %get3A_1 = vector.load %arg1[%get3A, %get3A_0] : memref<4x12500xf32, #tpu.memory_space<vmem>>, vector<4x12500xf32>
    %get3A_2 = arith.constant 0 : index
    %get3A_3 = arith.constant 0 : index
    %get3A_4 = vector.load %arg2[%get3A_2, %get3A_3] : memref<4x12500xf32, #tpu.memory_space<vmem>>, vector<4x12500xf32>
    %get3A_5 = arith.constant 0 : index
    %get3A_6 = arith.constant 0 : index
    %get3A_7 = vector.load %arg3[%get3A_5, %get3A_6] : memref<1x1xf32, #tpu.memory_space<vmem>>, vector<1x1xf32>
    %get3A_8 = vector.extract %get3A_7[0, 0] : f32 from vector<1x1xf32>
    %mul3A = vector.broadcast %get3A_8 : f32 to vector<4x12500xf32>
    %mul3A_9 = arith.mulf %get3A_4, %mul3A : vector<4x12500xf32>
    %add3A = arith.addf %get3A_1, %mul3A_9 : vector<4x12500xf32>
    %reduce_sum3A = arith.constant dense<0.000000e+00> : vector<4xf32>
    %reduce_sum3A_10 = vector.multi_reduction <add>, %add3A, %reduce_sum3A [1] : vector<4x12500xf32> to vector<4xf32>
    %broadcast_in_dim3A = vector.shape_cast %reduce_sum3A_10 : vector<4xf32> to vector<4x1xf32>
    %swap3A = arith.constant 0 : index
    %swap3A_11 = arith.constant 0 : index
    %swap3A_12 = vector.load %arg4[%swap3A, %swap3A_11] : memref<4x1xf32, #tpu.memory_space<vmem>>, vector<4x1xf32>
    tpu.vector_store %arg4[%swap3A, %swap3A_11], %broadcast_in_dim3A {strides = array<i32>} : memref<4x1xf32, #tpu.memory_space<vmem>>, vector<4x1xf32>,
    return
  }
  func.func @transform_0(%arg0: i32) -> (i32, i32) {
    %c0_i32 = arith.constant 0 : i32
    %c0_i32_0 = arith.constant 0 : i32
    %c0_i32_1 = arith.constant 0 : i32
    return %c0_i32, %c0_i32_0 : i32, i32
  }
  func.func @transform_1(%arg0: i32) -> (i32, i32) {
    %c0_i32 = arith.constant 0 : i32
    %c0_i32_0 = arith.constant 0 : i32
    %c0_i32_1 = arith.constant 0 : i32
    return %c0_i32, %c0_i32_0 : i32, i32
  }
  func.func @transform_2(%arg0: i32) -> (i32, i32) {
    %c0_i32 = arith.constant 0 : i32
    %c0_i32_0 = arith.constant 0 : i32
    %c0_i32_1 = arith.constant 0 : i32
    return %c0_i32, %c0_i32_0 : i32, i32
  }
  func.func @transform_3(%arg0: i32) -> (i32, i32) {
    %c0_i32 = arith.constant 0 : i32
    %c0_i32_0 = arith.constant 0 : i32
    %c0_i32_1 = arith.constant 0 : i32
    return %c0_i32, %c0_i32_0 : i32, i32
  }
}

module attributes {stable_mosaic.version = 14 : i64} {
  func.func @_forces_body(%arg0: i32, %arg1: memref<2x2000x8xf32, #tpu.memory_space<vmem>>, %arg2: memref<2x2000x8xf32, #tpu.memory_space<vmem>>, %arg3: memref<2000x3xf32, #tpu.memory_space<vmem>>) attributes {dimension_semantics = [#tpu.dimension_semantics<arbitrary>], iteration_bounds = array<i64: 25>, scalar_prefetch = 0 : i64, scratch_operands = 0 : i64, tpu.core_type = #tpu.core_type<tc>, window_params = [{transform_indices = @transform_0, window_bounds = array<i64: 2, 2000, 8>}, {transform_indices = @transform_1, window_bounds = array<i64: 2, 2000, 8>}, {transform_indices = @transform_2, window_bounds = array<i64: 2000, 3>}]} {
    %get3A = arith.constant 0 : index
    %get3A_0 = arith.constant 0 : index
    %get3A_1 = arith.constant 0 : index
    %get3A_2 = vector.load %arg1[%get3A, %get3A_0, %get3A_1] : memref<2x2000x8xf32, #tpu.memory_space<vmem>>, vector<1x2000x8xf32>
    %get3A_3 = vector.shape_cast %get3A_2 : vector<1x2000x8xf32> to vector<2000x8xf32>
    %get3A_4 = arith.constant 1 : index
    %get3A_5 = arith.constant 0 : index
    %get3A_6 = arith.constant 0 : index
    %get3A_7 = vector.load %arg1[%get3A_4, %get3A_5, %get3A_6] : memref<2x2000x8xf32, #tpu.memory_space<vmem>>, vector<1x2000x8xf32>
    %get3A_8 = vector.shape_cast %get3A_7 : vector<1x2000x8xf32> to vector<2000x8xf32>
    %add3A = arith.addf %get3A_3, %get3A_8 : vector<2000x8xf32>
    %get3A_9 = arith.constant 0 : index
    %get3A_10 = arith.constant 0 : index
    %get3A_11 = arith.constant 0 : index
    %get3A_12 = vector.load %arg2[%get3A_9, %get3A_10, %get3A_11] : memref<2x2000x8xf32, #tpu.memory_space<vmem>>, vector<1x2000x8xf32>
    %get3A_13 = vector.shape_cast %get3A_12 : vector<1x2000x8xf32> to vector<2000x8xf32>
    %sub3A = arith.subf %add3A, %get3A_13 : vector<2000x8xf32>
    %get3A_14 = arith.constant 1 : index
    %get3A_15 = arith.constant 0 : index
    %get3A_16 = arith.constant 0 : index
    %get3A_17 = vector.load %arg2[%get3A_14, %get3A_15, %get3A_16] : memref<2x2000x8xf32, #tpu.memory_space<vmem>>, vector<1x2000x8xf32>
    %get3A_18 = vector.shape_cast %get3A_17 : vector<1x2000x8xf32> to vector<2000x8xf32>
    %sub3A_19 = arith.subf %sub3A, %get3A_18 : vector<2000x8xf32>
    %slice3A = vector.extract_strided_slice %sub3A_19 {offsets = [0, 0], sizes = [2000, 3], strides = [1, 1]} : vector<2000x8xf32> to vector<2000x3xf32>
    %swap3A = arith.constant 0 : index
    %swap3A_20 = arith.constant 0 : index
    %swap3A_21 = vector.load %arg3[%swap3A, %swap3A_20] : memref<2000x3xf32, #tpu.memory_space<vmem>>, vector<2000x3xf32>
    tpu.vector_store %arg3[%swap3A, %swap3A_20], %slice3A {strides = array<i32>} : memref<2000x3xf32, #tpu.memory_space<vmem>>, vector<2000x3xf32>,
    return
  }
  func.func @transform_0(%arg0: i32) -> (i32, i32, i32) {
    %c0_i32 = arith.constant 0 : i32
    %c0_i32_0 = arith.constant 0 : i32
    %c0_i32_1 = arith.constant 0 : i32
    return %c0_i32, %arg0, %c0_i32_0 : i32, i32, i32
  }
  func.func @transform_1(%arg0: i32) -> (i32, i32, i32) {
    %c0_i32 = arith.constant 0 : i32
    %c0_i32_0 = arith.constant 0 : i32
    %c0_i32_1 = arith.constant 0 : i32
    return %c0_i32, %arg0, %c0_i32_0 : i32, i32, i32
  }
  func.func @transform_2(%arg0: i32) -> (i32, i32) {
    %c0_i32 = arith.constant 0 : i32
    %c0_i32_0 = arith.constant 0 : i32
    return %arg0, %c0_i32 : i32, i32
  }
}

</mosaic_0001>

<sc_bundles>
// kernel: kernel.21.cloned.1.call-start
scs
__scs_entry_jumppad:
0x0: {  	(pc) =	sbr.rel $0x88, $3  }
0x1: {  	(tag) =	ssettag $0x0;
	lr =	simm.s32 $0x1  }
0x2: {  	[smem:$0x3F89] =	sst lr;
	_ =	strace $0xD0000000  }
0x3: {  	_ = 	snop  }
0x4: {  	_ = 	snop  }
0x5: {  	_ = 	snop  }
0x6: {  	_ = 	snop  }
0x7: {  	_ = 	snop  }
__scs_overlays_trampoline_lowered:
0x8: {  	[smem:$0x3F98] =	sst s0  }
0x9: {  	[smem:$0x3F99] =	sst s1  }
0xa: {  	[smem:$0x3F9A] =	sst s2  }
0xb: {  	[smem:$0x3F9B] =	sst s3  }
0xc: {  	[smem:$0x3F9C] =	sst s4  }
0xd: {  	[smem:$0x3F9D] =	sst s5  }
0xe: {  	[smem:$0x3F9E] =	sst s6  }
0xf: {  	[smem:$0x3F9F] =	sst s7  }
0x10: {  	[smem:$0x3FA0] =	sst s8  }
0x11: {  	[smem:$0x3FA1] =	sst s9;
	s0 =	simm.s32 @!p0 $0x0  }
0x12: {  	s1 =	sld [smem:$0x3F87];
	s0 =	simm.s32 @p0 $0x1  }
0x13: {  	[smem:$0x3FA2] =	sst s0;
	s0 =	simm.s32 @!p1 $0x0  }
0x14: {  	s2 =	sld [smem:$0x3F86];
	s0 =	simm.s32 @p1 $0x1  }
0x15: {  	[smem:$0x3FA3] =	sst s0;
	s0 =	simm.s32 @!p2 $0x0  }
0x16: {  	s3 =	sld [smem:$0x3FDB];
	s0 =	simm.s32 @p2 $0x1  }
0x17: {  	s4 =	simm.s32 $0x1BF5;
	[smem:$0x3FA5] =	sst s0  }
0x18: {  	s0 =	sld [smem:$0x3F88];
	_ =	swait.ge [sflag:s4], $0x0  }
0x19: {  	s7 =	sld [smem:$0x3F89]  }
0x1a: {  	s8 =	sadd.s32 $0xFFFFE003, lr  }
0x1b: {  	s9 =	sadd.s32 $0xFFFFFEF7, lr;
	s5 =	simm.s32 $0xFFFFFFFF;
	p2 =	slt.u32 s8, $0xFFFFF086  }
0x1c: {  	p1 =	slt.u32 s9, $0xF7A;
	s5 =	simm.s32 @!p2 $0x0  }
0x1d: {  	s5 =	simm.s32 @p1 $0x1;
	p0 =	seq.s32 s7, s2  }
0x1e: {  	s7 =	smul.u32 @!p0 $0xF7A, s2;
	p2 =	seq.s32 @!p0 s5, $0x0  }
0x1f: {  	s9 =	smul.u32 $0xF7A, s1;
	s8 =	simm.s32 @!p0 $0x1BF5;
	p2 =	por !p2, p0  }
0x20: {  	[sflag:s8] =	ssyncset.s32 @!p0 $0xFFFFF086;
	s6 =	sadd.s32 @!p0 s3, s7;
	s7 =	simm.s32 @!p0 $0x108  }
0x21: {  	s3 =	sadd.s32 s3, s9;
	s6 =	sadd.s32 @!p0 $0x88, s6;
	s7 =	simm.s32 @p2 $0x1082  }
0x22: {  	[simem:s7], [sflag:s8] =	dma.local @!p0 [hbm:s6], $0xF7A  }
0x23: {  	s9 =	sor.u32 $0xD0000000, s2;
	s6 =	simm.s32 $0x108;
	_ =	swait.ge @!p0 [sflag:s8], $0x0  }
0x24: {  	s3 =	sadd.s32 $0x88, s3;
	s6 =	simm.s32 @!p1 $0x1082;
	[sflag:s4] =	ssyncset.s32 $0xFFFFF086  }
0x25: {  	[simem:s6], [sflag:s4] =	dma.local [hbm:s3], $0xF7A  }
0x26: {  	[smem:$0x3F89] =	sst s1;
	(tag) =	ssettag s2;
	_ =	strace s9  }
0x27: {  	s1 =	sld [smem:$0x3F99]  }
0x28: {  	s2 =	sld [smem:$0x3F9A]  }
0x29: {  	s4 =	sld [smem:$0x3F9C]  }
0x2a: {  	p0 =	seq.s32 s5, $0x0;
	s5 =	sld [smem:$0x3F9D]  }
0x2b: {  	s6 =	sld [smem:$0x3F9E]  }
0x2c: {  	s7 =	sld [smem:$0x3F9F]  }
0x2d: {  	s3 =	simm.s32 $0x108;
	s8 =	sld [smem:$0x3FA0]  }
0x2e: {  	s3 =	simm.s32 @!p0 $0x1082;
	s9 =	sld [smem:$0x3FA1]  }
0x2f: {  	lr =	sadd.s32 s0, s3;
	s0 =	sld [smem:$0x3F98]  }
0x30: {  	s3 =	sld [smem:$0x3F9B]  }
0x31: {  	[smem:$0x3FA4] =	sst s10  }
0x32: {  	s10 =	sld [smem:$0x3FA2];
	_ =	sdelay $0x3  }
0x33: {  	p0 =	seq.s32 s10, $0x1;
	s10 =	sld [smem:$0x3FA4];
	_ =	sdelay $0x3  }
0x34: {  	[smem:$0x3FA4] =	sst s10  }
0x35: {  	s10 =	sld [smem:$0x3FA3];
	_ =	sdelay $0x3  }
0x36: {  	p1 =	seq.s32 s10, $0x1;
	s10 =	sld [smem:$0x3FA4];
	_ =	sdelay $0x3  }
0x37: {  	[smem:$0x3FA4] =	sst s10  }
0x38: {  	s10 =	sld [smem:$0x3FA5]  }
0x39: {  	_ = 	snop;
	(pc) =	sbr.ind lr, $3  }
0x3a: {  	_ = 	snop  }
0x3b: {  	_ = 	snop  }
0x3c: {  	p2 =	seq.s32 s10, $0x1;
	s10 =	sld [smem:$0x3FA4]  }
0x3d: {  	_ =	shalt  }
0x3e: {  	_ =	shalt  }
0x3f: {  	_ =	shalt  }
0x40: {  	_ =	shalt  }
0x41: {  	_ =	shalt  }
0x42: {  	_ =	shalt  }
0x43: {  	_ =	shalt  }
0x44: {  	_ =	shalt  }
0x45: {  	_ =	shalt  }
0x46: {  	_ =	shalt  }
0x47: {  	_ =	shalt  }
0x48: {  	_ =	shalt  }
0x49: {  	_ =	shalt  }
0x4a: {  	_ =	shalt  }
0x4b: {  	_ =	shalt  }
0x4c: {  	_ =	shalt  }
0x4d: {  	_ =	shalt  }
0x4e: {  	_ =	shalt  }
0x4f: {  	_ =	shalt  }
0x50: {  	_ =	shalt  }
0x51: {  	_ =	shalt  }
0x52: {  	_ =	shalt  }
0x53: {  	_ =	shalt  }
0x54: {  	_ =	shalt  }
0x55: {  	_ =	shalt  }
0x56: {  	_ =	shalt  }
0x57: {  	_ =	shalt  }
0x58: {  	_ =	shalt  }
0x59: {  	_ =	shalt  }
0x5a: {  	_ =	shalt  }
0x5b: {  	_ =	shalt  }
0x5c: {  	_ =	shalt  }
0x5d: {  	_ =	shalt  }
0x5e: {  	_ =	shalt  }
0x5f: {  	_ =	shalt  }
0x60: {  	_ =	shalt  }
0x61: {  	_ =	shalt  }
0x62: {  	_ =	shalt  }
0x63: {  	_ =	shalt  }
0x64: {  	_ =	shalt  }
0x65: {  	_ =	shalt  }
0x66: {  	_ =	shalt  }
0x67: {  	_ =	shalt  }
0x68: {  	_ =	shalt  }
0x69: {  	_ =	shalt  }
0x6a: {  	_ =	shalt  }
0x6b: {  	_ =	shalt  }
0x6c: {  	_ =	shalt  }
0x6d: {  	_ =	shalt  }
0x6e: {  	_ =	shalt  }
0x6f: {  	_ =	shalt  }
0x70: {  	_ =	shalt  }
0x71: {  	_ =	shalt  }
0x72: {  	_ =	shalt  }
0x73: {  	_ =	shalt  }
0x74: {  	_ =	shalt  }
0x75: {  	_ =	shalt  }
0x76: {  	_ =	shalt  }
0x77: {  	_ =	shalt  }
0x78: {  	_ =	shalt  }
0x79: {  	_ =	shalt  }
0x7a: {  	_ =	shalt  }
0x7b: {  	_ =	shalt  }
0x7c: {  	_ =	shalt  }
0x7d: {  	_ =	shalt  }
0x7e: {  	_ =	shalt  }
0x7f: {  	_ =	shalt  }
0x80: {  	_ =	shalt  }
0x81: {  	_ =	shalt  }
0x82: {  	_ =	shalt  }
0x83: {  	_ =	shalt  }
0x84: {  	_ =	shalt  }
0x85: {  	_ =	shalt  }
0x86: {  	_ =	shalt  }
0x87: {  	_ =	shalt  }
.Lfunc_end0:
.L_simem_size_0:
called_computation_lowered:
.L_overlay_start_0:
0x88: {  	s2 =	sld [smem:$0x3FD9]  }
0x89: {  	s3 =	sld [smem:$0x3FFE];
	_ =	sdelay $0x1  }
0x8a: {  	s1 =	srdreg.scid  }
0x8b: {  	s0 =	sand.u32 $0x1, s1  }
0x8c: {  	s16 =	sshll.u32 s0, $0xA;
	s2 =	sadd.s32 s3, s2  }
0x8d: {  	s2 =	sadd.s32 s2, s16  }
0x8e: {  	[smem:$0x3FB0] =	sst s2  }
0x8f: {  	_ = 	snop  }
0x90: {  	(tm) =	ssettm $0x1  }
0x91: {  	s17 =	sld [smem:$0x3FFB];
	_ =	sdelay $0x3  }
0x92: {  	_ =	strace s17  }
0x93: {  	s2 =	sld [smem:$0x3FFC];
	_ =	sdelay $0x3  }
0x94: {  	_ =	strace s2  }
0x95: {  	s2 =	sld [smem:$0x3FFD];
	_ =	sdelay $0x3  }
0x96: {  	_ =	strace s2  }
0x97: {  	_ =	strace $0x8FFFFFFF  }
0x98: {  	s18 =	sld [smem:$0x3FDB];
	_ =	sdelay $0x1  }
0x99: {  	s19 =	simm.s32 $_scs_section_size  }
0x9a: {  	s4 =	simm.s32 $_size__tile_overlayer_lowered;
	s5 =	simm.s32 $_tile_overlayer_lowered  }
0x9b: {  	s22 =	simm.s32 $0x1BFF;
	s21 =	sshll.u32 s5, $0x1;
	s2 =	sadd.s32 s19, s18  }
0x9c: {  	s6 =	simm.s32 $0x0;
	s20 =	sshll.u32 s4, $0x1;
	s4 =	sadd.s32 s21, s2  }
0x9d: {  	[timem:s6], [sflag:s22] =	dma.local [hbm:s4], s20  }
0x9e: {  	_ =	swait.ge [sflag:s22], s20  }
0x9f: {  	s3 =	ssub.s32 $0x0, s20;
	[sflag:s22] =	ssyncset.done $0x0  }
0xa0: {  	[sflag:s22] =	ssyncadd.s32 s3;
	_ =	sdelay $0x1  }
0xa1: {  	s23 =	simm.s32 $0x1B8B  }
0xa2: {  	_ =	swait.ge [sflag:s23], $0x1  }
0xa3: {  	[sflag:s23] =	ssyncset.done $0x0  }
0xa4: {  	s25 =	simm.s32 $0x1B8E;
	s24 =	sld [smem:$0x3FFE];
	[sflag:s23] =	ssyncadd.s32 $0xFFFFFFFF  }
0xa5: {  	s26 =	simm.s32 $execute0_lowered;
	[smem:$0x3FD2] =	sst s25  }
0xa6: {  	s4 =	sshll.u32 s26, $0x1;
	_ =	strace $0x80000046;
	[dreg:$0x1] =	wrdreg $0xFFFFFFFF  }
0xa7: {  	s28 =	simm.s32 $_size_execute0_lowered;
	s2 =	sadd.s32 s2, s4;
	[dreg:$0x0] =	wrdreg $0x0  }
0xa8: {  	s4 =	sshll.u32 s28, $0x1;
	[dreg:$0x2] =	wrdreg s2  }
0xa9: {  	[dreg:$0x3] =	wrdreg s4  }
0xaa: {  	[dreg:$0x4] =	wrdreg $0xC0  }
0xab: {  	_ =	task [dreg:s6], $0x5FFFF  }
0xac: {  	[dreg:$0x1] =	wrdreg $0xFFFFFFFF  }
0xad: {  	[dreg:$0x0] =	wrdreg $0x60  }
0xae: {  	[dreg:$0x2] =	wrdreg s24  }
0xaf: {  	[dreg:$0x3] =	wrdreg $0x9  }
0xb0: {  	_ =	task.clear_ibuf [dreg:s6], $0x4FFFF;
	_ =	strace $0x90000046  }
0xb1: {  	s29 =	simm.s32 $0x9;
	_ =	strace $0x80000048  }
0xb2: {  	_ =	swait.ge [sflag:s29], $0x1  }
0xb3: {  	[sflag:s29] =	ssyncadd.s32 $0xFFFFFFFF  }
0xb4: {  	_ =	strace $0x90000048  }
0xb5: {  	_ =	sfence  }
0xb6: {  	s30 =	sld [smem:$0x0];
	_ =	sdelay $0x2  }
0xb7: {  	s31 =	sshll.u32 s1, $0xD;
	s1 =	sshrl.u32 s1, $0x2  }
0xb8: {  	s3 =	sand.u32 $0x4000, s31;
	s1 =	sadd.s32 s1, s30  }
0xb9: {  	s0 =	sor.u32 s3, s0;
	s1 =	sshll.u32 s1, $0x11  }
0xba: {  	s0 =	sor.u32 s1, s0  }
0xbb: {  	s0 =	sadd.s32 $0x8F2B, s0  }
0xbc: {  	[sflag:s0] =	ssyncadd.remote.s32 $0x1  }
0xbd: {  	_ =	sfence.sel $0xFFFF  }
0xbe: {  	[dreg:$0x0] =	wrdreg $0xFFFFFFFF;
	(pc) =	sbr.abs _section_cstart, $3  }
0xbf: {  	[dreg:$0x1] =	wrdreg $0xFFFFFFFF  }
0xc0: {  	_ =	task.clear_ibuf [dreg:s6], $0x2FFFF;
	_ =	strace $0x9FFFFFFF  }
0xc1: {  	(tm) =	ssettm $0x7FFFFFFF  }
tec
execute0_lowered:
.L_overlay_start_1:
0x0: {  	(tag) =	ssettag $0x1  }
0x1: {  	s1 =	srdreg.scid  }
0x2: {  	s0 =	stileid.u32;
	s4 =	rddreg [dreg:$0x0];
	s2 =	simm.s32 $0x0  }
0x3: {  	s11 =	simm.s32 $0x0;
	s5 =	sand.u32 $0x1, s1;
	s1 =	rddreg [dreg:$0x1]  }
0x4: {  	s3 =	sshll.u32 s0, $0x1;
	[smem:$0x7FF] =	sst s2;
	s7 =	smul.u32 $0x186A0, s0  }
0x5: {  	s3 =	sor.u32 s5, s3;
	_ =	strace $0x80000047;
	s10 =	smul.u32 $0xC350, s5  }
0x6: {  	s8 =	ssub.s32 $0x2, s5;
	s6 =	smul.u32 $0x186A, s3;
	s3 =	sadd.s32 $0x12F200, s4  }
0x7: {  	s9 =	sshrl.u32 s8, $0x1;
	s30 =	sadd.s32 s7, s4;
	s7 =	simm.s32 $0x2  }
0x8: {  	s31 =	ssub.s32 s8, s9;
	s8 =	simm.s32 $0x50;
	s9 =	simm.s32 $0xC350  }
0x9: {  	s29 =	sadd.s32 s6, s4;
	s5 =	smax.u32 s31, $0x1;
	s6 =	sadd.s32 s10, s30  }
0xa: {  	s10 =	simm.s32 $0x1;
	s4 =	sadd.s32 $0xA000, s29;
	s6 =	sadd.s32 $0x13B600, s6  }
.LBB2_1:
0xb: {  	[tilespmem:s2], [sflag:$0x2] =	stream.linear.gather [hbm4b:s4+s2], $0xC350, $0x38;
	[tilespmem:$0xC5D0] =	vst v63  }
0xc: {  	_ =	swait.ge [sflag:s7], $0xC350  }
0xd: {  	[sflag:s7] =	ssyncset.done $0x0  }
0xe: {  	[sflag:s7] =	ssyncadd.s32 $0xFFFF3CB0  }
0xf: {  	[tilespmem:s9], [sflag:$0x1] =	stream.indirect.gather [hbm4b:s3+s8], $0x8, s2, s8, $0xb8;
	[tilespmem:$0xC5D0] =	vst v63  }
0x10: {  	_ =	swait.ge [sflag:s10], $0x280  }
0x11: {  	[sflag:s10] =	ssyncset.done $0x0  }
0x12: {  	s12 =	sadd.s32 $0x0, s6;
	[sflag:s10] =	ssyncadd.s32 $0xFFFFFD80  }
0x13: {  	[hbm4b:s12+s2] =	stream.linear.scatter [tilespmem:s9], [sflag:$0x2], $0x280, $0x38;
	[tilespmem:$0xC5D0] =	vst v63  }
0x14: {  	_ =	swait.ge [sflag:s7], $0x280  }
0x15: {  	s13 =	simm.s32 $0x0;
	s12 =	simm.s32 $0x50;
	[sflag:s7] =	ssyncset.done $0x0  }
.LBB2_2:
0x16: {  	p0 =	sne.s32 s12, $0xC300;
	[sflag:s7] =	ssyncadd.s32 $0xFFFFFD80;
	s13 =	sadd.s32 $0x50, s13  }
0x17: {  	[tilespmem:s9], [sflag:$0x1] =	stream.indirect.gather [hbm4b:s3+s8], $0x8, s13, s8, $0xb8;
	[tilespmem:$0xC5D0] =	vst v63  }
0x18: {  	s14 =	smov.u32 s12;
	s12 =	sadd.s32 $0x50, s12;
	_ =	swait.ge [sflag:s10], $0x280  }
.Ltmp0:
0x19: {  	[sflag:s10] =	ssyncset.done $0x0;
	(pc) =	sbr.rel @p0 .LBB2_2-.Ltmp0, $4  }
0x1a: {  	s14 =	sadd.s32 s14, s6;
	[sflag:s10] =	ssyncadd.s32 $0xFFFFFD80  }
0x1b: {  	[hbm4b:s14+s2] =	stream.linear.scatter [tilespmem:s9], [sflag:$0x2], $0x280, $0x38;
	[tilespmem:$0xC5D0] =	vst v63  }
0x1c: {  	_ =	swait.ge [sflag:s7], $0x280  }
0x1d: {  	[sflag:s7] =	ssyncset.done $0x0  }
0x1e: {  	s11 =	sadd.s32 $0x1, s11  }
0x1f: {  	p0 =	sne.s32 s11, s5  }
.Ltmp1:
0x20: {  	_ = 	snop;
	(pc) =	sbr.rel @p0 .LBB2_1-.Ltmp1, $2  }
0x21: {  	_ =	sdelay $0x2  }
0x22: {  	[sflag:s7] =	ssyncadd.s32 $0xFFFFFD80  }
0x23: {  	_ =	sfence.sel $0x180000  }
0x24: {  	[bflag:$0x0] =	sbarrier.arrive $0xFFFF  }
0x25: {  	p0 =	sne.s32 s0, $0x0;
	_ =	strace $0x90000047  }
0x26: {  	s0 =	sadd.s32 @!p0 $0x100000, s1;
	[bflag:$0x2] =	sbarrier.arrive $0xFFFF  }
0x27: {  	[sflag:s0] =	ssyncadd.tile.s32 @!p0 $0x1;
	_ =	shalt  }
.Lfunc_end2:
_tile_overlayer_lowered:
.L_overlay_start_2:
0x28: {  	(tag) =	ssettag $0x2  }
0x29: {  	s0 =	rddreg [dreg:$0x0];
	s2 =	stileid.u32  }
0x2a: {  	s1 =	rddreg [dreg:$0x1];
	p0 =	sne.s32 s2, $0x0  }
0x2b: {  	s3 =	rddreg [dreg:$0x2];
	[bflag:$0x3] =	sbarrier.arrive $0xFFFF;
	s2 =	simm.s32 @!p0 $0x1C02  }
0x2c: {  	[timem:s3], [sflag:s2] =	dma.local @!p0 [hbm:s0], s1  }
0x2d: {  	s0 =	simm.s32 @!p0 $0x2  }
0x2e: {  	_ =	swait.ge @!p0 [sflag:s0], s1  }
0x2f: {  	s1 =	ssub.s32 @!p0 $0x0, s1;
	[sflag:s0] =	ssyncset.done @!p0 $0x0  }
0x30: {  	[sflag:s0] =	ssyncadd.s32 @!p0 s1  }
0x31: {  	[bflag:$0x3] =	sbarrier.arrive $0xFFFF  }
0x32: {  	_ =	shalt  }

// kernel: kernel.24.cloned.1.call-start
scs
__scs_entry_jumppad:
0x0: {  	(pc) =	sbr.rel $0x88, $3  }
0x1: {  	(tag) =	ssettag $0x0;
	lr =	simm.s32 $0x1  }
0x2: {  	[smem:$0x3F89] =	sst lr;
	_ =	strace $0xD0000000  }
0x3: {  	_ = 	snop  }
0x4: {  	_ = 	snop  }
0x5: {  	_ = 	snop  }
0x6: {  	_ = 	snop  }
0x7: {  	_ = 	snop  }
__scs_overlays_trampoline_lowered:
0x8: {  	[smem:$0x3F98] =	sst s0  }
0x9: {  	[smem:$0x3F99] =	sst s1  }
0xa: {  	[smem:$0x3F9A] =	sst s2  }
0xb: {  	[smem:$0x3F9B] =	sst s3  }
0xc: {  	[smem:$0x3F9C] =	sst s4  }
0xd: {  	[smem:$0x3F9D] =	sst s5  }
0xe: {  	[smem:$0x3F9E] =	sst s6  }
0xf: {  	[smem:$0x3F9F] =	sst s7  }
0x10: {  	[smem:$0x3FA0] =	sst s8  }
0x11: {  	[smem:$0x3FA1] =	sst s9;
	s0 =	simm.s32 @!p0 $0x0  }
0x12: {  	s1 =	sld [smem:$0x3F87];
	s0 =	simm.s32 @p0 $0x1  }
0x13: {  	[smem:$0x3FA2] =	sst s0;
	s0 =	simm.s32 @!p1 $0x0  }
0x14: {  	s2 =	sld [smem:$0x3F86];
	s0 =	simm.s32 @p1 $0x1  }
0x15: {  	[smem:$0x3FA3] =	sst s0;
	s0 =	simm.s32 @!p2 $0x0  }
0x16: {  	s3 =	sld [smem:$0x3FDB];
	s0 =	simm.s32 @p2 $0x1  }
0x17: {  	s4 =	simm.s32 $0x1BF5;
	[smem:$0x3FA5] =	sst s0  }
0x18: {  	s0 =	sld [smem:$0x3F88];
	_ =	swait.ge [sflag:s4], $0x0  }
0x19: {  	s7 =	sld [smem:$0x3F89]  }
0x1a: {  	s8 =	sadd.s32 $0xFFFFE003, lr  }
0x1b: {  	s9 =	sadd.s32 $0xFFFFFEF7, lr;
	s5 =	simm.s32 $0xFFFFFFFF;
	p2 =	slt.u32 s8, $0xFFFFF086  }
0x1c: {  	p1 =	slt.u32 s9, $0xF7A;
	s5 =	simm.s32 @!p2 $0x0  }
0x1d: {  	s5 =	simm.s32 @p1 $0x1;
	p0 =	seq.s32 s7, s2  }
0x1e: {  	s7 =	smul.u32 @!p0 $0xF7A, s2;
	p2 =	seq.s32 @!p0 s5, $0x0  }
0x1f: {  	s9 =	smul.u32 $0xF7A, s1;
	s8 =	simm.s32 @!p0 $0x1BF5;
	p2 =	por !p2, p0  }
0x20: {  	[sflag:s8] =	ssyncset.s32 @!p0 $0xFFFFF086;
	s6 =	sadd.s32 @!p0 s3, s7;
	s7 =	simm.s32 @!p0 $0x108  }
0x21: {  	s3 =	sadd.s32 s3, s9;
	s6 =	sadd.s32 @!p0 $0x88, s6;
	s7 =	simm.s32 @p2 $0x1082  }
0x22: {  	[simem:s7], [sflag:s8] =	dma.local @!p0 [hbm:s6], $0xF7A  }
0x23: {  	s9 =	sor.u32 $0xD0000000, s2;
	s6 =	simm.s32 $0x108;
	_ =	swait.ge @!p0 [sflag:s8], $0x0  }
0x24: {  	s3 =	sadd.s32 $0x88, s3;
	s6 =	simm.s32 @!p1 $0x1082;
	[sflag:s4] =	ssyncset.s32 $0xFFFFF086  }
0x25: {  	[simem:s6], [sflag:s4] =	dma.local [hbm:s3], $0xF7A  }
0x26: {  	[smem:$0x3F89] =	sst s1;
	(tag) =	ssettag s2;
	_ =	strace s9  }
0x27: {  	s1 =	sld [smem:$0x3F99]  }
0x28: {  	s2 =	sld [smem:$0x3F9A]  }
0x29: {  	s4 =	sld [smem:$0x3F9C]  }
0x2a: {  	p0 =	seq.s32 s5, $0x0;
	s5 =	sld [smem:$0x3F9D]  }
0x2b: {  	s6 =	sld [smem:$0x3F9E]  }
0x2c: {  	s7 =	sld [smem:$0x3F9F]  }
0x2d: {  	s3 =	simm.s32 $0x108;
	s8 =	sld [smem:$0x3FA0]  }
0x2e: {  	s3 =	simm.s32 @!p0 $0x1082;
	s9 =	sld [smem:$0x3FA1]  }
0x2f: {  	lr =	sadd.s32 s0, s3;
	s0 =	sld [smem:$0x3F98]  }
0x30: {  	s3 =	sld [smem:$0x3F9B]  }
0x31: {  	[smem:$0x3FA4] =	sst s10  }
0x32: {  	s10 =	sld [smem:$0x3FA2];
	_ =	sdelay $0x3  }
0x33: {  	p0 =	seq.s32 s10, $0x1;
	s10 =	sld [smem:$0x3FA4];
	_ =	sdelay $0x3  }
0x34: {  	[smem:$0x3FA4] =	sst s10  }
0x35: {  	s10 =	sld [smem:$0x3FA3];
	_ =	sdelay $0x3  }
0x36: {  	p1 =	seq.s32 s10, $0x1;
	s10 =	sld [smem:$0x3FA4];
	_ =	sdelay $0x3  }
0x37: {  	[smem:$0x3FA4] =	sst s10  }
0x38: {  	s10 =	sld [smem:$0x3FA5]  }
0x39: {  	_ = 	snop;
	(pc) =	sbr.ind lr, $3  }
0x3a: {  	_ = 	snop  }
0x3b: {  	_ = 	snop  }
0x3c: {  	p2 =	seq.s32 s10, $0x1;
	s10 =	sld [smem:$0x3FA4]  }
0x3d: {  	_ =	shalt  }
0x3e: {  	_ =	shalt  }
0x3f: {  	_ =	shalt  }
0x40: {  	_ =	shalt  }
0x41: {  	_ =	shalt  }
0x42: {  	_ =	shalt  }
0x43: {  	_ =	shalt  }
0x44: {  	_ =	shalt  }
0x45: {  	_ =	shalt  }
0x46: {  	_ =	shalt  }
0x47: {  	_ =	shalt  }
0x48: {  	_ =	shalt  }
0x49: {  	_ =	shalt  }
0x4a: {  	_ =	shalt  }
0x4b: {  	_ =	shalt  }
0x4c: {  	_ =	shalt  }
0x4d: {  	_ =	shalt  }
0x4e: {  	_ =	shalt  }
0x4f: {  	_ =	shalt  }
0x50: {  	_ =	shalt  }
0x51: {  	_ =	shalt  }
0x52: {  	_ =	shalt  }
0x53: {  	_ =	shalt  }
0x54: {  	_ =	shalt  }
0x55: {  	_ =	shalt  }
0x56: {  	_ =	shalt  }
0x57: {  	_ =	shalt  }
0x58: {  	_ =	shalt  }
0x59: {  	_ =	shalt  }
0x5a: {  	_ =	shalt  }
0x5b: {  	_ =	shalt  }
0x5c: {  	_ =	shalt  }
0x5d: {  	_ =	shalt  }
0x5e: {  	_ =	shalt  }
0x5f: {  	_ =	shalt  }
0x60: {  	_ =	shalt  }
0x61: {  	_ =	shalt  }
0x62: {  	_ =	shalt  }
0x63: {  	_ =	shalt  }
0x64: {  	_ =	shalt  }
0x65: {  	_ =	shalt  }
0x66: {  	_ =	shalt  }
0x67: {  	_ =	shalt  }
0x68: {  	_ =	shalt  }
0x69: {  	_ =	shalt  }
0x6a: {  	_ =	shalt  }
0x6b: {  	_ =	shalt  }
0x6c: {  	_ =	shalt  }
0x6d: {  	_ =	shalt  }
0x6e: {  	_ =	shalt  }
0x6f: {  	_ =	shalt  }
0x70: {  	_ =	shalt  }
0x71: {  	_ =	shalt  }
0x72: {  	_ =	shalt  }
0x73: {  	_ =	shalt  }
0x74: {  	_ =	shalt  }
0x75: {  	_ =	shalt  }
0x76: {  	_ =	shalt  }
0x77: {  	_ =	shalt  }
0x78: {  	_ =	shalt  }
0x79: {  	_ =	shalt  }
0x7a: {  	_ =	shalt  }
0x7b: {  	_ =	shalt  }
0x7c: {  	_ =	shalt  }
0x7d: {  	_ =	shalt  }
0x7e: {  	_ =	shalt  }
0x7f: {  	_ =	shalt  }
0x80: {  	_ =	shalt  }
0x81: {  	_ =	shalt  }
0x82: {  	_ =	shalt  }
0x83: {  	_ =	shalt  }
0x84: {  	_ =	shalt  }
0x85: {  	_ =	shalt  }
0x86: {  	_ =	shalt  }
0x87: {  	_ =	shalt  }
.Lfunc_end0:
.L_simem_size_0:
called_computation.1_lowered:
.L_overlay_start_0:
0x88: {  	s2 =	sld [smem:$0x3FD9]  }
0x89: {  	s3 =	sld [smem:$0x3FFE];
	_ =	sdelay $0x1  }
0x8a: {  	s1 =	srdreg.scid  }
0x8b: {  	s0 =	sand.u32 $0x1, s1  }
0x8c: {  	s17 =	sshll.u32 s0, $0xA;
	s2 =	sadd.s32 s3, s2  }
0x8d: {  	s2 =	sadd.s32 s2, s17  }
0x8e: {  	[smem:$0x3FB0] =	sst s2  }
0x8f: {  	_ = 	snop  }
0x90: {  	(tm) =	ssettm $0x1  }
0x91: {  	s18 =	sld [smem:$0x3FFB];
	_ =	sdelay $0x3  }
0x92: {  	_ =	strace s18  }
0x93: {  	s2 =	sld [smem:$0x3FFC];
	_ =	sdelay $0x3  }
0x94: {  	_ =	strace s2  }
0x95: {  	s2 =	sld [smem:$0x3FFD];
	_ =	sdelay $0x3  }
0x96: {  	_ =	strace s2  }
0x97: {  	_ =	strace $0x8FFFFFFF  }
0x98: {  	s19 =	sld [smem:$0x3FDB];
	_ =	sdelay $0x1  }
0x99: {  	s20 =	simm.s32 $_scs_section_size  }
0x9a: {  	s4 =	simm.s32 $_size__tile_overlayer_lowered;
	s5 =	simm.s32 $_tile_overlayer_lowered  }
0x9b: {  	s6 =	simm.s32 $0x1BFF;
	s21 =	sshll.u32 s5, $0x1;
	s3 =	sadd.s32 s20, s19  }
0x9c: {  	s22 =	simm.s32 $0x0;
	s4 =	sshll.u32 s4, $0x1;
	s5 =	sadd.s32 s21, s3  }
0x9d: {  	[timem:s22], [sflag:s6] =	dma.local [hbm:s5], s4  }
0x9e: {  	_ =	swait.ge [sflag:s6], s4  }
0x9f: {  	s4 =	ssub.s32 $0x0, s4;
	[sflag:s6] =	ssyncset.done $0x0  }
0xa0: {  	[sflag:s6] =	ssyncadd.s32 s4;
	_ =	sdelay $0x1  }
0xa1: {  	s23 =	simm.s32 $0x1B8B  }
0xa2: {  	_ =	swait.ge [sflag:s23], $0x1  }
0xa3: {  	[sflag:s23] =	ssyncset.done $0x0  }
0xa4: {  	[sflag:s23] =	ssyncadd.s32 $0xFFFFFFFF  }
0xa5: {  	s4 =	sld [smem:$0x0]  }
0xa6: {  	s5 =	sand.u32 $0xFFFFFFFE, s1  }
0xa7: {  	p0 =	sne.s32 s1, s5  }
0xa8: {  	s5 =	sshll.u32 @p0 s5, $0xE  }
0xa9: {  	s5 =	sadd.s32 @p0 $0x11B8D, s5;
	s6 =	sshll.u32 @p0 s4, $0x11  }
0xaa: {  	s5 =	sor.u32 @p0 s6, s5  }
0xab: {  	[sflag:s5] =	ssyncadd.remote.s32 @p0 $0x1;
	_ =	sdelay $0x1  }
0xac: {  	s5 =	simm.s32 @p0 $0x1B8D  }
0xad: {  	_ =	swait.eq @p0 [sflag:s5], $0x1  }
0xae: {  	[sflag:s5] =	ssyncadd.s32 @p0 $0xFFFFFFFF  }
0xaf: {  	s6 =	sshll.u32 @!p0 s1, $0xE  }
0xb0: {  	s6 =	sor.u32 @!p0 $0x4000, s6;
	s5 =	simm.s32 @!p0 $0x1B8D  }
0xb1: {  	s4 =	sshll.u32 @!p0 s4, $0x11;
	s6 =	sadd.s32 @!p0 $0x11B8D, s6;
	_ =	swait.eq @!p0 [sflag:s5], $0x1  }
0xb2: {  	s4 =	sor.u32 @!p0 s4, s6;
	[sflag:s5] =	ssyncadd.s32 @!p0 $0xFFFFFFFF  }
0xb3: {  	s25 =	simm.s32 $0x1B8E;
	s24 =	sld [smem:$0x3FFE];
	[sflag:s4] =	ssyncadd.remote.s32 @!p0 $0x1  }
0xb4: {  	s26 =	simm.s32 $execute0_lowered;
	[smem:$0x3FD2] =	sst s25  }
0xb5: {  	s5 =	sshll.u32 s26, $0x1;
	_ =	strace $0x80000049;
	[dreg:$0x1] =	wrdreg $0xFFFFFFFF  }
0xb6: {  	s28 =	simm.s32 $_size_execute0_lowered;
	s3 =	sadd.s32 s3, s5;
	[dreg:$0x0] =	wrdreg $0x0  }
0xb7: {  	s5 =	sshll.u32 s28, $0x1;
	[dreg:$0x2] =	wrdreg s3  }
0xb8: {  	[dreg:$0x3] =	wrdreg s5  }
0xb9: {  	[dreg:$0x4] =	wrdreg $0xC0  }
0xba: {  	_ =	task [dreg:s22], $0x5FFFF  }
0xbb: {  	[dreg:$0x1] =	wrdreg $0xFFFFFFFF  }
0xbc: {  	[dreg:$0x0] =	wrdreg $0x60  }
0xbd: {  	[dreg:$0x2] =	wrdreg s24  }
0xbe: {  	[dreg:$0x3] =	wrdreg $0xA  }
0xbf: {  	_ =	task.clear_ibuf [dreg:s22], $0x4FFFF;
	_ =	strace $0x90000049  }
0xc0: {  	s29 =	simm.s32 $0xA;
	_ =	strace $0x8000004B  }
0xc1: {  	_ =	swait.ge [sflag:s29], $0x1  }
0xc2: {  	[sflag:s29] =	ssyncadd.s32 $0xFFFFFFFF  }
0xc3: {  	_ =	strace $0x9000004B  }
0xc4: {  	_ =	sfence  }
0xc5: {  	s30 =	sld [smem:$0x0];
	_ =	sdelay $0x2  }
0xc6: {  	s31 =	sshll.u32 s1, $0xD;
	s1 =	sshrl.u32 s1, $0x2  }
0xc7: {  	s4 =	sand.u32 $0x4000, s31;
	s1 =	sadd.s32 s1, s30  }
0xc8: {  	s0 =	sor.u32 s4, s0;
	s1 =	sshll.u32 s1, $0x11  }
0xc9: {  	s0 =	sor.u32 s1, s0  }
0xca: {  	s0 =	sadd.s32 $0x8F2B, s0  }
0xcb: {  	[sflag:s0] =	ssyncadd.remote.s32 $0x1  }
0xcc: {  	_ =	sfence.sel $0xFFFF  }
0xcd: {  	[dreg:$0x0] =	wrdreg $0xFFFFFFFF;
	(pc) =	sbr.abs _section_cstart, $3  }
0xce: {  	[dreg:$0x1] =	wrdreg $0xFFFFFFFF  }
0xcf: {  	_ =	task.clear_ibuf [dreg:s22], $0x2FFFF;
	_ =	strace $0x9FFFFFFF  }
0xd0: {  	(tm) =	ssettm $0x7FFFFFFF  }
0xd1: {  	_ =	shalt  }
tec
execute0_lowered:
.L_overlay_start_1:
0x0: {  	(tag) =	ssettag $0x1  }
0x1: {  	s1 =	srdreg.scid  }
0x2: {  	s0 =	stileid.u32;
	s4 =	rddreg [dreg:$0x0];
	s2 =	simm.s32 $0x0  }
0x3: {  	s11 =	simm.s32 $0x0;
	s5 =	sand.u32 $0x1, s1;
	s1 =	rddreg [dreg:$0x1]  }
0x4: {  	s3 =	sshll.u32 s0, $0x1;
	[smem:$0x7FF] =	sst s2;
	s7 =	smul.u32 $0x186A0, s0  }
0x5: {  	s3 =	sor.u32 s5, s3;
	_ =	strace $0x8000004A;
	s10 =	smul.u32 $0xC350, s5  }
0x6: {  	s8 =	ssub.s32 $0x2, s5;
	s6 =	smul.u32 $0x186A, s3;
	s3 =	sadd.s32 $0x12F200, s4  }
0x7: {  	s9 =	sshrl.u32 s8, $0x1;
	s30 =	sadd.s32 s7, s4;
	s7 =	simm.s32 $0x2  }
0x8: {  	s31 =	ssub.s32 s8, s9;
	s8 =	simm.s32 $0x50;
	s9 =	simm.s32 $0xC350  }
0x9: {  	s29 =	sadd.s32 s6, s4;
	s5 =	smax.u32 s31, $0x1;
	s6 =	sadd.s32 s10, s30  }
0xa: {  	s10 =	simm.s32 $0x1;
	s4 =	sadd.s32 $0x3AE00, s29;
	s6 =	sadd.s32 $0x2C2000, s6  }
.LBB2_1:
0xb: {  	[tilespmem:s2], [sflag:$0x2] =	stream.linear.gather [hbm4b:s4+s2], $0xC350, $0x38;
	[tilespmem:$0xC5D0] =	vst v63  }
0xc: {  	_ =	swait.ge [sflag:s7], $0xC350  }
0xd: {  	[sflag:s7] =	ssyncset.done $0x0  }
0xe: {  	[sflag:s7] =	ssyncadd.s32 $0xFFFF3CB0  }
0xf: {  	[tilespmem:s9], [sflag:$0x1] =	stream.indirect.gather [hbm4b:s3+s8], $0x8, s2, s8, $0xb8;
	[tilespmem:$0xC5D0] =	vst v63  }
0x10: {  	_ =	swait.ge [sflag:s10], $0x280  }
0x11: {  	[sflag:s10] =	ssyncset.done $0x0  }
0x12: {  	s12 =	sadd.s32 $0x0, s6;
	[sflag:s10] =	ssyncadd.s32 $0xFFFFFD80  }
0x13: {  	[hbm4b:s12+s2] =	stream.linear.scatter [tilespmem:s9], [sflag:$0x2], $0x280, $0x38;
	[tilespmem:$0xC5D0] =	vst v63  }
0x14: {  	_ =	swait.ge [sflag:s7], $0x280  }
0x15: {  	s13 =	simm.s32 $0x0;
	s12 =	simm.s32 $0x50;
	[sflag:s7] =	ssyncset.done $0x0  }
.LBB2_2:
0x16: {  	p0 =	sne.s32 s12, $0xC300;
	[sflag:s7] =	ssyncadd.s32 $0xFFFFFD80;
	s13 =	sadd.s32 $0x50, s13  }
0x17: {  	[tilespmem:s9], [sflag:$0x1] =	stream.indirect.gather [hbm4b:s3+s8], $0x8, s13, s8, $0xb8;
	[tilespmem:$0xC5D0] =	vst v63  }
0x18: {  	s14 =	smov.u32 s12;
	s12 =	sadd.s32 $0x50, s12;
	_ =	swait.ge [sflag:s10], $0x280  }
.Ltmp0:
0x19: {  	[sflag:s10] =	ssyncset.done $0x0;
	(pc) =	sbr.rel @p0 .LBB2_2-.Ltmp0, $4  }
0x1a: {  	s14 =	sadd.s32 s14, s6;
	[sflag:s10] =	ssyncadd.s32 $0xFFFFFD80  }
0x1b: {  	[hbm4b:s14+s2] =	stream.linear.scatter [tilespmem:s9], [sflag:$0x2], $0x280, $0x38;
	[tilespmem:$0xC5D0] =	vst v63  }
0x1c: {  	_ =	swait.ge [sflag:s7], $0x280  }
0x1d: {  	[sflag:s7] =	ssyncset.done $0x0  }
0x1e: {  	s11 =	sadd.s32 $0x1, s11  }
0x1f: {  	p0 =	sne.s32 s11, s5  }
.Ltmp1:
0x20: {  	_ = 	snop;
	(pc) =	sbr.rel @p0 .LBB2_1-.Ltmp1, $2  }
0x21: {  	_ =	sdelay $0x2  }
0x22: {  	[sflag:s7] =	ssyncadd.s32 $0xFFFFFD80  }
0x23: {  	_ =	sfence.sel $0x180000  }
0x24: {  	[bflag:$0x0] =	sbarrier.arrive $0xFFFF  }
0x25: {  	p0 =	sne.s32 s0, $0x0;
	_ =	strace $0x9000004A  }
0x26: {  	s0 =	sadd.s32 @!p0 $0x100000, s1;
	[bflag:$0x2] =	sbarrier.arrive $0xFFFF  }
0x27: {  	[sflag:s0] =	ssyncadd.tile.s32 @!p0 $0x1;
	_ =	shalt  }
.Lfunc_end2:
_tile_overlayer_lowered:
.L_overlay_start_2:
0x28: {  	(tag) =	ssettag $0x2  }
0x29: {  	s0 =	rddreg [dreg:$0x0];
	s2 =	stileid.u32  }
0x2a: {  	s1 =	rddreg [dreg:$0x1];
	p0 =	sne.s32 s2, $0x0  }
0x2b: {  	s3 =	rddreg [dreg:$0x2];
	[bflag:$0x3] =	sbarrier.arrive $0xFFFF;
	s2 =	simm.s32 @!p0 $0x1C02  }
0x2c: {  	[timem:s3], [sflag:s2] =	dma.local @!p0 [hbm:s0], s1  }
0x2d: {  	s0 =	simm.s32 @!p0 $0x2  }
0x2e: {  	_ =	swait.ge @!p0 [sflag:s0], s1  }
0x2f: {  	s1 =	ssub.s32 @!p0 $0x0, s1;
	[sflag:s0] =	ssyncset.done @!p0 $0x0  }
0x30: {  	[sflag:s0] =	ssyncadd.s32 @!p0 s1  }
0x31: {  	[bflag:$0x3] =	sbarrier.arrive $0xFFFF  }
0x32: {  	_ =	shalt  }

// kernel: kernel.27.cloned.1.call-start
scs
__scs_entry_jumppad:
0x0: {  	(pc) =	sbr.rel $0x88, $3  }
0x1: {  	(tag) =	ssettag $0x0;
	lr =	simm.s32 $0x1  }
0x2: {  	[smem:$0x3F89] =	sst lr;
	_ =	strace $0xD0000000  }
0x3: {  	_ = 	snop  }
0x4: {  	_ = 	snop  }
0x5: {  	_ = 	snop  }
0x6: {  	_ = 	snop  }
0x7: {  	_ = 	snop  }
__scs_overlays_trampoline_lowered:
0x8: {  	[smem:$0x3F98] =	sst s0  }
0x9: {  	[smem:$0x3F99] =	sst s1  }
0xa: {  	[smem:$0x3F9A] =	sst s2  }
0xb: {  	[smem:$0x3F9B] =	sst s3  }
0xc: {  	[smem:$0x3F9C] =	sst s4  }
0xd: {  	[smem:$0x3F9D] =	sst s5  }
0xe: {  	[smem:$0x3F9E] =	sst s6  }
0xf: {  	[smem:$0x3F9F] =	sst s7  }
0x10: {  	[smem:$0x3FA0] =	sst s8  }
0x11: {  	[smem:$0x3FA1] =	sst s9;
	s0 =	simm.s32 @!p0 $0x0  }
0x12: {  	s1 =	sld [smem:$0x3F87];
	s0 =	simm.s32 @p0 $0x1  }
0x13: {  	[smem:$0x3FA2] =	sst s0;
	s0 =	simm.s32 @!p1 $0x0  }
0x14: {  	s2 =	sld [smem:$0x3F86];
	s0 =	simm.s32 @p1 $0x1  }
0x15: {  	[smem:$0x3FA3] =	sst s0;
	s0 =	simm.s32 @!p2 $0x0  }
0x16: {  	s3 =	sld [smem:$0x3FDB];
	s0 =	simm.s32 @p2 $0x1  }
0x17: {  	s4 =	simm.s32 $0x1BF5;
	[smem:$0x3FA5] =	sst s0  }
0x18: {  	s0 =	sld [smem:$0x3F88];
	_ =	swait.ge [sflag:s4], $0x0  }
0x19: {  	s7 =	sld [smem:$0x3F89]  }
0x1a: {  	s8 =	sadd.s32 $0xFFFFE003, lr  }
0x1b: {  	s9 =	sadd.s32 $0xFFFFFEF7, lr;
	s5 =	simm.s32 $0xFFFFFFFF;
	p2 =	slt.u32 s8, $0xFFFFF086  }
0x1c: {  	p1 =	slt.u32 s9, $0xF7A;
	s5 =	simm.s32 @!p2 $0x0  }
0x1d: {  	s5 =	simm.s32 @p1 $0x1;
	p0 =	seq.s32 s7, s2  }
0x1e: {  	s7 =	smul.u32 @!p0 $0xF7A, s2;
	p2 =	seq.s32 @!p0 s5, $0x0  }
0x1f: {  	s9 =	smul.u32 $0xF7A, s1;
	s8 =	simm.s32 @!p0 $0x1BF5;
	p2 =	por !p2, p0  }
0x20: {  	[sflag:s8] =	ssyncset.s32 @!p0 $0xFFFFF086;
	s6 =	sadd.s32 @!p0 s3, s7;
	s7 =	simm.s32 @!p0 $0x108  }
0x21: {  	s3 =	sadd.s32 s3, s9;
	s6 =	sadd.s32 @!p0 $0x88, s6;
	s7 =	simm.s32 @p2 $0x1082  }
0x22: {  	[simem:s7], [sflag:s8] =	dma.local @!p0 [hbm:s6], $0xF7A  }
0x23: {  	s9 =	sor.u32 $0xD0000000, s2;
	s6 =	simm.s32 $0x108;
	_ =	swait.ge @!p0 [sflag:s8], $0x0  }
0x24: {  	s3 =	sadd.s32 $0x88, s3;
	s6 =	simm.s32 @!p1 $0x1082;
	[sflag:s4] =	ssyncset.s32 $0xFFFFF086  }
0x25: {  	[simem:s6], [sflag:s4] =	dma.local [hbm:s3], $0xF7A  }
0x26: {  	[smem:$0x3F89] =	sst s1;
	(tag) =	ssettag s2;
	_ =	strace s9  }
0x27: {  	s1 =	sld [smem:$0x3F99]  }
0x28: {  	s2 =	sld [smem:$0x3F9A]  }
0x29: {  	s4 =	sld [smem:$0x3F9C]  }
0x2a: {  	p0 =	seq.s32 s5, $0x0;
	s5 =	sld [smem:$0x3F9D]  }
0x2b: {  	s6 =	sld [smem:$0x3F9E]  }
0x2c: {  	s7 =	sld [smem:$0x3F9F]  }
0x2d: {  	s3 =	simm.s32 $0x108;
	s8 =	sld [smem:$0x3FA0]  }
0x2e: {  	s3 =	simm.s32 @!p0 $0x1082;
	s9 =	sld [smem:$0x3FA1]  }
0x2f: {  	lr =	sadd.s32 s0, s3;
	s0 =	sld [smem:$0x3F98]  }
0x30: {  	s3 =	sld [smem:$0x3F9B]  }
0x31: {  	[smem:$0x3FA4] =	sst s10  }
0x32: {  	s10 =	sld [smem:$0x3FA2];
	_ =	sdelay $0x3  }
0x33: {  	p0 =	seq.s32 s10, $0x1;
	s10 =	sld [smem:$0x3FA4];
	_ =	sdelay $0x3  }
0x34: {  	[smem:$0x3FA4] =	sst s10  }
0x35: {  	s10 =	sld [smem:$0x3FA3];
	_ =	sdelay $0x3  }
0x36: {  	p1 =	seq.s32 s10, $0x1;
	s10 =	sld [smem:$0x3FA4];
	_ =	sdelay $0x3  }
0x37: {  	[smem:$0x3FA4] =	sst s10  }
0x38: {  	s10 =	sld [smem:$0x3FA5]  }
0x39: {  	_ = 	snop;
	(pc) =	sbr.ind lr, $3  }
0x3a: {  	_ = 	snop  }
0x3b: {  	_ = 	snop  }
0x3c: {  	p2 =	seq.s32 s10, $0x1;
	s10 =	sld [smem:$0x3FA4]  }
0x3d: {  	_ =	shalt  }
0x3e: {  	_ =	shalt  }
0x3f: {  	_ =	shalt  }
0x40: {  	_ =	shalt  }
0x41: {  	_ =	shalt  }
0x42: {  	_ =	shalt  }
0x43: {  	_ =	shalt  }
0x44: {  	_ =	shalt  }
0x45: {  	_ =	shalt  }
0x46: {  	_ =	shalt  }
0x47: {  	_ =	shalt  }
0x48: {  	_ =	shalt  }
0x49: {  	_ =	shalt  }
0x4a: {  	_ =	shalt  }
0x4b: {  	_ =	shalt  }
0x4c: {  	_ =	shalt  }
0x4d: {  	_ =	shalt  }
0x4e: {  	_ =	shalt  }
0x4f: {  	_ =	shalt  }
0x50: {  	_ =	shalt  }
0x51: {  	_ =	shalt  }
0x52: {  	_ =	shalt  }
0x53: {  	_ =	shalt  }
0x54: {  	_ =	shalt  }
0x55: {  	_ =	shalt  }
0x56: {  	_ =	shalt  }
0x57: {  	_ =	shalt  }
0x58: {  	_ =	shalt  }
0x59: {  	_ =	shalt  }
0x5a: {  	_ =	shalt  }
0x5b: {  	_ =	shalt  }
0x5c: {  	_ =	shalt  }
0x5d: {  	_ =	shalt  }
0x5e: {  	_ =	shalt  }
0x5f: {  	_ =	shalt  }
0x60: {  	_ =	shalt  }
0x61: {  	_ =	shalt  }
0x62: {  	_ =	shalt  }
0x63: {  	_ =	shalt  }
0x64: {  	_ =	shalt  }
0x65: {  	_ =	shalt  }
0x66: {  	_ =	shalt  }
0x67: {  	_ =	shalt  }
0x68: {  	_ =	shalt  }
0x69: {  	_ =	shalt  }
0x6a: {  	_ =	shalt  }
0x6b: {  	_ =	shalt  }
0x6c: {  	_ =	shalt  }
0x6d: {  	_ =	shalt  }
0x6e: {  	_ =	shalt  }
0x6f: {  	_ =	shalt  }
0x70: {  	_ =	shalt  }
0x71: {  	_ =	shalt  }
0x72: {  	_ =	shalt  }
0x73: {  	_ =	shalt  }
0x74: {  	_ =	shalt  }
0x75: {  	_ =	shalt  }
0x76: {  	_ =	shalt  }
0x77: {  	_ =	shalt  }
0x78: {  	_ =	shalt  }
0x79: {  	_ =	shalt  }
0x7a: {  	_ =	shalt  }
0x7b: {  	_ =	shalt  }
0x7c: {  	_ =	shalt  }
0x7d: {  	_ =	shalt  }
0x7e: {  	_ =	shalt  }
0x7f: {  	_ =	shalt  }
0x80: {  	_ =	shalt  }
0x81: {  	_ =	shalt  }
0x82: {  	_ =	shalt  }
0x83: {  	_ =	shalt  }
0x84: {  	_ =	shalt  }
0x85: {  	_ =	shalt  }
0x86: {  	_ =	shalt  }
0x87: {  	_ =	shalt  }
.Lfunc_end0:
.L_simem_size_0:
called_computation.2_lowered:
.L_overlay_start_0:
0x88: {  	s2 =	sld [smem:$0x3FD9]  }
0x89: {  	s3 =	sld [smem:$0x3FFE];
	_ =	sdelay $0x1  }
0x8a: {  	s1 =	srdreg.scid  }
0x8b: {  	s0 =	sand.u32 $0x1, s1  }
0x8c: {  	s16 =	sshll.u32 s0, $0xA;
	s2 =	sadd.s32 s3, s2  }
0x8d: {  	s2 =	sadd.s32 s2, s16  }
0x8e: {  	[smem:$0x3FB0] =	sst s2  }
0x8f: {  	_ = 	snop  }
0x90: {  	(tm) =	ssettm $0x1  }
0x91: {  	s17 =	sld [smem:$0x3FFB];
	_ =	sdelay $0x3  }
0x92: {  	_ =	strace s17  }
0x93: {  	s2 =	sld [smem:$0x3FFC];
	_ =	sdelay $0x3  }
0x94: {  	_ =	strace s2  }
0x95: {  	s2 =	sld [smem:$0x3FFD];
	_ =	sdelay $0x3  }
0x96: {  	_ =	strace s2  }
0x97: {  	_ =	strace $0x8FFFFFFF  }
0x98: {  	s18 =	sld [smem:$0x3FDB];
	_ =	sdelay $0x1  }
0x99: {  	s19 =	simm.s32 $_scs_section_size  }
0x9a: {  	s4 =	simm.s32 $_size__tile_overlayer_lowered;
	s5 =	simm.s32 $_tile_overlayer_lowered  }
0x9b: {  	s22 =	simm.s32 $0x1BFF;
	s21 =	sshll.u32 s5, $0x1;
	s2 =	sadd.s32 s19, s18  }
0x9c: {  	s6 =	simm.s32 $0x0;
	s20 =	sshll.u32 s4, $0x1;
	s4 =	sadd.s32 s21, s2  }
0x9d: {  	[timem:s6], [sflag:s22] =	dma.local [hbm:s4], s20  }
0x9e: {  	_ =	swait.ge [sflag:s22], s20  }
0x9f: {  	s3 =	ssub.s32 $0x0, s20;
	[sflag:s22] =	ssyncset.done $0x0  }
0xa0: {  	[sflag:s22] =	ssyncadd.s32 s3;
	_ =	sdelay $0x1  }
0xa1: {  	s23 =	simm.s32 $0x1B8B  }
0xa2: {  	_ =	swait.ge [sflag:s23], $0x1  }
0xa3: {  	[sflag:s23] =	ssyncset.done $0x0  }
0xa4: {  	s25 =	simm.s32 $0x1B8E;
	s24 =	sld [smem:$0x3FFE];
	[sflag:s23] =	ssyncadd.s32 $0xFFFFFFFF  }
0xa5: {  	s26 =	simm.s32 $execute0_lowered;
	[smem:$0x3FD2] =	sst s25  }
0xa6: {  	s4 =	sshll.u32 s26, $0x1;
	_ =	strace $0x8000004C;
	[dreg:$0x1] =	wrdreg $0xFFFFFFFF  }
0xa7: {  	s28 =	simm.s32 $_size_execute0_lowered;
	s2 =	sadd.s32 s2, s4;
	[dreg:$0x0] =	wrdreg $0x0  }
0xa8: {  	s4 =	sshll.u32 s28, $0x1;
	[dreg:$0x2] =	wrdreg s2  }
0xa9: {  	[dreg:$0x3] =	wrdreg s4  }
0xaa: {  	[dreg:$0x4] =	wrdreg $0xC0  }
0xab: {  	_ =	task [dreg:s6], $0x5FFFF  }
0xac: {  	[dreg:$0x1] =	wrdreg $0xFFFFFFFF  }
0xad: {  	[dreg:$0x0] =	wrdreg $0x60  }
0xae: {  	[dreg:$0x2] =	wrdreg s24  }
0xaf: {  	[dreg:$0x3] =	wrdreg $0xCD00  }
0xb0: {  	[dreg:$0x4] =	wrdreg $0x9  }
0xb1: {  	_ =	task.clear_ibuf [dreg:s6], $0x5FFFF;
	_ =	strace $0x9000004C  }
0xb2: {  	s29 =	simm.s32 $0x9;
	_ =	strace $0x8000004E  }
0xb3: {  	_ =	swait.ge [sflag:s29], $0x1  }
0xb4: {  	[sflag:s29] =	ssyncadd.s32 $0xFFFFFFFF  }
0xb5: {  	_ =	strace $0x9000004E  }
0xb6: {  	_ =	sfence  }
0xb7: {  	s30 =	sld [smem:$0x0];
	_ =	sdelay $0x2  }
0xb8: {  	s31 =	sshll.u32 s1, $0xD;
	s1 =	sshrl.u32 s1, $0x2  }
0xb9: {  	s3 =	sand.u32 $0x4000, s31;
	s1 =	sadd.s32 s1, s30  }
0xba: {  	s0 =	sor.u32 s3, s0;
	s1 =	sshll.u32 s1, $0x11  }
0xbb: {  	s0 =	sor.u32 s1, s0  }
0xbc: {  	s0 =	sadd.s32 $0x8F2B, s0  }
0xbd: {  	[sflag:s0] =	ssyncadd.remote.s32 $0x1  }
0xbe: {  	_ =	sfence.sel $0xFFFF  }
0xbf: {  	[dreg:$0x0] =	wrdreg $0xFFFFFFFF;
	(pc) =	sbr.abs _section_cstart, $3  }
0xc0: {  	[dreg:$0x1] =	wrdreg $0xFFFFFFFF  }
0xc1: {  	_ =	task.clear_ibuf [dreg:s6], $0x2FFFF;
	_ =	strace $0x9FFFFFFF  }
0xc2: {  	(tm) =	ssettm $0x7FFFFFFF  }
0xc3: {  	_ =	shalt  }
tec
execute0_lowered:
.L_overlay_start_1:
0x0: {  	(tag) =	ssettag $0x1  }
0x1: {  	s4 =	rddreg [dreg:$0x0]  }
0x2: {  	s2 =	rddreg [dreg:$0x1];
	s1 =	stileid.u32  }
0x3: {  	s0 =	rddreg [dreg:$0x2];
	s5 =	smul.u32 $0x7A120, s1  }
0x4: {  	s7 =	srdreg.scid;
	s6 =	smul.u32 $0x30D4, s1  }
0x5: {  	s3 =	simm.s32 $0x0;
	s8 =	smul.u32 $0x1E848, s1;
	s7 =	sand.u32 $0x1, s7  }
0x6: {  	[smem:$0x7FF] =	sst s3;
	s9 =	smul.u32 $0x1E8480, s7  }
0x7: {  	s29 =	sshll.u32 s1, $0x6;
	_ =	strace $0x8000004D;
	s28 =	smul.u32 $0x186A, s7  }
0x8: {  	s26 =	ssub.s32 $0x2, s7;
	s13 =	smul.u32 $0x3D090, s7;
	s10 =	sadd.s32 s5, s4  }
0x9: {  	s11 =	sadd.s32 s6, s4;
	s24 =	sshrl.u32 s8, $0x3;
	s12 =	sshrl.u32 s26, $0x1  }
0xa: {  	s14 =	sadd.s32 s8, s2;
	s25 =	sadd.s32 s8, s9;
	s5 =	sadd.s32 s24, s4  }
0xb: {  	s9 =	ssub.s32 s26, s12;
	s30 =	sadd.s32 s28, s11;
	s31 =	sadd.s32 s13, s10  }
0xc: {  	s10 =	sshrl.u32 s14, $0x3;
	s11 =	simm.s32 $0x1;
	s12 =	simm.s32 $0x50  }
0xd: {  	s13 =	simm.s32 $0x0;
	s6 =	sshrl.u32 s25, $0x3;
	s7 =	smax.u32 s9, $0x1  }
0xe: {  	s8 =	sadd.s32 $0x3AE00, s30;
	s6 =	sadd.s32 s6, s4;
	s4 =	sadd.s32 $0x80D400, s5  }
0xf: {  	s9 =	sadd.s32 $0x6C200, s31;
	s5 =	sor.u32 $0x1C01, s29;
	s6 =	sadd.s32 $0x84A600, s6  }
.LBB2_1:
0x10: {  	[spmem:s10], [sflag:s5] =	dma.local [hbm:s4], $0x3D09  }
0x11: {  	_ =	swait.ge [sflag:s11], $0x3D09  }
0x12: {  	[sflag:s11] =	ssyncset.done $0x0  }
0x13: {  	[sflag:s11] =	ssyncadd.s32 $0xFFFFC2F7  }
0x14: {  	s14 =	sadd.s32 $0x0, s8;
	[bflag:$0x0] =	sbarrier.arrive $0xFFFF  }
0x15: {  	[tilespmem:s3], [sflag:$0x1] =	stream.linear.gather [hbm4b:s14+s3], $0x50, $0x38;
	[tilespmem:$0x1F518] =	vst v63  }
0x16: {  	_ =	swait.ge [sflag:s11], $0x50  }
0x17: {  	[sflag:s11] =	ssyncset.done $0x0  }
0x18: {  	[sflag:s11] =	ssyncadd.s32 $0xFFFFFFB0  }
0x19: {  	[tilespmem:s12], [sflag:$0x1] =	stream.linear.gather [hbm4b:s9+s3], $0xC80, $0x38;
	[tilespmem:$0x1F518] =	vst v63  }
0x1a: {  	_ =	swait.ge [sflag:s11], $0xC80  }
0x1b: {  	[sflag:s11] =	ssyncset.done $0x0  }
0x1c: {  	[sflag:s11] =	ssyncadd.s32 $0xFFFFF380  }
0x1d: {  	[spmem:s2] =	stream.indirect.scatter.add.f32 [tilespmem:s12], [sflag:$0x1], $0x28, s3, s12, $0xb8;
	[tilespmem:$0x1F518] =	vst v63  }
0x1e: {  	s15 =	simm.s32 $0xA;
	_ =	swait.ge [sflag:s11], $0xC80  }
0x1f: {  	s16 =	simm.s32 $0x14;
	s14 =	sadd.s32 $0x190, s9;
	[sflag:s11] =	ssyncset.done $0x0  }
.LBB2_2:
0x20: {  	s17 =	sadd.s32 s15, s8  }
0x21: {  	[sflag:s11] =	ssyncadd.s32 $0xFFFFF380;
	s15 =	smov.u32 s16;
	s18 =	sadd.s32 $0xA, s16  }
0x22: {  	[tilespmem:s3], [sflag:$0x1] =	stream.linear.gather [hbm4b:s17+s3], $0x50, $0x38;
	[tilespmem:$0x1F518] =	vst v63  }
0x23: {  	p0 =	sne.s32 s16, $0x1860;
	_ =	swait.ge [sflag:s11], $0x50  }
0x24: {  	[sflag:s11] =	ssyncset.done $0x0  }
0x25: {  	[sflag:s11] =	ssyncadd.s32 $0xFFFFFFB0  }
0x26: {  	[tilespmem:s12], [sflag:$0x1] =	stream.linear.gather [hbm4b:s14+s3], $0xC80, $0x38;
	[tilespmem:$0x1F518] =	vst v63  }
0x27: {  	_ =	swait.ge [sflag:s11], $0xC80  }
.Ltmp0:
0x28: {  	[sflag:s11] =	ssyncset.done $0x0;
	(pc) =	sbr.rel @p0 .LBB2_2-.Ltmp0, $4  }
0x29: {  	[sflag:s11] =	ssyncadd.s32 $0xFFFFF380  }
0x2a: {  	[spmem:s2] =	stream.indirect.scatter.add.f32 [tilespmem:s12], [sflag:$0x1], $0x28, s3, s12, $0xb8;
	[tilespmem:$0x1F518] =	vst v63  }
0x2b: {  	_ =	swait.ge [sflag:s11], $0xC80  }
0x2c: {  	s16 =	smov.u32 s18;
	s14 =	sadd.s32 $0x190, s14;
	[sflag:s11] =	ssyncset.done $0x0  }
0x2d: {  	s15 =	sadd.s32 s15, s8;
	[sflag:s11] =	ssyncadd.s32 $0xFFFFF380  }
0x2e: {  	[tilespmem:s3], [sflag:$0x1] =	stream.linear.gather [hbm4b:s15+s3], $0x50, $0x38;
	[tilespmem:$0x1F518] =	vst v63  }
0x2f: {  	_ =	swait.ge [sflag:s11], $0x50  }
0x30: {  	[sflag:s11] =	ssyncset.done $0x0  }
0x31: {  	[sflag:s11] =	ssyncadd.s32 $0xFFFFFFB0  }
0x32: {  	[tilespmem:s12], [sflag:$0x1] =	stream.linear.gather [hbm4b:s14+s3], $0xC80, $0x38;
	[tilespmem:$0x1F518] =	vst v63  }
0x33: {  	_ =	swait.ge [sflag:s11], $0xC80  }
0x34: {  	[sflag:s11] =	ssyncset.done $0x0  }
0x35: {  	[sflag:s11] =	ssyncadd.s32 $0xFFFFF380  }
0x36: {  	[spmem:s2] =	stream.indirect.scatter.add.f32 [tilespmem:s12], [sflag:$0x1], $0x28, s3, s12, $0xb8;
	[tilespmem:$0x1F518] =	vst v63  }
0x37: {  	_ =	swait.ge [sflag:s11], $0xC80  }
0x38: {  	s13 =	sadd.s32 $0x1, s13;
	[sflag:s11] =	ssyncset.done $0x0  }
0x39: {  	p0 =	sne.s32 s13, s7;
	[sflag:s11] =	ssyncadd.s32 $0xFFFFF380  }
.Ltmp1:
0x3a: {  	[bflag:$0x0] =	sbarrier.arrive $0xFFFF;
	(pc) =	sbr.rel @p0 .LBB2_1-.Ltmp1, $4  }
0x3b: {  	[hbm:s6], [sflag:s5] =	dma.local [spmem:s10], $0x3D09  }
0x3c: {  	_ =	swait.ge [sflag:s11], $0x3D09  }
0x3d: {  	[sflag:s11] =	ssyncset.done $0x0  }
0x3e: {  	[sflag:s11] =	ssyncadd.s32 $0xFFFFC2F7  }
0x3f: {  	_ =	sfence.sel $0x180000  }
0x40: {  	[bflag:$0x0] =	sbarrier.arrive $0xFFFF  }
0x41: {  	p0 =	sne.s32 s1, $0x0;
	_ =	strace $0x9000004D  }
0x42: {  	s0 =	sadd.s32 @!p0 $0x100000, s0;
	[bflag:$0x2] =	sbarrier.arrive $0xFFFF  }
0x43: {  	[sflag:s0] =	ssyncadd.tile.s32 @!p0 $0x1;
	_ =	shalt  }
.Lfunc_end2:
_tile_overlayer_lowered:
.L_overlay_start_2:
0x44: {  	(tag) =	ssettag $0x2  }
0x45: {  	s0 =	rddreg [dreg:$0x0];
	s2 =	stileid.u32  }
0x46: {  	s1 =	rddreg [dreg:$0x1];
	p0 =	sne.s32 s2, $0x0  }
0x47: {  	s3 =	rddreg [dreg:$0x2];
	[bflag:$0x3] =	sbarrier.arrive $0xFFFF;
	s2 =	simm.s32 @!p0 $0x1C01  }
0x48: {  	[timem:s3], [sflag:s2] =	dma.local @!p0 [hbm:s0], s1  }
0x49: {  	s0 =	simm.s32 @!p0 $0x1  }
0x4a: {  	_ =	swait.ge @!p0 [sflag:s0], s1  }
0x4b: {  	s1 =	ssub.s32 @!p0 $0x0, s1;
	[sflag:s0] =	ssyncset.done @!p0 $0x0  }
0x4c: {  	[sflag:s0] =	ssyncadd.s32 @!p0 s1  }
0x4d: {  	[bflag:$0x3] =	sbarrier.arrive $0xFFFF  }
0x4e: {  	_ =	shalt  }

// kernel: kernel.30.cloned.1.call-start
scs
__scs_entry_jumppad:
0x0: {  	(pc) =	sbr.rel $0x88, $3  }
0x1: {  	(tag) =	ssettag $0x0;
	lr =	simm.s32 $0x1  }
0x2: {  	[smem:$0x3F89] =	sst lr;
	_ =	strace $0xD0000000  }
0x3: {  	_ = 	snop  }
0x4: {  	_ = 	snop  }
0x5: {  	_ = 	snop  }
0x6: {  	_ = 	snop  }
0x7: {  	_ = 	snop  }
__scs_overlays_trampoline_lowered:
0x8: {  	[smem:$0x3F98] =	sst s0  }
0x9: {  	[smem:$0x3F99] =	sst s1  }
0xa: {  	[smem:$0x3F9A] =	sst s2  }
0xb: {  	[smem:$0x3F9B] =	sst s3  }
0xc: {  	[smem:$0x3F9C] =	sst s4  }
0xd: {  	[smem:$0x3F9D] =	sst s5  }
0xe: {  	[smem:$0x3F9E] =	sst s6  }
0xf: {  	[smem:$0x3F9F] =	sst s7  }
0x10: {  	[smem:$0x3FA0] =	sst s8  }
0x11: {  	[smem:$0x3FA1] =	sst s9;
	s0 =	simm.s32 @!p0 $0x0  }
0x12: {  	s1 =	sld [smem:$0x3F87];
	s0 =	simm.s32 @p0 $0x1  }
0x13: {  	[smem:$0x3FA2] =	sst s0;
	s0 =	simm.s32 @!p1 $0x0  }
0x14: {  	s2 =	sld [smem:$0x3F86];
	s0 =	simm.s32 @p1 $0x1  }
0x15: {  	[smem:$0x3FA3] =	sst s0;
	s0 =	simm.s32 @!p2 $0x0  }
0x16: {  	s3 =	sld [smem:$0x3FDB];
	s0 =	simm.s32 @p2 $0x1  }
0x17: {  	s4 =	simm.s32 $0x1BF5;
	[smem:$0x3FA5] =	sst s0  }
0x18: {  	s0 =	sld [smem:$0x3F88];
	_ =	swait.ge [sflag:s4], $0x0  }
0x19: {  	s7 =	sld [smem:$0x3F89]  }
0x1a: {  	s8 =	sadd.s32 $0xFFFFE003, lr  }
0x1b: {  	s9 =	sadd.s32 $0xFFFFFEF7, lr;
	s5 =	simm.s32 $0xFFFFFFFF;
	p2 =	slt.u32 s8, $0xFFFFF086  }
0x1c: {  	p1 =	slt.u32 s9, $0xF7A;
	s5 =	simm.s32 @!p2 $0x0  }
0x1d: {  	s5 =	simm.s32 @p1 $0x1;
	p0 =	seq.s32 s7, s2  }
0x1e: {  	s7 =	smul.u32 @!p0 $0xF7A, s2;
	p2 =	seq.s32 @!p0 s5, $0x0  }
0x1f: {  	s9 =	smul.u32 $0xF7A, s1;
	s8 =	simm.s32 @!p0 $0x1BF5;
	p2 =	por !p2, p0  }
0x20: {  	[sflag:s8] =	ssyncset.s32 @!p0 $0xFFFFF086;
	s6 =	sadd.s32 @!p0 s3, s7;
	s7 =	simm.s32 @!p0 $0x108  }
0x21: {  	s3 =	sadd.s32 s3, s9;
	s6 =	sadd.s32 @!p0 $0x88, s6;
	s7 =	simm.s32 @p2 $0x1082  }
0x22: {  	[simem:s7], [sflag:s8] =	dma.local @!p0 [hbm:s6], $0xF7A  }
0x23: {  	s9 =	sor.u32 $0xD0000000, s2;
	s6 =	simm.s32 $0x108;
	_ =	swait.ge @!p0 [sflag:s8], $0x0  }
0x24: {  	s3 =	sadd.s32 $0x88, s3;
	s6 =	simm.s32 @!p1 $0x1082;
	[sflag:s4] =	ssyncset.s32 $0xFFFFF086  }
0x25: {  	[simem:s6], [sflag:s4] =	dma.local [hbm:s3], $0xF7A  }
0x26: {  	[smem:$0x3F89] =	sst s1;
	(tag) =	ssettag s2;
	_ =	strace s9  }
0x27: {  	s1 =	sld [smem:$0x3F99]  }
0x28: {  	s2 =	sld [smem:$0x3F9A]  }
0x29: {  	s4 =	sld [smem:$0x3F9C]  }
0x2a: {  	p0 =	seq.s32 s5, $0x0;
	s5 =	sld [smem:$0x3F9D]  }
0x2b: {  	s6 =	sld [smem:$0x3F9E]  }
0x2c: {  	s7 =	sld [smem:$0x3F9F]  }
0x2d: {  	s3 =	simm.s32 $0x108;
	s8 =	sld [smem:$0x3FA0]  }
0x2e: {  	s3 =	simm.s32 @!p0 $0x1082;
	s9 =	sld [smem:$0x3FA1]  }
0x2f: {  	lr =	sadd.s32 s0, s3;
	s0 =	sld [smem:$0x3F98]  }
0x30: {  	s3 =	sld [smem:$0x3F9B]  }
0x31: {  	[smem:$0x3FA4] =	sst s10  }
0x32: {  	s10 =	sld [smem:$0x3FA2];
	_ =	sdelay $0x3  }
0x33: {  	p0 =	seq.s32 s10, $0x1;
	s10 =	sld [smem:$0x3FA4];
	_ =	sdelay $0x3  }
0x34: {  	[smem:$0x3FA4] =	sst s10  }
0x35: {  	s10 =	sld [smem:$0x3FA3];
	_ =	sdelay $0x3  }
0x36: {  	p1 =	seq.s32 s10, $0x1;
	s10 =	sld [smem:$0x3FA4];
	_ =	sdelay $0x3  }
0x37: {  	[smem:$0x3FA4] =	sst s10  }
0x38: {  	s10 =	sld [smem:$0x3FA5]  }
0x39: {  	_ = 	snop;
	(pc) =	sbr.ind lr, $3  }
0x3a: {  	_ = 	snop  }
0x3b: {  	_ = 	snop  }
0x3c: {  	p2 =	seq.s32 s10, $0x1;
	s10 =	sld [smem:$0x3FA4]  }
0x3d: {  	_ =	shalt  }
0x3e: {  	_ =	shalt  }
0x3f: {  	_ =	shalt  }
0x40: {  	_ =	shalt  }
0x41: {  	_ =	shalt  }
0x42: {  	_ =	shalt  }
0x43: {  	_ =	shalt  }
0x44: {  	_ =	shalt  }
0x45: {  	_ =	shalt  }
0x46: {  	_ =	shalt  }
0x47: {  	_ =	shalt  }
0x48: {  	_ =	shalt  }
0x49: {  	_ =	shalt  }
0x4a: {  	_ =	shalt  }
0x4b: {  	_ =	shalt  }
0x4c: {  	_ =	shalt  }
0x4d: {  	_ =	shalt  }
0x4e: {  	_ =	shalt  }
0x4f: {  	_ =	shalt  }
0x50: {  	_ =	shalt  }
0x51: {  	_ =	shalt  }
0x52: {  	_ =	shalt  }
0x53: {  	_ =	shalt  }
0x54: {  	_ =	shalt  }
0x55: {  	_ =	shalt  }
0x56: {  	_ =	shalt  }
0x57: {  	_ =	shalt  }
0x58: {  	_ =	shalt  }
0x59: {  	_ =	shalt  }
0x5a: {  	_ =	shalt  }
0x5b: {  	_ =	shalt  }
0x5c: {  	_ =	shalt  }
0x5d: {  	_ =	shalt  }
0x5e: {  	_ =	shalt  }
0x5f: {  	_ =	shalt  }
0x60: {  	_ =	shalt  }
0x61: {  	_ =	shalt  }
0x62: {  	_ =	shalt  }
0x63: {  	_ =	shalt  }
0x64: {  	_ =	shalt  }
0x65: {  	_ =	shalt  }
0x66: {  	_ =	shalt  }
0x67: {  	_ =	shalt  }
0x68: {  	_ =	shalt  }
0x69: {  	_ =	shalt  }
0x6a: {  	_ =	shalt  }
0x6b: {  	_ =	shalt  }
0x6c: {  	_ =	shalt  }
0x6d: {  	_ =	shalt  }
0x6e: {  	_ =	shalt  }
0x6f: {  	_ =	shalt  }
0x70: {  	_ =	shalt  }
0x71: {  	_ =	shalt  }
0x72: {  	_ =	shalt  }
0x73: {  	_ =	shalt  }
0x74: {  	_ =	shalt  }
0x75: {  	_ =	shalt  }
0x76: {  	_ =	shalt  }
0x77: {  	_ =	shalt  }
0x78: {  	_ =	shalt  }
0x79: {  	_ =	shalt  }
0x7a: {  	_ =	shalt  }
0x7b: {  	_ =	shalt  }
0x7c: {  	_ =	shalt  }
0x7d: {  	_ =	shalt  }
0x7e: {  	_ =	shalt  }
0x7f: {  	_ =	shalt  }
0x80: {  	_ =	shalt  }
0x81: {  	_ =	shalt  }
0x82: {  	_ =	shalt  }
0x83: {  	_ =	shalt  }
0x84: {  	_ =	shalt  }
0x85: {  	_ =	shalt  }
0x86: {  	_ =	shalt  }
0x87: {  	_ =	shalt  }
.Lfunc_end0:
.L_simem_size_0:
called_computation.3_lowered:
.L_overlay_start_0:
0x88: {  	s2 =	sld [smem:$0x3FD9]  }
0x89: {  	s3 =	sld [smem:$0x3FFE];
	_ =	sdelay $0x1  }
0x8a: {  	s1 =	srdreg.scid  }
0x8b: {  	s0 =	sand.u32 $0x1, s1  }
0x8c: {  	s16 =	sshll.u32 s0, $0xA;
	s2 =	sadd.s32 s3, s2  }
0x8d: {  	s2 =	sadd.s32 s2, s16  }
0x8e: {  	[smem:$0x3FB0] =	sst s2  }
0x8f: {  	_ = 	snop  }
0x90: {  	(tm) =	ssettm $0x1  }
0x91: {  	s17 =	sld [smem:$0x3FFB];
	_ =	sdelay $0x3  }
0x92: {  	_ =	strace s17  }
0x93: {  	s2 =	sld [smem:$0x3FFC];
	_ =	sdelay $0x3  }
0x94: {  	_ =	strace s2  }
0x95: {  	s2 =	sld [smem:$0x3FFD];
	_ =	sdelay $0x3  }
0x96: {  	_ =	strace s2  }
0x97: {  	_ =	strace $0x8FFFFFFF  }
0x98: {  	s18 =	sld [smem:$0x3FDB];
	_ =	sdelay $0x1  }
0x99: {  	s19 =	simm.s32 $_scs_section_size  }
0x9a: {  	s4 =	simm.s32 $_size__tile_overlayer_lowered;
	s5 =	simm.s32 $_tile_overlayer_lowered  }
0x9b: {  	s22 =	simm.s32 $0x1BFF;
	s21 =	sshll.u32 s5, $0x1;
	s2 =	sadd.s32 s19, s18  }
0x9c: {  	s6 =	simm.s32 $0x0;
	s20 =	sshll.u32 s4, $0x1;
	s4 =	sadd.s32 s21, s2  }
0x9d: {  	[timem:s6], [sflag:s22] =	dma.local [hbm:s4], s20  }
0x9e: {  	_ =	swait.ge [sflag:s22], s20  }
0x9f: {  	s3 =	ssub.s32 $0x0, s20;
	[sflag:s22] =	ssyncset.done $0x0  }
0xa0: {  	[sflag:s22] =	ssyncadd.s32 s3;
	_ =	sdelay $0x1  }
0xa1: {  	s23 =	simm.s32 $0x1B8B  }
0xa2: {  	_ =	swait.ge [sflag:s23], $0x1  }
0xa3: {  	[sflag:s23] =	ssyncset.done $0x0  }
0xa4: {  	s25 =	simm.s32 $0x1B8E;
	s24 =	sld [smem:$0x3FFE];
	[sflag:s23] =	ssyncadd.s32 $0xFFFFFFFF  }
0xa5: {  	s26 =	simm.s32 $execute0_lowered;
	[smem:$0x3FD2] =	sst s25  }
0xa6: {  	s4 =	sshll.u32 s26, $0x1;
	_ =	strace $0x8000004F;
	[dreg:$0x1] =	wrdreg $0xFFFFFFFF  }
0xa7: {  	s28 =	simm.s32 $_size_execute0_lowered;
	s2 =	sadd.s32 s2, s4;
	[dreg:$0x0] =	wrdreg $0x0  }
0xa8: {  	s4 =	sshll.u32 s28, $0x1;
	[dreg:$0x2] =	wrdreg s2  }
0xa9: {  	[dreg:$0x3] =	wrdreg s4  }
0xaa: {  	[dreg:$0x4] =	wrdreg $0xC0  }
0xab: {  	_ =	task [dreg:s6], $0x5FFFF  }
0xac: {  	[dreg:$0x1] =	wrdreg $0xFFFFFFFF  }
0xad: {  	[dreg:$0x0] =	wrdreg $0x60  }
0xae: {  	[dreg:$0x2] =	wrdreg s24  }
0xaf: {  	[dreg:$0x3] =	wrdreg $0x9  }
0xb0: {  	_ =	task.clear_ibuf [dreg:s6], $0x4FFFF;
	_ =	strace $0x9000004F  }
0xb1: {  	s29 =	simm.s32 $0x9;
	_ =	strace $0x80000051  }
0xb2: {  	_ =	swait.ge [sflag:s29], $0x1  }
0xb3: {  	[sflag:s29] =	ssyncadd.s32 $0xFFFFFFFF  }
0xb4: {  	_ =	strace $0x90000051  }
0xb5: {  	_ =	sfence  }
0xb6: {  	s30 =	sld [smem:$0x0];
	_ =	sdelay $0x2  }
0xb7: {  	s31 =	sshll.u32 s1, $0xD;
	s1 =	sshrl.u32 s1, $0x2  }
0xb8: {  	s3 =	sand.u32 $0x4000, s31;
	s1 =	sadd.s32 s1, s30  }
0xb9: {  	s0 =	sor.u32 s3, s0;
	s1 =	sshll.u32 s1, $0x11  }
0xba: {  	s0 =	sor.u32 s1, s0  }
0xbb: {  	s0 =	sadd.s32 $0x8F2B, s0  }
0xbc: {  	[sflag:s0] =	ssyncadd.remote.s32 $0x1  }
0xbd: {  	_ =	sfence.sel $0xFFFF  }
0xbe: {  	[dreg:$0x0] =	wrdreg $0xFFFFFFFF;
	(pc) =	sbr.abs _section_cstart, $3  }
0xbf: {  	[dreg:$0x1] =	wrdreg $0xFFFFFFFF  }
0xc0: {  	_ =	task.clear_ibuf [dreg:s6], $0x2FFFF;
	_ =	strace $0x9FFFFFFF  }
0xc1: {  	(tm) =	ssettm $0x7FFFFFFF  }
tec
execute0_lowered:
.L_overlay_start_1:
0x0: {  	(tag) =	ssettag $0x1  }
0x1: {  	s1 =	srdreg.scid  }
0x2: {  	s0 =	stileid.u32;
	s4 =	rddreg [dreg:$0x0];
	s2 =	simm.s32 $0x0  }
0x3: {  	s11 =	simm.s32 $0x0;
	s5 =	sand.u32 $0x1, s1;
	s1 =	rddreg [dreg:$0x1]  }
0x4: {  	s3 =	sshll.u32 s0, $0x1;
	[smem:$0x7FF] =	sst s2;
	s7 =	smul.u32 $0x61A80, s0  }
0x5: {  	s3 =	sor.u32 s5, s3;
	_ =	strace $0x80000050;
	s10 =	smul.u32 $0x30D40, s5  }
0x6: {  	s8 =	ssub.s32 $0x2, s5;
	s6 =	smul.u32 $0x186A, s3;
	s3 =	sadd.s32 $0x6C200, s4  }
0x7: {  	s9 =	sshrl.u32 s8, $0x1;
	s30 =	sadd.s32 s7, s4;
	s7 =	simm.s32 $0x2  }
0x8: {  	s31 =	ssub.s32 s8, s9;
	s8 =	simm.s32 $0x50;
	s9 =	simm.s32 $0xC350  }
0x9: {  	s29 =	sadd.s32 s6, s4;
	s5 =	smax.u32 s31, $0x1;
	s6 =	sadd.s32 s10, s30  }
0xa: {  	s10 =	simm.s32 $0x1;
	s4 =	sadd.s32 $0xA000, s29;
	s6 =	sadd.s32 $0x84A600, s6  }
.LBB2_1:
0xb: {  	[tilespmem:s2], [sflag:$0x2] =	stream.linear.gather [hbm4b:s4+s2], $0xC350, $0x38;
	[tilespmem:$0xCD50] =	vst v63  }
0xc: {  	_ =	swait.ge [sflag:s7], $0xC350  }
0xd: {  	[sflag:s7] =	ssyncset.done $0x0  }
0xe: {  	s12 =	simm.s32 $0x0;
	[sflag:s7] =	ssyncadd.s32 $0xFFFF3CB0  }
0xf: {  	[tilespmem:s9], [sflag:$0x1] =	stream.indirect.gather [hbm4b:s3+s8], $0x20, s12, s8, $0xb8;
	[tilespmem:$0xCD50] =	vst v63  }
0x10: {  	_ =	swait.ge [sflag:s10], $0xA00  }
0x11: {  	[sflag:s10] =	ssyncset.done $0x0  }
0x12: {  	s31 =	sadd.s32 $0x0, s6;
	[sflag:s10] =	ssyncadd.s32 $0xFFFFF600  }
0x13: {  	[hbm4b:s31+s2] =	stream.linear.scatter [tilespmem:s9], [sflag:$0x2], $0xA00, $0x38;
	[tilespmem:$0xCD50] =	vst v63  }
0x14: {  	_ =	swait.ge [sflag:s7], $0xA00  }
0x15: {  	s13 =	simm.s32 $0x280;
	s12 =	simm.s32 $0x140;
	[sflag:s7] =	ssyncset.done $0x0  }
.LBB2_2:
0x16: {  	s14 =	sshra.s32 s12, $0x2  }
0x17: {  	[sflag:s7] =	ssyncadd.s32 $0xFFFFF600;
	s15 =	smov.u32 s13;
	s16 =	sadd.s32 $0x140, s13  }
0x18: {  	[tilespmem:s9], [sflag:$0x1] =	stream.indirect.gather [hbm4b:s3+s8], $0x20, s14, s8, $0xb8;
	[tilespmem:$0xCD50] =	vst v63  }
0x19: {  	p0 =	sne.s32 s13, $0x30C00;
	_ =	swait.ge [sflag:s10], $0xA00  }
.Ltmp0:
0x1a: {  	[sflag:s10] =	ssyncset.done $0x0;
	(pc) =	sbr.rel @p0 .LBB2_2-.Ltmp0, $4  }
0x1b: {  	s13 =	sadd.s32 s12, s6;
	s12 =	smov.u32 s15;
	[sflag:s10] =	ssyncadd.s32 $0xFFFFF600  }
0x1c: {  	[hbm4b:s13+s2] =	stream.linear.scatter [tilespmem:s9], [sflag:$0x2], $0xA00, $0x38;
	[tilespmem:$0xCD50] =	vst v63  }
0x1d: {  	_ =	swait.ge [sflag:s7], $0xA00  }
0x1e: {  	s13 =	smov.u32 s16;
	[sflag:s7] =	ssyncset.done $0x0  }
0x1f: {  	s13 =	sshra.s32 s12, $0x2;
	[sflag:s7] =	ssyncadd.s32 $0xFFFFF600  }
0x20: {  	[tilespmem:s9], [sflag:$0x1] =	stream.indirect.gather [hbm4b:s3+s8], $0x20, s13, s8, $0xb8;
	[tilespmem:$0xCD50] =	vst v63  }
0x21: {  	s11 =	sadd.s32 $0x1, s11;
	_ =	swait.ge [sflag:s10], $0xA00  }
0x22: {  	p0 =	sne.s32 s11, s5;
	[sflag:s10] =	ssyncset.done $0x0  }
.Ltmp1:
0x23: {  	s31 =	sadd.s32 s12, s6;
	[sflag:s10] =	ssyncadd.s32 $0xFFFFF600;
	(pc) =	sbr.rel @p0 .LBB2_1-.Ltmp1, $4  }
0x24: {  	[hbm4b:s31+s2] =	stream.linear.scatter [tilespmem:s9], [sflag:$0x2], $0xA00, $0x38;
	[tilespmem:$0xCD50] =	vst v63  }
0x25: {  	_ =	swait.ge [sflag:s7], $0xA00  }
0x26: {  	[sflag:s7] =	ssyncset.done $0x0  }
0x27: {  	[sflag:s7] =	ssyncadd.s32 $0xFFFFF600  }
0x28: {  	_ =	sfence.sel $0x180000  }
0x29: {  	[bflag:$0x0] =	sbarrier.arrive $0xFFFF  }
0x2a: {  	p0 =	sne.s32 s0, $0x0;
	_ =	strace $0x90000050  }
0x2b: {  	s0 =	sadd.s32 @!p0 $0x100000, s1;
	[bflag:$0x2] =	sbarrier.arrive $0xFFFF  }
0x2c: {  	[sflag:s0] =	ssyncadd.tile.s32 @!p0 $0x1;
	_ =	shalt  }
.Lfunc_end2:
_tile_overlayer_lowered:
.L_overlay_start_2:
0x2d: {  	(tag) =	ssettag $0x2  }
0x2e: {  	s0 =	rddreg [dreg:$0x0];
	s2 =	stileid.u32  }
0x2f: {  	s1 =	rddreg [dreg:$0x1];
	p0 =	sne.s32 s2, $0x0  }
0x30: {  	s3 =	rddreg [dreg:$0x2];
	[bflag:$0x3] =	sbarrier.arrive $0xFFFF;
	s2 =	simm.s32 @!p0 $0x1C02  }
0x31: {  	[timem:s3], [sflag:s2] =	dma.local @!p0 [hbm:s0], s1  }
0x32: {  	s0 =	simm.s32 @!p0 $0x2  }
0x33: {  	_ =	swait.ge @!p0 [sflag:s0], s1  }
0x34: {  	s1 =	ssub.s32 @!p0 $0x0, s1;
	[sflag:s0] =	ssyncset.done @!p0 $0x0  }
0x35: {  	[sflag:s0] =	ssyncadd.s32 @!p0 s1  }
0x36: {  	[bflag:$0x3] =	sbarrier.arrive $0xFFFF  }
0x37: {  	_ =	shalt  }

// kernel: kernel.33.cloned.1.call-start
scs
__scs_entry_jumppad:
0x0: {  	(pc) =	sbr.rel $0x88, $3  }
0x1: {  	(tag) =	ssettag $0x0;
	lr =	simm.s32 $0x1  }
0x2: {  	[smem:$0x3F89] =	sst lr;
	_ =	strace $0xD0000000  }
0x3: {  	_ = 	snop  }
0x4: {  	_ = 	snop  }
0x5: {  	_ = 	snop  }
0x6: {  	_ = 	snop  }
0x7: {  	_ = 	snop  }
__scs_overlays_trampoline_lowered:
0x8: {  	[smem:$0x3F98] =	sst s0  }
0x9: {  	[smem:$0x3F99] =	sst s1  }
0xa: {  	[smem:$0x3F9A] =	sst s2  }
0xb: {  	[smem:$0x3F9B] =	sst s3  }
0xc: {  	[smem:$0x3F9C] =	sst s4  }
0xd: {  	[smem:$0x3F9D] =	sst s5  }
0xe: {  	[smem:$0x3F9E] =	sst s6  }
0xf: {  	[smem:$0x3F9F] =	sst s7  }
0x10: {  	[smem:$0x3FA0] =	sst s8  }
0x11: {  	[smem:$0x3FA1] =	sst s9;
	s0 =	simm.s32 @!p0 $0x0  }
0x12: {  	s1 =	sld [smem:$0x3F87];
	s0 =	simm.s32 @p0 $0x1  }
0x13: {  	[smem:$0x3FA2] =	sst s0;
	s0 =	simm.s32 @!p1 $0x0  }
0x14: {  	s2 =	sld [smem:$0x3F86];
	s0 =	simm.s32 @p1 $0x1  }
0x15: {  	[smem:$0x3FA3] =	sst s0;
	s0 =	simm.s32 @!p2 $0x0  }
0x16: {  	s3 =	sld [smem:$0x3FDB];
	s0 =	simm.s32 @p2 $0x1  }
0x17: {  	s4 =	simm.s32 $0x1BF5;
	[smem:$0x3FA5] =	sst s0  }
0x18: {  	s0 =	sld [smem:$0x3F88];
	_ =	swait.ge [sflag:s4], $0x0  }
0x19: {  	s7 =	sld [smem:$0x3F89]  }
0x1a: {  	s8 =	sadd.s32 $0xFFFFE003, lr  }
0x1b: {  	s9 =	sadd.s32 $0xFFFFFEF7, lr;
	s5 =	simm.s32 $0xFFFFFFFF;
	p2 =	slt.u32 s8, $0xFFFFF086  }
0x1c: {  	p1 =	slt.u32 s9, $0xF7A;
	s5 =	simm.s32 @!p2 $0x0  }
0x1d: {  	s5 =	simm.s32 @p1 $0x1;
	p0 =	seq.s32 s7, s2  }
0x1e: {  	s7 =	smul.u32 @!p0 $0xF7A, s2;
	p2 =	seq.s32 @!p0 s5, $0x0  }
0x1f: {  	s9 =	smul.u32 $0xF7A, s1;
	s8 =	simm.s32 @!p0 $0x1BF5;
	p2 =	por !p2, p0  }
0x20: {  	[sflag:s8] =	ssyncset.s32 @!p0 $0xFFFFF086;
	s6 =	sadd.s32 @!p0 s3, s7;
	s7 =	simm.s32 @!p0 $0x108  }
0x21: {  	s3 =	sadd.s32 s3, s9;
	s6 =	sadd.s32 @!p0 $0x88, s6;
	s7 =	simm.s32 @p2 $0x1082  }
0x22: {  	[simem:s7], [sflag:s8] =	dma.local @!p0 [hbm:s6], $0xF7A  }
0x23: {  	s9 =	sor.u32 $0xD0000000, s2;
	s6 =	simm.s32 $0x108;
	_ =	swait.ge @!p0 [sflag:s8], $0x0  }
0x24: {  	s3 =	sadd.s32 $0x88, s3;
	s6 =	simm.s32 @!p1 $0x1082;
	[sflag:s4] =	ssyncset.s32 $0xFFFFF086  }
0x25: {  	[simem:s6], [sflag:s4] =	dma.local [hbm:s3], $0xF7A  }
0x26: {  	[smem:$0x3F89] =	sst s1;
	(tag) =	ssettag s2;
	_ =	strace s9  }
0x27: {  	s1 =	sld [smem:$0x3F99]  }
0x28: {  	s2 =	sld [smem:$0x3F9A]  }
0x29: {  	s4 =	sld [smem:$0x3F9C]  }
0x2a: {  	p0 =	seq.s32 s5, $0x0;
	s5 =	sld [smem:$0x3F9D]  }
0x2b: {  	s6 =	sld [smem:$0x3F9E]  }
0x2c: {  	s7 =	sld [smem:$0x3F9F]  }
0x2d: {  	s3 =	simm.s32 $0x108;
	s8 =	sld [smem:$0x3FA0]  }
0x2e: {  	s3 =	simm.s32 @!p0 $0x1082;
	s9 =	sld [smem:$0x3FA1]  }
0x2f: {  	lr =	sadd.s32 s0, s3;
	s0 =	sld [smem:$0x3F98]  }
0x30: {  	s3 =	sld [smem:$0x3F9B]  }
0x31: {  	[smem:$0x3FA4] =	sst s10  }
0x32: {  	s10 =	sld [smem:$0x3FA2];
	_ =	sdelay $0x3  }
0x33: {  	p0 =	seq.s32 s10, $0x1;
	s10 =	sld [smem:$0x3FA4];
	_ =	sdelay $0x3  }
0x34: {  	[smem:$0x3FA4] =	sst s10  }
0x35: {  	s10 =	sld [smem:$0x3FA3];
	_ =	sdelay $0x3  }
0x36: {  	p1 =	seq.s32 s10, $0x1;
	s10 =	sld [smem:$0x3FA4];
	_ =	sdelay $0x3  }
0x37: {  	[smem:$0x3FA4] =	sst s10  }
0x38: {  	s10 =	sld [smem:$0x3FA5]  }
0x39: {  	_ = 	snop;
	(pc) =	sbr.ind lr, $3  }
0x3a: {  	_ = 	snop  }
0x3b: {  	_ = 	snop  }
0x3c: {  	p2 =	seq.s32 s10, $0x1;
	s10 =	sld [smem:$0x3FA4]  }
0x3d: {  	_ =	shalt  }
0x3e: {  	_ =	shalt  }
0x3f: {  	_ =	shalt  }
0x40: {  	_ =	shalt  }
0x41: {  	_ =	shalt  }
0x42: {  	_ =	shalt  }
0x43: {  	_ =	shalt  }
0x44: {  	_ =	shalt  }
0x45: {  	_ =	shalt  }
0x46: {  	_ =	shalt  }
0x47: {  	_ =	shalt  }
0x48: {  	_ =	shalt  }
0x49: {  	_ =	shalt  }
0x4a: {  	_ =	shalt  }
0x4b: {  	_ =	shalt  }
0x4c: {  	_ =	shalt  }
0x4d: {  	_ =	shalt  }
0x4e: {  	_ =	shalt  }
0x4f: {  	_ =	shalt  }
0x50: {  	_ =	shalt  }
0x51: {  	_ =	shalt  }
0x52: {  	_ =	shalt  }
0x53: {  	_ =	shalt  }
0x54: {  	_ =	shalt  }
0x55: {  	_ =	shalt  }
0x56: {  	_ =	shalt  }
0x57: {  	_ =	shalt  }
0x58: {  	_ =	shalt  }
0x59: {  	_ =	shalt  }
0x5a: {  	_ =	shalt  }
0x5b: {  	_ =	shalt  }
0x5c: {  	_ =	shalt  }
0x5d: {  	_ =	shalt  }
0x5e: {  	_ =	shalt  }
0x5f: {  	_ =	shalt  }
0x60: {  	_ =	shalt  }
0x61: {  	_ =	shalt  }
0x62: {  	_ =	shalt  }
0x63: {  	_ =	shalt  }
0x64: {  	_ =	shalt  }
0x65: {  	_ =	shalt  }
0x66: {  	_ =	shalt  }
0x67: {  	_ =	shalt  }
0x68: {  	_ =	shalt  }
0x69: {  	_ =	shalt  }
0x6a: {  	_ =	shalt  }
0x6b: {  	_ =	shalt  }
0x6c: {  	_ =	shalt  }
0x6d: {  	_ =	shalt  }
0x6e: {  	_ =	shalt  }
0x6f: {  	_ =	shalt  }
0x70: {  	_ =	shalt  }
0x71: {  	_ =	shalt  }
0x72: {  	_ =	shalt  }
0x73: {  	_ =	shalt  }
0x74: {  	_ =	shalt  }
0x75: {  	_ =	shalt  }
0x76: {  	_ =	shalt  }
0x77: {  	_ =	shalt  }
0x78: {  	_ =	shalt  }
0x79: {  	_ =	shalt  }
0x7a: {  	_ =	shalt  }
0x7b: {  	_ =	shalt  }
0x7c: {  	_ =	shalt  }
0x7d: {  	_ =	shalt  }
0x7e: {  	_ =	shalt  }
0x7f: {  	_ =	shalt  }
0x80: {  	_ =	shalt  }
0x81: {  	_ =	shalt  }
0x82: {  	_ =	shalt  }
0x83: {  	_ =	shalt  }
0x84: {  	_ =	shalt  }
0x85: {  	_ =	shalt  }
0x86: {  	_ =	shalt  }
0x87: {  	_ =	shalt  }
.Lfunc_end0:
.L_simem_size_0:
called_computation.4_lowered:
.L_overlay_start_0:
0x88: {  	s2 =	sld [smem:$0x3FD9]  }
0x89: {  	s3 =	sld [smem:$0x3FFE];
	_ =	sdelay $0x1  }
0x8a: {  	s1 =	srdreg.scid  }
0x8b: {  	s0 =	sand.u32 $0x1, s1  }
0x8c: {  	s16 =	sshll.u32 s0, $0xA;
	s2 =	sadd.s32 s3, s2  }
0x8d: {  	s2 =	sadd.s32 s2, s16  }
0x8e: {  	[smem:$0x3FB0] =	sst s2  }
0x8f: {  	_ = 	snop  }
0x90: {  	(tm) =	ssettm $0x1  }
0x91: {  	s17 =	sld [smem:$0x3FFB];
	_ =	sdelay $0x3  }
0x92: {  	_ =	strace s17  }
0x93: {  	s2 =	sld [smem:$0x3FFC];
	_ =	sdelay $0x3  }
0x94: {  	_ =	strace s2  }
0x95: {  	s2 =	sld [smem:$0x3FFD];
	_ =	sdelay $0x3  }
0x96: {  	_ =	strace s2  }
0x97: {  	_ =	strace $0x8FFFFFFF  }
0x98: {  	s18 =	sld [smem:$0x3FDB];
	_ =	sdelay $0x1  }
0x99: {  	s19 =	simm.s32 $_scs_section_size  }
0x9a: {  	s4 =	simm.s32 $_size__tile_overlayer_lowered;
	s5 =	simm.s32 $_tile_overlayer_lowered  }
0x9b: {  	s22 =	simm.s32 $0x1BFF;
	s21 =	sshll.u32 s5, $0x1;
	s2 =	sadd.s32 s19, s18  }
0x9c: {  	s6 =	simm.s32 $0x0;
	s20 =	sshll.u32 s4, $0x1;
	s4 =	sadd.s32 s21, s2  }
0x9d: {  	[timem:s6], [sflag:s22] =	dma.local [hbm:s4], s20  }
0x9e: {  	_ =	swait.ge [sflag:s22], s20  }
0x9f: {  	s3 =	ssub.s32 $0x0, s20;
	[sflag:s22] =	ssyncset.done $0x0  }
0xa0: {  	[sflag:s22] =	ssyncadd.s32 s3;
	_ =	sdelay $0x1  }
0xa1: {  	s23 =	simm.s32 $0x1B8B  }
0xa2: {  	_ =	swait.ge [sflag:s23], $0x1  }
0xa3: {  	[sflag:s23] =	ssyncset.done $0x0  }
0xa4: {  	s25 =	simm.s32 $0x1B8E;
	s24 =	sld [smem:$0x3FFE];
	[sflag:s23] =	ssyncadd.s32 $0xFFFFFFFF  }
0xa5: {  	s26 =	simm.s32 $execute0_lowered;
	[smem:$0x3FD2] =	sst s25  }
0xa6: {  	s4 =	sshll.u32 s26, $0x1;
	_ =	strace $0x80000052;
	[dreg:$0x1] =	wrdreg $0xFFFFFFFF  }
0xa7: {  	s28 =	simm.s32 $_size_execute0_lowered;
	s2 =	sadd.s32 s2, s4;
	[dreg:$0x0] =	wrdreg $0x0  }
0xa8: {  	s4 =	sshll.u32 s28, $0x1;
	[dreg:$0x2] =	wrdreg s2  }
0xa9: {  	[dreg:$0x3] =	wrdreg s4  }
0xaa: {  	[dreg:$0x4] =	wrdreg $0xC0  }
0xab: {  	_ =	task [dreg:s6], $0x5FFFF  }
0xac: {  	[dreg:$0x1] =	wrdreg $0xFFFFFFFF  }
0xad: {  	[dreg:$0x0] =	wrdreg $0x60  }
0xae: {  	[dreg:$0x2] =	wrdreg s24  }
0xaf: {  	[dreg:$0x3] =	wrdreg $0xCD00  }
0xb0: {  	[dreg:$0x4] =	wrdreg $0x9  }
0xb1: {  	_ =	task.clear_ibuf [dreg:s6], $0x5FFFF;
	_ =	strace $0x90000052  }
0xb2: {  	s29 =	simm.s32 $0x9;
	_ =	strace $0x80000054  }
0xb3: {  	_ =	swait.ge [sflag:s29], $0x1  }
0xb4: {  	[sflag:s29] =	ssyncadd.s32 $0xFFFFFFFF  }
0xb5: {  	_ =	strace $0x90000054  }
0xb6: {  	_ =	sfence  }
0xb7: {  	s30 =	sld [smem:$0x0];
	_ =	sdelay $0x2  }
0xb8: {  	s31 =	sshll.u32 s1, $0xD;
	s1 =	sshrl.u32 s1, $0x2  }
0xb9: {  	s3 =	sand.u32 $0x4000, s31;
	s1 =	sadd.s32 s1, s30  }
0xba: {  	s0 =	sor.u32 s3, s0;
	s1 =	sshll.u32 s1, $0x11  }
0xbb: {  	s0 =	sor.u32 s1, s0  }
0xbc: {  	s0 =	sadd.s32 $0x8F2B, s0  }
0xbd: {  	[sflag:s0] =	ssyncadd.remote.s32 $0x1  }
0xbe: {  	_ =	sfence.sel $0xFFFF  }
0xbf: {  	[dreg:$0x0] =	wrdreg $0xFFFFFFFF;
	(pc) =	sbr.abs _section_cstart, $3  }
0xc0: {  	[dreg:$0x1] =	wrdreg $0xFFFFFFFF  }
0xc1: {  	_ =	task.clear_ibuf [dreg:s6], $0x2FFFF;
	_ =	strace $0x9FFFFFFF  }
0xc2: {  	(tm) =	ssettm $0x7FFFFFFF  }
0xc3: {  	_ =	shalt  }
tec
execute0_lowered:
.L_overlay_start_1:
0x0: {  	(tag) =	ssettag $0x1  }
0x1: {  	s4 =	rddreg [dreg:$0x0]  }
0x2: {  	s2 =	rddreg [dreg:$0x1];
	s1 =	stileid.u32  }
0x3: {  	s0 =	rddreg [dreg:$0x2];
	s5 =	smul.u32 $0x7A120, s1  }
0x4: {  	s7 =	srdreg.scid;
	s6 =	smul.u32 $0x30D4, s1  }
0x5: {  	s3 =	simm.s32 $0x0;
	s8 =	smul.u32 $0x1E848, s1;
	s7 =	sand.u32 $0x1, s7  }
0x6: {  	[smem:$0x7FF] =	sst s3;
	s9 =	smul.u32 $0x1E8480, s7  }
0x7: {  	s29 =	sshll.u32 s1, $0x6;
	_ =	strace $0x80000053;
	s28 =	smul.u32 $0x186A, s7  }
0x8: {  	s26 =	ssub.s32 $0x2, s7;
	s14 =	smul.u32 $0x3D090, s7;
	s10 =	sadd.s32 s5, s4  }
0x9: {  	s11 =	sadd.s32 s6, s4;
	s24 =	sshrl.u32 s8, $0x3;
	s12 =	sshrl.u32 s26, $0x1  }
0xa: {  	s13 =	sadd.s32 s8, s2;
	s25 =	sadd.s32 s8, s9;
	s5 =	sadd.s32 s24, s4  }
0xb: {  	s9 =	ssub.s32 s26, s12;
	s30 =	sadd.s32 s28, s11;
	s31 =	sadd.s32 s14, s10  }
0xc: {  	s10 =	sshrl.u32 s13, $0x3;
	s11 =	simm.s32 $0x1;
	s12 =	simm.s32 $0x50  }
0xd: {  	s13 =	simm.s32 $0x0;
	s6 =	sshrl.u32 s25, $0x3;
	s7 =	smax.u32 s9, $0x1  }
0xe: {  	s8 =	sadd.s32 $0x3AE00, s30;
	s9 =	sadd.s32 $0x3F38E00, s31;
	s6 =	sadd.s32 s6, s4  }
0xf: {  	s4 =	sadd.s32 $0x80D400, s5;
	s5 =	sor.u32 $0x1C01, s29;
	s6 =	sadd.s32 $0x9D400, s6  }
.LBB2_1:
0x10: {  	[spmem:s10], [sflag:s5] =	dma.local [hbm:s4], $0x3D09  }
0x11: {  	_ =	swait.ge [sflag:s11], $0x3D09  }
0x12: {  	[sflag:s11] =	ssyncset.done $0x0  }
0x13: {  	[sflag:s11] =	ssyncadd.s32 $0xFFFFC2F7  }
0x14: {  	s14 =	sadd.s32 $0x0, s8;
	[bflag:$0x0] =	sbarrier.arrive $0xFFFF  }
0x15: {  	[tilespmem:s3], [sflag:$0x1] =	stream.linear.gather [hbm4b:s14+s3], $0x50, $0x38;
	[tilespmem:$0x1F518] =	vst v63  }
0x16: {  	_ =	swait.ge [sflag:s11], $0x50  }
0x17: {  	[sflag:s11] =	ssyncset.done $0x0  }
0x18: {  	[sflag:s11] =	ssyncadd.s32 $0xFFFFFFB0  }
0x19: {  	[tilespmem:s12], [sflag:$0x1] =	stream.linear.gather [hbm4b:s9+s3], $0xC80, $0x38;
	[tilespmem:$0x1F518] =	vst v63  }
0x1a: {  	_ =	swait.ge [sflag:s11], $0xC80  }
0x1b: {  	[sflag:s11] =	ssyncset.done $0x0  }
0x1c: {  	[sflag:s11] =	ssyncadd.s32 $0xFFFFF380  }
0x1d: {  	[spmem:s2] =	stream.indirect.scatter.add.f32 [tilespmem:s12], [sflag:$0x1], $0x28, s3, s12, $0xb8;
	[tilespmem:$0x1F518] =	vst v63  }
0x1e: {  	s15 =	simm.s32 $0xA;
	_ =	swait.ge [sflag:s11], $0xC80  }
0x1f: {  	s16 =	simm.s32 $0x14;
	s14 =	sadd.s32 $0x190, s9;
	[sflag:s11] =	ssyncset.done $0x0  }
.LBB2_2:
0x20: {  	s17 =	sadd.s32 s15, s8  }
0x21: {  	[sflag:s11] =	ssyncadd.s32 $0xFFFFF380;
	s15 =	smov.u32 s16;
	s18 =	sadd.s32 $0xA, s16  }
0x22: {  	[tilespmem:s3], [sflag:$0x1] =	stream.linear.gather [hbm4b:s17+s3], $0x50, $0x38;
	[tilespmem:$0x1F518] =	vst v63  }
0x23: {  	p0 =	sne.s32 s16, $0x1860;
	_ =	swait.ge [sflag:s11], $0x50  }
0x24: {  	[sflag:s11] =	ssyncset.done $0x0  }
0x25: {  	[sflag:s11] =	ssyncadd.s32 $0xFFFFFFB0  }
0x26: {  	[tilespmem:s12], [sflag:$0x1] =	stream.linear.gather [hbm4b:s14+s3], $0xC80, $0x38;
	[tilespmem:$0x1F518] =	vst v63  }
0x27: {  	_ =	swait.ge [sflag:s11], $0xC80  }
.Ltmp0:
0x28: {  	[sflag:s11] =	ssyncset.done $0x0;
	(pc) =	sbr.rel @p0 .LBB2_2-.Ltmp0, $4  }
0x29: {  	[sflag:s11] =	ssyncadd.s32 $0xFFFFF380  }
0x2a: {  	[spmem:s2] =	stream.indirect.scatter.add.f32 [tilespmem:s12], [sflag:$0x1], $0x28, s3, s12, $0xb8;
	[tilespmem:$0x1F518] =	vst v63  }
0x2b: {  	_ =	swait.ge [sflag:s11], $0xC80  }
0x2c: {  	s16 =	smov.u32 s18;
	s14 =	sadd.s32 $0x190, s14;
	[sflag:s11] =	ssyncset.done $0x0  }
0x2d: {  	s15 =	sadd.s32 s15, s8;
	[sflag:s11] =	ssyncadd.s32 $0xFFFFF380  }
0x2e: {  	[tilespmem:s3], [sflag:$0x1] =	stream.linear.gather [hbm4b:s15+s3], $0x50, $0x38;
	[tilespmem:$0x1F518] =	vst v63  }
0x2f: {  	_ =	swait.ge [sflag:s11], $0x50  }
0x30: {  	[sflag:s11] =	ssyncset.done $0x0  }
0x31: {  	[sflag:s11] =	ssyncadd.s32 $0xFFFFFFB0  }
0x32: {  	[tilespmem:s12], [sflag:$0x1] =	stream.linear.gather [hbm4b:s14+s3], $0xC80, $0x38;
	[tilespmem:$0x1F518] =	vst v63  }
0x33: {  	_ =	swait.ge [sflag:s11], $0xC80  }
0x34: {  	[sflag:s11] =	ssyncset.done $0x0  }
0x35: {  	[sflag:s11] =	ssyncadd.s32 $0xFFFFF380  }
0x36: {  	[spmem:s2] =	stream.indirect.scatter.add.f32 [tilespmem:s12], [sflag:$0x1], $0x28, s3, s12, $0xb8;
	[tilespmem:$0x1F518] =	vst v63  }
0x37: {  	_ =	swait.ge [sflag:s11], $0xC80  }
0x38: {  	s13 =	sadd.s32 $0x1, s13;
	[sflag:s11] =	ssyncset.done $0x0  }
0x39: {  	p0 =	sne.s32 s13, s7;
	[sflag:s11] =	ssyncadd.s32 $0xFFFFF380  }
.Ltmp1:
0x3a: {  	[bflag:$0x0] =	sbarrier.arrive $0xFFFF;
	(pc) =	sbr.rel @p0 .LBB2_1-.Ltmp1, $4  }
0x3b: {  	[hbm:s6], [sflag:s5] =	dma.local [spmem:s10], $0x3D09  }
0x3c: {  	_ =	swait.ge [sflag:s11], $0x3D09  }
0x3d: {  	[sflag:s11] =	ssyncset.done $0x0  }
0x3e: {  	[sflag:s11] =	ssyncadd.s32 $0xFFFFC2F7  }
0x3f: {  	_ =	sfence.sel $0x180000  }
0x40: {  	[bflag:$0x0] =	sbarrier.arrive $0xFFFF  }
0x41: {  	p0 =	sne.s32 s1, $0x0;
	_ =	strace $0x90000053  }
0x42: {  	s0 =	sadd.s32 @!p0 $0x100000, s0;
	[bflag:$0x2] =	sbarrier.arrive $0xFFFF  }
0x43: {  	[sflag:s0] =	ssyncadd.tile.s32 @!p0 $0x1;
	_ =	shalt  }
.Lfunc_end2:
_tile_overlayer_lowered:
.L_overlay_start_2:
0x44: {  	(tag) =	ssettag $0x2  }
0x45: {  	s0 =	rddreg [dreg:$0x0];
	s2 =	stileid.u32  }
0x46: {  	s1 =	rddreg [dreg:$0x1];
	p0 =	sne.s32 s2, $0x0  }
0x47: {  	s3 =	rddreg [dreg:$0x2];
	[bflag:$0x3] =	sbarrier.arrive $0xFFFF;
	s2 =	simm.s32 @!p0 $0x1C01  }
0x48: {  	[timem:s3], [sflag:s2] =	dma.local @!p0 [hbm:s0], s1  }
0x49: {  	s0 =	simm.s32 @!p0 $0x1  }
0x4a: {  	_ =	swait.ge @!p0 [sflag:s0], s1  }
0x4b: {  	s1 =	ssub.s32 @!p0 $0x0, s1;
	[sflag:s0] =	ssyncset.done @!p0 $0x0  }
0x4c: {  	[sflag:s0] =	ssyncadd.s32 @!p0 s1  }
0x4d: {  	[bflag:$0x3] =	sbarrier.arrive $0xFFFF  }
0x4e: {  	_ =	shalt  }

// kernel: kernel.36.cloned.1.call-start
scs
__scs_entry_jumppad:
0x0: {  	(pc) =	sbr.rel $0x88, $3  }
0x1: {  	(tag) =	ssettag $0x0;
	lr =	simm.s32 $0x1  }
0x2: {  	[smem:$0x3F89] =	sst lr;
	_ =	strace $0xD0000000  }
0x3: {  	_ = 	snop  }
0x4: {  	_ = 	snop  }
0x5: {  	_ = 	snop  }
0x6: {  	_ = 	snop  }
0x7: {  	_ = 	snop  }
__scs_overlays_trampoline_lowered:
0x8: {  	[smem:$0x3F98] =	sst s0  }
0x9: {  	[smem:$0x3F99] =	sst s1  }
0xa: {  	[smem:$0x3F9A] =	sst s2  }
0xb: {  	[smem:$0x3F9B] =	sst s3  }
0xc: {  	[smem:$0x3F9C] =	sst s4  }
0xd: {  	[smem:$0x3F9D] =	sst s5  }
0xe: {  	[smem:$0x3F9E] =	sst s6  }
0xf: {  	[smem:$0x3F9F] =	sst s7  }
0x10: {  	[smem:$0x3FA0] =	sst s8  }
0x11: {  	[smem:$0x3FA1] =	sst s9;
	s0 =	simm.s32 @!p0 $0x0  }
0x12: {  	s1 =	sld [smem:$0x3F87];
	s0 =	simm.s32 @p0 $0x1  }
0x13: {  	[smem:$0x3FA2] =	sst s0;
	s0 =	simm.s32 @!p1 $0x0  }
0x14: {  	s2 =	sld [smem:$0x3F86];
	s0 =	simm.s32 @p1 $0x1  }
0x15: {  	[smem:$0x3FA3] =	sst s0;
	s0 =	simm.s32 @!p2 $0x0  }
0x16: {  	s3 =	sld [smem:$0x3FDB];
	s0 =	simm.s32 @p2 $0x1  }
0x17: {  	s4 =	simm.s32 $0x1BF5;
	[smem:$0x3FA5] =	sst s0  }
0x18: {  	s0 =	sld [smem:$0x3F88];
	_ =	swait.ge [sflag:s4], $0x0  }
0x19: {  	s7 =	sld [smem:$0x3F89]  }
0x1a: {  	s8 =	sadd.s32 $0xFFFFE003, lr  }
0x1b: {  	s9 =	sadd.s32 $0xFFFFFEF7, lr;
	s5 =	simm.s32 $0xFFFFFFFF;
	p2 =	slt.u32 s8, $0xFFFFF086  }
0x1c: {  	p1 =	slt.u32 s9, $0xF7A;
	s5 =	simm.s32 @!p2 $0x0  }
0x1d: {  	s5 =	simm.s32 @p1 $0x1;
	p0 =	seq.s32 s7, s2  }
0x1e: {  	s7 =	smul.u32 @!p0 $0xF7A, s2;
	p2 =	seq.s32 @!p0 s5, $0x0  }
0x1f: {  	s9 =	smul.u32 $0xF7A, s1;
	s8 =	simm.s32 @!p0 $0x1BF5;
	p2 =	por !p2, p0  }
0x20: {  	[sflag:s8] =	ssyncset.s32 @!p0 $0xFFFFF086;
	s6 =	sadd.s32 @!p0 s3, s7;
	s7 =	simm.s32 @!p0 $0x108  }
0x21: {  	s3 =	sadd.s32 s3, s9;
	s6 =	sadd.s32 @!p0 $0x88, s6;
	s7 =	simm.s32 @p2 $0x1082  }
0x22: {  	[simem:s7], [sflag:s8] =	dma.local @!p0 [hbm:s6], $0xF7A  }
0x23: {  	s9 =	sor.u32 $0xD0000000, s2;
	s6 =	simm.s32 $0x108;
	_ =	swait.ge @!p0 [sflag:s8], $0x0  }
0x24: {  	s3 =	sadd.s32 $0x88, s3;
	s6 =	simm.s32 @!p1 $0x1082;
	[sflag:s4] =	ssyncset.s32 $0xFFFFF086  }
0x25: {  	[simem:s6], [sflag:s4] =	dma.local [hbm:s3], $0xF7A  }
0x26: {  	[smem:$0x3F89] =	sst s1;
	(tag) =	ssettag s2;
	_ =	strace s9  }
0x27: {  	s1 =	sld [smem:$0x3F99]  }
0x28: {  	s2 =	sld [smem:$0x3F9A]  }
0x29: {  	s4 =	sld [smem:$0x3F9C]  }
0x2a: {  	p0 =	seq.s32 s5, $0x0;
	s5 =	sld [smem:$0x3F9D]  }
0x2b: {  	s6 =	sld [smem:$0x3F9E]  }
0x2c: {  	s7 =	sld [smem:$0x3F9F]  }
0x2d: {  	s3 =	simm.s32 $0x108;
	s8 =	sld [smem:$0x3FA0]  }
0x2e: {  	s3 =	simm.s32 @!p0 $0x1082;
	s9 =	sld [smem:$0x3FA1]  }
0x2f: {  	lr =	sadd.s32 s0, s3;
	s0 =	sld [smem:$0x3F98]  }
0x30: {  	s3 =	sld [smem:$0x3F9B]  }
0x31: {  	[smem:$0x3FA4] =	sst s10  }
0x32: {  	s10 =	sld [smem:$0x3FA2];
	_ =	sdelay $0x3  }
0x33: {  	p0 =	seq.s32 s10, $0x1;
	s10 =	sld [smem:$0x3FA4];
	_ =	sdelay $0x3  }
0x34: {  	[smem:$0x3FA4] =	sst s10  }
0x35: {  	s10 =	sld [smem:$0x3FA3];
	_ =	sdelay $0x3  }
0x36: {  	p1 =	seq.s32 s10, $0x1;
	s10 =	sld [smem:$0x3FA4];
	_ =	sdelay $0x3  }
0x37: {  	[smem:$0x3FA4] =	sst s10  }
0x38: {  	s10 =	sld [smem:$0x3FA5]  }
0x39: {  	_ = 	snop;
	(pc) =	sbr.ind lr, $3  }
0x3a: {  	_ = 	snop  }
0x3b: {  	_ = 	snop  }
0x3c: {  	p2 =	seq.s32 s10, $0x1;
	s10 =	sld [smem:$0x3FA4]  }
0x3d: {  	_ =	shalt  }
0x3e: {  	_ =	shalt  }
0x3f: {  	_ =	shalt  }
0x40: {  	_ =	shalt  }
0x41: {  	_ =	shalt  }
0x42: {  	_ =	shalt  }
0x43: {  	_ =	shalt  }
0x44: {  	_ =	shalt  }
0x45: {  	_ =	shalt  }
0x46: {  	_ =	shalt  }
0x47: {  	_ =	shalt  }
0x48: {  	_ =	shalt  }
0x49: {  	_ =	shalt  }
0x4a: {  	_ =	shalt  }
0x4b: {  	_ =	shalt  }
0x4c: {  	_ =	shalt  }
0x4d: {  	_ =	shalt  }
0x4e: {  	_ =	shalt  }
0x4f: {  	_ =	shalt  }
0x50: {  	_ =	shalt  }
0x51: {  	_ =	shalt  }
0x52: {  	_ =	shalt  }
0x53: {  	_ =	shalt  }
0x54: {  	_ =	shalt  }
0x55: {  	_ =	shalt  }
0x56: {  	_ =	shalt  }
0x57: {  	_ =	shalt  }
0x58: {  	_ =	shalt  }
0x59: {  	_ =	shalt  }
0x5a: {  	_ =	shalt  }
0x5b: {  	_ =	shalt  }
0x5c: {  	_ =	shalt  }
0x5d: {  	_ =	shalt  }
0x5e: {  	_ =	shalt  }
0x5f: {  	_ =	shalt  }
0x60: {  	_ =	shalt  }
0x61: {  	_ =	shalt  }
0x62: {  	_ =	shalt  }
0x63: {  	_ =	shalt  }
0x64: {  	_ =	shalt  }
0x65: {  	_ =	shalt  }
0x66: {  	_ =	shalt  }
0x67: {  	_ =	shalt  }
0x68: {  	_ =	shalt  }
0x69: {  	_ =	shalt  }
0x6a: {  	_ =	shalt  }
0x6b: {  	_ =	shalt  }
0x6c: {  	_ =	shalt  }
0x6d: {  	_ =	shalt  }
0x6e: {  	_ =	shalt  }
0x6f: {  	_ =	shalt  }
0x70: {  	_ =	shalt  }
0x71: {  	_ =	shalt  }
0x72: {  	_ =	shalt  }
0x73: {  	_ =	shalt  }
0x74: {  	_ =	shalt  }
0x75: {  	_ =	shalt  }
0x76: {  	_ =	shalt  }
0x77: {  	_ =	shalt  }
0x78: {  	_ =	shalt  }
0x79: {  	_ =	shalt  }
0x7a: {  	_ =	shalt  }
0x7b: {  	_ =	shalt  }
0x7c: {  	_ =	shalt  }
0x7d: {  	_ =	shalt  }
0x7e: {  	_ =	shalt  }
0x7f: {  	_ =	shalt  }
0x80: {  	_ =	shalt  }
0x81: {  	_ =	shalt  }
0x82: {  	_ =	shalt  }
0x83: {  	_ =	shalt  }
0x84: {  	_ =	shalt  }
0x85: {  	_ =	shalt  }
0x86: {  	_ =	shalt  }
0x87: {  	_ =	shalt  }
.Lfunc_end0:
.L_simem_size_0:
called_computation.5_lowered:
.L_overlay_start_0:
0x88: {  	s2 =	sld [smem:$0x3FD9]  }
0x89: {  	s3 =	sld [smem:$0x3FFE];
	_ =	sdelay $0x1  }
0x8a: {  	s1 =	srdreg.scid  }
0x8b: {  	s0 =	sand.u32 $0x1, s1  }
0x8c: {  	s16 =	sshll.u32 s0, $0xA;
	s2 =	sadd.s32 s3, s2  }
0x8d: {  	s2 =	sadd.s32 s2, s16  }
0x8e: {  	[smem:$0x3FB0] =	sst s2  }
0x8f: {  	_ = 	snop  }
0x90: {  	(tm) =	ssettm $0x1  }
0x91: {  	s17 =	sld [smem:$0x3FFB];
	_ =	sdelay $0x3  }
0x92: {  	_ =	strace s17  }
0x93: {  	s2 =	sld [smem:$0x3FFC];
	_ =	sdelay $0x3  }
0x94: {  	_ =	strace s2  }
0x95: {  	s2 =	sld [smem:$0x3FFD];
	_ =	sdelay $0x3  }
0x96: {  	_ =	strace s2  }
0x97: {  	_ =	strace $0x8FFFFFFF  }
0x98: {  	s18 =	sld [smem:$0x3FDB];
	_ =	sdelay $0x1  }
0x99: {  	s19 =	simm.s32 $_scs_section_size  }
0x9a: {  	s4 =	simm.s32 $_size__tile_overlayer_lowered;
	s5 =	simm.s32 $_tile_overlayer_lowered  }
0x9b: {  	s22 =	simm.s32 $0x1BFF;
	s21 =	sshll.u32 s5, $0x1;
	s2 =	sadd.s32 s19, s18  }
0x9c: {  	s6 =	simm.s32 $0x0;
	s20 =	sshll.u32 s4, $0x1;
	s4 =	sadd.s32 s21, s2  }
0x9d: {  	[timem:s6], [sflag:s22] =	dma.local [hbm:s4], s20  }
0x9e: {  	_ =	swait.ge [sflag:s22], s20  }
0x9f: {  	s3 =	ssub.s32 $0x0, s20;
	[sflag:s22] =	ssyncset.done $0x0  }
0xa0: {  	[sflag:s22] =	ssyncadd.s32 s3;
	_ =	sdelay $0x1  }
0xa1: {  	s23 =	simm.s32 $0x1B8B  }
0xa2: {  	_ =	swait.ge [sflag:s23], $0x1  }
0xa3: {  	[sflag:s23] =	ssyncset.done $0x0  }
0xa4: {  	s25 =	simm.s32 $0x1B8E;
	s24 =	sld [smem:$0x3FFE];
	[sflag:s23] =	ssyncadd.s32 $0xFFFFFFFF  }
0xa5: {  	s26 =	simm.s32 $execute0_lowered;
	[smem:$0x3FD2] =	sst s25  }
0xa6: {  	s4 =	sshll.u32 s26, $0x1;
	_ =	strace $0x80000055;
	[dreg:$0x1] =	wrdreg $0xFFFFFFFF  }
0xa7: {  	s28 =	simm.s32 $_size_execute0_lowered;
	s2 =	sadd.s32 s2, s4;
	[dreg:$0x0] =	wrdreg $0x0  }
0xa8: {  	s4 =	sshll.u32 s28, $0x1;
	[dreg:$0x2] =	wrdreg s2  }
0xa9: {  	[dreg:$0x3] =	wrdreg s4  }
0xaa: {  	[dreg:$0x4] =	wrdreg $0xC0  }
0xab: {  	_ =	task [dreg:s6], $0x5FFFF  }
0xac: {  	[dreg:$0x1] =	wrdreg $0xFFFFFFFF  }
0xad: {  	[dreg:$0x0] =	wrdreg $0x60  }
0xae: {  	[dreg:$0x2] =	wrdreg s24  }
0xaf: {  	[dreg:$0x3] =	wrdreg $0x9  }
0xb0: {  	_ =	task.clear_ibuf [dreg:s6], $0x4FFFF;
	_ =	strace $0x90000055  }
0xb1: {  	s29 =	simm.s32 $0x9;
	_ =	strace $0x80000057  }
0xb2: {  	_ =	swait.ge [sflag:s29], $0x1  }
0xb3: {  	[sflag:s29] =	ssyncadd.s32 $0xFFFFFFFF  }
0xb4: {  	_ =	strace $0x90000057  }
0xb5: {  	_ =	sfence  }
0xb6: {  	s30 =	sld [smem:$0x0];
	_ =	sdelay $0x2  }
0xb7: {  	s31 =	sshll.u32 s1, $0xD;
	s1 =	sshrl.u32 s1, $0x2  }
0xb8: {  	s3 =	sand.u32 $0x4000, s31;
	s1 =	sadd.s32 s1, s30  }
0xb9: {  	s0 =	sor.u32 s3, s0;
	s1 =	sshll.u32 s1, $0x11  }
0xba: {  	s0 =	sor.u32 s1, s0  }
0xbb: {  	s0 =	sadd.s32 $0x8F2B, s0  }
0xbc: {  	[sflag:s0] =	ssyncadd.remote.s32 $0x1  }
0xbd: {  	_ =	sfence.sel $0xFFFF  }
0xbe: {  	[dreg:$0x0] =	wrdreg $0xFFFFFFFF;
	(pc) =	sbr.abs _section_cstart, $3  }
0xbf: {  	[dreg:$0x1] =	wrdreg $0xFFFFFFFF  }
0xc0: {  	_ =	task.clear_ibuf [dreg:s6], $0x2FFFF;
	_ =	strace $0x9FFFFFFF  }
0xc1: {  	(tm) =	ssettm $0x7FFFFFFF  }
tec
execute0_lowered:
.L_overlay_start_1:
0x0: {  	(tag) =	ssettag $0x1  }
0x1: {  	s1 =	srdreg.scid  }
0x2: {  	s0 =	stileid.u32;
	s4 =	rddreg [dreg:$0x0];
	s2 =	simm.s32 $0x0  }
0x3: {  	s11 =	simm.s32 $0x0;
	s5 =	sand.u32 $0x1, s1;
	s1 =	rddreg [dreg:$0x1]  }
0x4: {  	s3 =	sshll.u32 s0, $0x1;
	[smem:$0x7FF] =	sst s2;
	s7 =	smul.u32 $0x61A80, s0  }
0x5: {  	s3 =	sor.u32 s5, s3;
	_ =	strace $0x80000056;
	s10 =	smul.u32 $0x30D40, s5  }
0x6: {  	s8 =	ssub.s32 $0x2, s5;
	s6 =	smul.u32 $0x186A, s3;
	s3 =	sadd.s32 $0x6C200, s4  }
0x7: {  	s9 =	sshrl.u32 s8, $0x1;
	s30 =	sadd.s32 s7, s4;
	s7 =	simm.s32 $0x2  }
0x8: {  	s31 =	ssub.s32 s8, s9;
	s8 =	simm.s32 $0x50;
	s9 =	simm.s32 $0xC350  }
0x9: {  	s29 =	sadd.s32 s6, s4;
	s5 =	smax.u32 s31, $0x1;
	s6 =	sadd.s32 s10, s30  }
0xa: {  	s10 =	simm.s32 $0x1;
	s4 =	sadd.s32 $0x3AE00, s29;
	s6 =	sadd.s32 $0x80DA00, s6  }
.LBB2_1:
0xb: {  	[tilespmem:s2], [sflag:$0x2] =	stream.linear.gather [hbm4b:s4+s2], $0xC350, $0x38;
	[tilespmem:$0xCD50] =	vst v63  }
0xc: {  	_ =	swait.ge [sflag:s7], $0xC350  }
0xd: {  	[sflag:s7] =	ssyncset.done $0x0  }
0xe: {  	s12 =	simm.s32 $0x0;
	[sflag:s7] =	ssyncadd.s32 $0xFFFF3CB0  }
0xf: {  	[tilespmem:s9], [sflag:$0x1] =	stream.indirect.gather [hbm4b:s3+s8], $0x20, s12, s8, $0xb8;
	[tilespmem:$0xCD50] =	vst v63  }
0x10: {  	_ =	swait.ge [sflag:s10], $0xA00  }
0x11: {  	[sflag:s10] =	ssyncset.done $0x0  }
0x12: {  	s31 =	sadd.s32 $0x0, s6;
	[sflag:s10] =	ssyncadd.s32 $0xFFFFF600  }
0x13: {  	[hbm4b:s31+s2] =	stream.linear.scatter [tilespmem:s9], [sflag:$0x2], $0xA00, $0x38;
	[tilespmem:$0xCD50] =	vst v63  }
0x14: {  	_ =	swait.ge [sflag:s7], $0xA00  }
0x15: {  	s13 =	simm.s32 $0x280;
	s12 =	simm.s32 $0x140;
	[sflag:s7] =	ssyncset.done $0x0  }
.LBB2_2:
0x16: {  	s14 =	sshra.s32 s12, $0x2  }
0x17: {  	[sflag:s7] =	ssyncadd.s32 $0xFFFFF600;
	s15 =	smov.u32 s13;
	s16 =	sadd.s32 $0x140, s13  }
0x18: {  	[tilespmem:s9], [sflag:$0x1] =	stream.indirect.gather [hbm4b:s3+s8], $0x20, s14, s8, $0xb8;
	[tilespmem:$0xCD50] =	vst v63  }
0x19: {  	p0 =	sne.s32 s13, $0x30C00;
	_ =	swait.ge [sflag:s10], $0xA00  }
.Ltmp0:
0x1a: {  	[sflag:s10] =	ssyncset.done $0x0;
	(pc) =	sbr.rel @p0 .LBB2_2-.Ltmp0, $4  }
0x1b: {  	s13 =	sadd.s32 s12, s6;
	s12 =	smov.u32 s15;
	[sflag:s10] =	ssyncadd.s32 $0xFFFFF600  }
0x1c: {  	[hbm4b:s13+s2] =	stream.linear.scatter [tilespmem:s9], [sflag:$0x2], $0xA00, $0x38;
	[tilespmem:$0xCD50] =	vst v63  }
0x1d: {  	_ =	swait.ge [sflag:s7], $0xA00  }
0x1e: {  	s13 =	smov.u32 s16;
	[sflag:s7] =	ssyncset.done $0x0  }
0x1f: {  	s13 =	sshra.s32 s12, $0x2;
	[sflag:s7] =	ssyncadd.s32 $0xFFFFF600  }
0x20: {  	[tilespmem:s9], [sflag:$0x1] =	stream.indirect.gather [hbm4b:s3+s8], $0x20, s13, s8, $0xb8;
	[tilespmem:$0xCD50] =	vst v63  }
0x21: {  	s11 =	sadd.s32 $0x1, s11;
	_ =	swait.ge [sflag:s10], $0xA00  }
0x22: {  	p0 =	sne.s32 s11, s5;
	[sflag:s10] =	ssyncset.done $0x0  }
.Ltmp1:
0x23: {  	s31 =	sadd.s32 s12, s6;
	[sflag:s10] =	ssyncadd.s32 $0xFFFFF600;
	(pc) =	sbr.rel @p0 .LBB2_1-.Ltmp1, $4  }
0x24: {  	[hbm4b:s31+s2] =	stream.linear.scatter [tilespmem:s9], [sflag:$0x2], $0xA00, $0x38;
	[tilespmem:$0xCD50] =	vst v63  }
0x25: {  	_ =	swait.ge [sflag:s7], $0xA00  }
0x26: {  	[sflag:s7] =	ssyncset.done $0x0  }
0x27: {  	[sflag:s7] =	ssyncadd.s32 $0xFFFFF600  }
0x28: {  	_ =	sfence.sel $0x180000  }
0x29: {  	[bflag:$0x0] =	sbarrier.arrive $0xFFFF  }
0x2a: {  	p0 =	sne.s32 s0, $0x0;
	_ =	strace $0x90000056  }
0x2b: {  	s0 =	sadd.s32 @!p0 $0x100000, s1;
	[bflag:$0x2] =	sbarrier.arrive $0xFFFF  }
0x2c: {  	[sflag:s0] =	ssyncadd.tile.s32 @!p0 $0x1;
	_ =	shalt  }
.Lfunc_end2:
_tile_overlayer_lowered:
.L_overlay_start_2:
0x2d: {  	(tag) =	ssettag $0x2  }
0x2e: {  	s0 =	rddreg [dreg:$0x0];
	s2 =	stileid.u32  }
0x2f: {  	s1 =	rddreg [dreg:$0x1];
	p0 =	sne.s32 s2, $0x0  }
0x30: {  	s3 =	rddreg [dreg:$0x2];
	[bflag:$0x3] =	sbarrier.arrive $0xFFFF;
	s2 =	simm.s32 @!p0 $0x1C02  }
0x31: {  	[timem:s3], [sflag:s2] =	dma.local @!p0 [hbm:s0], s1  }
0x32: {  	s0 =	simm.s32 @!p0 $0x2  }
0x33: {  	_ =	swait.ge @!p0 [sflag:s0], s1  }
0x34: {  	s1 =	ssub.s32 @!p0 $0x0, s1;
	[sflag:s0] =	ssyncset.done @!p0 $0x0  }
0x35: {  	[sflag:s0] =	ssyncadd.s32 @!p0 s1  }
0x36: {  	[bflag:$0x3] =	sbarrier.arrive $0xFFFF  }
0x37: {  	_ =	shalt  }

// kernel: kernel.39.cloned.1.call-start
scs
__scs_entry_jumppad:
0x0: {  	(pc) =	sbr.rel $0x88, $3  }
0x1: {  	(tag) =	ssettag $0x0;
	lr =	simm.s32 $0x1  }
0x2: {  	[smem:$0x3F89] =	sst lr;
	_ =	strace $0xD0000000  }
0x3: {  	_ = 	snop  }
0x4: {  	_ = 	snop  }
0x5: {  	_ = 	snop  }
0x6: {  	_ = 	snop  }
0x7: {  	_ = 	snop  }
__scs_overlays_trampoline_lowered:
0x8: {  	[smem:$0x3F98] =	sst s0  }
0x9: {  	[smem:$0x3F99] =	sst s1  }
0xa: {  	[smem:$0x3F9A] =	sst s2  }
0xb: {  	[smem:$0x3F9B] =	sst s3  }
0xc: {  	[smem:$0x3F9C] =	sst s4  }
0xd: {  	[smem:$0x3F9D] =	sst s5  }
0xe: {  	[smem:$0x3F9E] =	sst s6  }
0xf: {  	[smem:$0x3F9F] =	sst s7  }
0x10: {  	[smem:$0x3FA0] =	sst s8  }
0x11: {  	[smem:$0x3FA1] =	sst s9;
	s0 =	simm.s32 @!p0 $0x0  }
0x12: {  	s1 =	sld [smem:$0x3F87];
	s0 =	simm.s32 @p0 $0x1  }
0x13: {  	[smem:$0x3FA2] =	sst s0;
	s0 =	simm.s32 @!p1 $0x0  }
0x14: {  	s2 =	sld [smem:$0x3F86];
	s0 =	simm.s32 @p1 $0x1  }
0x15: {  	[smem:$0x3FA3] =	sst s0;
	s0 =	simm.s32 @!p2 $0x0  }
0x16: {  	s3 =	sld [smem:$0x3FDB];
	s0 =	simm.s32 @p2 $0x1  }
0x17: {  	s4 =	simm.s32 $0x1BF5;
	[smem:$0x3FA5] =	sst s0  }
0x18: {  	s0 =	sld [smem:$0x3F88];
	_ =	swait.ge [sflag:s4], $0x0  }
0x19: {  	s7 =	sld [smem:$0x3F89]  }
0x1a: {  	s8 =	sadd.s32 $0xFFFFE003, lr  }
0x1b: {  	s9 =	sadd.s32 $0xFFFFFEF7, lr;
	s5 =	simm.s32 $0xFFFFFFFF;
	p2 =	slt.u32 s8, $0xFFFFF086  }
0x1c: {  	p1 =	slt.u32 s9, $0xF7A;
	s5 =	simm.s32 @!p2 $0x0  }
0x1d: {  	s5 =	simm.s32 @p1 $0x1;
	p0 =	seq.s32 s7, s2  }
0x1e: {  	s7 =	smul.u32 @!p0 $0xF7A, s2;
	p2 =	seq.s32 @!p0 s5, $0x0  }
0x1f: {  	s9 =	smul.u32 $0xF7A, s1;
	s8 =	simm.s32 @!p0 $0x1BF5;
	p2 =	por !p2, p0  }
0x20: {  	[sflag:s8] =	ssyncset.s32 @!p0 $0xFFFFF086;
	s6 =	sadd.s32 @!p0 s3, s7;
	s7 =	simm.s32 @!p0 $0x108  }
0x21: {  	s3 =	sadd.s32 s3, s9;
	s6 =	sadd.s32 @!p0 $0x88, s6;
	s7 =	simm.s32 @p2 $0x1082  }
0x22: {  	[simem:s7], [sflag:s8] =	dma.local @!p0 [hbm:s6], $0xF7A  }
0x23: {  	s9 =	sor.u32 $0xD0000000, s2;
	s6 =	simm.s32 $0x108;
	_ =	swait.ge @!p0 [sflag:s8], $0x0  }
0x24: {  	s3 =	sadd.s32 $0x88, s3;
	s6 =	simm.s32 @!p1 $0x1082;
	[sflag:s4] =	ssyncset.s32 $0xFFFFF086  }
0x25: {  	[simem:s6], [sflag:s4] =	dma.local [hbm:s3], $0xF7A  }
0x26: {  	[smem:$0x3F89] =	sst s1;
	(tag) =	ssettag s2;
	_ =	strace s9  }
0x27: {  	s1 =	sld [smem:$0x3F99]  }
0x28: {  	s2 =	sld [smem:$0x3F9A]  }
0x29: {  	s4 =	sld [smem:$0x3F9C]  }
0x2a: {  	p0 =	seq.s32 s5, $0x0;
	s5 =	sld [smem:$0x3F9D]  }
0x2b: {  	s6 =	sld [smem:$0x3F9E]  }
0x2c: {  	s7 =	sld [smem:$0x3F9F]  }
0x2d: {  	s3 =	simm.s32 $0x108;
	s8 =	sld [smem:$0x3FA0]  }
0x2e: {  	s3 =	simm.s32 @!p0 $0x1082;
	s9 =	sld [smem:$0x3FA1]  }
0x2f: {  	lr =	sadd.s32 s0, s3;
	s0 =	sld [smem:$0x3F98]  }
0x30: {  	s3 =	sld [smem:$0x3F9B]  }
0x31: {  	[smem:$0x3FA4] =	sst s10  }
0x32: {  	s10 =	sld [smem:$0x3FA2];
	_ =	sdelay $0x3  }
0x33: {  	p0 =	seq.s32 s10, $0x1;
	s10 =	sld [smem:$0x3FA4];
	_ =	sdelay $0x3  }
0x34: {  	[smem:$0x3FA4] =	sst s10  }
0x35: {  	s10 =	sld [smem:$0x3FA3];
	_ =	sdelay $0x3  }
0x36: {  	p1 =	seq.s32 s10, $0x1;
	s10 =	sld [smem:$0x3FA4];
	_ =	sdelay $0x3  }
0x37: {  	[smem:$0x3FA4] =	sst s10  }
0x38: {  	s10 =	sld [smem:$0x3FA5]  }
0x39: {  	_ = 	snop;
	(pc) =	sbr.ind lr, $3  }
0x3a: {  	_ = 	snop  }
0x3b: {  	_ = 	snop  }
0x3c: {  	p2 =	seq.s32 s10, $0x1;
	s10 =	sld [smem:$0x3FA4]  }
0x3d: {  	_ =	shalt  }
0x3e: {  	_ =	shalt  }
0x3f: {  	_ =	shalt  }
0x40: {  	_ =	shalt  }
0x41: {  	_ =	shalt  }
0x42: {  	_ =	shalt  }
0x43: {  	_ =	shalt  }
0x44: {  	_ =	shalt  }
0x45: {  	_ =	shalt  }
0x46: {  	_ =	shalt  }
0x47: {  	_ =	shalt  }
0x48: {  	_ =	shalt  }
0x49: {  	_ =	shalt  }
0x4a: {  	_ =	shalt  }
0x4b: {  	_ =	shalt  }
0x4c: {  	_ =	shalt  }
0x4d: {  	_ =	shalt  }
0x4e: {  	_ =	shalt  }
0x4f: {  	_ =	shalt  }
0x50: {  	_ =	shalt  }
0x51: {  	_ =	shalt  }
0x52: {  	_ =	shalt  }
0x53: {  	_ =	shalt  }
0x54: {  	_ =	shalt  }
0x55: {  	_ =	shalt  }
0x56: {  	_ =	shalt  }
0x57: {  	_ =	shalt  }
0x58: {  	_ =	shalt  }
0x59: {  	_ =	shalt  }
0x5a: {  	_ =	shalt  }
0x5b: {  	_ =	shalt  }
0x5c: {  	_ =	shalt  }
0x5d: {  	_ =	shalt  }
0x5e: {  	_ =	shalt  }
0x5f: {  	_ =	shalt  }
0x60: {  	_ =	shalt  }
0x61: {  	_ =	shalt  }
0x62: {  	_ =	shalt  }
0x63: {  	_ =	shalt  }
0x64: {  	_ =	shalt  }
0x65: {  	_ =	shalt  }
0x66: {  	_ =	shalt  }
0x67: {  	_ =	shalt  }
0x68: {  	_ =	shalt  }
0x69: {  	_ =	shalt  }
0x6a: {  	_ =	shalt  }
0x6b: {  	_ =	shalt  }
0x6c: {  	_ =	shalt  }
0x6d: {  	_ =	shalt  }
0x6e: {  	_ =	shalt  }
0x6f: {  	_ =	shalt  }
0x70: {  	_ =	shalt  }
0x71: {  	_ =	shalt  }
0x72: {  	_ =	shalt  }
0x73: {  	_ =	shalt  }
0x74: {  	_ =	shalt  }
0x75: {  	_ =	shalt  }
0x76: {  	_ =	shalt  }
0x77: {  	_ =	shalt  }
0x78: {  	_ =	shalt  }
0x79: {  	_ =	shalt  }
0x7a: {  	_ =	shalt  }
0x7b: {  	_ =	shalt  }
0x7c: {  	_ =	shalt  }
0x7d: {  	_ =	shalt  }
0x7e: {  	_ =	shalt  }
0x7f: {  	_ =	shalt  }
0x80: {  	_ =	shalt  }
0x81: {  	_ =	shalt  }
0x82: {  	_ =	shalt  }
0x83: {  	_ =	shalt  }
0x84: {  	_ =	shalt  }
0x85: {  	_ =	shalt  }
0x86: {  	_ =	shalt  }
0x87: {  	_ =	shalt  }
.Lfunc_end0:
.L_simem_size_0:
called_computation.6_lowered:
.L_overlay_start_0:
0x88: {  	s2 =	sld [smem:$0x3FD9]  }
0x89: {  	s3 =	sld [smem:$0x3FFE];
	_ =	sdelay $0x1  }
0x8a: {  	s1 =	srdreg.scid  }
0x8b: {  	s0 =	sand.u32 $0x1, s1  }
0x8c: {  	s16 =	sshll.u32 s0, $0xA;
	s2 =	sadd.s32 s3, s2  }
0x8d: {  	s2 =	sadd.s32 s2, s16  }
0x8e: {  	[smem:$0x3FB0] =	sst s2  }
0x8f: {  	_ = 	snop  }
0x90: {  	(tm) =	ssettm $0x1  }
0x91: {  	s17 =	sld [smem:$0x3FFB];
	_ =	sdelay $0x3  }
0x92: {  	_ =	strace s17  }
0x93: {  	s2 =	sld [smem:$0x3FFC];
	_ =	sdelay $0x3  }
0x94: {  	_ =	strace s2  }
0x95: {  	s2 =	sld [smem:$0x3FFD];
	_ =	sdelay $0x3  }
0x96: {  	_ =	strace s2  }
0x97: {  	_ =	strace $0x8FFFFFFF  }
0x98: {  	s18 =	sld [smem:$0x3FDB];
	_ =	sdelay $0x1  }
0x99: {  	s19 =	simm.s32 $_scs_section_size  }
0x9a: {  	s4 =	simm.s32 $_size__tile_overlayer_lowered;
	s5 =	simm.s32 $_tile_overlayer_lowered  }
0x9b: {  	s22 =	simm.s32 $0x1BFF;
	s21 =	sshll.u32 s5, $0x1;
	s2 =	sadd.s32 s19, s18  }
0x9c: {  	s6 =	simm.s32 $0x0;
	s20 =	sshll.u32 s4, $0x1;
	s4 =	sadd.s32 s21, s2  }
0x9d: {  	[timem:s6], [sflag:s22] =	dma.local [hbm:s4], s20  }
0x9e: {  	_ =	swait.ge [sflag:s22], s20  }
0x9f: {  	s3 =	ssub.s32 $0x0, s20;
	[sflag:s22] =	ssyncset.done $0x0  }
0xa0: {  	[sflag:s22] =	ssyncadd.s32 s3;
	_ =	sdelay $0x1  }
0xa1: {  	s23 =	simm.s32 $0x1B8B  }
0xa2: {  	_ =	swait.ge [sflag:s23], $0x1  }
0xa3: {  	[sflag:s23] =	ssyncset.done $0x0  }
0xa4: {  	s25 =	simm.s32 $0x1B8E;
	s24 =	sld [smem:$0x3FFE];
	[sflag:s23] =	ssyncadd.s32 $0xFFFFFFFF  }
0xa5: {  	s26 =	simm.s32 $execute0_lowered;
	[smem:$0x3FD2] =	sst s25  }
0xa6: {  	s4 =	sshll.u32 s26, $0x1;
	_ =	strace $0x80000058;
	[dreg:$0x1] =	wrdreg $0xFFFFFFFF  }
0xa7: {  	s28 =	simm.s32 $_size_execute0_lowered;
	s2 =	sadd.s32 s2, s4;
	[dreg:$0x0] =	wrdreg $0x0  }
0xa8: {  	s4 =	sshll.u32 s28, $0x1;
	[dreg:$0x2] =	wrdreg s2  }
0xa9: {  	[dreg:$0x3] =	wrdreg s4  }
0xaa: {  	[dreg:$0x4] =	wrdreg $0xC0  }
0xab: {  	_ =	task [dreg:s6], $0x5FFFF  }
0xac: {  	[dreg:$0x1] =	wrdreg $0xFFFFFFFF  }
0xad: {  	[dreg:$0x0] =	wrdreg $0x60  }
0xae: {  	[dreg:$0x2] =	wrdreg s24  }
0xaf: {  	[dreg:$0x3] =	wrdreg $0xA500  }
0xb0: {  	[dreg:$0x4] =	wrdreg $0x9  }
0xb1: {  	_ =	task.clear_ibuf [dreg:s6], $0x5FFFF;
	_ =	strace $0x90000058  }
0xb2: {  	s29 =	simm.s32 $0x9;
	_ =	strace $0x8000005A  }
0xb3: {  	_ =	swait.ge [sflag:s29], $0x1  }
0xb4: {  	[sflag:s29] =	ssyncadd.s32 $0xFFFFFFFF  }
0xb5: {  	_ =	strace $0x9000005A  }
0xb6: {  	_ =	sfence  }
0xb7: {  	s30 =	sld [smem:$0x0];
	_ =	sdelay $0x2  }
0xb8: {  	s31 =	sshll.u32 s1, $0xD;
	s1 =	sshrl.u32 s1, $0x2  }
0xb9: {  	s3 =	sand.u32 $0x4000, s31;
	s1 =	sadd.s32 s1, s30  }
0xba: {  	s0 =	sor.u32 s3, s0;
	s1 =	sshll.u32 s1, $0x11  }
0xbb: {  	s0 =	sor.u32 s1, s0  }
0xbc: {  	s0 =	sadd.s32 $0x8F2B, s0  }
0xbd: {  	[sflag:s0] =	ssyncadd.remote.s32 $0x1  }
0xbe: {  	_ =	sfence.sel $0xFFFF  }
0xbf: {  	[dreg:$0x0] =	wrdreg $0xFFFFFFFF;
	(pc) =	sbr.abs _section_cstart, $3  }
0xc0: {  	[dreg:$0x1] =	wrdreg $0xFFFFFFFF  }
0xc1: {  	_ =	task.clear_ibuf [dreg:s6], $0x2FFFF;
	_ =	strace $0x9FFFFFFF  }
0xc2: {  	(tm) =	ssettm $0x7FFFFFFF  }
0xc3: {  	_ =	shalt  }
tec
execute0_lowered:
.L_overlay_start_1:
0x0: {  	(tag) =	ssettag $0x1  }
0x1: {  	s4 =	rddreg [dreg:$0x0]  }
0x2: {  	s2 =	rddreg [dreg:$0x1];
	s1 =	stileid.u32  }
0x3: {  	s0 =	rddreg [dreg:$0x2];
	s5 =	smul.u32 $0x61A80, s1  }
0x4: {  	s7 =	srdreg.scid;
	s6 =	smul.u32 $0x30D4, s1  }
0x5: {  	s3 =	simm.s32 $0x0;
	s8 =	smul.u32 $0x186A0, s1;
	s7 =	sand.u32 $0x1, s7  }
0x6: {  	[smem:$0x7FF] =	sst s3;
	s9 =	smul.u32 $0x186A00, s7  }
0x7: {  	s29 =	sshll.u32 s1, $0x6;
	_ =	strace $0x80000059;
	s28 =	smul.u32 $0x186A, s7  }
0x8: {  	s26 =	ssub.s32 $0x2, s7;
	s13 =	smul.u32 $0x30D40, s7;
	s10 =	sadd.s32 s5, s4  }
0x9: {  	s11 =	sadd.s32 s6, s4;
	s24 =	sshrl.u32 s8, $0x3;
	s12 =	sshrl.u32 s26, $0x1  }
0xa: {  	s14 =	sadd.s32 s8, s2;
	s25 =	sadd.s32 s8, s9;
	s5 =	sadd.s32 s24, s4  }
0xb: {  	s9 =	ssub.s32 s26, s12;
	s30 =	sadd.s32 s28, s11;
	s31 =	sadd.s32 s13, s10  }
0xc: {  	s10 =	sshrl.u32 s14, $0x3;
	s11 =	simm.s32 $0x1;
	s12 =	simm.s32 $0x50  }
0xd: {  	s13 =	simm.s32 $0x0;
	s6 =	sshrl.u32 s25, $0x3;
	s7 =	smax.u32 s9, $0x1  }
0xe: {  	s9 =	sadd.s32 $0x80DA00, s31;
	s6 =	sadd.s32 s6, s4;
	s4 =	sadd.s32 $0x43CE00, s5  }
0xf: {  	s8 =	sadd.s32 $0xA000, s30;
	s5 =	sor.u32 $0x1C01, s29;
	s6 =	sadd.s32 $0x46DC00, s6  }
.LBB2_1:
0x10: {  	[spmem:s10], [sflag:s5] =	dma.local [hbm:s4], $0x30D4  }
0x11: {  	_ =	swait.ge [sflag:s11], $0x30D4  }
0x12: {  	[sflag:s11] =	ssyncset.done $0x0  }
0x13: {  	[sflag:s11] =	ssyncadd.s32 $0xFFFFCF2C  }
0x14: {  	s14 =	sadd.s32 $0x0, s8;
	[bflag:$0x0] =	sbarrier.arrive $0xFFFF  }
0x15: {  	[tilespmem:s3], [sflag:$0x1] =	stream.linear.gather [hbm4b:s14+s3], $0x50, $0x38;
	[tilespmem:$0x190F0] =	vst v63  }
0x16: {  	_ =	swait.ge [sflag:s11], $0x50  }
0x17: {  	[sflag:s11] =	ssyncset.done $0x0  }
0x18: {  	[sflag:s11] =	ssyncadd.s32 $0xFFFFFFB0  }
0x19: {  	[tilespmem:s12], [sflag:$0x1] =	stream.linear.gather [hbm4b:s9+s3], $0xA00, $0x38;
	[tilespmem:$0x190F0] =	vst v63  }
0x1a: {  	_ =	swait.ge [sflag:s11], $0xA00  }
0x1b: {  	[sflag:s11] =	ssyncset.done $0x0  }
0x1c: {  	[sflag:s11] =	ssyncadd.s32 $0xFFFFF600  }
0x1d: {  	[spmem:s2] =	stream.indirect.scatter.add.f32 [tilespmem:s12], [sflag:$0x1], $0x20, s3, s12, $0xb8;
	[tilespmem:$0x190F0] =	vst v63  }
0x1e: {  	s15 =	simm.s32 $0xA;
	_ =	swait.ge [sflag:s11], $0xA00  }
0x1f: {  	s16 =	simm.s32 $0x14;
	s14 =	sadd.s32 $0x140, s9;
	[sflag:s11] =	ssyncset.done $0x0  }
.LBB2_2:
0x20: {  	s17 =	sadd.s32 s15, s8  }
0x21: {  	[sflag:s11] =	ssyncadd.s32 $0xFFFFF600;
	s15 =	smov.u32 s16;
	s18 =	sadd.s32 $0xA, s16  }
0x22: {  	[tilespmem:s3], [sflag:$0x1] =	stream.linear.gather [hbm4b:s17+s3], $0x50, $0x38;
	[tilespmem:$0x190F0] =	vst v63  }
0x23: {  	p0 =	sne.s32 s16, $0x1860;
	_ =	swait.ge [sflag:s11], $0x50  }
0x24: {  	[sflag:s11] =	ssyncset.done $0x0  }
0x25: {  	[sflag:s11] =	ssyncadd.s32 $0xFFFFFFB0  }
0x26: {  	[tilespmem:s12], [sflag:$0x1] =	stream.linear.gather [hbm4b:s14+s3], $0xA00, $0x38;
	[tilespmem:$0x190F0] =	vst v63  }
0x27: {  	_ =	swait.ge [sflag:s11], $0xA00  }
.Ltmp0:
0x28: {  	[sflag:s11] =	ssyncset.done $0x0;
	(pc) =	sbr.rel @p0 .LBB2_2-.Ltmp0, $4  }
0x29: {  	[sflag:s11] =	ssyncadd.s32 $0xFFFFF600  }
0x2a: {  	[spmem:s2] =	stream.indirect.scatter.add.f32 [tilespmem:s12], [sflag:$0x1], $0x20, s3, s12, $0xb8;
	[tilespmem:$0x190F0] =	vst v63  }
0x2b: {  	_ =	swait.ge [sflag:s11], $0xA00  }
0x2c: {  	s16 =	smov.u32 s18;
	s14 =	sadd.s32 $0x140, s14;
	[sflag:s11] =	ssyncset.done $0x0  }
0x2d: {  	s15 =	sadd.s32 s15, s8;
	[sflag:s11] =	ssyncadd.s32 $0xFFFFF600  }
0x2e: {  	[tilespmem:s3], [sflag:$0x1] =	stream.linear.gather [hbm4b:s15+s3], $0x50, $0x38;
	[tilespmem:$0x190F0] =	vst v63  }
0x2f: {  	_ =	swait.ge [sflag:s11], $0x50  }
0x30: {  	[sflag:s11] =	ssyncset.done $0x0  }
0x31: {  	[sflag:s11] =	ssyncadd.s32 $0xFFFFFFB0  }
0x32: {  	[tilespmem:s12], [sflag:$0x1] =	stream.linear.gather [hbm4b:s14+s3], $0xA00, $0x38;
	[tilespmem:$0x190F0] =	vst v63  }
0x33: {  	_ =	swait.ge [sflag:s11], $0xA00  }
0x34: {  	[sflag:s11] =	ssyncset.done $0x0  }
0x35: {  	[sflag:s11] =	ssyncadd.s32 $0xFFFFF600  }
0x36: {  	[spmem:s2] =	stream.indirect.scatter.add.f32 [tilespmem:s12], [sflag:$0x1], $0x20, s3, s12, $0xb8;
	[tilespmem:$0x190F0] =	vst v63  }
0x37: {  	_ =	swait.ge [sflag:s11], $0xA00  }
0x38: {  	s13 =	sadd.s32 $0x1, s13;
	[sflag:s11] =	ssyncset.done $0x0  }
0x39: {  	p0 =	sne.s32 s13, s7;
	[sflag:s11] =	ssyncadd.s32 $0xFFFFF600  }
.Ltmp1:
0x3a: {  	[bflag:$0x0] =	sbarrier.arrive $0xFFFF;
	(pc) =	sbr.rel @p0 .LBB2_1-.Ltmp1, $4  }
0x3b: {  	[hbm:s6], [sflag:s5] =	dma.local [spmem:s10], $0x30D4  }
0x3c: {  	_ =	swait.ge [sflag:s11], $0x30D4  }
0x3d: {  	[sflag:s11] =	ssyncset.done $0x0  }
0x3e: {  	[sflag:s11] =	ssyncadd.s32 $0xFFFFCF2C  }
0x3f: {  	_ =	sfence.sel $0x180000  }
0x40: {  	[bflag:$0x0] =	sbarrier.arrive $0xFFFF  }
0x41: {  	p0 =	sne.s32 s1, $0x0;
	_ =	strace $0x90000059  }
0x42: {  	s0 =	sadd.s32 @!p0 $0x100000, s0;
	[bflag:$0x2] =	sbarrier.arrive $0xFFFF  }
0x43: {  	[sflag:s0] =	ssyncadd.tile.s32 @!p0 $0x1;
	_ =	shalt  }
.Lfunc_end2:
_tile_overlayer_lowered:
.L_overlay_start_2:
0x44: {  	(tag) =	ssettag $0x2  }
0x45: {  	s0 =	rddreg [dreg:$0x0];
	s2 =	stileid.u32  }
0x46: {  	s1 =	rddreg [dreg:$0x1];
	p0 =	sne.s32 s2, $0x0  }
0x47: {  	s3 =	rddreg [dreg:$0x2];
	[bflag:$0x3] =	sbarrier.arrive $0xFFFF;
	s2 =	simm.s32 @!p0 $0x1C01  }
0x48: {  	[timem:s3], [sflag:s2] =	dma.local @!p0 [hbm:s0], s1  }
0x49: {  	s0 =	simm.s32 @!p0 $0x1  }
0x4a: {  	_ =	swait.ge @!p0 [sflag:s0], s1  }
0x4b: {  	s1 =	ssub.s32 @!p0 $0x0, s1;
	[sflag:s0] =	ssyncset.done @!p0 $0x0  }
0x4c: {  	[sflag:s0] =	ssyncadd.s32 @!p0 s1  }
0x4d: {  	[bflag:$0x3] =	sbarrier.arrive $0xFFFF  }
0x4e: {  	_ =	shalt  }

// kernel: kernel.42.cloned.1.call-start
scs
__scs_entry_jumppad:
0x0: {  	(pc) =	sbr.rel $0x88, $3  }
0x1: {  	(tag) =	ssettag $0x0;
	lr =	simm.s32 $0x1  }
0x2: {  	[smem:$0x3F89] =	sst lr;
	_ =	strace $0xD0000000  }
0x3: {  	_ = 	snop  }
0x4: {  	_ = 	snop  }
0x5: {  	_ = 	snop  }
0x6: {  	_ = 	snop  }
0x7: {  	_ = 	snop  }
__scs_overlays_trampoline_lowered:
0x8: {  	[smem:$0x3F98] =	sst s0  }
0x9: {  	[smem:$0x3F99] =	sst s1  }
0xa: {  	[smem:$0x3F9A] =	sst s2  }
0xb: {  	[smem:$0x3F9B] =	sst s3  }
0xc: {  	[smem:$0x3F9C] =	sst s4  }
0xd: {  	[smem:$0x3F9D] =	sst s5  }
0xe: {  	[smem:$0x3F9E] =	sst s6  }
0xf: {  	[smem:$0x3F9F] =	sst s7  }
0x10: {  	[smem:$0x3FA0] =	sst s8  }
0x11: {  	[smem:$0x3FA1] =	sst s9;
	s0 =	simm.s32 @!p0 $0x0  }
0x12: {  	s1 =	sld [smem:$0x3F87];
	s0 =	simm.s32 @p0 $0x1  }
0x13: {  	[smem:$0x3FA2] =	sst s0;
	s0 =	simm.s32 @!p1 $0x0  }
0x14: {  	s2 =	sld [smem:$0x3F86];
	s0 =	simm.s32 @p1 $0x1  }
0x15: {  	[smem:$0x3FA3] =	sst s0;
	s0 =	simm.s32 @!p2 $0x0  }
0x16: {  	s3 =	sld [smem:$0x3FDB];
	s0 =	simm.s32 @p2 $0x1  }
0x17: {  	s4 =	simm.s32 $0x1BF5;
	[smem:$0x3FA5] =	sst s0  }
0x18: {  	s0 =	sld [smem:$0x3F88];
	_ =	swait.ge [sflag:s4], $0x0  }
0x19: {  	s7 =	sld [smem:$0x3F89]  }
0x1a: {  	s8 =	sadd.s32 $0xFFFFE003, lr  }
0x1b: {  	s9 =	sadd.s32 $0xFFFFFEF7, lr;
	s5 =	simm.s32 $0xFFFFFFFF;
	p2 =	slt.u32 s8, $0xFFFFF086  }
0x1c: {  	p1 =	slt.u32 s9, $0xF7A;
	s5 =	simm.s32 @!p2 $0x0  }
0x1d: {  	s5 =	simm.s32 @p1 $0x1;
	p0 =	seq.s32 s7, s2  }
0x1e: {  	s7 =	smul.u32 @!p0 $0xF7A, s2;
	p2 =	seq.s32 @!p0 s5, $0x0  }
0x1f: {  	s9 =	smul.u32 $0xF7A, s1;
	s8 =	simm.s32 @!p0 $0x1BF5;
	p2 =	por !p2, p0  }
0x20: {  	[sflag:s8] =	ssyncset.s32 @!p0 $0xFFFFF086;
	s6 =	sadd.s32 @!p0 s3, s7;
	s7 =	simm.s32 @!p0 $0x108  }
0x21: {  	s3 =	sadd.s32 s3, s9;
	s6 =	sadd.s32 @!p0 $0x88, s6;
	s7 =	simm.s32 @p2 $0x1082  }
0x22: {  	[simem:s7], [sflag:s8] =	dma.local @!p0 [hbm:s6], $0xF7A  }
0x23: {  	s9 =	sor.u32 $0xD0000000, s2;
	s6 =	simm.s32 $0x108;
	_ =	swait.ge @!p0 [sflag:s8], $0x0  }
0x24: {  	s3 =	sadd.s32 $0x88, s3;
	s6 =	simm.s32 @!p1 $0x1082;
	[sflag:s4] =	ssyncset.s32 $0xFFFFF086  }
0x25: {  	[simem:s6], [sflag:s4] =	dma.local [hbm:s3], $0xF7A  }
0x26: {  	[smem:$0x3F89] =	sst s1;
	(tag) =	ssettag s2;
	_ =	strace s9  }
0x27: {  	s1 =	sld [smem:$0x3F99]  }
0x28: {  	s2 =	sld [smem:$0x3F9A]  }
0x29: {  	s4 =	sld [smem:$0x3F9C]  }
0x2a: {  	p0 =	seq.s32 s5, $0x0;
	s5 =	sld [smem:$0x3F9D]  }
0x2b: {  	s6 =	sld [smem:$0x3F9E]  }
0x2c: {  	s7 =	sld [smem:$0x3F9F]  }
0x2d: {  	s3 =	simm.s32 $0x108;
	s8 =	sld [smem:$0x3FA0]  }
0x2e: {  	s3 =	simm.s32 @!p0 $0x1082;
	s9 =	sld [smem:$0x3FA1]  }
0x2f: {  	lr =	sadd.s32 s0, s3;
	s0 =	sld [smem:$0x3F98]  }
0x30: {  	s3 =	sld [smem:$0x3F9B]  }
0x31: {  	[smem:$0x3FA4] =	sst s10  }
0x32: {  	s10 =	sld [smem:$0x3FA2];
	_ =	sdelay $0x3  }
0x33: {  	p0 =	seq.s32 s10, $0x1;
	s10 =	sld [smem:$0x3FA4];
	_ =	sdelay $0x3  }
0x34: {  	[smem:$0x3FA4] =	sst s10  }
0x35: {  	s10 =	sld [smem:$0x3FA3];
	_ =	sdelay $0x3  }
0x36: {  	p1 =	seq.s32 s10, $0x1;
	s10 =	sld [smem:$0x3FA4];
	_ =	sdelay $0x3  }
0x37: {  	[smem:$0x3FA4] =	sst s10  }
0x38: {  	s10 =	sld [smem:$0x3FA5]  }
0x39: {  	_ = 	snop;
	(pc) =	sbr.ind lr, $3  }
0x3a: {  	_ = 	snop  }
0x3b: {  	_ = 	snop  }
0x3c: {  	p2 =	seq.s32 s10, $0x1;
	s10 =	sld [smem:$0x3FA4]  }
0x3d: {  	_ =	shalt  }
0x3e: {  	_ =	shalt  }
0x3f: {  	_ =	shalt  }
0x40: {  	_ =	shalt  }
0x41: {  	_ =	shalt  }
0x42: {  	_ =	shalt  }
0x43: {  	_ =	shalt  }
0x44: {  	_ =	shalt  }
0x45: {  	_ =	shalt  }
0x46: {  	_ =	shalt  }
0x47: {  	_ =	shalt  }
0x48: {  	_ =	shalt  }
0x49: {  	_ =	shalt  }
0x4a: {  	_ =	shalt  }
0x4b: {  	_ =	shalt  }
0x4c: {  	_ =	shalt  }
0x4d: {  	_ =	shalt  }
0x4e: {  	_ =	shalt  }
0x4f: {  	_ =	shalt  }
0x50: {  	_ =	shalt  }
0x51: {  	_ =	shalt  }
0x52: {  	_ =	shalt  }
0x53: {  	_ =	shalt  }
0x54: {  	_ =	shalt  }
0x55: {  	_ =	shalt  }
0x56: {  	_ =	shalt  }
0x57: {  	_ =	shalt  }
0x58: {  	_ =	shalt  }
0x59: {  	_ =	shalt  }
0x5a: {  	_ =	shalt  }
0x5b: {  	_ =	shalt  }
0x5c: {  	_ =	shalt  }
0x5d: {  	_ =	shalt  }
0x5e: {  	_ =	shalt  }
0x5f: {  	_ =	shalt  }
0x60: {  	_ =	shalt  }
0x61: {  	_ =	shalt  }
0x62: {  	_ =	shalt  }
0x63: {  	_ =	shalt  }
0x64: {  	_ =	shalt  }
0x65: {  	_ =	shalt  }
0x66: {  	_ =	shalt  }
0x67: {  	_ =	shalt  }
0x68: {  	_ =	shalt  }
0x69: {  	_ =	shalt  }
0x6a: {  	_ =	shalt  }
0x6b: {  	_ =	shalt  }
0x6c: {  	_ =	shalt  }
0x6d: {  	_ =	shalt  }
0x6e: {  	_ =	shalt  }
0x6f: {  	_ =	shalt  }
0x70: {  	_ =	shalt  }
0x71: {  	_ =	shalt  }
0x72: {  	_ =	shalt  }
0x73: {  	_ =	shalt  }
0x74: {  	_ =	shalt  }
0x75: {  	_ =	shalt  }
0x76: {  	_ =	shalt  }
0x77: {  	_ =	shalt  }
0x78: {  	_ =	shalt  }
0x79: {  	_ =	shalt  }
0x7a: {  	_ =	shalt  }
0x7b: {  	_ =	shalt  }
0x7c: {  	_ =	shalt  }
0x7d: {  	_ =	shalt  }
0x7e: {  	_ =	shalt  }
0x7f: {  	_ =	shalt  }
0x80: {  	_ =	shalt  }
0x81: {  	_ =	shalt  }
0x82: {  	_ =	shalt  }
0x83: {  	_ =	shalt  }
0x84: {  	_ =	shalt  }
0x85: {  	_ =	shalt  }
0x86: {  	_ =	shalt  }
0x87: {  	_ =	shalt  }
.Lfunc_end0:
.L_simem_size_0:
called_computation.7_lowered:
.L_overlay_start_0:
0x88: {  	s2 =	sld [smem:$0x3FD9]  }
0x89: {  	s3 =	sld [smem:$0x3FFE];
	_ =	sdelay $0x1  }
0x8a: {  	s1 =	srdreg.scid  }
0x8b: {  	s0 =	sand.u32 $0x1, s1  }
0x8c: {  	s16 =	sshll.u32 s0, $0xA;
	s2 =	sadd.s32 s3, s2  }
0x8d: {  	s2 =	sadd.s32 s2, s16  }
0x8e: {  	[smem:$0x3FB0] =	sst s2  }
0x8f: {  	_ = 	snop  }
0x90: {  	(tm) =	ssettm $0x1  }
0x91: {  	s17 =	sld [smem:$0x3FFB];
	_ =	sdelay $0x3  }
0x92: {  	_ =	strace s17  }
0x93: {  	s2 =	sld [smem:$0x3FFC];
	_ =	sdelay $0x3  }
0x94: {  	_ =	strace s2  }
0x95: {  	s2 =	sld [smem:$0x3FFD];
	_ =	sdelay $0x3  }
0x96: {  	_ =	strace s2  }
0x97: {  	_ =	strace $0x8FFFFFFF  }
0x98: {  	s18 =	sld [smem:$0x3FDB];
	_ =	sdelay $0x1  }
0x99: {  	s19 =	simm.s32 $_scs_section_size  }
0x9a: {  	s4 =	simm.s32 $_size__tile_overlayer_lowered;
	s5 =	simm.s32 $_tile_overlayer_lowered  }
0x9b: {  	s22 =	simm.s32 $0x1BFF;
	s21 =	sshll.u32 s5, $0x1;
	s2 =	sadd.s32 s19, s18  }
0x9c: {  	s6 =	simm.s32 $0x0;
	s20 =	sshll.u32 s4, $0x1;
	s4 =	sadd.s32 s21, s2  }
0x9d: {  	[timem:s6], [sflag:s22] =	dma.local [hbm:s4], s20  }
0x9e: {  	_ =	swait.ge [sflag:s22], s20  }
0x9f: {  	s3 =	ssub.s32 $0x0, s20;
	[sflag:s22] =	ssyncset.done $0x0  }
0xa0: {  	[sflag:s22] =	ssyncadd.s32 s3;
	_ =	sdelay $0x1  }
0xa1: {  	s23 =	simm.s32 $0x1B8B  }
0xa2: {  	_ =	swait.ge [sflag:s23], $0x1  }
0xa3: {  	[sflag:s23] =	ssyncset.done $0x0  }
0xa4: {  	s25 =	simm.s32 $0x1B8E;
	s24 =	sld [smem:$0x3FFE];
	[sflag:s23] =	ssyncadd.s32 $0xFFFFFFFF  }
0xa5: {  	s26 =	simm.s32 $execute0_lowered;
	[smem:$0x3FD2] =	sst s25  }
0xa6: {  	s4 =	sshll.u32 s26, $0x1;
	_ =	strace $0x8000005B;
	[dreg:$0x1] =	wrdreg $0xFFFFFFFF  }
0xa7: {  	s28 =	simm.s32 $_size_execute0_lowered;
	s2 =	sadd.s32 s2, s4;
	[dreg:$0x0] =	wrdreg $0x0  }
0xa8: {  	s4 =	sshll.u32 s28, $0x1;
	[dreg:$0x2] =	wrdreg s2  }
0xa9: {  	[dreg:$0x3] =	wrdreg s4  }
0xaa: {  	[dreg:$0x4] =	wrdreg $0xC0  }
0xab: {  	_ =	task [dreg:s6], $0x5FFFF  }
0xac: {  	[dreg:$0x1] =	wrdreg $0xFFFFFFFF  }
0xad: {  	[dreg:$0x0] =	wrdreg $0x60  }
0xae: {  	[dreg:$0x2] =	wrdreg s24  }
0xaf: {  	[dreg:$0x3] =	wrdreg $0x9  }
0xb0: {  	_ =	task.clear_ibuf [dreg:s6], $0x4FFFF;
	_ =	strace $0x9000005B  }
0xb1: {  	s29 =	simm.s32 $0x9;
	_ =	strace $0x8000005D  }
0xb2: {  	_ =	swait.ge [sflag:s29], $0x1  }
0xb3: {  	[sflag:s29] =	ssyncadd.s32 $0xFFFFFFFF  }
0xb4: {  	_ =	strace $0x9000005D  }
0xb5: {  	_ =	sfence  }
0xb6: {  	s30 =	sld [smem:$0x0];
	_ =	sdelay $0x2  }
0xb7: {  	s31 =	sshll.u32 s1, $0xD;
	s1 =	sshrl.u32 s1, $0x2  }
0xb8: {  	s3 =	sand.u32 $0x4000, s31;
	s1 =	sadd.s32 s1, s30  }
0xb9: {  	s0 =	sor.u32 s3, s0;
	s1 =	sshll.u32 s1, $0x11  }
0xba: {  	s0 =	sor.u32 s1, s0  }
0xbb: {  	s0 =	sadd.s32 $0x8F2B, s0  }
0xbc: {  	[sflag:s0] =	ssyncadd.remote.s32 $0x1  }
0xbd: {  	_ =	sfence.sel $0xFFFF  }
0xbe: {  	[dreg:$0x0] =	wrdreg $0xFFFFFFFF;
	(pc) =	sbr.abs _section_cstart, $3  }
0xbf: {  	[dreg:$0x1] =	wrdreg $0xFFFFFFFF  }
0xc0: {  	_ =	task.clear_ibuf [dreg:s6], $0x2FFFF;
	_ =	strace $0x9FFFFFFF  }
0xc1: {  	(tm) =	ssettm $0x7FFFFFFF  }
tec
execute0_lowered:
.L_overlay_start_1:
0x0: {  	(tag) =	ssettag $0x1  }
0x1: {  	s1 =	srdreg.scid  }
0x2: {  	s0 =	stileid.u32;
	s4 =	rddreg [dreg:$0x0];
	s2 =	simm.s32 $0x0  }
0x3: {  	s11 =	simm.s32 $0x0;
	s5 =	sand.u32 $0x1, s1;
	s1 =	rddreg [dreg:$0x1]  }
0x4: {  	s3 =	sshll.u32 s0, $0x1;
	[smem:$0x7FF] =	sst s2;
	s7 =	smul.u32 $0x61A80, s0  }
0x5: {  	s3 =	sor.u32 s5, s3;
	_ =	strace $0x8000005C;
	s10 =	smul.u32 $0x30D40, s5  }
0x6: {  	s8 =	ssub.s32 $0x2, s5;
	s6 =	smul.u32 $0x186A, s3;
	s3 =	sadd.s32 $0x500400, s4  }
0x7: {  	s9 =	sshrl.u32 s8, $0x1;
	s30 =	sadd.s32 s7, s4;
	s7 =	simm.s32 $0x2  }
0x8: {  	s31 =	ssub.s32 s8, s9;
	s8 =	simm.s32 $0x50;
	s9 =	simm.s32 $0xC350  }
0x9: {  	s29 =	sadd.s32 s6, s4;
	s5 =	smax.u32 s31, $0x1;
	s6 =	sadd.s32 s10, s30  }
0xa: {  	s10 =	simm.s32 $0x1;
	s4 =	sadd.s32 $0x3AE00, s29;
	s6 =	sadd.s32 $0x65F0A00, s6  }
.LBB2_1:
0xb: {  	[tilespmem:s2], [sflag:$0x2] =	stream.linear.gather [hbm4b:s4+s2], $0xC350, $0x38;
	[tilespmem:$0xCD50] =	vst v63  }
0xc: {  	_ =	swait.ge [sflag:s7], $0xC350  }
0xd: {  	[sflag:s7] =	ssyncset.done $0x0  }
0xe: {  	s12 =	simm.s32 $0x0;
	[sflag:s7] =	ssyncadd.s32 $0xFFFF3CB0  }
0xf: {  	[tilespmem:s9], [sflag:$0x1] =	stream.indirect.gather [hbm4b:s3+s8], $0x20, s12, s8, $0xb8;
	[tilespmem:$0xCD50] =	vst v63  }
0x10: {  	_ =	swait.ge [sflag:s10], $0xA00  }
0x11: {  	[sflag:s10] =	ssyncset.done $0x0  }
0x12: {  	s31 =	sadd.s32 $0x0, s6;
	[sflag:s10] =	ssyncadd.s32 $0xFFFFF600  }
0x13: {  	[hbm4b:s31+s2] =	stream.linear.scatter [tilespmem:s9], [sflag:$0x2], $0xA00, $0x38;
	[tilespmem:$0xCD50] =	vst v63  }
0x14: {  	_ =	swait.ge [sflag:s7], $0xA00  }
0x15: {  	s13 =	simm.s32 $0x280;
	s12 =	simm.s32 $0x140;
	[sflag:s7] =	ssyncset.done $0x0  }
.LBB2_2:
0x16: {  	s14 =	sshra.s32 s12, $0x2  }
0x17: {  	[sflag:s7] =	ssyncadd.s32 $0xFFFFF600;
	s15 =	smov.u32 s13;
	s16 =	sadd.s32 $0x140, s13  }
0x18: {  	[tilespmem:s9], [sflag:$0x1] =	stream.indirect.gather [hbm4b:s3+s8], $0x20, s14, s8, $0xb8;
	[tilespmem:$0xCD50] =	vst v63  }
0x19: {  	p0 =	sne.s32 s13, $0x30C00;
	_ =	swait.ge [sflag:s10], $0xA00  }
.Ltmp0:
0x1a: {  	[sflag:s10] =	ssyncset.done $0x0;
	(pc) =	sbr.rel @p0 .LBB2_2-.Ltmp0, $4  }
0x1b: {  	s13 =	sadd.s32 s12, s6;
	s12 =	smov.u32 s15;
	[sflag:s10] =	ssyncadd.s32 $0xFFFFF600  }
0x1c: {  	[hbm4b:s13+s2] =	stream.linear.scatter [tilespmem:s9], [sflag:$0x2], $0xA00, $0x38;
	[tilespmem:$0xCD50] =	vst v63  }
0x1d: {  	_ =	swait.ge [sflag:s7], $0xA00  }
0x1e: {  	s13 =	smov.u32 s16;
	[sflag:s7] =	ssyncset.done $0x0  }
0x1f: {  	s13 =	sshra.s32 s12, $0x2;
	[sflag:s7] =	ssyncadd.s32 $0xFFFFF600  }
0x20: {  	[tilespmem:s9], [sflag:$0x1] =	stream.indirect.gather [hbm4b:s3+s8], $0x20, s13, s8, $0xb8;
	[tilespmem:$0xCD50] =	vst v63  }
0x21: {  	s11 =	sadd.s32 $0x1, s11;
	_ =	swait.ge [sflag:s10], $0xA00  }
0x22: {  	p0 =	sne.s32 s11, s5;
	[sflag:s10] =	ssyncset.done $0x0  }
.Ltmp1:
0x23: {  	s31 =	sadd.s32 s12, s6;
	[sflag:s10] =	ssyncadd.s32 $0xFFFFF600;
	(pc) =	sbr.rel @p0 .LBB2_1-.Ltmp1, $4  }
0x24: {  	[hbm4b:s31+s2] =	stream.linear.scatter [tilespmem:s9], [sflag:$0x2], $0xA00, $0x38;
	[tilespmem:$0xCD50] =	vst v63  }
0x25: {  	_ =	swait.ge [sflag:s7], $0xA00  }
0x26: {  	[sflag:s7] =	ssyncset.done $0x0  }
0x27: {  	[sflag:s7] =	ssyncadd.s32 $0xFFFFF600  }
0x28: {  	_ =	sfence.sel $0x180000  }
0x29: {  	[bflag:$0x0] =	sbarrier.arrive $0xFFFF  }
0x2a: {  	p0 =	sne.s32 s0, $0x0;
	_ =	strace $0x9000005C  }
0x2b: {  	s0 =	sadd.s32 @!p0 $0x100000, s1;
	[bflag:$0x2] =	sbarrier.arrive $0xFFFF  }
0x2c: {  	[sflag:s0] =	ssyncadd.tile.s32 @!p0 $0x1;
	_ =	shalt  }
.Lfunc_end2:
_tile_overlayer_lowered:
.L_overlay_start_2:
0x2d: {  	(tag) =	ssettag $0x2  }
0x2e: {  	s0 =	rddreg [dreg:$0x0];
	s2 =	stileid.u32  }
0x2f: {  	s1 =	rddreg [dreg:$0x1];
	p0 =	sne.s32 s2, $0x0  }
0x30: {  	s3 =	rddreg [dreg:$0x2];
	[bflag:$0x3] =	sbarrier.arrive $0xFFFF;
	s2 =	simm.s32 @!p0 $0x1C02  }
0x31: {  	[timem:s3], [sflag:s2] =	dma.local @!p0 [hbm:s0], s1  }
0x32: {  	s0 =	simm.s32 @!p0 $0x2  }
0x33: {  	_ =	swait.ge @!p0 [sflag:s0], s1  }
0x34: {  	s1 =	ssub.s32 @!p0 $0x0, s1;
	[sflag:s0] =	ssyncset.done @!p0 $0x0  }
0x35: {  	[sflag:s0] =	ssyncadd.s32 @!p0 s1  }
0x36: {  	[bflag:$0x3] =	sbarrier.arrive $0xFFFF  }
0x37: {  	_ =	shalt  }

// kernel: kernel.45.cloned.1.call-start
scs
__scs_entry_jumppad:
0x0: {  	(pc) =	sbr.rel $0x88, $3  }
0x1: {  	(tag) =	ssettag $0x0;
	lr =	simm.s32 $0x1  }
0x2: {  	[smem:$0x3F89] =	sst lr;
	_ =	strace $0xD0000000  }
0x3: {  	_ = 	snop  }
0x4: {  	_ = 	snop  }
0x5: {  	_ = 	snop  }
0x6: {  	_ = 	snop  }
0x7: {  	_ = 	snop  }
__scs_overlays_trampoline_lowered:
0x8: {  	[smem:$0x3F98] =	sst s0  }
0x9: {  	[smem:$0x3F99] =	sst s1  }
0xa: {  	[smem:$0x3F9A] =	sst s2  }
0xb: {  	[smem:$0x3F9B] =	sst s3  }
0xc: {  	[smem:$0x3F9C] =	sst s4  }
0xd: {  	[smem:$0x3F9D] =	sst s5  }
0xe: {  	[smem:$0x3F9E] =	sst s6  }
0xf: {  	[smem:$0x3F9F] =	sst s7  }
0x10: {  	[smem:$0x3FA0] =	sst s8  }
0x11: {  	[smem:$0x3FA1] =	sst s9;
	s0 =	simm.s32 @!p0 $0x0  }
0x12: {  	s1 =	sld [smem:$0x3F87];
	s0 =	simm.s32 @p0 $0x1  }
0x13: {  	[smem:$0x3FA2] =	sst s0;
	s0 =	simm.s32 @!p1 $0x0  }
0x14: {  	s2 =	sld [smem:$0x3F86];
	s0 =	simm.s32 @p1 $0x1  }
0x15: {  	[smem:$0x3FA3] =	sst s0;
	s0 =	simm.s32 @!p2 $0x0  }
0x16: {  	s3 =	sld [smem:$0x3FDB];
	s0 =	simm.s32 @p2 $0x1  }
0x17: {  	s4 =	simm.s32 $0x1BF5;
	[smem:$0x3FA5] =	sst s0  }
0x18: {  	s0 =	sld [smem:$0x3F88];
	_ =	swait.ge [sflag:s4], $0x0  }
0x19: {  	s7 =	sld [smem:$0x3F89]  }
0x1a: {  	s8 =	sadd.s32 $0xFFFFE003, lr  }
0x1b: {  	s9 =	sadd.s32 $0xFFFFFEF7, lr;
	s5 =	simm.s32 $0xFFFFFFFF;
	p2 =	slt.u32 s8, $0xFFFFF086  }
0x1c: {  	p1 =	slt.u32 s9, $0xF7A;
	s5 =	simm.s32 @!p2 $0x0  }
0x1d: {  	s5 =	simm.s32 @p1 $0x1;
	p0 =	seq.s32 s7, s2  }
0x1e: {  	s7 =	smul.u32 @!p0 $0xF7A, s2;
	p2 =	seq.s32 @!p0 s5, $0x0  }
0x1f: {  	s9 =	smul.u32 $0xF7A, s1;
	s8 =	simm.s32 @!p0 $0x1BF5;
	p2 =	por !p2, p0  }
0x20: {  	[sflag:s8] =	ssyncset.s32 @!p0 $0xFFFFF086;
	s6 =	sadd.s32 @!p0 s3, s7;
	s7 =	simm.s32 @!p0 $0x108  }
0x21: {  	s3 =	sadd.s32 s3, s9;
	s6 =	sadd.s32 @!p0 $0x88, s6;
	s7 =	simm.s32 @p2 $0x1082  }
0x22: {  	[simem:s7], [sflag:s8] =	dma.local @!p0 [hbm:s6], $0xF7A  }
0x23: {  	s9 =	sor.u32 $0xD0000000, s2;
	s6 =	simm.s32 $0x108;
	_ =	swait.ge @!p0 [sflag:s8], $0x0  }
0x24: {  	s3 =	sadd.s32 $0x88, s3;
	s6 =	simm.s32 @!p1 $0x1082;
	[sflag:s4] =	ssyncset.s32 $0xFFFFF086  }
0x25: {  	[simem:s6], [sflag:s4] =	dma.local [hbm:s3], $0xF7A  }
0x26: {  	[smem:$0x3F89] =	sst s1;
	(tag) =	ssettag s2;
	_ =	strace s9  }
0x27: {  	s1 =	sld [smem:$0x3F99]  }
0x28: {  	s2 =	sld [smem:$0x3F9A]  }
0x29: {  	s4 =	sld [smem:$0x3F9C]  }
0x2a: {  	p0 =	seq.s32 s5, $0x0;
	s5 =	sld [smem:$0x3F9D]  }
0x2b: {  	s6 =	sld [smem:$0x3F9E]  }
0x2c: {  	s7 =	sld [smem:$0x3F9F]  }
0x2d: {  	s3 =	simm.s32 $0x108;
	s8 =	sld [smem:$0x3FA0]  }
0x2e: {  	s3 =	simm.s32 @!p0 $0x1082;
	s9 =	sld [smem:$0x3FA1]  }
0x2f: {  	lr =	sadd.s32 s0, s3;
	s0 =	sld [smem:$0x3F98]  }
0x30: {  	s3 =	sld [smem:$0x3F9B]  }
0x31: {  	[smem:$0x3FA4] =	sst s10  }
0x32: {  	s10 =	sld [smem:$0x3FA2];
	_ =	sdelay $0x3  }
0x33: {  	p0 =	seq.s32 s10, $0x1;
	s10 =	sld [smem:$0x3FA4];
	_ =	sdelay $0x3  }
0x34: {  	[smem:$0x3FA4] =	sst s10  }
0x35: {  	s10 =	sld [smem:$0x3FA3];
	_ =	sdelay $0x3  }
0x36: {  	p1 =	seq.s32 s10, $0x1;
	s10 =	sld [smem:$0x3FA4];
	_ =	sdelay $0x3  }
0x37: {  	[smem:$0x3FA4] =	sst s10  }
0x38: {  	s10 =	sld [smem:$0x3FA5]  }
0x39: {  	_ = 	snop;
	(pc) =	sbr.ind lr, $3  }
0x3a: {  	_ = 	snop  }
0x3b: {  	_ = 	snop  }
0x3c: {  	p2 =	seq.s32 s10, $0x1;
	s10 =	sld [smem:$0x3FA4]  }
0x3d: {  	_ =	shalt  }
0x3e: {  	_ =	shalt  }
0x3f: {  	_ =	shalt  }
0x40: {  	_ =	shalt  }
0x41: {  	_ =	shalt  }
0x42: {  	_ =	shalt  }
0x43: {  	_ =	shalt  }
0x44: {  	_ =	shalt  }
0x45: {  	_ =	shalt  }
0x46: {  	_ =	shalt  }
0x47: {  	_ =	shalt  }
0x48: {  	_ =	shalt  }
0x49: {  	_ =	shalt  }
0x4a: {  	_ =	shalt  }
0x4b: {  	_ =	shalt  }
0x4c: {  	_ =	shalt  }
0x4d: {  	_ =	shalt  }
0x4e: {  	_ =	shalt  }
0x4f: {  	_ =	shalt  }
0x50: {  	_ =	shalt  }
0x51: {  	_ =	shalt  }
0x52: {  	_ =	shalt  }
0x53: {  	_ =	shalt  }
0x54: {  	_ =	shalt  }
0x55: {  	_ =	shalt  }
0x56: {  	_ =	shalt  }
0x57: {  	_ =	shalt  }
0x58: {  	_ =	shalt  }
0x59: {  	_ =	shalt  }
0x5a: {  	_ =	shalt  }
0x5b: {  	_ =	shalt  }
0x5c: {  	_ =	shalt  }
0x5d: {  	_ =	shalt  }
0x5e: {  	_ =	shalt  }
0x5f: {  	_ =	shalt  }
0x60: {  	_ =	shalt  }
0x61: {  	_ =	shalt  }
0x62: {  	_ =	shalt  }
0x63: {  	_ =	shalt  }
0x64: {  	_ =	shalt  }
0x65: {  	_ =	shalt  }
0x66: {  	_ =	shalt  }
0x67: {  	_ =	shalt  }
0x68: {  	_ =	shalt  }
0x69: {  	_ =	shalt  }
0x6a: {  	_ =	shalt  }
0x6b: {  	_ =	shalt  }
0x6c: {  	_ =	shalt  }
0x6d: {  	_ =	shalt  }
0x6e: {  	_ =	shalt  }
0x6f: {  	_ =	shalt  }
0x70: {  	_ =	shalt  }
0x71: {  	_ =	shalt  }
0x72: {  	_ =	shalt  }
0x73: {  	_ =	shalt  }
0x74: {  	_ =	shalt  }
0x75: {  	_ =	shalt  }
0x76: {  	_ =	shalt  }
0x77: {  	_ =	shalt  }
0x78: {  	_ =	shalt  }
0x79: {  	_ =	shalt  }
0x7a: {  	_ =	shalt  }
0x7b: {  	_ =	shalt  }
0x7c: {  	_ =	shalt  }
0x7d: {  	_ =	shalt  }
0x7e: {  	_ =	shalt  }
0x7f: {  	_ =	shalt  }
0x80: {  	_ =	shalt  }
0x81: {  	_ =	shalt  }
0x82: {  	_ =	shalt  }
0x83: {  	_ =	shalt  }
0x84: {  	_ =	shalt  }
0x85: {  	_ =	shalt  }
0x86: {  	_ =	shalt  }
0x87: {  	_ =	shalt  }
.Lfunc_end0:
.L_simem_size_0:
called_computation.8_lowered:
.L_overlay_start_0:
0x88: {  	s2 =	sld [smem:$0x3FD9]  }
0x89: {  	s3 =	sld [smem:$0x3FFE];
	_ =	sdelay $0x1  }
0x8a: {  	s1 =	srdreg.scid  }
0x8b: {  	s0 =	sand.u32 $0x1, s1  }
0x8c: {  	s16 =	sshll.u32 s0, $0xA;
	s2 =	sadd.s32 s3, s2  }
0x8d: {  	s2 =	sadd.s32 s2, s16  }
0x8e: {  	[smem:$0x3FB0] =	sst s2  }
0x8f: {  	_ = 	snop  }
0x90: {  	(tm) =	ssettm $0x1  }
0x91: {  	s17 =	sld [smem:$0x3FFB];
	_ =	sdelay $0x3  }
0x92: {  	_ =	strace s17  }
0x93: {  	s2 =	sld [smem:$0x3FFC];
	_ =	sdelay $0x3  }
0x94: {  	_ =	strace s2  }
0x95: {  	s2 =	sld [smem:$0x3FFD];
	_ =	sdelay $0x3  }
0x96: {  	_ =	strace s2  }
0x97: {  	_ =	strace $0x8FFFFFFF  }
0x98: {  	s18 =	sld [smem:$0x3FDB];
	_ =	sdelay $0x1  }
0x99: {  	s19 =	simm.s32 $_scs_section_size  }
0x9a: {  	s4 =	simm.s32 $_size__tile_overlayer_lowered;
	s5 =	simm.s32 $_tile_overlayer_lowered  }
0x9b: {  	s22 =	simm.s32 $0x1BFF;
	s21 =	sshll.u32 s5, $0x1;
	s2 =	sadd.s32 s19, s18  }
0x9c: {  	s6 =	simm.s32 $0x0;
	s20 =	sshll.u32 s4, $0x1;
	s4 =	sadd.s32 s21, s2  }
0x9d: {  	[timem:s6], [sflag:s22] =	dma.local [hbm:s4], s20  }
0x9e: {  	_ =	swait.ge [sflag:s22], s20  }
0x9f: {  	s3 =	ssub.s32 $0x0, s20;
	[sflag:s22] =	ssyncset.done $0x0  }
0xa0: {  	[sflag:s22] =	ssyncadd.s32 s3;
	_ =	sdelay $0x1  }
0xa1: {  	s23 =	simm.s32 $0x1B8B  }
0xa2: {  	_ =	swait.ge [sflag:s23], $0x1  }
0xa3: {  	[sflag:s23] =	ssyncset.done $0x0  }
0xa4: {  	s25 =	simm.s32 $0x1B8E;
	s24 =	sld [smem:$0x3FFE];
	[sflag:s23] =	ssyncadd.s32 $0xFFFFFFFF  }
0xa5: {  	s26 =	simm.s32 $execute0_lowered;
	[smem:$0x3FD2] =	sst s25  }
0xa6: {  	s4 =	sshll.u32 s26, $0x1;
	_ =	strace $0x8000005E;
	[dreg:$0x1] =	wrdreg $0xFFFFFFFF  }
0xa7: {  	s28 =	simm.s32 $_size_execute0_lowered;
	s2 =	sadd.s32 s2, s4;
	[dreg:$0x0] =	wrdreg $0x0  }
0xa8: {  	s4 =	sshll.u32 s28, $0x1;
	[dreg:$0x2] =	wrdreg s2  }
0xa9: {  	[dreg:$0x3] =	wrdreg s4  }
0xaa: {  	[dreg:$0x4] =	wrdreg $0xC0  }
0xab: {  	_ =	task [dreg:s6], $0x5FFFF  }
0xac: {  	[dreg:$0x1] =	wrdreg $0xFFFFFFFF  }
0xad: {  	[dreg:$0x0] =	wrdreg $0x60  }
0xae: {  	[dreg:$0x2] =	wrdreg s24  }
0xaf: {  	[dreg:$0x3] =	wrdreg $0x2D00  }
0xb0: {  	[dreg:$0x4] =	wrdreg $0x9  }
0xb1: {  	_ =	task.clear_ibuf [dreg:s6], $0x5FFFF;
	_ =	strace $0x9000005E  }
0xb2: {  	s29 =	simm.s32 $0x9;
	_ =	strace $0x80000060  }
0xb3: {  	_ =	swait.ge [sflag:s29], $0x1  }
0xb4: {  	[sflag:s29] =	ssyncadd.s32 $0xFFFFFFFF  }
0xb5: {  	_ =	strace $0x90000060  }
0xb6: {  	_ =	sfence  }
0xb7: {  	s30 =	sld [smem:$0x0];
	_ =	sdelay $0x2  }
0xb8: {  	s31 =	sshll.u32 s1, $0xD;
	s1 =	sshrl.u32 s1, $0x2  }
0xb9: {  	s3 =	sand.u32 $0x4000, s31;
	s1 =	sadd.s32 s1, s30  }
0xba: {  	s0 =	sor.u32 s3, s0;
	s1 =	sshll.u32 s1, $0x11  }
0xbb: {  	s0 =	sor.u32 s1, s0  }
0xbc: {  	s0 =	sadd.s32 $0x8F2B, s0  }
0xbd: {  	[sflag:s0] =	ssyncadd.remote.s32 $0x1  }
0xbe: {  	_ =	sfence.sel $0xFFFF  }
0xbf: {  	[dreg:$0x0] =	wrdreg $0xFFFFFFFF;
	(pc) =	sbr.abs _section_cstart, $3  }
0xc0: {  	[dreg:$0x1] =	wrdreg $0xFFFFFFFF  }
0xc1: {  	_ =	task.clear_ibuf [dreg:s6], $0x2FFFF;
	_ =	strace $0x9FFFFFFF  }
0xc2: {  	(tm) =	ssettm $0x7FFFFFFF  }
0xc3: {  	_ =	shalt  }
tec
execute0_lowered:
.L_overlay_start_1:
0x0: {  	(tag) =	ssettag $0x1  }
0x1: {  	s4 =	rddreg [dreg:$0x0]  }
0x2: {  	s2 =	rddreg [dreg:$0x1];
	s1 =	stileid.u32  }
0x3: {  	s0 =	rddreg [dreg:$0x2];
	s5 =	smul.u32 $0x186A0, s1  }
0x4: {  	s7 =	srdreg.scid;
	s6 =	smul.u32 $0x30D4, s1  }
0x5: {  	s3 =	simm.s32 $0x0;
	s8 =	smul.u32 $0x61A8, s1;
	s7 =	sand.u32 $0x1, s7  }
0x6: {  	[smem:$0x7FF] =	sst s3;
	s9 =	smul.u32 $0x61A80, s7  }
0x7: {  	s29 =	sshll.u32 s1, $0x6;
	_ =	strace $0x8000005F;
	s28 =	smul.u32 $0x186A, s7  }
0x8: {  	s26 =	ssub.s32 $0x2, s7;
	s13 =	smul.u32 $0xC350, s7;
	s10 =	sadd.s32 s5, s4  }
0x9: {  	s11 =	sadd.s32 s6, s4;
	s24 =	sshrl.u32 s8, $0x3;
	s12 =	sshrl.u32 s26, $0x1  }
0xa: {  	s14 =	sadd.s32 s8, s2;
	s25 =	sadd.s32 s8, s9;
	s5 =	sadd.s32 s24, s4  }
0xb: {  	s9 =	ssub.s32 s26, s12;
	s30 =	sadd.s32 s28, s11;
	s31 =	sadd.s32 s13, s10  }
0xc: {  	s10 =	sshrl.u32 s14, $0x3;
	s11 =	simm.s32 $0x1;
	s12 =	simm.s32 $0x50  }
0xd: {  	s13 =	simm.s32 $0x0;
	s6 =	sshrl.u32 s25, $0x3;
	s7 =	smax.u32 s9, $0x1  }
0xe: {  	s8 =	sadd.s32 $0xA000, s30;
	s6 =	sadd.s32 s6, s4;
	s4 =	sadd.s32 $0x1F2600, s5  }
0xf: {  	s9 =	sadd.s32 $0x6BC00, s31;
	s5 =	sor.u32 $0x1C01, s29;
	s6 =	sadd.s32 $0x1FEA00, s6  }
.LBB2_1:
0x10: {  	[spmem:s10], [sflag:s5] =	dma.local [hbm:s4], $0xC35  }
0x11: {  	_ =	swait.ge [sflag:s11], $0xC35  }
0x12: {  	[sflag:s11] =	ssyncset.done $0x0  }
0x13: {  	[sflag:s11] =	ssyncadd.s32 $0xFFFFF3CB  }
0x14: {  	s14 =	sadd.s32 $0x0, s8;
	[bflag:$0x0] =	sbarrier.arrive $0xFFFF  }
0x15: {  	[tilespmem:s3], [sflag:$0x1] =	stream.linear.gather [hbm4b:s14+s3], $0x50, $0x38;
	[tilespmem:$0x6478] =	vst v63  }
0x16: {  	_ =	swait.ge [sflag:s11], $0x50  }
0x17: {  	[sflag:s11] =	ssyncset.done $0x0  }
0x18: {  	[sflag:s11] =	ssyncadd.s32 $0xFFFFFFB0  }
0x19: {  	[tilespmem:s12], [sflag:$0x1] =	stream.linear.gather [hbm4b:s9+s3], $0x280, $0x38;
	[tilespmem:$0x6478] =	vst v63  }
0x1a: {  	_ =	swait.ge [sflag:s11], $0x280  }
0x1b: {  	[sflag:s11] =	ssyncset.done $0x0  }
0x1c: {  	[sflag:s11] =	ssyncadd.s32 $0xFFFFFD80  }
0x1d: {  	[spmem:s2] =	stream.indirect.scatter.add.f32 [tilespmem:s12], [sflag:$0x1], $0x8, s3, s12, $0xb8;
	[tilespmem:$0x6478] =	vst v63  }
0x1e: {  	s15 =	simm.s32 $0xA;
	_ =	swait.ge [sflag:s11], $0x280  }
0x1f: {  	s16 =	simm.s32 $0x14;
	s14 =	sadd.s32 $0x50, s9;
	[sflag:s11] =	ssyncset.done $0x0  }
.LBB2_2:
0x20: {  	s17 =	sadd.s32 s15, s8  }
0x21: {  	[sflag:s11] =	ssyncadd.s32 $0xFFFFFD80;
	s15 =	smov.u32 s16;
	s18 =	sadd.s32 $0xA, s16  }
0x22: {  	[tilespmem:s3], [sflag:$0x1] =	stream.linear.gather [hbm4b:s17+s3], $0x50, $0x38;
	[tilespmem:$0x6478] =	vst v63  }
0x23: {  	p0 =	sne.s32 s16, $0x1860;
	_ =	swait.ge [sflag:s11], $0x50  }
0x24: {  	[sflag:s11] =	ssyncset.done $0x0  }
0x25: {  	[sflag:s11] =	ssyncadd.s32 $0xFFFFFFB0  }
0x26: {  	[tilespmem:s12], [sflag:$0x1] =	stream.linear.gather [hbm4b:s14+s3], $0x280, $0x38;
	[tilespmem:$0x6478] =	vst v63  }
0x27: {  	_ =	swait.ge [sflag:s11], $0x280  }
.Ltmp0:
0x28: {  	[sflag:s11] =	ssyncset.done $0x0;
	(pc) =	sbr.rel @p0 .LBB2_2-.Ltmp0, $4  }
0x29: {  	[sflag:s11] =	ssyncadd.s32 $0xFFFFFD80  }
0x2a: {  	[spmem:s2] =	stream.indirect.scatter.add.f32 [tilespmem:s12], [sflag:$0x1], $0x8, s3, s12, $0xb8;
	[tilespmem:$0x6478] =	vst v63  }
0x2b: {  	_ =	swait.ge [sflag:s11], $0x280  }
0x2c: {  	s16 =	smov.u32 s18;
	s14 =	sadd.s32 $0x50, s14;
	[sflag:s11] =	ssyncset.done $0x0  }
0x2d: {  	s15 =	sadd.s32 s15, s8;
	[sflag:s11] =	ssyncadd.s32 $0xFFFFFD80  }
0x2e: {  	[tilespmem:s3], [sflag:$0x1] =	stream.linear.gather [hbm4b:s15+s3], $0x50, $0x38;
	[tilespmem:$0x6478] =	vst v63  }
0x2f: {  	_ =	swait.ge [sflag:s11], $0x50  }
0x30: {  	[sflag:s11] =	ssyncset.done $0x0  }
0x31: {  	[sflag:s11] =	ssyncadd.s32 $0xFFFFFFB0  }
0x32: {  	[tilespmem:s12], [sflag:$0x1] =	stream.linear.gather [hbm4b:s14+s3], $0x280, $0x38;
	[tilespmem:$0x6478] =	vst v63  }
0x33: {  	_ =	swait.ge [sflag:s11], $0x280  }
0x34: {  	[sflag:s11] =	ssyncset.done $0x0  }
0x35: {  	[sflag:s11] =	ssyncadd.s32 $0xFFFFFD80  }
0x36: {  	[spmem:s2] =	stream.indirect.scatter.add.f32 [tilespmem:s12], [sflag:$0x1], $0x8, s3, s12, $0xb8;
	[tilespmem:$0x6478] =	vst v63  }
0x37: {  	_ =	swait.ge [sflag:s11], $0x280  }
0x38: {  	s13 =	sadd.s32 $0x1, s13;
	[sflag:s11] =	ssyncset.done $0x0  }
0x39: {  	p0 =	sne.s32 s13, s7;
	[sflag:s11] =	ssyncadd.s32 $0xFFFFFD80  }
.Ltmp1:
0x3a: {  	[bflag:$0x0] =	sbarrier.arrive $0xFFFF;
	(pc) =	sbr.rel @p0 .LBB2_1-.Ltmp1, $4  }
0x3b: {  	[hbm:s6], [sflag:s5] =	dma.local [spmem:s10], $0xC35  }
0x3c: {  	_ =	swait.ge [sflag:s11], $0xC35  }
0x3d: {  	[sflag:s11] =	ssyncset.done $0x0  }
0x3e: {  	[sflag:s11] =	ssyncadd.s32 $0xFFFFF3CB  }
0x3f: {  	_ =	sfence.sel $0x180000  }
0x40: {  	[bflag:$0x0] =	sbarrier.arrive $0xFFFF  }
0x41: {  	p0 =	sne.s32 s1, $0x0;
	_ =	strace $0x9000005F  }
0x42: {  	s0 =	sadd.s32 @!p0 $0x100000, s0;
	[bflag:$0x2] =	sbarrier.arrive $0xFFFF  }
0x43: {  	[sflag:s0] =	ssyncadd.tile.s32 @!p0 $0x1;
	_ =	shalt  }
.Lfunc_end2:
_tile_overlayer_lowered:
.L_overlay_start_2:
0x44: {  	(tag) =	ssettag $0x2  }
0x45: {  	s0 =	rddreg [dreg:$0x0];
	s2 =	stileid.u32  }
0x46: {  	s1 =	rddreg [dreg:$0x1];
	p0 =	sne.s32 s2, $0x0  }
0x47: {  	s3 =	rddreg [dreg:$0x2];
	[bflag:$0x3] =	sbarrier.arrive $0xFFFF;
	s2 =	simm.s32 @!p0 $0x1C01  }
0x48: {  	[timem:s3], [sflag:s2] =	dma.local @!p0 [hbm:s0], s1  }
0x49: {  	s0 =	simm.s32 @!p0 $0x1  }
0x4a: {  	_ =	swait.ge @!p0 [sflag:s0], s1  }
0x4b: {  	s1 =	ssub.s32 @!p0 $0x0, s1;
	[sflag:s0] =	ssyncset.done @!p0 $0x0  }
0x4c: {  	[sflag:s0] =	ssyncadd.s32 @!p0 s1  }
0x4d: {  	[bflag:$0x3] =	sbarrier.arrive $0xFFFF  }
0x4e: {  	_ =	shalt  }

// kernel: kernel.48.cloned.1.call-start
scs
__scs_entry_jumppad:
0x0: {  	(pc) =	sbr.rel $0x88, $3  }
0x1: {  	(tag) =	ssettag $0x0;
	lr =	simm.s32 $0x1  }
0x2: {  	[smem:$0x3F89] =	sst lr;
	_ =	strace $0xD0000000  }
0x3: {  	_ = 	snop  }
0x4: {  	_ = 	snop  }
0x5: {  	_ = 	snop  }
0x6: {  	_ = 	snop  }
0x7: {  	_ = 	snop  }
__scs_overlays_trampoline_lowered:
0x8: {  	[smem:$0x3F98] =	sst s0  }
0x9: {  	[smem:$0x3F99] =	sst s1  }
0xa: {  	[smem:$0x3F9A] =	sst s2  }
0xb: {  	[smem:$0x3F9B] =	sst s3  }
0xc: {  	[smem:$0x3F9C] =	sst s4  }
0xd: {  	[smem:$0x3F9D] =	sst s5  }
0xe: {  	[smem:$0x3F9E] =	sst s6  }
0xf: {  	[smem:$0x3F9F] =	sst s7  }
0x10: {  	[smem:$0x3FA0] =	sst s8  }
0x11: {  	[smem:$0x3FA1] =	sst s9;
	s0 =	simm.s32 @!p0 $0x0  }
0x12: {  	s1 =	sld [smem:$0x3F87];
	s0 =	simm.s32 @p0 $0x1  }
0x13: {  	[smem:$0x3FA2] =	sst s0;
	s0 =	simm.s32 @!p1 $0x0  }
0x14: {  	s2 =	sld [smem:$0x3F86];
	s0 =	simm.s32 @p1 $0x1  }
0x15: {  	[smem:$0x3FA3] =	sst s0;
	s0 =	simm.s32 @!p2 $0x0  }
0x16: {  	s3 =	sld [smem:$0x3FDB];
	s0 =	simm.s32 @p2 $0x1  }
0x17: {  	s4 =	simm.s32 $0x1BF5;
	[smem:$0x3FA5] =	sst s0  }
0x18: {  	s0 =	sld [smem:$0x3F88];
	_ =	swait.ge [sflag:s4], $0x0  }
0x19: {  	s7 =	sld [smem:$0x3F89]  }
0x1a: {  	s8 =	sadd.s32 $0xFFFFE003, lr  }
0x1b: {  	s9 =	sadd.s32 $0xFFFFFEF7, lr;
	s5 =	simm.s32 $0xFFFFFFFF;
	p2 =	slt.u32 s8, $0xFFFFF086  }
0x1c: {  	p1 =	slt.u32 s9, $0xF7A;
	s5 =	simm.s32 @!p2 $0x0  }
0x1d: {  	s5 =	simm.s32 @p1 $0x1;
	p0 =	seq.s32 s7, s2  }
0x1e: {  	s7 =	smul.u32 @!p0 $0xF7A, s2;
	p2 =	seq.s32 @!p0 s5, $0x0  }
0x1f: {  	s9 =	smul.u32 $0xF7A, s1;
	s8 =	simm.s32 @!p0 $0x1BF5;
	p2 =	por !p2, p0  }
0x20: {  	[sflag:s8] =	ssyncset.s32 @!p0 $0xFFFFF086;
	s6 =	sadd.s32 @!p0 s3, s7;
	s7 =	simm.s32 @!p0 $0x108  }
0x21: {  	s3 =	sadd.s32 s3, s9;
	s6 =	sadd.s32 @!p0 $0x88, s6;
	s7 =	simm.s32 @p2 $0x1082  }
0x22: {  	[simem:s7], [sflag:s8] =	dma.local @!p0 [hbm:s6], $0xF7A  }
0x23: {  	s9 =	sor.u32 $0xD0000000, s2;
	s6 =	simm.s32 $0x108;
	_ =	swait.ge @!p0 [sflag:s8], $0x0  }
0x24: {  	s3 =	sadd.s32 $0x88, s3;
	s6 =	simm.s32 @!p1 $0x1082;
	[sflag:s4] =	ssyncset.s32 $0xFFFFF086  }
0x25: {  	[simem:s6], [sflag:s4] =	dma.local [hbm:s3], $0xF7A  }
0x26: {  	[smem:$0x3F89] =	sst s1;
	(tag) =	ssettag s2;
	_ =	strace s9  }
0x27: {  	s1 =	sld [smem:$0x3F99]  }
0x28: {  	s2 =	sld [smem:$0x3F9A]  }
0x29: {  	s4 =	sld [smem:$0x3F9C]  }
0x2a: {  	p0 =	seq.s32 s5, $0x0;
	s5 =	sld [smem:$0x3F9D]  }
0x2b: {  	s6 =	sld [smem:$0x3F9E]  }
0x2c: {  	s7 =	sld [smem:$0x3F9F]  }
0x2d: {  	s3 =	simm.s32 $0x108;
	s8 =	sld [smem:$0x3FA0]  }
0x2e: {  	s3 =	simm.s32 @!p0 $0x1082;
	s9 =	sld [smem:$0x3FA1]  }
0x2f: {  	lr =	sadd.s32 s0, s3;
	s0 =	sld [smem:$0x3F98]  }
0x30: {  	s3 =	sld [smem:$0x3F9B]  }
0x31: {  	[smem:$0x3FA4] =	sst s10  }
0x32: {  	s10 =	sld [smem:$0x3FA2];
	_ =	sdelay $0x3  }
0x33: {  	p0 =	seq.s32 s10, $0x1;
	s10 =	sld [smem:$0x3FA4];
	_ =	sdelay $0x3  }
0x34: {  	[smem:$0x3FA4] =	sst s10  }
0x35: {  	s10 =	sld [smem:$0x3FA3];
	_ =	sdelay $0x3  }
0x36: {  	p1 =	seq.s32 s10, $0x1;
	s10 =	sld [smem:$0x3FA4];
	_ =	sdelay $0x3  }
0x37: {  	[smem:$0x3FA4] =	sst s10  }
0x38: {  	s10 =	sld [smem:$0x3FA5]  }
0x39: {  	_ = 	snop;
	(pc) =	sbr.ind lr, $3  }
0x3a: {  	_ = 	snop  }
0x3b: {  	_ = 	snop  }
0x3c: {  	p2 =	seq.s32 s10, $0x1;
	s10 =	sld [smem:$0x3FA4]  }
0x3d: {  	_ =	shalt  }
0x3e: {  	_ =	shalt  }
0x3f: {  	_ =	shalt  }
0x40: {  	_ =	shalt  }
0x41: {  	_ =	shalt  }
0x42: {  	_ =	shalt  }
0x43: {  	_ =	shalt  }
0x44: {  	_ =	shalt  }
0x45: {  	_ =	shalt  }
0x46: {  	_ =	shalt  }
0x47: {  	_ =	shalt  }
0x48: {  	_ =	shalt  }
0x49: {  	_ =	shalt  }
0x4a: {  	_ =	shalt  }
0x4b: {  	_ =	shalt  }
0x4c: {  	_ =	shalt  }
0x4d: {  	_ =	shalt  }
0x4e: {  	_ =	shalt  }
0x4f: {  	_ =	shalt  }
0x50: {  	_ =	shalt  }
0x51: {  	_ =	shalt  }
0x52: {  	_ =	shalt  }
0x53: {  	_ =	shalt  }
0x54: {  	_ =	shalt  }
0x55: {  	_ =	shalt  }
0x56: {  	_ =	shalt  }
0x57: {  	_ =	shalt  }
0x58: {  	_ =	shalt  }
0x59: {  	_ =	shalt  }
0x5a: {  	_ =	shalt  }
0x5b: {  	_ =	shalt  }
0x5c: {  	_ =	shalt  }
0x5d: {  	_ =	shalt  }
0x5e: {  	_ =	shalt  }
0x5f: {  	_ =	shalt  }
0x60: {  	_ =	shalt  }
0x61: {  	_ =	shalt  }
0x62: {  	_ =	shalt  }
0x63: {  	_ =	shalt  }
0x64: {  	_ =	shalt  }
0x65: {  	_ =	shalt  }
0x66: {  	_ =	shalt  }
0x67: {  	_ =	shalt  }
0x68: {  	_ =	shalt  }
0x69: {  	_ =	shalt  }
0x6a: {  	_ =	shalt  }
0x6b: {  	_ =	shalt  }
0x6c: {  	_ =	shalt  }
0x6d: {  	_ =	shalt  }
0x6e: {  	_ =	shalt  }
0x6f: {  	_ =	shalt  }
0x70: {  	_ =	shalt  }
0x71: {  	_ =	shalt  }
0x72: {  	_ =	shalt  }
0x73: {  	_ =	shalt  }
0x74: {  	_ =	shalt  }
0x75: {  	_ =	shalt  }
0x76: {  	_ =	shalt  }
0x77: {  	_ =	shalt  }
0x78: {  	_ =	shalt  }
0x79: {  	_ =	shalt  }
0x7a: {  	_ =	shalt  }
0x7b: {  	_ =	shalt  }
0x7c: {  	_ =	shalt  }
0x7d: {  	_ =	shalt  }
0x7e: {  	_ =	shalt  }
0x7f: {  	_ =	shalt  }
0x80: {  	_ =	shalt  }
0x81: {  	_ =	shalt  }
0x82: {  	_ =	shalt  }
0x83: {  	_ =	shalt  }
0x84: {  	_ =	shalt  }
0x85: {  	_ =	shalt  }
0x86: {  	_ =	shalt  }
0x87: {  	_ =	shalt  }
.Lfunc_end0:
.L_simem_size_0:
called_computation.9_lowered:
.L_overlay_start_0:
0x88: {  	s2 =	sld [smem:$0x3FD9]  }
0x89: {  	s3 =	sld [smem:$0x3FFE];
	_ =	sdelay $0x1  }
0x8a: {  	s1 =	srdreg.scid  }
0x8b: {  	s0 =	sand.u32 $0x1, s1  }
0x8c: {  	s17 =	sshll.u32 s0, $0xA;
	s2 =	sadd.s32 s3, s2  }
0x8d: {  	s2 =	sadd.s32 s2, s17  }
0x8e: {  	[smem:$0x3FB0] =	sst s2  }
0x8f: {  	_ = 	snop  }
0x90: {  	(tm) =	ssettm $0x1  }
0x91: {  	s18 =	sld [smem:$0x3FFB];
	_ =	sdelay $0x3  }
0x92: {  	_ =	strace s18  }
0x93: {  	s2 =	sld [smem:$0x3FFC];
	_ =	sdelay $0x3  }
0x94: {  	_ =	strace s2  }
0x95: {  	s2 =	sld [smem:$0x3FFD];
	_ =	sdelay $0x3  }
0x96: {  	_ =	strace s2  }
0x97: {  	_ =	strace $0x8FFFFFFF  }
0x98: {  	s19 =	sld [smem:$0x3FDB];
	_ =	sdelay $0x1  }
0x99: {  	s20 =	simm.s32 $_scs_section_size  }
0x9a: {  	s4 =	simm.s32 $_size__tile_overlayer_lowered;
	s5 =	simm.s32 $_tile_overlayer_lowered  }
0x9b: {  	s6 =	simm.s32 $0x1BFF;
	s21 =	sshll.u32 s5, $0x1;
	s3 =	sadd.s32 s20, s19  }
0x9c: {  	s22 =	simm.s32 $0x0;
	s4 =	sshll.u32 s4, $0x1;
	s5 =	sadd.s32 s21, s3  }
0x9d: {  	[timem:s22], [sflag:s6] =	dma.local [hbm:s5], s4  }
0x9e: {  	_ =	swait.ge [sflag:s6], s4  }
0x9f: {  	s4 =	ssub.s32 $0x0, s4;
	[sflag:s6] =	ssyncset.done $0x0  }
0xa0: {  	[sflag:s6] =	ssyncadd.s32 s4;
	_ =	sdelay $0x1  }
0xa1: {  	s23 =	simm.s32 $0x1B8B  }
0xa2: {  	_ =	swait.ge [sflag:s23], $0x1  }
0xa3: {  	[sflag:s23] =	ssyncset.done $0x0  }
0xa4: {  	[sflag:s23] =	ssyncadd.s32 $0xFFFFFFFF  }
0xa5: {  	s4 =	sld [smem:$0x0]  }
0xa6: {  	s5 =	sand.u32 $0xFFFFFFFE, s1  }
0xa7: {  	p0 =	sne.s32 s1, s5  }
0xa8: {  	s5 =	sshll.u32 @p0 s5, $0xE  }
0xa9: {  	s5 =	sadd.s32 @p0 $0x11B8D, s5;
	s6 =	sshll.u32 @p0 s4, $0x11  }
0xaa: {  	s5 =	sor.u32 @p0 s6, s5  }
0xab: {  	[sflag:s5] =	ssyncadd.remote.s32 @p0 $0x1;
	_ =	sdelay $0x1  }
0xac: {  	s5 =	simm.s32 @p0 $0x1B8D  }
0xad: {  	_ =	swait.eq @p0 [sflag:s5], $0x1  }
0xae: {  	[sflag:s5] =	ssyncadd.s32 @p0 $0xFFFFFFFF  }
0xaf: {  	s6 =	sshll.u32 @!p0 s1, $0xE  }
0xb0: {  	s6 =	sor.u32 @!p0 $0x4000, s6;
	s5 =	simm.s32 @!p0 $0x1B8D  }
0xb1: {  	s4 =	sshll.u32 @!p0 s4, $0x11;
	s6 =	sadd.s32 @!p0 $0x11B8D, s6;
	_ =	swait.eq @!p0 [sflag:s5], $0x1  }
0xb2: {  	s4 =	sor.u32 @!p0 s4, s6;
	[sflag:s5] =	ssyncadd.s32 @!p0 $0xFFFFFFFF  }
0xb3: {  	s25 =	simm.s32 $0x1B8E;
	s24 =	sld [smem:$0x3FFE];
	[sflag:s4] =	ssyncadd.remote.s32 @!p0 $0x1  }
0xb4: {  	s26 =	simm.s32 $execute0_lowered;
	[smem:$0x3FD2] =	sst s25  }
0xb5: {  	s5 =	sshll.u32 s26, $0x1;
	_ =	strace $0x80000061;
	[dreg:$0x1] =	wrdreg $0xFFFFFFFF  }
0xb6: {  	s28 =	simm.s32 $_size_execute0_lowered;
	s3 =	sadd.s32 s3, s5;
	[dreg:$0x0] =	wrdreg $0x0  }
0xb7: {  	s5 =	sshll.u32 s28, $0x1;
	[dreg:$0x2] =	wrdreg s3  }
0xb8: {  	[dreg:$0x3] =	wrdreg s5  }
0xb9: {  	[dreg:$0x4] =	wrdreg $0xC0  }
0xba: {  	_ =	task [dreg:s22], $0x5FFFF  }
0xbb: {  	[dreg:$0x1] =	wrdreg $0xFFFFFFFF  }
0xbc: {  	[dreg:$0x0] =	wrdreg $0x60  }
0xbd: {  	[dreg:$0x2] =	wrdreg s24  }
0xbe: {  	[dreg:$0x3] =	wrdreg $0x2D00  }
0xbf: {  	[dreg:$0x4] =	wrdreg $0xA  }
0xc0: {  	_ =	task.clear_ibuf [dreg:s22], $0x5FFFF;
	_ =	strace $0x90000061  }
0xc1: {  	s29 =	simm.s32 $0xA;
	_ =	strace $0x80000063  }
0xc2: {  	_ =	swait.ge [sflag:s29], $0x1  }
0xc3: {  	[sflag:s29] =	ssyncadd.s32 $0xFFFFFFFF  }
0xc4: {  	_ =	strace $0x90000063  }
0xc5: {  	_ =	sfence  }
0xc6: {  	s30 =	sld [smem:$0x0];
	_ =	sdelay $0x2  }
0xc7: {  	s31 =	sshll.u32 s1, $0xD;
	s1 =	sshrl.u32 s1, $0x2  }
0xc8: {  	s4 =	sand.u32 $0x4000, s31;
	s1 =	sadd.s32 s1, s30  }
0xc9: {  	s0 =	sor.u32 s4, s0;
	s1 =	sshll.u32 s1, $0x11  }
0xca: {  	s0 =	sor.u32 s1, s0  }
0xcb: {  	s0 =	sadd.s32 $0x8F2B, s0  }
0xcc: {  	[sflag:s0] =	ssyncadd.remote.s32 $0x1  }
0xcd: {  	_ =	sfence.sel $0xFFFF  }
0xce: {  	[dreg:$0x0] =	wrdreg $0xFFFFFFFF;
	(pc) =	sbr.abs _section_cstart, $3  }
0xcf: {  	[dreg:$0x1] =	wrdreg $0xFFFFFFFF  }
0xd0: {  	_ =	task.clear_ibuf [dreg:s22], $0x2FFFF;
	_ =	strace $0x9FFFFFFF  }
0xd1: {  	(tm) =	ssettm $0x7FFFFFFF  }
tec
execute0_lowered:
.L_overlay_start_1:
0x0: {  	(tag) =	ssettag $0x1  }
0x1: {  	s4 =	rddreg [dreg:$0x0]  }
0x2: {  	s2 =	rddreg [dreg:$0x1];
	s1 =	stileid.u32  }
0x3: {  	s0 =	rddreg [dreg:$0x2];
	s5 =	smul.u32 $0x186A0, s1  }
0x4: {  	s7 =	srdreg.scid;
	s6 =	smul.u32 $0x30D4, s1  }
0x5: {  	s3 =	simm.s32 $0x0;
	s8 =	smul.u32 $0x61A8, s1;
	s7 =	sand.u32 $0x1, s7  }
0x6: {  	[smem:$0x7FF] =	sst s3;
	s9 =	smul.u32 $0x61A80, s7  }
0x7: {  	s29 =	sshll.u32 s1, $0x6;
	_ =	strace $0x80000062;
	s28 =	smul.u32 $0x186A, s7  }
0x8: {  	s26 =	ssub.s32 $0x2, s7;
	s13 =	smul.u32 $0xC350, s7;
	s10 =	sadd.s32 s5, s4  }
0x9: {  	s11 =	sadd.s32 s6, s4;
	s24 =	sshrl.u32 s8, $0x3;
	s12 =	sshrl.u32 s26, $0x1  }
0xa: {  	s14 =	sadd.s32 s8, s2;
	s25 =	sadd.s32 s8, s9;
	s5 =	sadd.s32 s24, s4  }
0xb: {  	s9 =	ssub.s32 s26, s12;
	s30 =	sadd.s32 s28, s11;
	s31 =	sadd.s32 s13, s10  }
0xc: {  	s10 =	sshrl.u32 s14, $0x3;
	s11 =	simm.s32 $0x1;
	s12 =	simm.s32 $0x50  }
0xd: {  	s13 =	simm.s32 $0x0;
	s6 =	sshrl.u32 s25, $0x3;
	s7 =	smax.u32 s9, $0x1  }
0xe: {  	s8 =	sadd.s32 $0x3AE00, s30;
	s6 =	sadd.s32 s6, s4;
	s4 =	sadd.s32 $0x1F2600, s5  }
0xf: {  	s9 =	sadd.s32 $0x6BC00, s31;
	s5 =	sor.u32 $0x1C01, s29;
	s6 =	sadd.s32 $0x217200, s6  }
.LBB2_1:
0x10: {  	[spmem:s10], [sflag:s5] =	dma.local [hbm:s4], $0xC35  }
0x11: {  	_ =	swait.ge [sflag:s11], $0xC35  }
0x12: {  	[sflag:s11] =	ssyncset.done $0x0  }
0x13: {  	[sflag:s11] =	ssyncadd.s32 $0xFFFFF3CB  }
0x14: {  	s14 =	sadd.s32 $0x0, s8;
	[bflag:$0x0] =	sbarrier.arrive $0xFFFF  }
0x15: {  	[tilespmem:s3], [sflag:$0x1] =	stream.linear.gather [hbm4b:s14+s3], $0x50, $0x38;
	[tilespmem:$0x6478] =	vst v63  }
0x16: {  	_ =	swait.ge [sflag:s11], $0x50  }
0x17: {  	[sflag:s11] =	ssyncset.done $0x0  }
0x18: {  	[sflag:s11] =	ssyncadd.s32 $0xFFFFFFB0  }
0x19: {  	[tilespmem:s12], [sflag:$0x1] =	stream.linear.gather [hbm4b:s9+s3], $0x280, $0x38;
	[tilespmem:$0x6478] =	vst v63  }
0x1a: {  	_ =	swait.ge [sflag:s11], $0x280  }
0x1b: {  	[sflag:s11] =	ssyncset.done $0x0  }
0x1c: {  	[sflag:s11] =	ssyncadd.s32 $0xFFFFFD80  }
0x1d: {  	[spmem:s2] =	stream.indirect.scatter.add.f32 [tilespmem:s12], [sflag:$0x1], $0x8, s3, s12, $0xb8;
	[tilespmem:$0x6478] =	vst v63  }
0x1e: {  	s15 =	simm.s32 $0xA;
	_ =	swait.ge [sflag:s11], $0x280  }
0x1f: {  	s16 =	simm.s32 $0x14;
	s14 =	sadd.s32 $0x50, s9;
	[sflag:s11] =	ssyncset.done $0x0  }
.LBB2_2:
0x20: {  	s17 =	sadd.s32 s15, s8  }
0x21: {  	[sflag:s11] =	ssyncadd.s32 $0xFFFFFD80;
	s15 =	smov.u32 s16;
	s18 =	sadd.s32 $0xA, s16  }
0x22: {  	[tilespmem:s3], [sflag:$0x1] =	stream.linear.gather [hbm4b:s17+s3], $0x50, $0x38;
	[tilespmem:$0x6478] =	vst v63  }
0x23: {  	p0 =	sne.s32 s16, $0x1860;
	_ =	swait.ge [sflag:s11], $0x50  }
0x24: {  	[sflag:s11] =	ssyncset.done $0x0  }
0x25: {  	[sflag:s11] =	ssyncadd.s32 $0xFFFFFFB0  }
0x26: {  	[tilespmem:s12], [sflag:$0x1] =	stream.linear.gather [hbm4b:s14+s3], $0x280, $0x38;
	[tilespmem:$0x6478] =	vst v63  }
0x27: {  	_ =	swait.ge [sflag:s11], $0x280  }
.Ltmp0:
0x28: {  	[sflag:s11] =	ssyncset.done $0x0;
	(pc) =	sbr.rel @p0 .LBB2_2-.Ltmp0, $4  }
0x29: {  	[sflag:s11] =	ssyncadd.s32 $0xFFFFFD80  }
0x2a: {  	[spmem:s2] =	stream.indirect.scatter.add.f32 [tilespmem:s12], [sflag:$0x1], $0x8, s3, s12, $0xb8;
	[tilespmem:$0x6478] =	vst v63  }
0x2b: {  	_ =	swait.ge [sflag:s11], $0x280  }
0x2c: {  	s16 =	smov.u32 s18;
	s14 =	sadd.s32 $0x50, s14;
	[sflag:s11] =	ssyncset.done $0x0  }
0x2d: {  	s15 =	sadd.s32 s15, s8;
	[sflag:s11] =	ssyncadd.s32 $0xFFFFFD80  }
0x2e: {  	[tilespmem:s3], [sflag:$0x1] =	stream.linear.gather [hbm4b:s15+s3], $0x50, $0x38;
	[tilespmem:$0x6478] =	vst v63  }
0x2f: {  	_ =	swait.ge [sflag:s11], $0x50  }
0x30: {  	[sflag:s11] =	ssyncset.done $0x0  }
0x31: {  	[sflag:s11] =	ssyncadd.s32 $0xFFFFFFB0  }
0x32: {  	[tilespmem:s12], [sflag:$0x1] =	stream.linear.gather [hbm4b:s14+s3], $0x280, $0x38;
	[tilespmem:$0x6478] =	vst v63  }
0x33: {  	_ =	swait.ge [sflag:s11], $0x280  }
0x34: {  	[sflag:s11] =	ssyncset.done $0x0  }
0x35: {  	[sflag:s11] =	ssyncadd.s32 $0xFFFFFD80  }
0x36: {  	[spmem:s2] =	stream.indirect.scatter.add.f32 [tilespmem:s12], [sflag:$0x1], $0x8, s3, s12, $0xb8;
	[tilespmem:$0x6478] =	vst v63  }
0x37: {  	_ =	swait.ge [sflag:s11], $0x280  }
0x38: {  	s13 =	sadd.s32 $0x1, s13;
	[sflag:s11] =	ssyncset.done $0x0  }
0x39: {  	p0 =	sne.s32 s13, s7;
	[sflag:s11] =	ssyncadd.s32 $0xFFFFFD80  }
.Ltmp1:
0x3a: {  	[bflag:$0x0] =	sbarrier.arrive $0xFFFF;
	(pc) =	sbr.rel @p0 .LBB2_1-.Ltmp1, $4  }
0x3b: {  	[hbm:s6], [sflag:s5] =	dma.local [spmem:s10], $0xC35  }
0x3c: {  	_ =	swait.ge [sflag:s11], $0xC35  }
0x3d: {  	[sflag:s11] =	ssyncset.done $0x0  }
0x3e: {  	[sflag:s11] =	ssyncadd.s32 $0xFFFFF3CB  }
0x3f: {  	_ =	sfence.sel $0x180000  }
0x40: {  	[bflag:$0x0] =	sbarrier.arrive $0xFFFF  }
0x41: {  	p0 =	sne.s32 s1, $0x0;
	_ =	strace $0x90000062  }
0x42: {  	s0 =	sadd.s32 @!p0 $0x100000, s0;
	[bflag:$0x2] =	sbarrier.arrive $0xFFFF  }
0x43: {  	[sflag:s0] =	ssyncadd.tile.s32 @!p0 $0x1;
	_ =	shalt  }
.Lfunc_end2:
_tile_overlayer_lowered:
.L_overlay_start_2:
0x44: {  	(tag) =	ssettag $0x2  }
0x45: {  	s0 =	rddreg [dreg:$0x0];
	s2 =	stileid.u32  }
0x46: {  	s1 =	rddreg [dreg:$0x1];
	p0 =	sne.s32 s2, $0x0  }
0x47: {  	s3 =	rddreg [dreg:$0x2];
	[bflag:$0x3] =	sbarrier.arrive $0xFFFF;
	s2 =	simm.s32 @!p0 $0x1C01  }
0x48: {  	[timem:s3], [sflag:s2] =	dma.local @!p0 [hbm:s0], s1  }
0x49: {  	s0 =	simm.s32 @!p0 $0x1  }
0x4a: {  	_ =	swait.ge @!p0 [sflag:s0], s1  }
0x4b: {  	s1 =	ssub.s32 @!p0 $0x0, s1;
	[sflag:s0] =	ssyncset.done @!p0 $0x0  }
0x4c: {  	[sflag:s0] =	ssyncadd.s32 @!p0 s1  }
0x4d: {  	[bflag:$0x3] =	sbarrier.arrive $0xFFFF  }
0x4e: {  	_ =	shalt  }

</sc_bundles>
